<compile_context>
chip_gen: v7x
topology: tpu7x:2x2x1
jax: 0.10.2.dev20260603
libtpu: 0.0.44.dev20260713+nightly
codegen_flags: <defaults>
</compile_context>

<pallas_src>
import functools

import jax
import jax.numpy as jnp
from jax import lax
from jax.experimental import pallas as pl
from jax.experimental.pallas import tpu as pltpu
from jax.experimental.pallas import tpu_sc as plsc

_N = 10000
_D = 128
_E = 320000

_NC = 2
_NS = 16
_LANES = 16
_NW = _NC * _NS

_CHUNK = 128
_EPW = 10240
_EPAD = _NW * _EPW
_NCHUNK = _EPW // _CHUNK
_NPAIR = _NCHUNK // 2

_NP = 10240
_SLICE = _NP // _NS

_BLK = 1280
_GRID = _NP // _BLK

_mesh = plsc.VectorSubcoreMesh(
    core_axis_name="c", subcore_axis_name="s",
    num_cores=_NC, num_subcores=_NS)


@functools.partial(
    pl.kernel,
    out_type=jax.ShapeDtypeStruct((_NC, _NP, _D), jnp.float32),
    mesh=_mesh,
    compiler_params=pltpu.CompilerParams(needs_layout_passes=False),
    scratch_types=[
        pltpu.VMEM((_NCHUNK, _CHUNK), jnp.int32),
        pltpu.VMEM((_NP,), jnp.float32),
        pltpu.VMEM((_SLICE,), jnp.float32),
        pltpu.VMEM((_SLICE,), jnp.float32),
        pltpu.VMEM((_SLICE, _D), jnp.float32),
        pltpu.VMEM_SHARED((_NS, _NP), jnp.float32),
    ],
)
def _deg_kernel(dst_hbm, out_hbm, dstv, degv, accv, tmpv, bcv, shared):
    cid = lax.axis_index("c")
    sid = lax.axis_index("s")
    wid = sid * _NC + cid
    zero16 = jnp.zeros((_LANES,), jnp.float32)
    ones16 = jnp.ones((_LANES,), jnp.float32)

    pltpu.sync_copy(dst_hbm.at[wid], dstv)

    def zbody(i, carry):
        degv[pl.ds(i * _LANES, _LANES)] = zero16
        return carry
    lax.fori_loop(0, _NP // _LANES, zbody, 0)

    def chunk_body(j, carry):
        for k in range(_CHUNK // _LANES):
            idx = dstv[j, pl.ds(k * _LANES, _LANES)]
            plsc.addupdate_scatter(degv, [idx], ones16)
        return carry
    lax.fori_loop(0, _NCHUNK, chunk_body, 0)

    pltpu.sync_copy(degv, shared.at[sid])
    plsc.subcore_barrier()

    lo = sid * _SLICE
    pltpu.sync_copy(shared.at[0, pl.ds(lo, _SLICE)], accv)

    def red_body(k, carry):
        pltpu.sync_copy(shared.at[k, pl.ds(lo, _SLICE)], tmpv)

        def add_body(j, c2):
            s = pl.ds(j * _LANES, _LANES)
            accv[s] = accv[s] + tmpv[s]
            return c2
        lax.fori_loop(0, _SLICE // _LANES, add_body, 0)
        return carry
    lax.fori_loop(1, _NS, red_body, 0)

    def bc_body(i, carry):
        vec = accv[pl.ds(i * _LANES, _LANES)]
        for l in range(_LANES):
            row = jnp.full((_LANES,), vec[l], jnp.float32)
            for c in range(_D // _LANES):
                bcv[i * _LANES + l, pl.ds(c * _LANES, _LANES)] = row
        return carry
    lax.fori_loop(0, _SLICE // _LANES, bc_body, 0)

    pltpu.sync_copy(bcv, out_hbm.at[cid, pl.ds(lo, _SLICE)])


@functools.partial(
    pl.kernel,
    out_type=(jax.ShapeDtypeStruct((_NC, _NP, _D), jnp.float32),
              jax.ShapeDtypeStruct((_EPAD, _D), jnp.float32)),
    mesh=_mesh,
    compiler_params=pltpu.CompilerParams(needs_layout_passes=False),
    scratch_types=[
        pltpu.VMEM((2, 2, _CHUNK), jnp.int32),
        pltpu.VMEM((2, 2, _CHUNK), jnp.int32),
        pltpu.VMEM((_CHUNK, _D), jnp.float32),
        pltpu.VMEM((_CHUNK, _D), jnp.float32),
        pltpu.VMEM_SHARED((_NP, _D), jnp.float32),
        pltpu.SemaphoreType.DMA,
        pltpu.SemaphoreType.DMA,
    ],
)
def _agg_kernel(y_hbm, eidx_hbm, out_hbm, msg_hbm,
                idxa, idxb, buf0, buf1, sh, sem0, sem1):
    cid = lax.axis_index("c")
    sid = lax.axis_index("s")
    wid = sid * _NC + cid
    zero16 = jnp.zeros((_LANES,), jnp.float32)
    lo = sid * _SLICE
    mbase = wid * _EPW
    nq = _NPAIR // 2

    def gather(idx_row, buf, sem):
        pltpu.async_copy(sh.at[idx_row], buf, sem)

    def gwait(buf, sem):
        pltpu.make_async_copy(y_hbm.at[pl.ds(0, _CHUNK)], buf, sem).wait()

    def mread(j, buf, sem):
        pltpu.async_copy(msg_hbm.at[pl.ds(mbase + j * _CHUNK, _CHUNK)],
                         buf, sem)

    def scat(buf, idx_row):
        pltpu.sync_copy(buf, sh.at[idx_row], add=True)

    pltpu.sync_copy(y_hbm.at[pl.ds(lo, _SLICE)], sh.at[pl.ds(lo, _SLICE)])
    plsc.subcore_barrier()

    pltpu.sync_copy(eidx_hbm.at[wid, 0], idxa)
    gather(idxa.at[0, 0], buf0, sem0)

    def g_body(q, carry):
        p0 = 2 * q
        pltpu.sync_copy(eidx_hbm.at[wid, p0 + 1], idxb)
        gather(idxa.at[0, 1], buf1, sem1)
        gwait(buf0, sem0)
        pltpu.sync_copy(buf0, msg_hbm.at[pl.ds(mbase + 4 * q * _CHUNK, _CHUNK)])
        gather(idxb.at[0, 0], buf0, sem0)
        gwait(buf1, sem1)
        pltpu.sync_copy(buf1,
                        msg_hbm.at[pl.ds(mbase + (4 * q + 1) * _CHUNK, _CHUNK)])

        @pl.when(q + 1 < nq)
        def _():
            pltpu.sync_copy(eidx_hbm.at[wid, p0 + 2], idxa)
        gather(idxb.at[0, 1], buf1, sem1)
        gwait(buf0, sem0)
        pltpu.sync_copy(buf0,
                        msg_hbm.at[pl.ds(mbase + (4 * q + 2) * _CHUNK, _CHUNK)])

        @pl.when(q + 1 < nq)
        def _():
            gather(idxa.at[0, 0], buf0, sem0)
        gwait(buf1, sem1)
        pltpu.sync_copy(buf1,
                        msg_hbm.at[pl.ds(mbase + (4 * q + 3) * _CHUNK, _CHUNK)])
        return carry
    lax.fori_loop(0, nq, g_body, 0)
    plsc.subcore_barrier()

    def zrow(i, carry):
        for c in range(_D // _LANES):
            buf0[i, pl.ds(c * _LANES, _LANES)] = zero16
        return carry
    lax.fori_loop(0, _CHUNK, zrow, 0)
    for j in range(_SLICE // _CHUNK):
        pltpu.sync_copy(buf0, sh.at[pl.ds(lo + j * _CHUNK, _CHUNK)])
    plsc.subcore_barrier()

    pltpu.sync_copy(eidx_hbm.at[wid, 0], idxa)
    mread(0, buf0, sem0)

    def s_body(q, carry):
        p0 = 2 * q
        pltpu.sync_copy(eidx_hbm.at[wid, p0 + 1], idxb)
        mread(4 * q + 1, buf1, sem1)
        gwait(buf0, sem0)
        scat(buf0, idxa.at[1, 0])
        mread(4 * q + 2, buf0, sem0)
        gwait(buf1, sem1)
        scat(buf1, idxa.at[1, 1])

        @pl.when(q + 1 < nq)
        def _():
            pltpu.sync_copy(eidx_hbm.at[wid, p0 + 2], idxa)
        mread(4 * q + 3, buf1, sem1)
        gwait(buf0, sem0)
        scat(buf0, idxb.at[1, 0])

        @pl.when(q + 1 < nq)
        def _():
            mread(4 * q + 4, buf0, sem0)
        gwait(buf1, sem1)
        scat(buf1, idxb.at[1, 1])
        return carry
    lax.fori_loop(0, nq, s_body, 0)
    plsc.subcore_barrier()

    pltpu.sync_copy(sh.at[pl.ds(lo, _SLICE)],
                    out_hbm.at[cid, pl.ds(lo, _SLICE)])


def _ynorm_body(d0_ref, d1_ref, x_ref, w_ref, yn_ref, dinv_ref):
    dinv = lax.rsqrt(d0_ref[...] + d1_ref[...] + 1.0)
    dinv_ref[...] = dinv
    yn_ref[...] = dinv * jnp.dot(x_ref[...], w_ref[...],
                                 preferred_element_type=jnp.float32)


def _hidden_body(s0_ref, s1_ref, yn_ref, dinv_ref, b_ref, hn_ref):
    dinv = dinv_ref[...]
    g = dinv * (s0_ref[...] + s1_ref[...] + yn_ref[...]) + b_ref[...]
    hn_ref[...] = dinv * jnp.maximum(g, 0.0)


def _heads_body(s0_ref, s1_ref, hn_ref, dinv_ref, wmu_ref, bmu_ref,
                wsig_ref, bsig_ref, mu_ref, sig_ref):
    g = dinv_ref[...] * (s0_ref[...] + s1_ref[...] + hn_ref[...])
    mu_ref[...] = jnp.dot(g, wmu_ref[...],
                          preferred_element_type=jnp.float32) + bmu_ref[...]
    t = jnp.dot(g, wsig_ref[...],
                preferred_element_type=jnp.float32) + bsig_ref[...]
    sig_ref[...] = (jnp.maximum(t, 0.0)
                    + jnp.log(1.0 + jnp.exp(-jnp.abs(t))) + 1e-07)


def _row_spec():
    return pl.BlockSpec((_BLK, _D), lambda i: (i, 0))


def _full_spec():
    return pl.BlockSpec((_D, _D), lambda i: (0, 0))


def _bias_spec():
    return pl.BlockSpec((1, _D), lambda i: (0, 0))


_f32 = jnp.float32
_rows_sds = jax.ShapeDtypeStruct((_NP, _D), _f32)

_ynorm_call = pl.pallas_call(
    _ynorm_body, grid=(_GRID,),
    in_specs=[_row_spec(), _row_spec(), _row_spec(), _full_spec()],
    out_specs=(_row_spec(), _row_spec()),
    out_shape=(_rows_sds, _rows_sds))

_hidden_call = pl.pallas_call(
    _hidden_body, grid=(_GRID,),
    in_specs=[_row_spec(), _row_spec(), _row_spec(), _row_spec(), _bias_spec()],
    out_specs=_row_spec(), out_shape=_rows_sds)

_heads_call = pl.pallas_call(
    _heads_body, grid=(_GRID,),
    in_specs=[_row_spec(), _row_spec(), _row_spec(), _row_spec(),
              _full_spec(), _bias_spec(), _full_spec(), _bias_spec()],
    out_specs=(_row_spec(), _row_spec()),
    out_shape=(_rows_sds, _rows_sds))


def kernel(x, edge_index, W0, b0, Wmu, bmu, Wsig, bsig):
    src = edge_index[0]
    dst = edge_index[1]
    pad = _EPAD - _E
    srcp = jnp.concatenate([src, jnp.zeros((pad,), jnp.int32)]
                           ).reshape(_NW, _NCHUNK, _CHUNK)
    dstp = jnp.concatenate([dst, jnp.full((pad,), _N, jnp.int32)]
                           ).reshape(_NW, _NCHUNK, _CHUNK)
    eidx = jnp.stack([srcp.reshape(_NW, _NPAIR, 2, _CHUNK),
                      dstp.reshape(_NW, _NPAIR, 2, _CHUNK)], axis=2)
    xp = jnp.concatenate([x, jnp.zeros((_NP - _N, _D), x.dtype)], axis=0)
    b0r = b0.reshape(1, _D)
    bmur = bmu.reshape(1, _D)
    bsigr = bsig.reshape(1, _D)

    deg = _deg_kernel(dstp)
    yn, dinv = _ynorm_call(deg[0], deg[1], xp, W0)
    s1, _m1 = _agg_kernel(yn, eidx)
    hn = _hidden_call(s1[0], s1[1], yn, dinv, b0r)
    s2, _m2 = _agg_kernel(hn, eidx)
    mu, sig = _heads_call(s2[0], s2[1], hn, dinv, Wmu, bmur, Wsig, bsigr)
    return mu[:_N], sig[:_N]

# --- scband reference (transcript-rebuilt; emitter-appended) ---
"""Pipeline reference for scband-g2-cl-gcnencoder-80083960201232 (READ-ONLY COPY).

The authoritative reference and input builder live on the scoring server;
editing this copy changes nothing except your own understanding.
"""

import jax, jax.numpy as jnp
import numpy as np

N = 10000
E = 320000
D = 128
H = 128


def setup_inputs(seed: int = 0) -> dict:
    key = jax.random.key(seed)
    ks = jax.random.split(key, 8)
    x = jax.random.normal(ks[0], (N, D), dtype=jnp.float32)
    edge_index = jax.random.randint(ks[1], (2, E), 0, N, dtype=jnp.int32)
    W0 = jax.random.normal(ks[2], (D, H), dtype=jnp.float32) * (1.0 / np.sqrt(D))
    b0 = jnp.zeros((H,), dtype=jnp.float32)
    Wmu = jax.random.normal(ks[3], (H, H), dtype=jnp.float32) * (1.0 / np.sqrt(H))
    bmu = jnp.zeros((H,), dtype=jnp.float32)
    Wsig = jax.random.normal(ks[4], (H, H), dtype=jnp.float32) * (1.0 / np.sqrt(H))
    bsig = jnp.zeros((H,), dtype=jnp.float32)
    return {"x": x, "edge_index": edge_index, "W0": W0, "b0": b0,
            "Wmu": Wmu, "bmu": bmu, "Wsig": Wsig, "bsig": bsig}


def reference(x, edge_index, W0, b0, Wmu, bmu, Wsig, bsig):
    # GCNConv (PyG semantics): add self-loops, symmetric normalization,
    # linear transform, scatter-add aggregation by destination node.
    src = edge_index[0]
    dst = edge_index[1]
    loop = jnp.arange(N, dtype=src.dtype)
    src = jnp.concatenate([src, loop])
    dst = jnp.concatenate([dst, loop])
    deg = jnp.zeros((N,), dtype=jnp.float32).at[dst].add(1.0)
    dinv = jnp.where(deg > 0, 1.0 / jnp.sqrt(deg), 0.0)
    norm = dinv[src] * dinv[dst]

    def gcn_conv(h, W, b):
        h = h @ W
        msg = h[src] * norm[:, None]
        out = jnp.zeros((N, W.shape[1]), dtype=h.dtype).at[dst].add(msg)
        return out + b

    # layer_num=2 -> one hidden conv + relu, then mu / sigma heads
    h = jax.nn.relu(gcn_conv(x, W0, b0))
    mu = gcn_conv(h, Wmu, bmu)
    sigma = jax.nn.softplus(gcn_conv(h, Wsig, bsig)) + 1e-07
    # The torch module returns Independent(Normal(mu, sigma), 1);
    # the distribution parameters are the forward computation's outputs.
    return (mu, sigma)

if __name__ == "__main__":
    import jax
    _d = setup_inputs()
    print(jax.jit(kernel)(*tuple(_d.values())))

</pallas_src>

<mosaic_0001>
#map = affine_map<(d0, d1) -> (0, 0)>
#map1 = affine_map<(d0, d1) -> (0, 0, 0, 0, 0)>
#map2 = affine_map<(d0, d1) -> (0, 0, 0)>
module attributes {stable_mosaic.version = 14 : i64} {
  func.func @_agg_kernel(%arg0: i32, %arg1: i32, %arg2: memref<10240x128xf32, #tpu.memory_space<hbm>>, %arg3: memref<32x40x2x2x128xi32, #tpu.memory_space<hbm>>, %arg4: memref<2x10240x128xf32, #tpu.memory_space<hbm>>, %arg5: memref<327680x128xf32, #tpu.memory_space<hbm>>, %arg6: memref<2x2x128xi32, #tpu.memory_space<vmem>>, %arg7: memref<2x2x128xi32, #tpu.memory_space<vmem>>, %arg8: memref<128x128xf32, #tpu.memory_space<vmem>>, %arg9: memref<128x128xf32, #tpu.memory_space<vmem>>, %arg10: memref<10240x128xf32, #tpu.memory_space<vmem_shared>>, %arg11: memref<!tpu.dma_semaphore, #tpu.memory_space<semaphore_mem>>, %arg12: memref<!tpu.dma_semaphore, #tpu.memory_space<semaphore_mem>>) attributes {dimension_semantics = [#tpu.dimension_semantics<core_parallel>, #tpu.dimension_semantics<subcore_parallel>], iteration_bounds = array<i64: 2, 16>, scalar_prefetch = 0 : i64, scratch_operands = 7 : i64, tpu.core_type = #tpu.core_type<sc_vector_subcore>, window_params = [{transform_indices = #map}, {transform_indices = #map1}, {transform_indices = #map2}, {transform_indices = #map}]} {
    %mul3A = arith.constant 2 : i32
    %mul3A_0 = arith.muli %arg1, %mul3A : i32
    %add3A = arith.addi %mul3A_0, %arg0 : i32
    %broadcast_in_dim3A = arith.constant 0.000000e+00 : f32
    %broadcast_in_dim3A_1 = vector.broadcast %broadcast_in_dim3A : f32 to vector<16xf32>
    %mul3A_2 = arith.constant 640 : i32
    %mul3A_3 = arith.muli %arg1, %mul3A_2 : i32
    %mul3A_4 = arith.constant 10240 : i32
    %mul3A_5 = arith.muli %add3A, %mul3A_4 : i32
    "tpu.region"() ({
      %run_scoped3A_50 = tpu.sem_alloc : memref<!tpu.dma_semaphore, #tpu.memory_space<semaphore_mem>>
      %dma_start3A_51 = arith.constant 0 : i32
      %dma_start3A_52 = tpu.memref_slice %arg10[%mul3A_3, %dma_start3A_51] : memref<10240x128xf32, #tpu.memory_space<vmem_shared>> -> memref<640x128xf32, #tpu.memory_space<vmem_shared>>
      %dma_start3A_53 = arith.constant 0 : i32
      %dma_start3A_54 = tpu.memref_slice %arg2[%mul3A_3, %dma_start3A_53] : memref<10240x128xf32, #tpu.memory_space<hbm>> -> memref<640x128xf32, #tpu.memory_space<hbm>>
      tpu.enqueue_dma source(%dma_start3A_54 : memref<640x128xf32, #tpu.memory_space<hbm>>) target(%dma_start3A_52 : memref<640x128xf32, #tpu.memory_space<vmem_shared>>) target_semaphore(%run_scoped3A_50 : memref<!tpu.dma_semaphore, #tpu.memory_space<semaphore_mem>>)
      %dma_wait3A = arith.constant 0 : i32
      %dma_wait3A_55 = tpu.memref_slice %arg10[%mul3A_3, %dma_wait3A] : memref<10240x128xf32, #tpu.memory_space<vmem_shared>> -> memref<640x128xf32, #tpu.memory_space<vmem_shared>>
      %dma_wait3A_56 = arith.constant 0 : i32
      %dma_wait3A_57 = tpu.memref_slice %arg2[%mul3A_3, %dma_wait3A_56] : memref<10240x128xf32, #tpu.memory_space<hbm>> -> memref<640x128xf32, #tpu.memory_space<hbm>>
      tpu.wait_dma2 semaphore(%run_scoped3A_50 : memref<!tpu.dma_semaphore, #tpu.memory_space<semaphore_mem>>) src(%dma_wait3A_57 : memref<640x128xf32, #tpu.memory_space<hbm>>) dst(%dma_wait3A_55 : memref<640x128xf32, #tpu.memory_space<vmem_shared>>)
      tpu.yield
    }) : () -> ()
    %barrier3A = arith.constant 0 : index
    tpu.barrier barrier_id(%barrier3A)
    %run_scoped3A = arith.constant 0 : i32
    "tpu.region"() ({
      %run_scoped3A_50 = tpu.sem_alloc : memref<!tpu.dma_semaphore, #tpu.memory_space<semaphore_mem>>
      %dma_start3A_51 = arith.constant 0 : i32
      %dma_start3A_52 = arith.constant 0 : i32
      %dma_start3A_53 = arith.constant 0 : i32
      %dma_start3A_54 = tpu.memref_slice %arg3[%add3A, %run_scoped3A, %dma_start3A_51, %dma_start3A_52, %dma_start3A_53] : memref<32x40x2x2x128xi32, #tpu.memory_space<hbm>> -> memref<1x1x2x2x128xi32, #tpu.memory_space<hbm>>
      %dma_start3A_55 = tpu.memref_squeeze %dma_start3A_54 : memref<1x1x2x2x128xi32, #tpu.memory_space<hbm>> -> memref<2x2x128xi32, #tpu.memory_space<hbm>>
      %dma_start3A_56 = arith.constant 0 : i32
      %dma_start3A_57 = arith.constant 0 : i32
      %dma_start3A_58 = arith.constant 0 : i32
      %dma_start3A_59 = tpu.memref_slice %arg3[%add3A, %run_scoped3A, %dma_start3A_56, %dma_start3A_57, %dma_start3A_58] : memref<32x40x2x2x128xi32, #tpu.memory_space<hbm>> -> memref<1x1x2x2x128xi32, #tpu.memory_space<hbm>>
      %dma_start3A_60 = tpu.memref_squeeze %dma_start3A_59 : memref<1x1x2x2x128xi32, #tpu.memory_space<hbm>> -> memref<2x2x128xi32, #tpu.memory_space<hbm>>
      tpu.enqueue_dma source(%dma_start3A_60 : memref<2x2x128xi32, #tpu.memory_space<hbm>>) target(%arg6 : memref<2x2x128xi32, #tpu.memory_space<vmem>>) target_semaphore(%run_scoped3A_50 : memref<!tpu.dma_semaphore, #tpu.memory_space<semaphore_mem>>)
      %dma_wait3A = arith.constant 0 : i32
      %dma_wait3A_61 = arith.constant 0 : i32
      %dma_wait3A_62 = arith.constant 0 : i32
      %dma_wait3A_63 = tpu.memref_slice %arg3[%add3A, %run_scoped3A, %dma_wait3A, %dma_wait3A_61, %dma_wait3A_62] : memref<32x40x2x2x128xi32, #tpu.memory_space<hbm>> -> memref<1x1x2x2x128xi32, #tpu.memory_space<hbm>>
      %dma_wait3A_64 = tpu.memref_squeeze %dma_wait3A_63 : memref<1x1x2x2x128xi32, #tpu.memory_space<hbm>> -> memref<2x2x128xi32, #tpu.memory_space<hbm>>
      %dma_wait3A_65 = arith.constant 0 : i32
      %dma_wait3A_66 = arith.constant 0 : i32
      %dma_wait3A_67 = arith.constant 0 : i32
      %dma_wait3A_68 = tpu.memref_slice %arg3[%add3A, %run_scoped3A, %dma_wait3A_65, %dma_wait3A_66, %dma_wait3A_67] : memref<32x40x2x2x128xi32, #tpu.memory_space<hbm>> -> memref<1x1x2x2x128xi32, #tpu.memory_space<hbm>>
      %dma_wait3A_69 = tpu.memref_squeeze %dma_wait3A_68 : memref<1x1x2x2x128xi32, #tpu.memory_space<hbm>> -> memref<2x2x128xi32, #tpu.memory_space<hbm>>
      tpu.wait_dma2 semaphore(%run_scoped3A_50 : memref<!tpu.dma_semaphore, #tpu.memory_space<semaphore_mem>>) src(%dma_wait3A_69 : memref<2x2x128xi32, #tpu.memory_space<hbm>>) dst(%arg6 : memref<2x2x128xi32, #tpu.memory_space<vmem>>)
      tpu.yield
    }) : () -> ()
    %dma_start3A = arith.constant 0 : i32
    %dma_start3A_6 = arith.constant 0 : i32
    %dma_start3A_7 = arith.constant 0 : i32
    %dma_start3A_8 = tpu.memref_slice %arg6[%dma_start3A, %dma_start3A_6, %dma_start3A_7] : memref<2x2x128xi32, #tpu.memory_space<vmem>> -> memref<1x1x128xi32, #tpu.memory_space<vmem>>
    %dma_start3A_9 = tpu.memref_squeeze %dma_start3A_8 : memref<1x1x128xi32, #tpu.memory_space<vmem>> -> memref<128xi32, #tpu.memory_space<vmem>>
    %dma_start3A_10 = arith.constant 0 : i32
    %dma_start3A_11 = arith.constant 0 : i32
    %dma_start3A_12 = tpu.memref_slice %arg10[%dma_start3A_10, %dma_start3A_11] : memref<10240x128xf32, #tpu.memory_space<vmem_shared>> -> memref<10240x128xf32, #tpu.memory_space<vmem_shared>>
    tpu.enqueue_indirect_dma source(%dma_start3A_12 : memref<10240x128xf32, #tpu.memory_space<vmem_shared>>) target(%arg8 : memref<128x128xf32, #tpu.memory_space<vmem>>) offsets(%dma_start3A_9 : memref<128xi32, #tpu.memory_space<vmem>>) semaphore(%arg11 : memref<!tpu.dma_semaphore, #tpu.memory_space<semaphore_mem>>)
    %scan3A = arith.constant 0 : i32
    %scan3A_13 = arith.constant 0 : i32
    %scan3A_14 = arith.constant 20 : i32
    %scan3A_15 = arith.addi %scan3A_13, %scan3A_14 : i32
    %scan3A_16 = arith.constant 1 : i32
    scf.for %scan3A_50 = %scan3A_13 to %scan3A_15 step %scan3A_16  : i32 {
      %mul3A_51 = arith.constant 2 : i32
      %mul3A_52 = arith.muli %mul3A_51, %scan3A_50 : i32
      %add3A_53 = arith.constant 1 : i32
      %add3A_54 = arith.addi %mul3A_52, %add3A_53 : i32
      "tpu.region"() ({
        %run_scoped3A_139 = tpu.sem_alloc : memref<!tpu.dma_semaphore, #tpu.memory_space<semaphore_mem>>
        %dma_start3A_140 = arith.constant 0 : i32
        %dma_start3A_141 = arith.constant 0 : i32
        %dma_start3A_142 = arith.constant 0 : i32
        %dma_start3A_143 = tpu.memref_slice %arg3[%add3A, %add3A_54, %dma_start3A_140, %dma_start3A_141, %dma_start3A_142] : memref<32x40x2x2x128xi32, #tpu.memory_space<hbm>> -> memref<1x1x2x2x128xi32, #tpu.memory_space<hbm>>
        %dma_start3A_144 = tpu.memref_squeeze %dma_start3A_143 : memref<1x1x2x2x128xi32, #tpu.memory_space<hbm>> -> memref<2x2x128xi32, #tpu.memory_space<hbm>>
        %dma_start3A_145 = arith.constant 0 : i32
        %dma_start3A_146 = arith.constant 0 : i32
        %dma_start3A_147 = arith.constant 0 : i32
        %dma_start3A_148 = tpu.memref_slice %arg3[%add3A, %add3A_54, %dma_start3A_145, %dma_start3A_146, %dma_start3A_147] : memref<32x40x2x2x128xi32, #tpu.memory_space<hbm>> -> memref<1x1x2x2x128xi32, #tpu.memory_space<hbm>>
        %dma_start3A_149 = tpu.memref_squeeze %dma_start3A_148 : memref<1x1x2x2x128xi32, #tpu.memory_space<hbm>> -> memref<2x2x128xi32, #tpu.memory_space<hbm>>
        tpu.enqueue_dma source(%dma_start3A_149 : memref<2x2x128xi32, #tpu.memory_space<hbm>>) target(%arg7 : memref<2x2x128xi32, #tpu.memory_space<vmem>>) target_semaphore(%run_scoped3A_139 : memref<!tpu.dma_semaphore, #tpu.memory_space<semaphore_mem>>)
        %dma_wait3A_150 = arith.constant 0 : i32
        %dma_wait3A_151 = arith.constant 0 : i32
        %dma_wait3A_152 = arith.constant 0 : i32
        %dma_wait3A_153 = tpu.memref_slice %arg3[%add3A, %add3A_54, %dma_wait3A_150, %dma_wait3A_151, %dma_wait3A_152] : memref<32x40x2x2x128xi32, #tpu.memory_space<hbm>> -> memref<1x1x2x2x128xi32, #tpu.memory_space<hbm>>
        %dma_wait3A_154 = tpu.memref_squeeze %dma_wait3A_153 : memref<1x1x2x2x128xi32, #tpu.memory_space<hbm>> -> memref<2x2x128xi32, #tpu.memory_space<hbm>>
        %dma_wait3A_155 = arith.constant 0 : i32
        %dma_wait3A_156 = arith.constant 0 : i32
        %dma_wait3A_157 = arith.constant 0 : i32
        %dma_wait3A_158 = tpu.memref_slice %arg3[%add3A, %add3A_54, %dma_wait3A_155, %dma_wait3A_156, %dma_wait3A_157] : memref<32x40x2x2x128xi32, #tpu.memory_space<hbm>> -> memref<1x1x2x2x128xi32, #tpu.memory_space<hbm>>
        %dma_wait3A_159 = tpu.memref_squeeze %dma_wait3A_158 : memref<1x1x2x2x128xi32, #tpu.memory_space<hbm>> -> memref<2x2x128xi32, #tpu.memory_space<hbm>>
        tpu.wait_dma2 semaphore(%run_scoped3A_139 : memref<!tpu.dma_semaphore, #tpu.memory_space<semaphore_mem>>) src(%dma_wait3A_159 : memref<2x2x128xi32, #tpu.memory_space<hbm>>) dst(%arg7 : memref<2x2x128xi32, #tpu.memory_space<vmem>>)
        tpu.yield
      }) : () -> ()
      %dma_start3A_55 = arith.constant 0 : i32
      %dma_start3A_56 = arith.constant 1 : i32
      %dma_start3A_57 = arith.constant 0 : i32
      %dma_start3A_58 = tpu.memref_slice %arg6[%dma_start3A_55, %dma_start3A_56, %dma_start3A_57] : memref<2x2x128xi32, #tpu.memory_space<vmem>> -> memref<1x1x128xi32, #tpu.memory_space<vmem>>
      %dma_start3A_59 = tpu.memref_squeeze %dma_start3A_58 : memref<1x1x128xi32, #tpu.memory_space<vmem>> -> memref<128xi32, #tpu.memory_space<vmem>>
      %dma_start3A_60 = arith.constant 0 : i32
      %dma_start3A_61 = arith.constant 0 : i32
      %dma_start3A_62 = tpu.memref_slice %arg10[%dma_start3A_60, %dma_start3A_61] : memref<10240x128xf32, #tpu.memory_space<vmem_shared>> -> memref<10240x128xf32, #tpu.memory_space<vmem_shared>>
      tpu.enqueue_indirect_dma source(%dma_start3A_62 : memref<10240x128xf32, #tpu.memory_space<vmem_shared>>) target(%arg9 : memref<128x128xf32, #tpu.memory_space<vmem>>) offsets(%dma_start3A_59 : memref<128xi32, #tpu.memory_space<vmem>>) semaphore(%arg12 : memref<!tpu.dma_semaphore, #tpu.memory_space<semaphore_mem>>)
      %dma_wait3A = arith.constant 0 : i32
      %dma_wait3A_63 = arith.constant 0 : i32
      %dma_wait3A_64 = tpu.memref_slice %arg2[%dma_wait3A, %dma_wait3A_63] : memref<10240x128xf32, #tpu.memory_space<hbm>> -> memref<128x128xf32, #tpu.memory_space<hbm>>
      %dma_wait3A_65 = arith.constant 0 : i32
      %dma_wait3A_66 = arith.constant 0 : i32
      %dma_wait3A_67 = tpu.memref_slice %arg2[%dma_wait3A_65, %dma_wait3A_66] : memref<10240x128xf32, #tpu.memory_space<hbm>> -> memref<128x128xf32, #tpu.memory_space<hbm>>
      tpu.wait_dma2 semaphore(%arg11 : memref<!tpu.dma_semaphore, #tpu.memory_space<semaphore_mem>>) src(%dma_wait3A_67 : memref<128x128xf32, #tpu.memory_space<hbm>>) dst(%arg8 : memref<128x128xf32, #tpu.memory_space<vmem>>)
      %mul3A_68 = arith.constant 4 : i32
      %mul3A_69 = arith.muli %mul3A_68, %scan3A_50 : i32
      %mul3A_70 = arith.constant 128 : i32
      %mul3A_71 = arith.muli %mul3A_69, %mul3A_70 : i32
      %add3A_72 = arith.addi %mul3A_5, %mul3A_71 : i32
      "tpu.region"() ({
        %run_scoped3A_139 = tpu.sem_alloc : memref<!tpu.dma_semaphore, #tpu.memory_space<semaphore_mem>>
        %dma_start3A_140 = arith.constant 0 : i32
        %dma_start3A_141 = tpu.memref_slice %arg5[%add3A_72, %dma_start3A_140] : memref<327680x128xf32, #tpu.memory_space<hbm>> -> memref<128x128xf32, #tpu.memory_space<hbm>>
        %dma_start3A_142 = arith.constant 0 : i32
        %dma_start3A_143 = tpu.memref_slice %arg5[%add3A_72, %dma_start3A_142] : memref<327680x128xf32, #tpu.memory_space<hbm>> -> memref<128x128xf32, #tpu.memory_space<hbm>>
        tpu.enqueue_dma source(%arg8 : memref<128x128xf32, #tpu.memory_space<vmem>>) target(%dma_start3A_143 : memref<128x128xf32, #tpu.memory_space<hbm>>) target_semaphore(%run_scoped3A_139 : memref<!tpu.dma_semaphore, #tpu.memory_space<semaphore_mem>>)
        %dma_wait3A_144 = arith.constant 0 : i32
        %dma_wait3A_145 = tpu.memref_slice %arg5[%add3A_72, %dma_wait3A_144] : memref<327680x128xf32, #tpu.memory_space<hbm>> -> memref<128x128xf32, #tpu.memory_space<hbm>>
        %dma_wait3A_146 = arith.constant 0 : i32
        %dma_wait3A_147 = tpu.memref_slice %arg5[%add3A_72, %dma_wait3A_146] : memref<327680x128xf32, #tpu.memory_space<hbm>> -> memref<128x128xf32, #tpu.memory_space<hbm>>
        tpu.wait_dma2 semaphore(%run_scoped3A_139 : memref<!tpu.dma_semaphore, #tpu.memory_space<semaphore_mem>>) src(%arg8 : memref<128x128xf32, #tpu.memory_space<vmem>>) dst(%dma_wait3A_147 : memref<128x128xf32, #tpu.memory_space<hbm>>)
        tpu.yield
      }) : () -> ()
      %dma_start3A_73 = arith.constant 0 : i32
      %dma_start3A_74 = arith.constant 0 : i32
      %dma_start3A_75 = arith.constant 0 : i32
      %dma_start3A_76 = tpu.memref_slice %arg7[%dma_start3A_73, %dma_start3A_74, %dma_start3A_75] : memref<2x2x128xi32, #tpu.memory_space<vmem>> -> memref<1x1x128xi32, #tpu.memory_space<vmem>>
      %dma_start3A_77 = tpu.memref_squeeze %dma_start3A_76 : memref<1x1x128xi32, #tpu.memory_space<vmem>> -> memref<128xi32, #tpu.memory_space<vmem>>
      %dma_start3A_78 = arith.constant 0 : i32
      %dma_start3A_79 = arith.constant 0 : i32
      %dma_start3A_80 = tpu.memref_slice %arg10[%dma_start3A_78, %dma_start3A_79] : memref<10240x128xf32, #tpu.memory_space<vmem_shared>> -> memref<10240x128xf32, #tpu.memory_space<vmem_shared>>
      tpu.enqueue_indirect_dma source(%dma_start3A_80 : memref<10240x128xf32, #tpu.memory_space<vmem_shared>>) target(%arg8 : memref<128x128xf32, #tpu.memory_space<vmem>>) offsets(%dma_start3A_77 : memref<128xi32, #tpu.memory_space<vmem>>) semaphore(%arg11 : memref<!tpu.dma_semaphore, #tpu.memory_space<semaphore_mem>>)
      %dma_wait3A_81 = arith.constant 0 : i32
      %dma_wait3A_82 = arith.constant 0 : i32
      %dma_wait3A_83 = tpu.memref_slice %arg2[%dma_wait3A_81, %dma_wait3A_82] : memref<10240x128xf32, #tpu.memory_space<hbm>> -> memref<128x128xf32, #tpu.memory_space<hbm>>
      %dma_wait3A_84 = arith.constant 0 : i32
      %dma_wait3A_85 = arith.constant 0 : i32
      %dma_wait3A_86 = tpu.memref_slice %arg2[%dma_wait3A_84, %dma_wait3A_85] : memref<10240x128xf32, #tpu.memory_space<hbm>> -> memref<128x128xf32, #tpu.memory_space<hbm>>
      tpu.wait_dma2 semaphore(%arg12 : memref<!tpu.dma_semaphore, #tpu.memory_space<semaphore_mem>>) src(%dma_wait3A_86 : memref<128x128xf32, #tpu.memory_space<hbm>>) dst(%arg9 : memref<128x128xf32, #tpu.memory_space<vmem>>)
      %mul3A_87 = arith.constant 4 : i32
      %mul3A_88 = arith.muli %mul3A_87, %scan3A_50 : i32
      %add3A_89 = arith.constant 1 : i32
      %add3A_90 = arith.addi %mul3A_88, %add3A_89 : i32
      %mul3A_91 = arith.constant 128 : i32
      %mul3A_92 = arith.muli %add3A_90, %mul3A_91 : i32
      %add3A_93 = arith.addi %mul3A_5, %mul3A_92 : i32
      "tpu.region"() ({
        %run_scoped3A_139 = tpu.sem_alloc : memref<!tpu.dma_semaphore, #tpu.memory_space<semaphore_mem>>
        %dma_start3A_140 = arith.constant 0 : i32
        %dma_start3A_141 = tpu.memref_slice %arg5[%add3A_93, %dma_start3A_140] : memref<327680x128xf32, #tpu.memory_space<hbm>> -> memref<128x128xf32, #tpu.memory_space<hbm>>
        %dma_start3A_142 = arith.constant 0 : i32
        %dma_start3A_143 = tpu.memref_slice %arg5[%add3A_93, %dma_start3A_142] : memref<327680x128xf32, #tpu.memory_space<hbm>> -> memref<128x128xf32, #tpu.memory_space<hbm>>
        tpu.enqueue_dma source(%arg9 : memref<128x128xf32, #tpu.memory_space<vmem>>) target(%dma_start3A_143 : memref<128x128xf32, #tpu.memory_space<hbm>>) target_semaphore(%run_scoped3A_139 : memref<!tpu.dma_semaphore, #tpu.memory_space<semaphore_mem>>)
        %dma_wait3A_144 = arith.constant 0 : i32
        %dma_wait3A_145 = tpu.memref_slice %arg5[%add3A_93, %dma_wait3A_144] : memref<327680x128xf32, #tpu.memory_space<hbm>> -> memref<128x128xf32, #tpu.memory_space<hbm>>
        %dma_wait3A_146 = arith.constant 0 : i32
        %dma_wait3A_147 = tpu.memref_slice %arg5[%add3A_93, %dma_wait3A_146] : memref<327680x128xf32, #tpu.memory_space<hbm>> -> memref<128x128xf32, #tpu.memory_space<hbm>>
        tpu.wait_dma2 semaphore(%run_scoped3A_139 : memref<!tpu.dma_semaphore, #tpu.memory_space<semaphore_mem>>) src(%arg9 : memref<128x128xf32, #tpu.memory_space<vmem>>) dst(%dma_wait3A_147 : memref<128x128xf32, #tpu.memory_space<hbm>>)
        tpu.yield
      }) : () -> ()
      %add3A_94 = arith.constant 1 : i32
      %add3A_95 = arith.addi %scan3A_50, %add3A_94 : i32
      %lt3A = arith.constant 20 : i32
      %lt3A_96 = arith.cmpi slt, %add3A_95, %lt3A : i32
      %convert_element_type3A = arith.extui %lt3A_96 : i1 to i32
      %cond3A = arith.constant 0 : i32
      %cond3A_97 = arith.cmpi ne, %convert_element_type3A, %cond3A : i32
      scf.if %cond3A_97 {
        %add3A_139 = arith.constant 2 : i32
        %add3A_140 = arith.addi %mul3A_52, %add3A_139 : i32
        "tpu.region"() ({
          %run_scoped3A_141 = tpu.sem_alloc : memref<!tpu.dma_semaphore, #tpu.memory_space<semaphore_mem>>
          %dma_start3A_142 = arith.constant 0 : i32
          %dma_start3A_143 = arith.constant 0 : i32
          %dma_start3A_144 = arith.constant 0 : i32
          %dma_start3A_145 = tpu.memref_slice %arg3[%add3A, %add3A_140, %dma_start3A_142, %dma_start3A_143, %dma_start3A_144] : memref<32x40x2x2x128xi32, #tpu.memory_space<hbm>> -> memref<1x1x2x2x128xi32, #tpu.memory_space<hbm>>
          %dma_start3A_146 = tpu.memref_squeeze %dma_start3A_145 : memref<1x1x2x2x128xi32, #tpu.memory_space<hbm>> -> memref<2x2x128xi32, #tpu.memory_space<hbm>>
          %dma_start3A_147 = arith.constant 0 : i32
          %dma_start3A_148 = arith.constant 0 : i32
          %dma_start3A_149 = arith.constant 0 : i32
          %dma_start3A_150 = tpu.memref_slice %arg3[%add3A, %add3A_140, %dma_start3A_147, %dma_start3A_148, %dma_start3A_149] : memref<32x40x2x2x128xi32, #tpu.memory_space<hbm>> -> memref<1x1x2x2x128xi32, #tpu.memory_space<hbm>>
          %dma_start3A_151 = tpu.memref_squeeze %dma_start3A_150 : memref<1x1x2x2x128xi32, #tpu.memory_space<hbm>> -> memref<2x2x128xi32, #tpu.memory_space<hbm>>
          tpu.enqueue_dma source(%dma_start3A_151 : memref<2x2x128xi32, #tpu.memory_space<hbm>>) target(%arg6 : memref<2x2x128xi32, #tpu.memory_space<vmem>>) target_semaphore(%run_scoped3A_141 : memref<!tpu.dma_semaphore, #tpu.memory_space<semaphore_mem>>)
          %dma_wait3A_152 = arith.constant 0 : i32
          %dma_wait3A_153 = arith.constant 0 : i32
          %dma_wait3A_154 = arith.constant 0 : i32
          %dma_wait3A_155 = tpu.memref_slice %arg3[%add3A, %add3A_140, %dma_wait3A_152, %dma_wait3A_153, %dma_wait3A_154] : memref<32x40x2x2x128xi32, #tpu.memory_space<hbm>> -> memref<1x1x2x2x128xi32, #tpu.memory_space<hbm>>
          %dma_wait3A_156 = tpu.memref_squeeze %dma_wait3A_155 : memref<1x1x2x2x128xi32, #tpu.memory_space<hbm>> -> memref<2x2x128xi32, #tpu.memory_space<hbm>>
          %dma_wait3A_157 = arith.constant 0 : i32
          %dma_wait3A_158 = arith.constant 0 : i32
          %dma_wait3A_159 = arith.constant 0 : i32
          %dma_wait3A_160 = tpu.memref_slice %arg3[%add3A, %add3A_140, %dma_wait3A_157, %dma_wait3A_158, %dma_wait3A_159] : memref<32x40x2x2x128xi32, #tpu.memory_space<hbm>> -> memref<1x1x2x2x128xi32, #tpu.memory_space<hbm>>
          %dma_wait3A_161 = tpu.memref_squeeze %dma_wait3A_160 : memref<1x1x2x2x128xi32, #tpu.memory_space<hbm>> -> memref<2x2x128xi32, #tpu.memory_space<hbm>>
          tpu.wait_dma2 semaphore(%run_scoped3A_141 : memref<!tpu.dma_semaphore, #tpu.memory_space<semaphore_mem>>) src(%dma_wait3A_161 : memref<2x2x128xi32, #tpu.memory_space<hbm>>) dst(%arg6 : memref<2x2x128xi32, #tpu.memory_space<vmem>>)
          tpu.yield
        }) : () -> ()
      } else {
      }
      %dma_start3A_98 = arith.constant 0 : i32
      %dma_start3A_99 = arith.constant 1 : i32
      %dma_start3A_100 = arith.constant 0 : i32
      %dma_start3A_101 = tpu.memref_slice %arg7[%dma_start3A_98, %dma_start3A_99, %dma_start3A_100] : memref<2x2x128xi32, #tpu.memory_space<vmem>> -> memref<1x1x128xi32, #tpu.memory_space<vmem>>
      %dma_start3A_102 = tpu.memref_squeeze %dma_start3A_101 : memref<1x1x128xi32, #tpu.memory_space<vmem>> -> memref<128xi32, #tpu.memory_space<vmem>>
      %dma_start3A_103 = arith.constant 0 : i32
      %dma_start3A_104 = arith.constant 0 : i32
      %dma_start3A_105 = tpu.memref_slice %arg10[%dma_start3A_103, %dma_start3A_104] : memref<10240x128xf32, #tpu.memory_space<vmem_shared>> -> memref<10240x128xf32, #tpu.memory_space<vmem_shared>>
      tpu.enqueue_indirect_dma source(%dma_start3A_105 : memref<10240x128xf32, #tpu.memory_space<vmem_shared>>) target(%arg9 : memref<128x128xf32, #tpu.memory_space<vmem>>) offsets(%dma_start3A_102 : memref<128xi32, #tpu.memory_space<vmem>>) semaphore(%arg12 : memref<!tpu.dma_semaphore, #tpu.memory_space<semaphore_mem>>)
      %dma_wait3A_106 = arith.constant 0 : i32
      %dma_wait3A_107 = arith.constant 0 : i32
      %dma_wait3A_108 = tpu.memref_slice %arg2[%dma_wait3A_106, %dma_wait3A_107] : memref<10240x128xf32, #tpu.memory_space<hbm>> -> memref<128x128xf32, #tpu.memory_space<hbm>>
      %dma_wait3A_109 = arith.constant 0 : i32
      %dma_wait3A_110 = arith.constant 0 : i32
      %dma_wait3A_111 = tpu.memref_slice %arg2[%dma_wait3A_109, %dma_wait3A_110] : memref<10240x128xf32, #tpu.memory_space<hbm>> -> memref<128x128xf32, #tpu.memory_space<hbm>>
      tpu.wait_dma2 semaphore(%arg11 : memref<!tpu.dma_semaphore, #tpu.memory_space<semaphore_mem>>) src(%dma_wait3A_111 : memref<128x128xf32, #tpu.memory_space<hbm>>) dst(%arg8 : memref<128x128xf32, #tpu.memory_space<vmem>>)
      %mul3A_112 = arith.constant 4 : i32
      %mul3A_113 = arith.muli %mul3A_112, %scan3A_50 : i32
      %add3A_114 = arith.constant 2 : i32
      %add3A_115 = arith.addi %mul3A_113, %add3A_114 : i32
      %mul3A_116 = arith.constant 128 : i32
      %mul3A_117 = arith.muli %add3A_115, %mul3A_116 : i32
      %add3A_118 = arith.addi %mul3A_5, %mul3A_117 : i32
      "tpu.region"() ({
        %run_scoped3A_139 = tpu.sem_alloc : memref<!tpu.dma_semaphore, #tpu.memory_space<semaphore_mem>>
        %dma_start3A_140 = arith.constant 0 : i32
        %dma_start3A_141 = tpu.memref_slice %arg5[%add3A_118, %dma_start3A_140] : memref<327680x128xf32, #tpu.memory_space<hbm>> -> memref<128x128xf32, #tpu.memory_space<hbm>>
        %dma_start3A_142 = arith.constant 0 : i32
        %dma_start3A_143 = tpu.memref_slice %arg5[%add3A_118, %dma_start3A_142] : memref<327680x128xf32, #tpu.memory_space<hbm>> -> memref<128x128xf32, #tpu.memory_space<hbm>>
        tpu.enqueue_dma source(%arg8 : memref<128x128xf32, #tpu.memory_space<vmem>>) target(%dma_start3A_143 : memref<128x128xf32, #tpu.memory_space<hbm>>) target_semaphore(%run_scoped3A_139 : memref<!tpu.dma_semaphore, #tpu.memory_space<semaphore_mem>>)
        %dma_wait3A_144 = arith.constant 0 : i32
        %dma_wait3A_145 = tpu.memref_slice %arg5[%add3A_118, %dma_wait3A_144] : memref<327680x128xf32, #tpu.memory_space<hbm>> -> memref<128x128xf32, #tpu.memory_space<hbm>>
        %dma_wait3A_146 = arith.constant 0 : i32
        %dma_wait3A_147 = tpu.memref_slice %arg5[%add3A_118, %dma_wait3A_146] : memref<327680x128xf32, #tpu.memory_space<hbm>> -> memref<128x128xf32, #tpu.memory_space<hbm>>
        tpu.wait_dma2 semaphore(%run_scoped3A_139 : memref<!tpu.dma_semaphore, #tpu.memory_space<semaphore_mem>>) src(%arg8 : memref<128x128xf32, #tpu.memory_space<vmem>>) dst(%dma_wait3A_147 : memref<128x128xf32, #tpu.memory_space<hbm>>)
        tpu.yield
      }) : () -> ()
      %add3A_119 = arith.constant 1 : i32
      %add3A_120 = arith.addi %scan3A_50, %add3A_119 : i32
      %lt3A_121 = arith.constant 20 : i32
      %lt3A_122 = arith.cmpi slt, %add3A_120, %lt3A_121 : i32
      %convert_element_type3A_123 = arith.extui %lt3A_122 : i1 to i32
      %cond3A_124 = arith.constant 0 : i32
      %cond3A_125 = arith.cmpi ne, %convert_element_type3A_123, %cond3A_124 : i32
      scf.if %cond3A_125 {
        %dma_start3A_139 = arith.constant 0 : i32
        %dma_start3A_140 = arith.constant 0 : i32
        %dma_start3A_141 = arith.constant 0 : i32
        %dma_start3A_142 = tpu.memref_slice %arg6[%dma_start3A_139, %dma_start3A_140, %dma_start3A_141] : memref<2x2x128xi32, #tpu.memory_space<vmem>> -> memref<1x1x128xi32, #tpu.memory_space<vmem>>
        %dma_start3A_143 = tpu.memref_squeeze %dma_start3A_142 : memref<1x1x128xi32, #tpu.memory_space<vmem>> -> memref<128xi32, #tpu.memory_space<vmem>>
        %dma_start3A_144 = arith.constant 0 : i32
        %dma_start3A_145 = arith.constant 0 : i32
        %dma_start3A_146 = tpu.memref_slice %arg10[%dma_start3A_144, %dma_start3A_145] : memref<10240x128xf32, #tpu.memory_space<vmem_shared>> -> memref<10240x128xf32, #tpu.memory_space<vmem_shared>>
        tpu.enqueue_indirect_dma source(%dma_start3A_146 : memref<10240x128xf32, #tpu.memory_space<vmem_shared>>) target(%arg8 : memref<128x128xf32, #tpu.memory_space<vmem>>) offsets(%dma_start3A_143 : memref<128xi32, #tpu.memory_space<vmem>>) semaphore(%arg11 : memref<!tpu.dma_semaphore, #tpu.memory_space<semaphore_mem>>)
      } else {
      }
      %dma_wait3A_126 = arith.constant 0 : i32
      %dma_wait3A_127 = arith.constant 0 : i32
      %dma_wait3A_128 = tpu.memref_slice %arg2[%dma_wait3A_126, %dma_wait3A_127] : memref<10240x128xf32, #tpu.memory_space<hbm>> -> memref<128x128xf32, #tpu.memory_space<hbm>>
      %dma_wait3A_129 = arith.constant 0 : i32
      %dma_wait3A_130 = arith.constant 0 : i32
      %dma_wait3A_131 = tpu.memref_slice %arg2[%dma_wait3A_129, %dma_wait3A_130] : memref<10240x128xf32, #tpu.memory_space<hbm>> -> memref<128x128xf32, #tpu.memory_space<hbm>>
      tpu.wait_dma2 semaphore(%arg12 : memref<!tpu.dma_semaphore, #tpu.memory_space<semaphore_mem>>) src(%dma_wait3A_131 : memref<128x128xf32, #tpu.memory_space<hbm>>) dst(%arg9 : memref<128x128xf32, #tpu.memory_space<vmem>>)
      %mul3A_132 = arith.constant 4 : i32
      %mul3A_133 = arith.muli %mul3A_132, %scan3A_50 : i32
      %add3A_134 = arith.constant 3 : i32
      %add3A_135 = arith.addi %mul3A_133, %add3A_134 : i32
      %mul3A_136 = arith.constant 128 : i32
      %mul3A_137 = arith.muli %add3A_135, %mul3A_136 : i32
      %add3A_138 = arith.addi %mul3A_5, %mul3A_137 : i32
      "tpu.region"() ({
        %run_scoped3A_139 = tpu.sem_alloc : memref<!tpu.dma_semaphore, #tpu.memory_space<semaphore_mem>>
        %dma_start3A_140 = arith.constant 0 : i32
        %dma_start3A_141 = tpu.memref_slice %arg5[%add3A_138, %dma_start3A_140] : memref<327680x128xf32, #tpu.memory_space<hbm>> -> memref<128x128xf32, #tpu.memory_space<hbm>>
        %dma_start3A_142 = arith.constant 0 : i32
        %dma_start3A_143 = tpu.memref_slice %arg5[%add3A_138, %dma_start3A_142] : memref<327680x128xf32, #tpu.memory_space<hbm>> -> memref<128x128xf32, #tpu.memory_space<hbm>>
        tpu.enqueue_dma source(%arg9 : memref<128x128xf32, #tpu.memory_space<vmem>>) target(%dma_start3A_143 : memref<128x128xf32, #tpu.memory_space<hbm>>) target_semaphore(%run_scoped3A_139 : memref<!tpu.dma_semaphore, #tpu.memory_space<semaphore_mem>>)
        %dma_wait3A_144 = arith.constant 0 : i32
        %dma_wait3A_145 = tpu.memref_slice %arg5[%add3A_138, %dma_wait3A_144] : memref<327680x128xf32, #tpu.memory_space<hbm>> -> memref<128x128xf32, #tpu.memory_space<hbm>>
        %dma_wait3A_146 = arith.constant 0 : i32
        %dma_wait3A_147 = tpu.memref_slice %arg5[%add3A_138, %dma_wait3A_146] : memref<327680x128xf32, #tpu.memory_space<hbm>> -> memref<128x128xf32, #tpu.memory_space<hbm>>
        tpu.wait_dma2 semaphore(%run_scoped3A_139 : memref<!tpu.dma_semaphore, #tpu.memory_space<semaphore_mem>>) src(%arg9 : memref<128x128xf32, #tpu.memory_space<vmem>>) dst(%dma_wait3A_147 : memref<128x128xf32, #tpu.memory_space<hbm>>)
        tpu.yield
      }) : () -> ()
    }
    %scan3A_17 = arith.constant 20 : i32
    %barrier3A_18 = arith.constant 0 : index
    tpu.barrier barrier_id(%barrier3A_18)
    %scan3A_19 = arith.constant 0 : i32
    %scan3A_20 = arith.constant 0 : i32
    %scan3A_21 = arith.constant 128 : i32
    %scan3A_22 = arith.addi %scan3A_20, %scan3A_21 : i32
    %scan3A_23 = arith.constant 1 : i32
    scf.for %scan3A_50 = %scan3A_20 to %scan3A_22 step %scan3A_23  : i32 {
      %swap3A = arith.index_cast %scan3A_50 : i32 to index
      %swap3A_51 = arith.constant 0 : index
      %swap3A_52 = tpu.vector_load %arg8[%swap3A, %swap3A_51] {strides = array<i32>} : memref<128x128xf32, #tpu.memory_space<vmem>>, vector<16xf32>,
      tpu.vector_store %arg8[%swap3A, %swap3A_51], %broadcast_in_dim3A_1 {strides = array<i32>} : memref<128x128xf32, #tpu.memory_space<vmem>>, vector<16xf32>,
      %swap3A_53 = arith.index_cast %scan3A_50 : i32 to index
      %swap3A_54 = arith.constant 16 : index
      %swap3A_55 = tpu.vector_load %arg8[%swap3A_53, %swap3A_54] {strides = array<i32>} : memref<128x128xf32, #tpu.memory_space<vmem>>, vector<16xf32>,
      tpu.vector_store %arg8[%swap3A_53, %swap3A_54], %broadcast_in_dim3A_1 {strides = array<i32>} : memref<128x128xf32, #tpu.memory_space<vmem>>, vector<16xf32>,
      %swap3A_56 = arith.index_cast %scan3A_50 : i32 to index
      %swap3A_57 = arith.constant 32 : index
      %swap3A_58 = tpu.vector_load %arg8[%swap3A_56, %swap3A_57] {strides = array<i32>} : memref<128x128xf32, #tpu.memory_space<vmem>>, vector<16xf32>,
      tpu.vector_store %arg8[%swap3A_56, %swap3A_57], %broadcast_in_dim3A_1 {strides = array<i32>} : memref<128x128xf32, #tpu.memory_space<vmem>>, vector<16xf32>,
      %swap3A_59 = arith.index_cast %scan3A_50 : i32 to index
      %swap3A_60 = arith.constant 48 : index
      %swap3A_61 = tpu.vector_load %arg8[%swap3A_59, %swap3A_60] {strides = array<i32>} : memref<128x128xf32, #tpu.memory_space<vmem>>, vector<16xf32>,
      tpu.vector_store %arg8[%swap3A_59, %swap3A_60], %broadcast_in_dim3A_1 {strides = array<i32>} : memref<128x128xf32, #tpu.memory_space<vmem>>, vector<16xf32>,
      %swap3A_62 = arith.index_cast %scan3A_50 : i32 to index
      %swap3A_63 = arith.constant 64 : index
      %swap3A_64 = tpu.vector_load %arg8[%swap3A_62, %swap3A_63] {strides = array<i32>} : memref<128x128xf32, #tpu.memory_space<vmem>>, vector<16xf32>,
      tpu.vector_store %arg8[%swap3A_62, %swap3A_63], %broadcast_in_dim3A_1 {strides = array<i32>} : memref<128x128xf32, #tpu.memory_space<vmem>>, vector<16xf32>,
      %swap3A_65 = arith.index_cast %scan3A_50 : i32 to index
      %swap3A_66 = arith.constant 80 : index
      %swap3A_67 = tpu.vector_load %arg8[%swap3A_65, %swap3A_66] {strides = array<i32>} : memref<128x128xf32, #tpu.memory_space<vmem>>, vector<16xf32>,
      tpu.vector_store %arg8[%swap3A_65, %swap3A_66], %broadcast_in_dim3A_1 {strides = array<i32>} : memref<128x128xf32, #tpu.memory_space<vmem>>, vector<16xf32>,
      %swap3A_68 = arith.index_cast %scan3A_50 : i32 to index
      %swap3A_69 = arith.constant 96 : index
      %swap3A_70 = tpu.vector_load %arg8[%swap3A_68, %swap3A_69] {strides = array<i32>} : memref<128x128xf32, #tpu.memory_space<vmem>>, vector<16xf32>,
      tpu.vector_store %arg8[%swap3A_68, %swap3A_69], %broadcast_in_dim3A_1 {strides = array<i32>} : memref<128x128xf32, #tpu.memory_space<vmem>>, vector<16xf32>,
      %swap3A_71 = arith.index_cast %scan3A_50 : i32 to index
      %swap3A_72 = arith.constant 112 : index
      %swap3A_73 = tpu.vector_load %arg8[%swap3A_71, %swap3A_72] {strides = array<i32>} : memref<128x128xf32, #tpu.memory_space<vmem>>, vector<16xf32>,
      tpu.vector_store %arg8[%swap3A_71, %swap3A_72], %broadcast_in_dim3A_1 {strides = array<i32>} : memref<128x128xf32, #tpu.memory_space<vmem>>, vector<16xf32>,
    }
    %scan3A_24 = arith.constant 128 : i32
    %add3A_25 = arith.constant 0 : i32
    %add3A_26 = arith.addi %mul3A_3, %add3A_25 : i32
    "tpu.region"() ({
      %run_scoped3A_50 = tpu.sem_alloc : memref<!tpu.dma_semaphore, #tpu.memory_space<semaphore_mem>>
      %dma_start3A_51 = arith.constant 0 : i32
      %dma_start3A_52 = tpu.memref_slice %arg10[%add3A_26, %dma_start3A_51] : memref<10240x128xf32, #tpu.memory_space<vmem_shared>> -> memref<128x128xf32, #tpu.memory_space<vmem_shared>>
      %dma_start3A_53 = arith.constant 0 : i32
      %dma_start3A_54 = tpu.memref_slice %arg10[%add3A_26, %dma_start3A_53] : memref<10240x128xf32, #tpu.memory_space<vmem_shared>> -> memref<128x128xf32, #tpu.memory_space<vmem_shared>>
      tpu.enqueue_dma source(%arg8 : memref<128x128xf32, #tpu.memory_space<vmem>>) target(%dma_start3A_54 : memref<128x128xf32, #tpu.memory_space<vmem_shared>>) target_semaphore(%run_scoped3A_50 : memref<!tpu.dma_semaphore, #tpu.memory_space<semaphore_mem>>)
      %dma_wait3A = arith.constant 0 : i32
      %dma_wait3A_55 = tpu.memref_slice %arg10[%add3A_26, %dma_wait3A] : memref<10240x128xf32, #tpu.memory_space<vmem_shared>> -> memref<128x128xf32, #tpu.memory_space<vmem_shared>>
      %dma_wait3A_56 = arith.constant 0 : i32
      %dma_wait3A_57 = tpu.memref_slice %arg10[%add3A_26, %dma_wait3A_56] : memref<10240x128xf32, #tpu.memory_space<vmem_shared>> -> memref<128x128xf32, #tpu.memory_space<vmem_shared>>
      tpu.wait_dma2 semaphore(%run_scoped3A_50 : memref<!tpu.dma_semaphore, #tpu.memory_space<semaphore_mem>>) src(%arg8 : memref<128x128xf32, #tpu.memory_space<vmem>>) dst(%dma_wait3A_57 : memref<128x128xf32, #tpu.memory_space<vmem_shared>>)
      tpu.yield
    }) : () -> ()
    %add3A_27 = arith.constant 128 : i32
    %add3A_28 = arith.addi %mul3A_3, %add3A_27 : i32
    "tpu.region"() ({
      %run_scoped3A_50 = tpu.sem_alloc : memref<!tpu.dma_semaphore, #tpu.memory_space<semaphore_mem>>
      %dma_start3A_51 = arith.constant 0 : i32
      %dma_start3A_52 = tpu.memref_slice %arg10[%add3A_28, %dma_start3A_51] : memref<10240x128xf32, #tpu.memory_space<vmem_shared>> -> memref<128x128xf32, #tpu.memory_space<vmem_shared>>
      %dma_start3A_53 = arith.constant 0 : i32
      %dma_start3A_54 = tpu.memref_slice %arg10[%add3A_28, %dma_start3A_53] : memref<10240x128xf32, #tpu.memory_space<vmem_shared>> -> memref<128x128xf32, #tpu.memory_space<vmem_shared>>
      tpu.enqueue_dma source(%arg8 : memref<128x128xf32, #tpu.memory_space<vmem>>) target(%dma_start3A_54 : memref<128x128xf32, #tpu.memory_space<vmem_shared>>) target_semaphore(%run_scoped3A_50 : memref<!tpu.dma_semaphore, #tpu.memory_space<semaphore_mem>>)
      %dma_wait3A = arith.constant 0 : i32
      %dma_wait3A_55 = tpu.memref_slice %arg10[%add3A_28, %dma_wait3A] : memref<10240x128xf32, #tpu.memory_space<vmem_shared>> -> memref<128x128xf32, #tpu.memory_space<vmem_shared>>
      %dma_wait3A_56 = arith.constant 0 : i32
      %dma_wait3A_57 = tpu.memref_slice %arg10[%add3A_28, %dma_wait3A_56] : memref<10240x128xf32, #tpu.memory_space<vmem_shared>> -> memref<128x128xf32, #tpu.memory_space<vmem_shared>>
      tpu.wait_dma2 semaphore(%run_scoped3A_50 : memref<!tpu.dma_semaphore, #tpu.memory_space<semaphore_mem>>) src(%arg8 : memref<128x128xf32, #tpu.memory_space<vmem>>) dst(%dma_wait3A_57 : memref<128x128xf32, #tpu.memory_space<vmem_shared>>)
      tpu.yield
    }) : () -> ()
    %add3A_29 = arith.constant 256 : i32
    %add3A_30 = arith.addi %mul3A_3, %add3A_29 : i32
    "tpu.region"() ({
      %run_scoped3A_50 = tpu.sem_alloc : memref<!tpu.dma_semaphore, #tpu.memory_space<semaphore_mem>>
      %dma_start3A_51 = arith.constant 0 : i32
      %dma_start3A_52 = tpu.memref_slice %arg10[%add3A_30, %dma_start3A_51] : memref<10240x128xf32, #tpu.memory_space<vmem_shared>> -> memref<128x128xf32, #tpu.memory_space<vmem_shared>>
      %dma_start3A_53 = arith.constant 0 : i32
      %dma_start3A_54 = tpu.memref_slice %arg10[%add3A_30, %dma_start3A_53] : memref<10240x128xf32, #tpu.memory_space<vmem_shared>> -> memref<128x128xf32, #tpu.memory_space<vmem_shared>>
      tpu.enqueue_dma source(%arg8 : memref<128x128xf32, #tpu.memory_space<vmem>>) target(%dma_start3A_54 : memref<128x128xf32, #tpu.memory_space<vmem_shared>>) target_semaphore(%run_scoped3A_50 : memref<!tpu.dma_semaphore, #tpu.memory_space<semaphore_mem>>)
      %dma_wait3A = arith.constant 0 : i32
      %dma_wait3A_55 = tpu.memref_slice %arg10[%add3A_30, %dma_wait3A] : memref<10240x128xf32, #tpu.memory_space<vmem_shared>> -> memref<128x128xf32, #tpu.memory_space<vmem_shared>>
      %dma_wait3A_56 = arith.constant 0 : i32
      %dma_wait3A_57 = tpu.memref_slice %arg10[%add3A_30, %dma_wait3A_56] : memref<10240x128xf32, #tpu.memory_space<vmem_shared>> -> memref<128x128xf32, #tpu.memory_space<vmem_shared>>
      tpu.wait_dma2 semaphore(%run_scoped3A_50 : memref<!tpu.dma_semaphore, #tpu.memory_space<semaphore_mem>>) src(%arg8 : memref<128x128xf32, #tpu.memory_space<vmem>>) dst(%dma_wait3A_57 : memref<128x128xf32, #tpu.memory_space<vmem_shared>>)
      tpu.yield
    }) : () -> ()
    %add3A_31 = arith.constant 384 : i32
    %add3A_32 = arith.addi %mul3A_3, %add3A_31 : i32
    "tpu.region"() ({
      %run_scoped3A_50 = tpu.sem_alloc : memref<!tpu.dma_semaphore, #tpu.memory_space<semaphore_mem>>
      %dma_start3A_51 = arith.constant 0 : i32
      %dma_start3A_52 = tpu.memref_slice %arg10[%add3A_32, %dma_start3A_51] : memref<10240x128xf32, #tpu.memory_space<vmem_shared>> -> memref<128x128xf32, #tpu.memory_space<vmem_shared>>
      %dma_start3A_53 = arith.constant 0 : i32
      %dma_start3A_54 = tpu.memref_slice %arg10[%add3A_32, %dma_start3A_53] : memref<10240x128xf32, #tpu.memory_space<vmem_shared>> -> memref<128x128xf32, #tpu.memory_space<vmem_shared>>
      tpu.enqueue_dma source(%arg8 : memref<128x128xf32, #tpu.memory_space<vmem>>) target(%dma_start3A_54 : memref<128x128xf32, #tpu.memory_space<vmem_shared>>) target_semaphore(%run_scoped3A_50 : memref<!tpu.dma_semaphore, #tpu.memory_space<semaphore_mem>>)
      %dma_wait3A = arith.constant 0 : i32
      %dma_wait3A_55 = tpu.memref_slice %arg10[%add3A_32, %dma_wait3A] : memref<10240x128xf32, #tpu.memory_space<vmem_shared>> -> memref<128x128xf32, #tpu.memory_space<vmem_shared>>
      %dma_wait3A_56 = arith.constant 0 : i32
      %dma_wait3A_57 = tpu.memref_slice %arg10[%add3A_32, %dma_wait3A_56] : memref<10240x128xf32, #tpu.memory_space<vmem_shared>> -> memref<128x128xf32, #tpu.memory_space<vmem_shared>>
      tpu.wait_dma2 semaphore(%run_scoped3A_50 : memref<!tpu.dma_semaphore, #tpu.memory_space<semaphore_mem>>) src(%arg8 : memref<128x128xf32, #tpu.memory_space<vmem>>) dst(%dma_wait3A_57 : memref<128x128xf32, #tpu.memory_space<vmem_shared>>)
      tpu.yield
    }) : () -> ()
    %add3A_33 = arith.constant 512 : i32
    %add3A_34 = arith.addi %mul3A_3, %add3A_33 : i32
    "tpu.region"() ({
      %run_scoped3A_50 = tpu.sem_alloc : memref<!tpu.dma_semaphore, #tpu.memory_space<semaphore_mem>>
      %dma_start3A_51 = arith.constant 0 : i32
      %dma_start3A_52 = tpu.memref_slice %arg10[%add3A_34, %dma_start3A_51] : memref<10240x128xf32, #tpu.memory_space<vmem_shared>> -> memref<128x128xf32, #tpu.memory_space<vmem_shared>>
      %dma_start3A_53 = arith.constant 0 : i32
      %dma_start3A_54 = tpu.memref_slice %arg10[%add3A_34, %dma_start3A_53] : memref<10240x128xf32, #tpu.memory_space<vmem_shared>> -> memref<128x128xf32, #tpu.memory_space<vmem_shared>>
      tpu.enqueue_dma source(%arg8 : memref<128x128xf32, #tpu.memory_space<vmem>>) target(%dma_start3A_54 : memref<128x128xf32, #tpu.memory_space<vmem_shared>>) target_semaphore(%run_scoped3A_50 : memref<!tpu.dma_semaphore, #tpu.memory_space<semaphore_mem>>)
      %dma_wait3A = arith.constant 0 : i32
      %dma_wait3A_55 = tpu.memref_slice %arg10[%add3A_34, %dma_wait3A] : memref<10240x128xf32, #tpu.memory_space<vmem_shared>> -> memref<128x128xf32, #tpu.memory_space<vmem_shared>>
      %dma_wait3A_56 = arith.constant 0 : i32
      %dma_wait3A_57 = tpu.memref_slice %arg10[%add3A_34, %dma_wait3A_56] : memref<10240x128xf32, #tpu.memory_space<vmem_shared>> -> memref<128x128xf32, #tpu.memory_space<vmem_shared>>
      tpu.wait_dma2 semaphore(%run_scoped3A_50 : memref<!tpu.dma_semaphore, #tpu.memory_space<semaphore_mem>>) src(%arg8 : memref<128x128xf32, #tpu.memory_space<vmem>>) dst(%dma_wait3A_57 : memref<128x128xf32, #tpu.memory_space<vmem_shared>>)
      tpu.yield
    }) : () -> ()
    %barrier3A_35 = arith.constant 0 : index
    tpu.barrier barrier_id(%barrier3A_35)
    %run_scoped3A_36 = arith.constant 0 : i32
    "tpu.region"() ({
      %run_scoped3A_50 = tpu.sem_alloc : memref<!tpu.dma_semaphore, #tpu.memory_space<semaphore_mem>>
      %dma_start3A_51 = arith.constant 0 : i32
      %dma_start3A_52 = arith.constant 0 : i32
      %dma_start3A_53 = arith.constant 0 : i32
      %dma_start3A_54 = tpu.memref_slice %arg3[%add3A, %run_scoped3A_36, %dma_start3A_51, %dma_start3A_52, %dma_start3A_53] : memref<32x40x2x2x128xi32, #tpu.memory_space<hbm>> -> memref<1x1x2x2x128xi32, #tpu.memory_space<hbm>>
      %dma_start3A_55 = tpu.memref_squeeze %dma_start3A_54 : memref<1x1x2x2x128xi32, #tpu.memory_space<hbm>> -> memref<2x2x128xi32, #tpu.memory_space<hbm>>
      %dma_start3A_56 = arith.constant 0 : i32
      %dma_start3A_57 = arith.constant 0 : i32
      %dma_start3A_58 = arith.constant 0 : i32
      %dma_start3A_59 = tpu.memref_slice %arg3[%add3A, %run_scoped3A_36, %dma_start3A_56, %dma_start3A_57, %dma_start3A_58] : memref<32x40x2x2x128xi32, #tpu.memory_space<hbm>> -> memref<1x1x2x2x128xi32, #tpu.memory_space<hbm>>
      %dma_start3A_60 = tpu.memref_squeeze %dma_start3A_59 : memref<1x1x2x2x128xi32, #tpu.memory_space<hbm>> -> memref<2x2x128xi32, #tpu.memory_space<hbm>>
      tpu.enqueue_dma source(%dma_start3A_60 : memref<2x2x128xi32, #tpu.memory_space<hbm>>) target(%arg6 : memref<2x2x128xi32, #tpu.memory_space<vmem>>) target_semaphore(%run_scoped3A_50 : memref<!tpu.dma_semaphore, #tpu.memory_space<semaphore_mem>>)
      %dma_wait3A = arith.constant 0 : i32
      %dma_wait3A_61 = arith.constant 0 : i32
      %dma_wait3A_62 = arith.constant 0 : i32
      %dma_wait3A_63 = tpu.memref_slice %arg3[%add3A, %run_scoped3A_36, %dma_wait3A, %dma_wait3A_61, %dma_wait3A_62] : memref<32x40x2x2x128xi32, #tpu.memory_space<hbm>> -> memref<1x1x2x2x128xi32, #tpu.memory_space<hbm>>
      %dma_wait3A_64 = tpu.memref_squeeze %dma_wait3A_63 : memref<1x1x2x2x128xi32, #tpu.memory_space<hbm>> -> memref<2x2x128xi32, #tpu.memory_space<hbm>>
      %dma_wait3A_65 = arith.constant 0 : i32
      %dma_wait3A_66 = arith.constant 0 : i32
      %dma_wait3A_67 = arith.constant 0 : i32
      %dma_wait3A_68 = tpu.memref_slice %arg3[%add3A, %run_scoped3A_36, %dma_wait3A_65, %dma_wait3A_66, %dma_wait3A_67] : memref<32x40x2x2x128xi32, #tpu.memory_space<hbm>> -> memref<1x1x2x2x128xi32, #tpu.memory_space<hbm>>
      %dma_wait3A_69 = tpu.memref_squeeze %dma_wait3A_68 : memref<1x1x2x2x128xi32, #tpu.memory_space<hbm>> -> memref<2x2x128xi32, #tpu.memory_space<hbm>>
      tpu.wait_dma2 semaphore(%run_scoped3A_50 : memref<!tpu.dma_semaphore, #tpu.memory_space<semaphore_mem>>) src(%dma_wait3A_69 : memref<2x2x128xi32, #tpu.memory_space<hbm>>) dst(%arg6 : memref<2x2x128xi32, #tpu.memory_space<vmem>>)
      tpu.yield
    }) : () -> ()
    %add3A_37 = arith.constant 0 : i32
    %add3A_38 = arith.addi %mul3A_5, %add3A_37 : i32
    %dma_start3A_39 = arith.constant 0 : i32
    %dma_start3A_40 = tpu.memref_slice %arg5[%add3A_38, %dma_start3A_39] : memref<327680x128xf32, #tpu.memory_space<hbm>> -> memref<128x128xf32, #tpu.memory_space<hbm>>
    %dma_start3A_41 = arith.constant 0 : i32
    %dma_start3A_42 = tpu.memref_slice %arg5[%add3A_38, %dma_start3A_41] : memref<327680x128xf32, #tpu.memory_space<hbm>> -> memref<128x128xf32, #tpu.memory_space<hbm>>
    tpu.enqueue_dma source(%dma_start3A_42 : memref<128x128xf32, #tpu.memory_space<hbm>>) target(%arg8 : memref<128x128xf32, #tpu.memory_space<vmem>>) target_semaphore(%arg11 : memref<!tpu.dma_semaphore, #tpu.memory_space<semaphore_mem>>)
    %scan3A_43 = arith.constant 0 : i32
    %scan3A_44 = arith.constant 0 : i32
    %scan3A_45 = arith.constant 20 : i32
    %scan3A_46 = arith.addi %scan3A_44, %scan3A_45 : i32
    %scan3A_47 = arith.constant 1 : i32
    scf.for %scan3A_50 = %scan3A_44 to %scan3A_46 step %scan3A_47  : i32 {
      %mul3A_51 = arith.constant 2 : i32
      %mul3A_52 = arith.muli %mul3A_51, %scan3A_50 : i32
      %add3A_53 = arith.constant 1 : i32
      %add3A_54 = arith.addi %mul3A_52, %add3A_53 : i32
      "tpu.region"() ({
        %run_scoped3A_130 = tpu.sem_alloc : memref<!tpu.dma_semaphore, #tpu.memory_space<semaphore_mem>>
        %dma_start3A_131 = arith.constant 0 : i32
        %dma_start3A_132 = arith.constant 0 : i32
        %dma_start3A_133 = arith.constant 0 : i32
        %dma_start3A_134 = tpu.memref_slice %arg3[%add3A, %add3A_54, %dma_start3A_131, %dma_start3A_132, %dma_start3A_133] : memref<32x40x2x2x128xi32, #tpu.memory_space<hbm>> -> memref<1x1x2x2x128xi32, #tpu.memory_space<hbm>>
        %dma_start3A_135 = tpu.memref_squeeze %dma_start3A_134 : memref<1x1x2x2x128xi32, #tpu.memory_space<hbm>> -> memref<2x2x128xi32, #tpu.memory_space<hbm>>
        %dma_start3A_136 = arith.constant 0 : i32
        %dma_start3A_137 = arith.constant 0 : i32
        %dma_start3A_138 = arith.constant 0 : i32
        %dma_start3A_139 = tpu.memref_slice %arg3[%add3A, %add3A_54, %dma_start3A_136, %dma_start3A_137, %dma_start3A_138] : memref<32x40x2x2x128xi32, #tpu.memory_space<hbm>> -> memref<1x1x2x2x128xi32, #tpu.memory_space<hbm>>
        %dma_start3A_140 = tpu.memref_squeeze %dma_start3A_139 : memref<1x1x2x2x128xi32, #tpu.memory_space<hbm>> -> memref<2x2x128xi32, #tpu.memory_space<hbm>>
        tpu.enqueue_dma source(%dma_start3A_140 : memref<2x2x128xi32, #tpu.memory_space<hbm>>) target(%arg7 : memref<2x2x128xi32, #tpu.memory_space<vmem>>) target_semaphore(%run_scoped3A_130 : memref<!tpu.dma_semaphore, #tpu.memory_space<semaphore_mem>>)
        %dma_wait3A_141 = arith.constant 0 : i32
        %dma_wait3A_142 = arith.constant 0 : i32
        %dma_wait3A_143 = arith.constant 0 : i32
        %dma_wait3A_144 = tpu.memref_slice %arg3[%add3A, %add3A_54, %dma_wait3A_141, %dma_wait3A_142, %dma_wait3A_143] : memref<32x40x2x2x128xi32, #tpu.memory_space<hbm>> -> memref<1x1x2x2x128xi32, #tpu.memory_space<hbm>>
        %dma_wait3A_145 = tpu.memref_squeeze %dma_wait3A_144 : memref<1x1x2x2x128xi32, #tpu.memory_space<hbm>> -> memref<2x2x128xi32, #tpu.memory_space<hbm>>
        %dma_wait3A_146 = arith.constant 0 : i32
        %dma_wait3A_147 = arith.constant 0 : i32
        %dma_wait3A_148 = arith.constant 0 : i32
        %dma_wait3A_149 = tpu.memref_slice %arg3[%add3A, %add3A_54, %dma_wait3A_146, %dma_wait3A_147, %dma_wait3A_148] : memref<32x40x2x2x128xi32, #tpu.memory_space<hbm>> -> memref<1x1x2x2x128xi32, #tpu.memory_space<hbm>>
        %dma_wait3A_150 = tpu.memref_squeeze %dma_wait3A_149 : memref<1x1x2x2x128xi32, #tpu.memory_space<hbm>> -> memref<2x2x128xi32, #tpu.memory_space<hbm>>
        tpu.wait_dma2 semaphore(%run_scoped3A_130 : memref<!tpu.dma_semaphore, #tpu.memory_space<semaphore_mem>>) src(%dma_wait3A_150 : memref<2x2x128xi32, #tpu.memory_space<hbm>>) dst(%arg7 : memref<2x2x128xi32, #tpu.memory_space<vmem>>)
        tpu.yield
      }) : () -> ()
      %mul3A_55 = arith.constant 4 : i32
      %mul3A_56 = arith.muli %mul3A_55, %scan3A_50 : i32
      %add3A_57 = arith.constant 1 : i32
      %add3A_58 = arith.addi %mul3A_56, %add3A_57 : i32
      %mul3A_59 = arith.constant 128 : i32
      %mul3A_60 = arith.muli %add3A_58, %mul3A_59 : i32
      %add3A_61 = arith.addi %mul3A_5, %mul3A_60 : i32
      %dma_start3A_62 = arith.constant 0 : i32
      %dma_start3A_63 = tpu.memref_slice %arg5[%add3A_61, %dma_start3A_62] : memref<327680x128xf32, #tpu.memory_space<hbm>> -> memref<128x128xf32, #tpu.memory_space<hbm>>
      %dma_start3A_64 = arith.constant 0 : i32
      %dma_start3A_65 = tpu.memref_slice %arg5[%add3A_61, %dma_start3A_64] : memref<327680x128xf32, #tpu.memory_space<hbm>> -> memref<128x128xf32, #tpu.memory_space<hbm>>
      tpu.enqueue_dma source(%dma_start3A_65 : memref<128x128xf32, #tpu.memory_space<hbm>>) target(%arg9 : memref<128x128xf32, #tpu.memory_space<vmem>>) target_semaphore(%arg12 : memref<!tpu.dma_semaphore, #tpu.memory_space<semaphore_mem>>)
      %dma_wait3A = arith.constant 0 : i32
      %dma_wait3A_66 = arith.constant 0 : i32
      %dma_wait3A_67 = tpu.memref_slice %arg2[%dma_wait3A, %dma_wait3A_66] : memref<10240x128xf32, #tpu.memory_space<hbm>> -> memref<128x128xf32, #tpu.memory_space<hbm>>
      %dma_wait3A_68 = arith.constant 0 : i32
      %dma_wait3A_69 = arith.constant 0 : i32
      %dma_wait3A_70 = tpu.memref_slice %arg2[%dma_wait3A_68, %dma_wait3A_69] : memref<10240x128xf32, #tpu.memory_space<hbm>> -> memref<128x128xf32, #tpu.memory_space<hbm>>
      tpu.wait_dma2 semaphore(%arg11 : memref<!tpu.dma_semaphore, #tpu.memory_space<semaphore_mem>>) src(%dma_wait3A_70 : memref<128x128xf32, #tpu.memory_space<hbm>>) dst(%arg8 : memref<128x128xf32, #tpu.memory_space<vmem>>)
      %run_scoped3A_71 = arith.constant 1 : i32
      %run_scoped3A_72 = arith.constant 0 : i32
      "tpu.region"() ({
        %run_scoped3A_130 = tpu.sem_alloc : memref<!tpu.dma_semaphore, #tpu.memory_space<semaphore_mem>>
        %dma_start3A_131 = arith.constant 0 : i32
        %dma_start3A_132 = tpu.memref_slice %arg6[%run_scoped3A_71, %run_scoped3A_72, %dma_start3A_131] : memref<2x2x128xi32, #tpu.memory_space<vmem>> -> memref<1x1x128xi32, #tpu.memory_space<vmem>>
        %dma_start3A_133 = tpu.memref_squeeze %dma_start3A_132 : memref<1x1x128xi32, #tpu.memory_space<vmem>> -> memref<128xi32, #tpu.memory_space<vmem>>
        %dma_start3A_134 = arith.constant 0 : i32
        %dma_start3A_135 = arith.constant 0 : i32
        %dma_start3A_136 = tpu.memref_slice %arg10[%dma_start3A_134, %dma_start3A_135] : memref<10240x128xf32, #tpu.memory_space<vmem_shared>> -> memref<10240x128xf32, #tpu.memory_space<vmem_shared>>
        tpu.enqueue_indirect_dma source(%arg8 : memref<128x128xf32, #tpu.memory_space<vmem>>) target(%dma_start3A_136 : memref<10240x128xf32, #tpu.memory_space<vmem_shared>>) offsets(%dma_start3A_133 : memref<128xi32, #tpu.memory_space<vmem>>) semaphore(%run_scoped3A_130 : memref<!tpu.dma_semaphore, #tpu.memory_space<semaphore_mem>>) {add = true}
        %dma_wait3A_137 = arith.constant 0 : i32
        %dma_wait3A_138 = tpu.memref_slice %arg6[%run_scoped3A_71, %run_scoped3A_72, %dma_wait3A_137] : memref<2x2x128xi32, #tpu.memory_space<vmem>> -> memref<1x1x128xi32, #tpu.memory_space<vmem>>
        %dma_wait3A_139 = tpu.memref_squeeze %dma_wait3A_138 : memref<1x1x128xi32, #tpu.memory_space<vmem>> -> memref<128xi32, #tpu.memory_space<vmem>>
        %dma_wait3A_140 = arith.constant 0 : i32
        %dma_wait3A_141 = arith.constant 0 : i32
        %dma_wait3A_142 = tpu.memref_slice %arg10[%dma_wait3A_140, %dma_wait3A_141] : memref<10240x128xf32, #tpu.memory_space<vmem_shared>> -> memref<10240x128xf32, #tpu.memory_space<vmem_shared>>
        tpu.wait_indirect_dma semaphore(%run_scoped3A_130 : memref<!tpu.dma_semaphore, #tpu.memory_space<semaphore_mem>>) src(%arg8 : memref<128x128xf32, #tpu.memory_space<vmem>>) dst(%dma_wait3A_142 : memref<10240x128xf32, #tpu.memory_space<vmem_shared>>)
        tpu.yield
      }) : () -> ()
      %mul3A_73 = arith.constant 4 : i32
      %mul3A_74 = arith.muli %mul3A_73, %scan3A_50 : i32
      %add3A_75 = arith.constant 2 : i32
      %add3A_76 = arith.addi %mul3A_74, %add3A_75 : i32
      %mul3A_77 = arith.constant 128 : i32
      %mul3A_78 = arith.muli %add3A_76, %mul3A_77 : i32
      %add3A_79 = arith.addi %mul3A_5, %mul3A_78 : i32
      %dma_start3A_80 = arith.constant 0 : i32
      %dma_start3A_81 = tpu.memref_slice %arg5[%add3A_79, %dma_start3A_80] : memref<327680x128xf32, #tpu.memory_space<hbm>> -> memref<128x128xf32, #tpu.memory_space<hbm>>
      %dma_start3A_82 = arith.constant 0 : i32
      %dma_start3A_83 = tpu.memref_slice %arg5[%add3A_79, %dma_start3A_82] : memref<327680x128xf32, #tpu.memory_space<hbm>> -> memref<128x128xf32, #tpu.memory_space<hbm>>
      tpu.enqueue_dma source(%dma_start3A_83 : memref<128x128xf32, #tpu.memory_space<hbm>>) target(%arg8 : memref<128x128xf32, #tpu.memory_space<vmem>>) target_semaphore(%arg11 : memref<!tpu.dma_semaphore, #tpu.memory_space<semaphore_mem>>)
      %dma_wait3A_84 = arith.constant 0 : i32
      %dma_wait3A_85 = arith.constant 0 : i32
      %dma_wait3A_86 = tpu.memref_slice %arg2[%dma_wait3A_84, %dma_wait3A_85] : memref<10240x128xf32, #tpu.memory_space<hbm>> -> memref<128x128xf32, #tpu.memory_space<hbm>>
      %dma_wait3A_87 = arith.constant 0 : i32
      %dma_wait3A_88 = arith.constant 0 : i32
      %dma_wait3A_89 = tpu.memref_slice %arg2[%dma_wait3A_87, %dma_wait3A_88] : memref<10240x128xf32, #tpu.memory_space<hbm>> -> memref<128x128xf32, #tpu.memory_space<hbm>>
      tpu.wait_dma2 semaphore(%arg12 : memref<!tpu.dma_semaphore, #tpu.memory_space<semaphore_mem>>) src(%dma_wait3A_89 : memref<128x128xf32, #tpu.memory_space<hbm>>) dst(%arg9 : memref<128x128xf32, #tpu.memory_space<vmem>>)
      %run_scoped3A_90 = arith.constant 1 : i32
      %run_scoped3A_91 = arith.constant 1 : i32
      "tpu.region"() ({
        %run_scoped3A_130 = tpu.sem_alloc : memref<!tpu.dma_semaphore, #tpu.memory_space<semaphore_mem>>
        %dma_start3A_131 = arith.constant 0 : i32
        %dma_start3A_132 = tpu.memref_slice %arg6[%run_scoped3A_90, %run_scoped3A_91, %dma_start3A_131] : memref<2x2x128xi32, #tpu.memory_space<vmem>> -> memref<1x1x128xi32, #tpu.memory_space<vmem>>
        %dma_start3A_133 = tpu.memref_squeeze %dma_start3A_132 : memref<1x1x128xi32, #tpu.memory_space<vmem>> -> memref<128xi32, #tpu.memory_space<vmem>>
        %dma_start3A_134 = arith.constant 0 : i32
        %dma_start3A_135 = arith.constant 0 : i32
        %dma_start3A_136 = tpu.memref_slice %arg10[%dma_start3A_134, %dma_start3A_135] : memref<10240x128xf32, #tpu.memory_space<vmem_shared>> -> memref<10240x128xf32, #tpu.memory_space<vmem_shared>>
        tpu.enqueue_indirect_dma source(%arg9 : memref<128x128xf32, #tpu.memory_space<vmem>>) target(%dma_start3A_136 : memref<10240x128xf32, #tpu.memory_space<vmem_shared>>) offsets(%dma_start3A_133 : memref<128xi32, #tpu.memory_space<vmem>>) semaphore(%run_scoped3A_130 : memref<!tpu.dma_semaphore, #tpu.memory_space<semaphore_mem>>) {add = true}
        %dma_wait3A_137 = arith.constant 0 : i32
        %dma_wait3A_138 = tpu.memref_slice %arg6[%run_scoped3A_90, %run_scoped3A_91, %dma_wait3A_137] : memref<2x2x128xi32, #tpu.memory_space<vmem>> -> memref<1x1x128xi32, #tpu.memory_space<vmem>>
        %dma_wait3A_139 = tpu.memref_squeeze %dma_wait3A_138 : memref<1x1x128xi32, #tpu.memory_space<vmem>> -> memref<128xi32, #tpu.memory_space<vmem>>
        %dma_wait3A_140 = arith.constant 0 : i32
        %dma_wait3A_141 = arith.constant 0 : i32
        %dma_wait3A_142 = tpu.memref_slice %arg10[%dma_wait3A_140, %dma_wait3A_141] : memref<10240x128xf32, #tpu.memory_space<vmem_shared>> -> memref<10240x128xf32, #tpu.memory_space<vmem_shared>>
        tpu.wait_indirect_dma semaphore(%run_scoped3A_130 : memref<!tpu.dma_semaphore, #tpu.memory_space<semaphore_mem>>) src(%arg9 : memref<128x128xf32, #tpu.memory_space<vmem>>) dst(%dma_wait3A_142 : memref<10240x128xf32, #tpu.memory_space<vmem_shared>>)
        tpu.yield
      }) : () -> ()
      %add3A_92 = arith.constant 1 : i32
      %add3A_93 = arith.addi %scan3A_50, %add3A_92 : i32
      %lt3A = arith.constant 20 : i32
      %lt3A_94 = arith.cmpi slt, %add3A_93, %lt3A : i32
      %convert_element_type3A = arith.extui %lt3A_94 : i1 to i32
      %cond3A = arith.constant 0 : i32
      %cond3A_95 = arith.cmpi ne, %convert_element_type3A, %cond3A : i32
      scf.if %cond3A_95 {
        %add3A_130 = arith.constant 2 : i32
        %add3A_131 = arith.addi %mul3A_52, %add3A_130 : i32
        "tpu.region"() ({
          %run_scoped3A_132 = tpu.sem_alloc : memref<!tpu.dma_semaphore, #tpu.memory_space<semaphore_mem>>
          %dma_start3A_133 = arith.constant 0 : i32
          %dma_start3A_134 = arith.constant 0 : i32
          %dma_start3A_135 = arith.constant 0 : i32
          %dma_start3A_136 = tpu.memref_slice %arg3[%add3A, %add3A_131, %dma_start3A_133, %dma_start3A_134, %dma_start3A_135] : memref<32x40x2x2x128xi32, #tpu.memory_space<hbm>> -> memref<1x1x2x2x128xi32, #tpu.memory_space<hbm>>
          %dma_start3A_137 = tpu.memref_squeeze %dma_start3A_136 : memref<1x1x2x2x128xi32, #tpu.memory_space<hbm>> -> memref<2x2x128xi32, #tpu.memory_space<hbm>>
          %dma_start3A_138 = arith.constant 0 : i32
          %dma_start3A_139 = arith.constant 0 : i32
          %dma_start3A_140 = arith.constant 0 : i32
          %dma_start3A_141 = tpu.memref_slice %arg3[%add3A, %add3A_131, %dma_start3A_138, %dma_start3A_139, %dma_start3A_140] : memref<32x40x2x2x128xi32, #tpu.memory_space<hbm>> -> memref<1x1x2x2x128xi32, #tpu.memory_space<hbm>>
          %dma_start3A_142 = tpu.memref_squeeze %dma_start3A_141 : memref<1x1x2x2x128xi32, #tpu.memory_space<hbm>> -> memref<2x2x128xi32, #tpu.memory_space<hbm>>
          tpu.enqueue_dma source(%dma_start3A_142 : memref<2x2x128xi32, #tpu.memory_space<hbm>>) target(%arg6 : memref<2x2x128xi32, #tpu.memory_space<vmem>>) target_semaphore(%run_scoped3A_132 : memref<!tpu.dma_semaphore, #tpu.memory_space<semaphore_mem>>)
          %dma_wait3A_143 = arith.constant 0 : i32
          %dma_wait3A_144 = arith.constant 0 : i32
          %dma_wait3A_145 = arith.constant 0 : i32
          %dma_wait3A_146 = tpu.memref_slice %arg3[%add3A, %add3A_131, %dma_wait3A_143, %dma_wait3A_144, %dma_wait3A_145] : memref<32x40x2x2x128xi32, #tpu.memory_space<hbm>> -> memref<1x1x2x2x128xi32, #tpu.memory_space<hbm>>
          %dma_wait3A_147 = tpu.memref_squeeze %dma_wait3A_146 : memref<1x1x2x2x128xi32, #tpu.memory_space<hbm>> -> memref<2x2x128xi32, #tpu.memory_space<hbm>>
          %dma_wait3A_148 = arith.constant 0 : i32
          %dma_wait3A_149 = arith.constant 0 : i32
          %dma_wait3A_150 = arith.constant 0 : i32
          %dma_wait3A_151 = tpu.memref_slice %arg3[%add3A, %add3A_131, %dma_wait3A_148, %dma_wait3A_149, %dma_wait3A_150] : memref<32x40x2x2x128xi32, #tpu.memory_space<hbm>> -> memref<1x1x2x2x128xi32, #tpu.memory_space<hbm>>
          %dma_wait3A_152 = tpu.memref_squeeze %dma_wait3A_151 : memref<1x1x2x2x128xi32, #tpu.memory_space<hbm>> -> memref<2x2x128xi32, #tpu.memory_space<hbm>>
          tpu.wait_dma2 semaphore(%run_scoped3A_132 : memref<!tpu.dma_semaphore, #tpu.memory_space<semaphore_mem>>) src(%dma_wait3A_152 : memref<2x2x128xi32, #tpu.memory_space<hbm>>) dst(%arg6 : memref<2x2x128xi32, #tpu.memory_space<vmem>>)
          tpu.yield
        }) : () -> ()
      } else {
      }
      %mul3A_96 = arith.constant 4 : i32
      %mul3A_97 = arith.muli %mul3A_96, %scan3A_50 : i32
      %add3A_98 = arith.constant 3 : i32
      %add3A_99 = arith.addi %mul3A_97, %add3A_98 : i32
      %mul3A_100 = arith.constant 128 : i32
      %mul3A_101 = arith.muli %add3A_99, %mul3A_100 : i32
      %add3A_102 = arith.addi %mul3A_5, %mul3A_101 : i32
      %dma_start3A_103 = arith.constant 0 : i32
      %dma_start3A_104 = tpu.memref_slice %arg5[%add3A_102, %dma_start3A_103] : memref<327680x128xf32, #tpu.memory_space<hbm>> -> memref<128x128xf32, #tpu.memory_space<hbm>>
      %dma_start3A_105 = arith.constant 0 : i32
      %dma_start3A_106 = tpu.memref_slice %arg5[%add3A_102, %dma_start3A_105] : memref<327680x128xf32, #tpu.memory_space<hbm>> -> memref<128x128xf32, #tpu.memory_space<hbm>>
      tpu.enqueue_dma source(%dma_start3A_106 : memref<128x128xf32, #tpu.memory_space<hbm>>) target(%arg9 : memref<128x128xf32, #tpu.memory_space<vmem>>) target_semaphore(%arg12 : memref<!tpu.dma_semaphore, #tpu.memory_space<semaphore_mem>>)
      %dma_wait3A_107 = arith.constant 0 : i32
      %dma_wait3A_108 = arith.constant 0 : i32
      %dma_wait3A_109 = tpu.memref_slice %arg2[%dma_wait3A_107, %dma_wait3A_108] : memref<10240x128xf32, #tpu.memory_space<hbm>> -> memref<128x128xf32, #tpu.memory_space<hbm>>
      %dma_wait3A_110 = arith.constant 0 : i32
      %dma_wait3A_111 = arith.constant 0 : i32
      %dma_wait3A_112 = tpu.memref_slice %arg2[%dma_wait3A_110, %dma_wait3A_111] : memref<10240x128xf32, #tpu.memory_space<hbm>> -> memref<128x128xf32, #tpu.memory_space<hbm>>
      tpu.wait_dma2 semaphore(%arg11 : memref<!tpu.dma_semaphore, #tpu.memory_space<semaphore_mem>>) src(%dma_wait3A_112 : memref<128x128xf32, #tpu.memory_space<hbm>>) dst(%arg8 : memref<128x128xf32, #tpu.memory_space<vmem>>)
      %run_scoped3A_113 = arith.constant 1 : i32
      %run_scoped3A_114 = arith.constant 0 : i32
      "tpu.region"() ({
        %run_scoped3A_130 = tpu.sem_alloc : memref<!tpu.dma_semaphore, #tpu.memory_space<semaphore_mem>>
        %dma_start3A_131 = arith.constant 0 : i32
        %dma_start3A_132 = tpu.memref_slice %arg7[%run_scoped3A_113, %run_scoped3A_114, %dma_start3A_131] : memref<2x2x128xi32, #tpu.memory_space<vmem>> -> memref<1x1x128xi32, #tpu.memory_space<vmem>>
        %dma_start3A_133 = tpu.memref_squeeze %dma_start3A_132 : memref<1x1x128xi32, #tpu.memory_space<vmem>> -> memref<128xi32, #tpu.memory_space<vmem>>
        %dma_start3A_134 = arith.constant 0 : i32
        %dma_start3A_135 = arith.constant 0 : i32
        %dma_start3A_136 = tpu.memref_slice %arg10[%dma_start3A_134, %dma_start3A_135] : memref<10240x128xf32, #tpu.memory_space<vmem_shared>> -> memref<10240x128xf32, #tpu.memory_space<vmem_shared>>
        tpu.enqueue_indirect_dma source(%arg8 : memref<128x128xf32, #tpu.memory_space<vmem>>) target(%dma_start3A_136 : memref<10240x128xf32, #tpu.memory_space<vmem_shared>>) offsets(%dma_start3A_133 : memref<128xi32, #tpu.memory_space<vmem>>) semaphore(%run_scoped3A_130 : memref<!tpu.dma_semaphore, #tpu.memory_space<semaphore_mem>>) {add = true}
        %dma_wait3A_137 = arith.constant 0 : i32
        %dma_wait3A_138 = tpu.memref_slice %arg7[%run_scoped3A_113, %run_scoped3A_114, %dma_wait3A_137] : memref<2x2x128xi32, #tpu.memory_space<vmem>> -> memref<1x1x128xi32, #tpu.memory_space<vmem>>
        %dma_wait3A_139 = tpu.memref_squeeze %dma_wait3A_138 : memref<1x1x128xi32, #tpu.memory_space<vmem>> -> memref<128xi32, #tpu.memory_space<vmem>>
        %dma_wait3A_140 = arith.constant 0 : i32
        %dma_wait3A_141 = arith.constant 0 : i32
        %dma_wait3A_142 = tpu.memref_slice %arg10[%dma_wait3A_140, %dma_wait3A_141] : memref<10240x128xf32, #tpu.memory_space<vmem_shared>> -> memref<10240x128xf32, #tpu.memory_space<vmem_shared>>
        tpu.wait_indirect_dma semaphore(%run_scoped3A_130 : memref<!tpu.dma_semaphore, #tpu.memory_space<semaphore_mem>>) src(%arg8 : memref<128x128xf32, #tpu.memory_space<vmem>>) dst(%dma_wait3A_142 : memref<10240x128xf32, #tpu.memory_space<vmem_shared>>)
        tpu.yield
      }) : () -> ()
      %add3A_115 = arith.constant 1 : i32
      %add3A_116 = arith.addi %scan3A_50, %add3A_115 : i32
      %lt3A_117 = arith.constant 20 : i32
      %lt3A_118 = arith.cmpi slt, %add3A_116, %lt3A_117 : i32
      %convert_element_type3A_119 = arith.extui %lt3A_118 : i1 to i32
      %cond3A_120 = arith.constant 0 : i32
      %cond3A_121 = arith.cmpi ne, %convert_element_type3A_119, %cond3A_120 : i32
      scf.if %cond3A_121 {
        %mul3A_130 = arith.constant 4 : i32
        %mul3A_131 = arith.muli %mul3A_130, %scan3A_50 : i32
        %add3A_132 = arith.constant 4 : i32
        %add3A_133 = arith.addi %mul3A_131, %add3A_132 : i32
        %mul3A_134 = arith.constant 128 : i32
        %mul3A_135 = arith.muli %add3A_133, %mul3A_134 : i32
        %add3A_136 = arith.addi %mul3A_5, %mul3A_135 : i32
        %dma_start3A_137 = arith.constant 0 : i32
        %dma_start3A_138 = tpu.memref_slice %arg5[%add3A_136, %dma_start3A_137] : memref<327680x128xf32, #tpu.memory_space<hbm>> -> memref<128x128xf32, #tpu.memory_space<hbm>>
        %dma_start3A_139 = arith.constant 0 : i32
        %dma_start3A_140 = tpu.memref_slice %arg5[%add3A_136, %dma_start3A_139] : memref<327680x128xf32, #tpu.memory_space<hbm>> -> memref<128x128xf32, #tpu.memory_space<hbm>>
        tpu.enqueue_dma source(%dma_start3A_140 : memref<128x128xf32, #tpu.memory_space<hbm>>) target(%arg8 : memref<128x128xf32, #tpu.memory_space<vmem>>) target_semaphore(%arg11 : memref<!tpu.dma_semaphore, #tpu.memory_space<semaphore_mem>>)
      } else {
      }
      %dma_wait3A_122 = arith.constant 0 : i32
      %dma_wait3A_123 = arith.constant 0 : i32
      %dma_wait3A_124 = tpu.memref_slice %arg2[%dma_wait3A_122, %dma_wait3A_123] : memref<10240x128xf32, #tpu.memory_space<hbm>> -> memref<128x128xf32, #tpu.memory_space<hbm>>
      %dma_wait3A_125 = arith.constant 0 : i32
      %dma_wait3A_126 = arith.constant 0 : i32
      %dma_wait3A_127 = tpu.memref_slice %arg2[%dma_wait3A_125, %dma_wait3A_126] : memref<10240x128xf32, #tpu.memory_space<hbm>> -> memref<128x128xf32, #tpu.memory_space<hbm>>
      tpu.wait_dma2 semaphore(%arg12 : memref<!tpu.dma_semaphore, #tpu.memory_space<semaphore_mem>>) src(%dma_wait3A_127 : memref<128x128xf32, #tpu.memory_space<hbm>>) dst(%arg9 : memref<128x128xf32, #tpu.memory_space<vmem>>)
      %run_scoped3A_128 = arith.constant 1 : i32
      %run_scoped3A_129 = arith.constant 1 : i32
      "tpu.region"() ({
        %run_scoped3A_130 = tpu.sem_alloc : memref<!tpu.dma_semaphore, #tpu.memory_space<semaphore_mem>>
        %dma_start3A_131 = arith.constant 0 : i32
        %dma_start3A_132 = tpu.memref_slice %arg7[%run_scoped3A_128, %run_scoped3A_129, %dma_start3A_131] : memref<2x2x128xi32, #tpu.memory_space<vmem>> -> memref<1x1x128xi32, #tpu.memory_space<vmem>>
        %dma_start3A_133 = tpu.memref_squeeze %dma_start3A_132 : memref<1x1x128xi32, #tpu.memory_space<vmem>> -> memref<128xi32, #tpu.memory_space<vmem>>
        %dma_start3A_134 = arith.constant 0 : i32
        %dma_start3A_135 = arith.constant 0 : i32
        %dma_start3A_136 = tpu.memref_slice %arg10[%dma_start3A_134, %dma_start3A_135] : memref<10240x128xf32, #tpu.memory_space<vmem_shared>> -> memref<10240x128xf32, #tpu.memory_space<vmem_shared>>
        tpu.enqueue_indirect_dma source(%arg9 : memref<128x128xf32, #tpu.memory_space<vmem>>) target(%dma_start3A_136 : memref<10240x128xf32, #tpu.memory_space<vmem_shared>>) offsets(%dma_start3A_133 : memref<128xi32, #tpu.memory_space<vmem>>) semaphore(%run_scoped3A_130 : memref<!tpu.dma_semaphore, #tpu.memory_space<semaphore_mem>>) {add = true}
        %dma_wait3A_137 = arith.constant 0 : i32
        %dma_wait3A_138 = tpu.memref_slice %arg7[%run_scoped3A_128, %run_scoped3A_129, %dma_wait3A_137] : memref<2x2x128xi32, #tpu.memory_space<vmem>> -> memref<1x1x128xi32, #tpu.memory_space<vmem>>
        %dma_wait3A_139 = tpu.memref_squeeze %dma_wait3A_138 : memref<1x1x128xi32, #tpu.memory_space<vmem>> -> memref<128xi32, #tpu.memory_space<vmem>>
        %dma_wait3A_140 = arith.constant 0 : i32
        %dma_wait3A_141 = arith.constant 0 : i32
        %dma_wait3A_142 = tpu.memref_slice %arg10[%dma_wait3A_140, %dma_wait3A_141] : memref<10240x128xf32, #tpu.memory_space<vmem_shared>> -> memref<10240x128xf32, #tpu.memory_space<vmem_shared>>
        tpu.wait_indirect_dma semaphore(%run_scoped3A_130 : memref<!tpu.dma_semaphore, #tpu.memory_space<semaphore_mem>>) src(%arg9 : memref<128x128xf32, #tpu.memory_space<vmem>>) dst(%dma_wait3A_142 : memref<10240x128xf32, #tpu.memory_space<vmem_shared>>)
        tpu.yield
      }) : () -> ()
    }
    %scan3A_48 = arith.constant 20 : i32
    %barrier3A_49 = arith.constant 0 : index
    tpu.barrier barrier_id(%barrier3A_49)
    "tpu.region"() ({
      %run_scoped3A_50 = tpu.sem_alloc : memref<!tpu.dma_semaphore, #tpu.memory_space<semaphore_mem>>
      %dma_start3A_51 = arith.constant 0 : i32
      %dma_start3A_52 = tpu.memref_slice %arg4[%arg0, %mul3A_3, %dma_start3A_51] : memref<2x10240x128xf32, #tpu.memory_space<hbm>> -> memref<1x640x128xf32, #tpu.memory_space<hbm>>
      %dma_start3A_53 = tpu.memref_squeeze %dma_start3A_52 : memref<1x640x128xf32, #tpu.memory_space<hbm>> -> memref<640x128xf32, #tpu.memory_space<hbm>>
      %dma_start3A_54 = arith.constant 0 : i32
      %dma_start3A_55 = tpu.memref_slice %arg10[%mul3A_3, %dma_start3A_54] : memref<10240x128xf32, #tpu.memory_space<vmem_shared>> -> memref<640x128xf32, #tpu.memory_space<vmem_shared>>
      tpu.enqueue_dma source(%dma_start3A_55 : memref<640x128xf32, #tpu.memory_space<vmem_shared>>) target(%dma_start3A_53 : memref<640x128xf32, #tpu.memory_space<hbm>>) target_semaphore(%run_scoped3A_50 : memref<!tpu.dma_semaphore, #tpu.memory_space<semaphore_mem>>)
      %dma_wait3A = arith.constant 0 : i32
      %dma_wait3A_56 = tpu.memref_slice %arg4[%arg0, %mul3A_3, %dma_wait3A] : memref<2x10240x128xf32, #tpu.memory_space<hbm>> -> memref<1x640x128xf32, #tpu.memory_space<hbm>>
      %dma_wait3A_57 = tpu.memref_squeeze %dma_wait3A_56 : memref<1x640x128xf32, #tpu.memory_space<hbm>> -> memref<640x128xf32, #tpu.memory_space<hbm>>
      %dma_wait3A_58 = arith.constant 0 : i32
      %dma_wait3A_59 = tpu.memref_slice %arg10[%mul3A_3, %dma_wait3A_58] : memref<10240x128xf32, #tpu.memory_space<vmem_shared>> -> memref<640x128xf32, #tpu.memory_space<vmem_shared>>
      tpu.wait_dma2 semaphore(%run_scoped3A_50 : memref<!tpu.dma_semaphore, #tpu.memory_space<semaphore_mem>>) src(%dma_wait3A_59 : memref<640x128xf32, #tpu.memory_space<vmem_shared>>) dst(%dma_wait3A_57 : memref<640x128xf32, #tpu.memory_space<hbm>>)
      tpu.yield
    }) : () -> ()
    return
  }
}

#map = affine_map<(d0, d1) -> (0, 0, 0)>
module attributes {stable_mosaic.version = 14 : i64} {
  func.func @_deg_kernel(%arg0: i32, %arg1: i32, %arg2: memref<32x80x128xi32, #tpu.memory_space<hbm>>, %arg3: memref<2x10240x128xf32, #tpu.memory_space<hbm>>, %arg4: memref<80x128xi32, #tpu.memory_space<vmem>>, %arg5: memref<10240xf32, #tpu.memory_space<vmem>>, %arg6: memref<640xf32, #tpu.memory_space<vmem>>, %arg7: memref<640xf32, #tpu.memory_space<vmem>>, %arg8: memref<640x128xf32, #tpu.memory_space<vmem>>, %arg9: memref<16x10240xf32, #tpu.memory_space<vmem_shared>>) attributes {dimension_semantics = [#tpu.dimension_semantics<core_parallel>, #tpu.dimension_semantics<subcore_parallel>], iteration_bounds = array<i64: 2, 16>, scalar_prefetch = 0 : i64, scratch_operands = 6 : i64, tpu.core_type = #tpu.core_type<sc_vector_subcore>, window_params = [{transform_indices = #map}, {transform_indices = #map}]} {
    %mul3A = arith.constant 2 : i32
    %mul3A_0 = arith.muli %arg1, %mul3A : i32
    %add3A = arith.addi %mul3A_0, %arg0 : i32
    %broadcast_in_dim3A = arith.constant 0.000000e+00 : f32
    %broadcast_in_dim3A_1 = vector.broadcast %broadcast_in_dim3A : f32 to vector<16xf32>
    %broadcast_in_dim3A_2 = arith.constant 1.000000e+00 : f32
    %broadcast_in_dim3A_3 = vector.broadcast %broadcast_in_dim3A_2 : f32 to vector<16xf32>
    "tpu.region"() ({
      %run_scoped3A_29 = tpu.sem_alloc : memref<!tpu.dma_semaphore, #tpu.memory_space<semaphore_mem>>
      %dma_start3A = arith.constant 0 : i32
      %dma_start3A_30 = arith.constant 0 : i32
      %dma_start3A_31 = tpu.memref_slice %arg2[%add3A, %dma_start3A, %dma_start3A_30] : memref<32x80x128xi32, #tpu.memory_space<hbm>> -> memref<1x80x128xi32, #tpu.memory_space<hbm>>
      %dma_start3A_32 = tpu.memref_squeeze %dma_start3A_31 : memref<1x80x128xi32, #tpu.memory_space<hbm>> -> memref<80x128xi32, #tpu.memory_space<hbm>>
      %dma_start3A_33 = arith.constant 0 : i32
      %dma_start3A_34 = arith.constant 0 : i32
      %dma_start3A_35 = tpu.memref_slice %arg2[%add3A, %dma_start3A_33, %dma_start3A_34] : memref<32x80x128xi32, #tpu.memory_space<hbm>> -> memref<1x80x128xi32, #tpu.memory_space<hbm>>
      %dma_start3A_36 = tpu.memref_squeeze %dma_start3A_35 : memref<1x80x128xi32, #tpu.memory_space<hbm>> -> memref<80x128xi32, #tpu.memory_space<hbm>>
      tpu.enqueue_dma source(%dma_start3A_36 : memref<80x128xi32, #tpu.memory_space<hbm>>) target(%arg4 : memref<80x128xi32, #tpu.memory_space<vmem>>) target_semaphore(%run_scoped3A_29 : memref<!tpu.dma_semaphore, #tpu.memory_space<semaphore_mem>>)
      %dma_wait3A = arith.constant 0 : i32
      %dma_wait3A_37 = arith.constant 0 : i32
      %dma_wait3A_38 = tpu.memref_slice %arg2[%add3A, %dma_wait3A, %dma_wait3A_37] : memref<32x80x128xi32, #tpu.memory_space<hbm>> -> memref<1x80x128xi32, #tpu.memory_space<hbm>>
      %dma_wait3A_39 = tpu.memref_squeeze %dma_wait3A_38 : memref<1x80x128xi32, #tpu.memory_space<hbm>> -> memref<80x128xi32, #tpu.memory_space<hbm>>
      %dma_wait3A_40 = arith.constant 0 : i32
      %dma_wait3A_41 = arith.constant 0 : i32
      %dma_wait3A_42 = tpu.memref_slice %arg2[%add3A, %dma_wait3A_40, %dma_wait3A_41] : memref<32x80x128xi32, #tpu.memory_space<hbm>> -> memref<1x80x128xi32, #tpu.memory_space<hbm>>
      %dma_wait3A_43 = tpu.memref_squeeze %dma_wait3A_42 : memref<1x80x128xi32, #tpu.memory_space<hbm>> -> memref<80x128xi32, #tpu.memory_space<hbm>>
      tpu.wait_dma2 semaphore(%run_scoped3A_29 : memref<!tpu.dma_semaphore, #tpu.memory_space<semaphore_mem>>) src(%dma_wait3A_43 : memref<80x128xi32, #tpu.memory_space<hbm>>) dst(%arg4 : memref<80x128xi32, #tpu.memory_space<vmem>>)
      tpu.yield
    }) : () -> ()
    %scan3A = arith.constant 0 : i32
    %scan3A_4 = arith.constant 0 : i32
    %scan3A_5 = arith.constant 640 : i32
    %scan3A_6 = arith.addi %scan3A_4, %scan3A_5 : i32
    %scan3A_7 = arith.constant 1 : i32
    scf.for %scan3A_29 = %scan3A_4 to %scan3A_6 step %scan3A_7  : i32 {
      %mul3A_30 = arith.constant 16 : i32
      %mul3A_31 = arith.muli %scan3A_29, %mul3A_30 : i32
      %swap3A = arith.index_cast %mul3A_31 : i32 to index
      %swap3A_32 = tpu.vector_load %arg5[%swap3A] {strides = array<i32>} : memref<10240xf32, #tpu.memory_space<vmem>>, vector<16xf32>,
      tpu.vector_store %arg5[%swap3A], %broadcast_in_dim3A_1 {strides = array<i32>} : memref<10240xf32, #tpu.memory_space<vmem>>, vector<16xf32>,
    }
    %scan3A_8 = arith.constant 640 : i32
    %scan3A_9 = arith.constant 0 : i32
    %scan3A_10 = arith.constant 0 : i32
    %scan3A_11 = arith.constant 80 : i32
    %scan3A_12 = arith.addi %scan3A_10, %scan3A_11 : i32
    %scan3A_13 = arith.constant 1 : i32
    scf.for %scan3A_29 = %scan3A_10 to %scan3A_12 step %scan3A_13  : i32 {
      %get3A = arith.index_cast %scan3A_29 : i32 to index
      %get3A_30 = arith.constant 0 : index
      %get3A_31 = tpu.vector_load %arg4[%get3A, %get3A_30] {strides = array<i32>} : memref<80x128xi32, #tpu.memory_space<vmem>>, vector<16xi32>,
      tpu.vector_store_idx %arg5[%get3A_31], %broadcast_in_dim3A_3 {add = true} : memref<10240xf32, #tpu.memory_space<vmem>>[vector<16xi32>], vector<16xf32>,
      %get3A_32 = arith.index_cast %scan3A_29 : i32 to index
      %get3A_33 = arith.constant 16 : index
      %get3A_34 = tpu.vector_load %arg4[%get3A_32, %get3A_33] {strides = array<i32>} : memref<80x128xi32, #tpu.memory_space<vmem>>, vector<16xi32>,
      tpu.vector_store_idx %arg5[%get3A_34], %broadcast_in_dim3A_3 {add = true} : memref<10240xf32, #tpu.memory_space<vmem>>[vector<16xi32>], vector<16xf32>,
      %get3A_35 = arith.index_cast %scan3A_29 : i32 to index
      %get3A_36 = arith.constant 32 : index
      %get3A_37 = tpu.vector_load %arg4[%get3A_35, %get3A_36] {strides = array<i32>} : memref<80x128xi32, #tpu.memory_space<vmem>>, vector<16xi32>,
      tpu.vector_store_idx %arg5[%get3A_37], %broadcast_in_dim3A_3 {add = true} : memref<10240xf32, #tpu.memory_space<vmem>>[vector<16xi32>], vector<16xf32>,
      %get3A_38 = arith.index_cast %scan3A_29 : i32 to index
      %get3A_39 = arith.constant 48 : index
      %get3A_40 = tpu.vector_load %arg4[%get3A_38, %get3A_39] {strides = array<i32>} : memref<80x128xi32, #tpu.memory_space<vmem>>, vector<16xi32>,
      tpu.vector_store_idx %arg5[%get3A_40], %broadcast_in_dim3A_3 {add = true} : memref<10240xf32, #tpu.memory_space<vmem>>[vector<16xi32>], vector<16xf32>,
      %get3A_41 = arith.index_cast %scan3A_29 : i32 to index
      %get3A_42 = arith.constant 64 : index
      %get3A_43 = tpu.vector_load %arg4[%get3A_41, %get3A_42] {strides = array<i32>} : memref<80x128xi32, #tpu.memory_space<vmem>>, vector<16xi32>,
      tpu.vector_store_idx %arg5[%get3A_43], %broadcast_in_dim3A_3 {add = true} : memref<10240xf32, #tpu.memory_space<vmem>>[vector<16xi32>], vector<16xf32>,
      %get3A_44 = arith.index_cast %scan3A_29 : i32 to index
      %get3A_45 = arith.constant 80 : index
      %get3A_46 = tpu.vector_load %arg4[%get3A_44, %get3A_45] {strides = array<i32>} : memref<80x128xi32, #tpu.memory_space<vmem>>, vector<16xi32>,
      tpu.vector_store_idx %arg5[%get3A_46], %broadcast_in_dim3A_3 {add = true} : memref<10240xf32, #tpu.memory_space<vmem>>[vector<16xi32>], vector<16xf32>,
      %get3A_47 = arith.index_cast %scan3A_29 : i32 to index
      %get3A_48 = arith.constant 96 : index
      %get3A_49 = tpu.vector_load %arg4[%get3A_47, %get3A_48] {strides = array<i32>} : memref<80x128xi32, #tpu.memory_space<vmem>>, vector<16xi32>,
      tpu.vector_store_idx %arg5[%get3A_49], %broadcast_in_dim3A_3 {add = true} : memref<10240xf32, #tpu.memory_space<vmem>>[vector<16xi32>], vector<16xf32>,
      %get3A_50 = arith.index_cast %scan3A_29 : i32 to index
      %get3A_51 = arith.constant 112 : index
      %get3A_52 = tpu.vector_load %arg4[%get3A_50, %get3A_51] {strides = array<i32>} : memref<80x128xi32, #tpu.memory_space<vmem>>, vector<16xi32>,
      tpu.vector_store_idx %arg5[%get3A_52], %broadcast_in_dim3A_3 {add = true} : memref<10240xf32, #tpu.memory_space<vmem>>[vector<16xi32>], vector<16xf32>,
    }
    %scan3A_14 = arith.constant 80 : i32
    "tpu.region"() ({
      %run_scoped3A_29 = tpu.sem_alloc : memref<!tpu.dma_semaphore, #tpu.memory_space<semaphore_mem>>
      %dma_start3A = arith.constant 0 : i32
      %dma_start3A_30 = tpu.memref_slice %arg9[%arg1, %dma_start3A] : memref<16x10240xf32, #tpu.memory_space<vmem_shared>> -> memref<1x10240xf32, #tpu.memory_space<vmem_shared>>
      %dma_start3A_31 = tpu.memref_squeeze %dma_start3A_30 : memref<1x10240xf32, #tpu.memory_space<vmem_shared>> -> memref<10240xf32, #tpu.memory_space<vmem_shared>>
      %dma_start3A_32 = arith.constant 0 : i32
      %dma_start3A_33 = tpu.memref_slice %arg9[%arg1, %dma_start3A_32] : memref<16x10240xf32, #tpu.memory_space<vmem_shared>> -> memref<1x10240xf32, #tpu.memory_space<vmem_shared>>
      %dma_start3A_34 = tpu.memref_squeeze %dma_start3A_33 : memref<1x10240xf32, #tpu.memory_space<vmem_shared>> -> memref<10240xf32, #tpu.memory_space<vmem_shared>>
      tpu.enqueue_dma source(%arg5 : memref<10240xf32, #tpu.memory_space<vmem>>) target(%dma_start3A_34 : memref<10240xf32, #tpu.memory_space<vmem_shared>>) target_semaphore(%run_scoped3A_29 : memref<!tpu.dma_semaphore, #tpu.memory_space<semaphore_mem>>)
      %dma_wait3A = arith.constant 0 : i32
      %dma_wait3A_35 = tpu.memref_slice %arg9[%arg1, %dma_wait3A] : memref<16x10240xf32, #tpu.memory_space<vmem_shared>> -> memref<1x10240xf32, #tpu.memory_space<vmem_shared>>
      %dma_wait3A_36 = tpu.memref_squeeze %dma_wait3A_35 : memref<1x10240xf32, #tpu.memory_space<vmem_shared>> -> memref<10240xf32, #tpu.memory_space<vmem_shared>>
      %dma_wait3A_37 = arith.constant 0 : i32
      %dma_wait3A_38 = tpu.memref_slice %arg9[%arg1, %dma_wait3A_37] : memref<16x10240xf32, #tpu.memory_space<vmem_shared>> -> memref<1x10240xf32, #tpu.memory_space<vmem_shared>>
      %dma_wait3A_39 = tpu.memref_squeeze %dma_wait3A_38 : memref<1x10240xf32, #tpu.memory_space<vmem_shared>> -> memref<10240xf32, #tpu.memory_space<vmem_shared>>
      tpu.wait_dma2 semaphore(%run_scoped3A_29 : memref<!tpu.dma_semaphore, #tpu.memory_space<semaphore_mem>>) src(%arg5 : memref<10240xf32, #tpu.memory_space<vmem>>) dst(%dma_wait3A_39 : memref<10240xf32, #tpu.memory_space<vmem_shared>>)
      tpu.yield
    }) : () -> ()
    %barrier3A = arith.constant 0 : index
    tpu.barrier barrier_id(%barrier3A)
    %mul3A_15 = arith.constant 640 : i32
    %mul3A_16 = arith.muli %arg1, %mul3A_15 : i32
    %run_scoped3A = arith.constant 0 : i32
    "tpu.region"() ({
      %run_scoped3A_29 = tpu.sem_alloc : memref<!tpu.dma_semaphore, #tpu.memory_space<semaphore_mem>>
      %dma_start3A = tpu.memref_slice %arg9[%run_scoped3A, %mul3A_16] : memref<16x10240xf32, #tpu.memory_space<vmem_shared>> -> memref<1x640xf32, #tpu.memory_space<vmem_shared>>
      %dma_start3A_30 = tpu.memref_squeeze %dma_start3A : memref<1x640xf32, #tpu.memory_space<vmem_shared>> -> memref<640xf32, #tpu.memory_space<vmem_shared>>
      %dma_start3A_31 = tpu.memref_slice %arg9[%run_scoped3A, %mul3A_16] : memref<16x10240xf32, #tpu.memory_space<vmem_shared>> -> memref<1x640xf32, #tpu.memory_space<vmem_shared>>
      %dma_start3A_32 = tpu.memref_squeeze %dma_start3A_31 : memref<1x640xf32, #tpu.memory_space<vmem_shared>> -> memref<640xf32, #tpu.memory_space<vmem_shared>>
      tpu.enqueue_dma source(%dma_start3A_32 : memref<640xf32, #tpu.memory_space<vmem_shared>>) target(%arg6 : memref<640xf32, #tpu.memory_space<vmem>>) target_semaphore(%run_scoped3A_29 : memref<!tpu.dma_semaphore, #tpu.memory_space<semaphore_mem>>)
      %dma_wait3A = tpu.memref_slice %arg9[%run_scoped3A, %mul3A_16] : memref<16x10240xf32, #tpu.memory_space<vmem_shared>> -> memref<1x640xf32, #tpu.memory_space<vmem_shared>>
      %dma_wait3A_33 = tpu.memref_squeeze %dma_wait3A : memref<1x640xf32, #tpu.memory_space<vmem_shared>> -> memref<640xf32, #tpu.memory_space<vmem_shared>>
      %dma_wait3A_34 = tpu.memref_slice %arg9[%run_scoped3A, %mul3A_16] : memref<16x10240xf32, #tpu.memory_space<vmem_shared>> -> memref<1x640xf32, #tpu.memory_space<vmem_shared>>
      %dma_wait3A_35 = tpu.memref_squeeze %dma_wait3A_34 : memref<1x640xf32, #tpu.memory_space<vmem_shared>> -> memref<640xf32, #tpu.memory_space<vmem_shared>>
      tpu.wait_dma2 semaphore(%run_scoped3A_29 : memref<!tpu.dma_semaphore, #tpu.memory_space<semaphore_mem>>) src(%dma_wait3A_35 : memref<640xf32, #tpu.memory_space<vmem_shared>>) dst(%arg6 : memref<640xf32, #tpu.memory_space<vmem>>)
      tpu.yield
    }) : () -> ()
    %scan3A_17 = arith.constant 0 : i32
    %scan3A_18 = arith.constant 1 : i32
    %scan3A_19 = arith.constant 15 : i32
    %scan3A_20 = arith.addi %scan3A_18, %scan3A_19 : i32
    %scan3A_21 = arith.constant 1 : i32
    scf.for %scan3A_29 = %scan3A_18 to %scan3A_20 step %scan3A_21  : i32 {
      "tpu.region"() ({
        %run_scoped3A_36 = tpu.sem_alloc : memref<!tpu.dma_semaphore, #tpu.memory_space<semaphore_mem>>
        %dma_start3A = tpu.memref_slice %arg9[%scan3A_29, %mul3A_16] : memref<16x10240xf32, #tpu.memory_space<vmem_shared>> -> memref<1x640xf32, #tpu.memory_space<vmem_shared>>
        %dma_start3A_37 = tpu.memref_squeeze %dma_start3A : memref<1x640xf32, #tpu.memory_space<vmem_shared>> -> memref<640xf32, #tpu.memory_space<vmem_shared>>
        %dma_start3A_38 = tpu.memref_slice %arg9[%scan3A_29, %mul3A_16] : memref<16x10240xf32, #tpu.memory_space<vmem_shared>> -> memref<1x640xf32, #tpu.memory_space<vmem_shared>>
        %dma_start3A_39 = tpu.memref_squeeze %dma_start3A_38 : memref<1x640xf32, #tpu.memory_space<vmem_shared>> -> memref<640xf32, #tpu.memory_space<vmem_shared>>
        tpu.enqueue_dma source(%dma_start3A_39 : memref<640xf32, #tpu.memory_space<vmem_shared>>) target(%arg7 : memref<640xf32, #tpu.memory_space<vmem>>) target_semaphore(%run_scoped3A_36 : memref<!tpu.dma_semaphore, #tpu.memory_space<semaphore_mem>>)
        %dma_wait3A = tpu.memref_slice %arg9[%scan3A_29, %mul3A_16] : memref<16x10240xf32, #tpu.memory_space<vmem_shared>> -> memref<1x640xf32, #tpu.memory_space<vmem_shared>>
        %dma_wait3A_40 = tpu.memref_squeeze %dma_wait3A : memref<1x640xf32, #tpu.memory_space<vmem_shared>> -> memref<640xf32, #tpu.memory_space<vmem_shared>>
        %dma_wait3A_41 = tpu.memref_slice %arg9[%scan3A_29, %mul3A_16] : memref<16x10240xf32, #tpu.memory_space<vmem_shared>> -> memref<1x640xf32, #tpu.memory_space<vmem_shared>>
        %dma_wait3A_42 = tpu.memref_squeeze %dma_wait3A_41 : memref<1x640xf32, #tpu.memory_space<vmem_shared>> -> memref<640xf32, #tpu.memory_space<vmem_shared>>
        tpu.wait_dma2 semaphore(%run_scoped3A_36 : memref<!tpu.dma_semaphore, #tpu.memory_space<semaphore_mem>>) src(%dma_wait3A_42 : memref<640xf32, #tpu.memory_space<vmem_shared>>) dst(%arg7 : memref<640xf32, #tpu.memory_space<vmem>>)
        tpu.yield
      }) : () -> ()
      %scan3A_30 = arith.constant 0 : i32
      %scan3A_31 = arith.constant 0 : i32
      %scan3A_32 = arith.constant 40 : i32
      %scan3A_33 = arith.addi %scan3A_31, %scan3A_32 : i32
      %scan3A_34 = arith.constant 1 : i32
      scf.for %scan3A_36 = %scan3A_31 to %scan3A_33 step %scan3A_34  : i32 {
        %mul3A_37 = arith.constant 16 : i32
        %mul3A_38 = arith.muli %scan3A_36, %mul3A_37 : i32
        %get3A = arith.index_cast %mul3A_38 : i32 to index
        %get3A_39 = tpu.vector_load %arg6[%get3A] {strides = array<i32>} : memref<640xf32, #tpu.memory_space<vmem>>, vector<16xf32>,
        %get3A_40 = arith.index_cast %mul3A_38 : i32 to index
        %get3A_41 = tpu.vector_load %arg7[%get3A_40] {strides = array<i32>} : memref<640xf32, #tpu.memory_space<vmem>>, vector<16xf32>,
        %add3A_42 = arith.addf %get3A_39, %get3A_41 : vector<16xf32>
        %swap3A = arith.index_cast %mul3A_38 : i32 to index
        %swap3A_43 = tpu.vector_load %arg6[%swap3A] {strides = array<i32>} : memref<640xf32, #tpu.memory_space<vmem>>, vector<16xf32>,
        tpu.vector_store %arg6[%swap3A], %add3A_42 {strides = array<i32>} : memref<640xf32, #tpu.memory_space<vmem>>, vector<16xf32>,
      }
      %scan3A_35 = arith.constant 40 : i32
    }
    %scan3A_22 = arith.constant 15 : i32
    %scan3A_23 = arith.constant 0 : i32
    %scan3A_24 = arith.constant 0 : i32
    %scan3A_25 = arith.constant 40 : i32
    %scan3A_26 = arith.addi %scan3A_24, %scan3A_25 : i32
    %scan3A_27 = arith.constant 1 : i32
    scf.for %scan3A_29 = %scan3A_24 to %scan3A_26 step %scan3A_27  : i32 {
      %mul3A_30 = arith.constant 16 : i32
      %mul3A_31 = arith.muli %scan3A_29, %mul3A_30 : i32
      %get3A = arith.index_cast %mul3A_31 : i32 to index
      %get3A_32 = tpu.vector_load %arg6[%get3A] {strides = array<i32>} : memref<640xf32, #tpu.memory_space<vmem>>, vector<16xf32>,
      %slice3A = vector.extract_strided_slice %get3A_32 {offsets = [0], sizes = [1], strides = [1]} : vector<16xf32> to vector<1xf32>
      %squeeze3A = vector.extract %slice3A[0] : f32 from vector<1xf32>
      %broadcast_in_dim3A_33 = vector.broadcast %squeeze3A : f32 to vector<16xf32>
      %mul3A_34 = arith.constant 16 : i32
      %mul3A_35 = arith.muli %scan3A_29, %mul3A_34 : i32
      %add3A_36 = arith.constant 0 : i32
      %add3A_37 = arith.addi %mul3A_35, %add3A_36 : i32
      %swap3A = arith.index_cast %add3A_37 : i32 to index
      %swap3A_38 = arith.constant 0 : index
      %swap3A_39 = tpu.vector_load %arg8[%swap3A, %swap3A_38] {strides = array<i32>} : memref<640x128xf32, #tpu.memory_space<vmem>>, vector<16xf32>,
      tpu.vector_store %arg8[%swap3A, %swap3A_38], %broadcast_in_dim3A_33 {strides = array<i32>} : memref<640x128xf32, #tpu.memory_space<vmem>>, vector<16xf32>,
      %mul3A_40 = arith.constant 16 : i32
      %mul3A_41 = arith.muli %scan3A_29, %mul3A_40 : i32
      %add3A_42 = arith.constant 0 : i32
      %add3A_43 = arith.addi %mul3A_41, %add3A_42 : i32
      %swap3A_44 = arith.index_cast %add3A_43 : i32 to index
      %swap3A_45 = arith.constant 16 : index
      %swap3A_46 = tpu.vector_load %arg8[%swap3A_44, %swap3A_45] {strides = array<i32>} : memref<640x128xf32, #tpu.memory_space<vmem>>, vector<16xf32>,
      tpu.vector_store %arg8[%swap3A_44, %swap3A_45], %broadcast_in_dim3A_33 {strides = array<i32>} : memref<640x128xf32, #tpu.memory_space<vmem>>, vector<16xf32>,
      %mul3A_47 = arith.constant 16 : i32
      %mul3A_48 = arith.muli %scan3A_29, %mul3A_47 : i32
      %add3A_49 = arith.constant 0 : i32
      %add3A_50 = arith.addi %mul3A_48, %add3A_49 : i32
      %swap3A_51 = arith.index_cast %add3A_50 : i32 to index
      %swap3A_52 = arith.constant 32 : index
      %swap3A_53 = tpu.vector_load %arg8[%swap3A_51, %swap3A_52] {strides = array<i32>} : memref<640x128xf32, #tpu.memory_space<vmem>>, vector<16xf32>,
      tpu.vector_store %arg8[%swap3A_51, %swap3A_52], %broadcast_in_dim3A_33 {strides = array<i32>} : memref<640x128xf32, #tpu.memory_space<vmem>>, vector<16xf32>,
      %mul3A_54 = arith.constant 16 : i32
      %mul3A_55 = arith.muli %scan3A_29, %mul3A_54 : i32
      %add3A_56 = arith.constant 0 : i32
      %add3A_57 = arith.addi %mul3A_55, %add3A_56 : i32
      %swap3A_58 = arith.index_cast %add3A_57 : i32 to index
      %swap3A_59 = arith.constant 48 : index
      %swap3A_60 = tpu.vector_load %arg8[%swap3A_58, %swap3A_59] {strides = array<i32>} : memref<640x128xf32, #tpu.memory_space<vmem>>, vector<16xf32>,
      tpu.vector_store %arg8[%swap3A_58, %swap3A_59], %broadcast_in_dim3A_33 {strides = array<i32>} : memref<640x128xf32, #tpu.memory_space<vmem>>, vector<16xf32>,
      %mul3A_61 = arith.constant 16 : i32
      %mul3A_62 = arith.muli %scan3A_29, %mul3A_61 : i32
      %add3A_63 = arith.constant 0 : i32
      %add3A_64 = arith.addi %mul3A_62, %add3A_63 : i32
      %swap3A_65 = arith.index_cast %add3A_64 : i32 to index
      %swap3A_66 = arith.constant 64 : index
      %swap3A_67 = tpu.vector_load %arg8[%swap3A_65, %swap3A_66] {strides = array<i32>} : memref<640x128xf32, #tpu.memory_space<vmem>>, vector<16xf32>,
      tpu.vector_store %arg8[%swap3A_65, %swap3A_66], %broadcast_in_dim3A_33 {strides = array<i32>} : memref<640x128xf32, #tpu.memory_space<vmem>>, vector<16xf32>,
      %mul3A_68 = arith.constant 16 : i32
      %mul3A_69 = arith.muli %scan3A_29, %mul3A_68 : i32
      %add3A_70 = arith.constant 0 : i32
      %add3A_71 = arith.addi %mul3A_69, %add3A_70 : i32
      %swap3A_72 = arith.index_cast %add3A_71 : i32 to index
      %swap3A_73 = arith.constant 80 : index
      %swap3A_74 = tpu.vector_load %arg8[%swap3A_72, %swap3A_73] {strides = array<i32>} : memref<640x128xf32, #tpu.memory_space<vmem>>, vector<16xf32>,
      tpu.vector_store %arg8[%swap3A_72, %swap3A_73], %broadcast_in_dim3A_33 {strides = array<i32>} : memref<640x128xf32, #tpu.memory_space<vmem>>, vector<16xf32>,
      %mul3A_75 = arith.constant 16 : i32
      %mul3A_76 = arith.muli %scan3A_29, %mul3A_75 : i32
      %add3A_77 = arith.constant 0 : i32
      %add3A_78 = arith.addi %mul3A_76, %add3A_77 : i32
      %swap3A_79 = arith.index_cast %add3A_78 : i32 to index
      %swap3A_80 = arith.constant 96 : index
      %swap3A_81 = tpu.vector_load %arg8[%swap3A_79, %swap3A_80] {strides = array<i32>} : memref<640x128xf32, #tpu.memory_space<vmem>>, vector<16xf32>,
      tpu.vector_store %arg8[%swap3A_79, %swap3A_80], %broadcast_in_dim3A_33 {strides = array<i32>} : memref<640x128xf32, #tpu.memory_space<vmem>>, vector<16xf32>,
      %mul3A_82 = arith.constant 16 : i32
      %mul3A_83 = arith.muli %scan3A_29, %mul3A_82 : i32
      %add3A_84 = arith.constant 0 : i32
      %add3A_85 = arith.addi %mul3A_83, %add3A_84 : i32
      %swap3A_86 = arith.index_cast %add3A_85 : i32 to index
      %swap3A_87 = arith.constant 112 : index
      %swap3A_88 = tpu.vector_load %arg8[%swap3A_86, %swap3A_87] {strides = array<i32>} : memref<640x128xf32, #tpu.memory_space<vmem>>, vector<16xf32>,
      tpu.vector_store %arg8[%swap3A_86, %swap3A_87], %broadcast_in_dim3A_33 {strides = array<i32>} : memref<640x128xf32, #tpu.memory_space<vmem>>, vector<16xf32>,
      %slice3A_89 = vector.extract_strided_slice %get3A_32 {offsets = [1], sizes = [1], strides = [1]} : vector<16xf32> to vector<1xf32>
      %squeeze3A_90 = vector.extract %slice3A_89[0] : f32 from vector<1xf32>
      %broadcast_in_dim3A_91 = vector.broadcast %squeeze3A_90 : f32 to vector<16xf32>
      %mul3A_92 = arith.constant 16 : i32
      %mul3A_93 = arith.muli %scan3A_29, %mul3A_92 : i32
      %add3A_94 = arith.constant 1 : i32
      %add3A_95 = arith.addi %mul3A_93, %add3A_94 : i32
      %swap3A_96 = arith.index_cast %add3A_95 : i32 to index
      %swap3A_97 = arith.constant 0 : index
      %swap3A_98 = tpu.vector_load %arg8[%swap3A_96, %swap3A_97] {strides = array<i32>} : memref<640x128xf32, #tpu.memory_space<vmem>>, vector<16xf32>,
      tpu.vector_store %arg8[%swap3A_96, %swap3A_97], %broadcast_in_dim3A_91 {strides = array<i32>} : memref<640x128xf32, #tpu.memory_space<vmem>>, vector<16xf32>,
      %mul3A_99 = arith.constant 16 : i32
      %mul3A_100 = arith.muli %scan3A_29, %mul3A_99 : i32
      %add3A_101 = arith.constant 1 : i32
      %add3A_102 = arith.addi %mul3A_100, %add3A_101 : i32
      %swap3A_103 = arith.index_cast %add3A_102 : i32 to index
      %swap3A_104 = arith.constant 16 : index
      %swap3A_105 = tpu.vector_load %arg8[%swap3A_103, %swap3A_104] {strides = array<i32>} : memref<640x128xf32, #tpu.memory_space<vmem>>, vector<16xf32>,
      tpu.vector_store %arg8[%swap3A_103, %swap3A_104], %broadcast_in_dim3A_91 {strides = array<i32>} : memref<640x128xf32, #tpu.memory_space<vmem>>, vector<16xf32>,
      %mul3A_106 = arith.constant 16 : i32
      %mul3A_107 = arith.muli %scan3A_29, %mul3A_106 : i32
      %add3A_108 = arith.constant 1 : i32
      %add3A_109 = arith.addi %mul3A_107, %add3A_108 : i32
      %swap3A_110 = arith.index_cast %add3A_109 : i32 to index
      %swap3A_111 = arith.constant 32 : index
      %swap3A_112 = tpu.vector_load %arg8[%swap3A_110, %swap3A_111] {strides = array<i32>} : memref<640x128xf32, #tpu.memory_space<vmem>>, vector<16xf32>,
      tpu.vector_store %arg8[%swap3A_110, %swap3A_111], %broadcast_in_dim3A_91 {strides = array<i32>} : memref<640x128xf32, #tpu.memory_space<vmem>>, vector<16xf32>,
      %mul3A_113 = arith.constant 16 : i32
      %mul3A_114 = arith.muli %scan3A_29, %mul3A_113 : i32
      %add3A_115 = arith.constant 1 : i32
      %add3A_116 = arith.addi %mul3A_114, %add3A_115 : i32
      %swap3A_117 = arith.index_cast %add3A_116 : i32 to index
      %swap3A_118 = arith.constant 48 : index
      %swap3A_119 = tpu.vector_load %arg8[%swap3A_117, %swap3A_118] {strides = array<i32>} : memref<640x128xf32, #tpu.memory_space<vmem>>, vector<16xf32>,
      tpu.vector_store %arg8[%swap3A_117, %swap3A_118], %broadcast_in_dim3A_91 {strides = array<i32>} : memref<640x128xf32, #tpu.memory_space<vmem>>, vector<16xf32>,
      %mul3A_120 = arith.constant 16 : i32
      %mul3A_121 = arith.muli %scan3A_29, %mul3A_120 : i32
      %add3A_122 = arith.constant 1 : i32
      %add3A_123 = arith.addi %mul3A_121, %add3A_122 : i32
      %swap3A_124 = arith.index_cast %add3A_123 : i32 to index
      %swap3A_125 = arith.constant 64 : index
      %swap3A_126 = tpu.vector_load %arg8[%swap3A_124, %swap3A_125] {strides = array<i32>} : memref<640x128xf32, #tpu.memory_space<vmem>>, vector<16xf32>,
      tpu.vector_store %arg8[%swap3A_124, %swap3A_125], %broadcast_in_dim3A_91 {strides = array<i32>} : memref<640x128xf32, #tpu.memory_space<vmem>>, vector<16xf32>,
      %mul3A_127 = arith.constant 16 : i32
      %mul3A_128 = arith.muli %scan3A_29, %mul3A_127 : i32
      %add3A_129 = arith.constant 1 : i32
      %add3A_130 = arith.addi %mul3A_128, %add3A_129 : i32
      %swap3A_131 = arith.index_cast %add3A_130 : i32 to index
      %swap3A_132 = arith.constant 80 : index
      %swap3A_133 = tpu.vector_load %arg8[%swap3A_131, %swap3A_132] {strides = array<i32>} : memref<640x128xf32, #tpu.memory_space<vmem>>, vector<16xf32>,
      tpu.vector_store %arg8[%swap3A_131, %swap3A_132], %broadcast_in_dim3A_91 {strides = array<i32>} : memref<640x128xf32, #tpu.memory_space<vmem>>, vector<16xf32>,
      %mul3A_134 = arith.constant 16 : i32
      %mul3A_135 = arith.muli %scan3A_29, %mul3A_134 : i32
      %add3A_136 = arith.constant 1 : i32
      %add3A_137 = arith.addi %mul3A_135, %add3A_136 : i32
      %swap3A_138 = arith.index_cast %add3A_137 : i32 to index
      %swap3A_139 = arith.constant 96 : index
      %swap3A_140 = tpu.vector_load %arg8[%swap3A_138, %swap3A_139] {strides = array<i32>} : memref<640x128xf32, #tpu.memory_space<vmem>>, vector<16xf32>,
      tpu.vector_store %arg8[%swap3A_138, %swap3A_139], %broadcast_in_dim3A_91 {strides = array<i32>} : memref<640x128xf32, #tpu.memory_space<vmem>>, vector<16xf32>,
      %mul3A_141 = arith.constant 16 : i32
      %mul3A_142 = arith.muli %scan3A_29, %mul3A_141 : i32
      %add3A_143 = arith.constant 1 : i32
      %add3A_144 = arith.addi %mul3A_142, %add3A_143 : i32
      %swap3A_145 = arith.index_cast %add3A_144 : i32 to index
      %swap3A_146 = arith.constant 112 : index
      %swap3A_147 = tpu.vector_load %arg8[%swap3A_145, %swap3A_146] {strides = array<i32>} : memref<640x128xf32, #tpu.memory_space<vmem>>, vector<16xf32>,
      tpu.vector_store %arg8[%swap3A_145, %swap3A_146], %broadcast_in_dim3A_91 {strides = array<i32>} : memref<640x128xf32, #tpu.memory_space<vmem>>, vector<16xf32>,
      %slice3A_148 = vector.extract_strided_slice %get3A_32 {offsets = [2], sizes = [1], strides = [1]} : vector<16xf32> to vector<1xf32>
      %squeeze3A_149 = vector.extract %slice3A_148[0] : f32 from vector<1xf32>
      %broadcast_in_dim3A_150 = vector.broadcast %squeeze3A_149 : f32 to vector<16xf32>
      %mul3A_151 = arith.constant 16 : i32
      %mul3A_152 = arith.muli %scan3A_29, %mul3A_151 : i32
      %add3A_153 = arith.constant 2 : i32
      %add3A_154 = arith.addi %mul3A_152, %add3A_153 : i32
      %swap3A_155 = arith.index_cast %add3A_154 : i32 to index
      %swap3A_156 = arith.constant 0 : index
      %swap3A_157 = tpu.vector_load %arg8[%swap3A_155, %swap3A_156] {strides = array<i32>} : memref<640x128xf32, #tpu.memory_space<vmem>>, vector<16xf32>,
      tpu.vector_store %arg8[%swap3A_155, %swap3A_156], %broadcast_in_dim3A_150 {strides = array<i32>} : memref<640x128xf32, #tpu.memory_space<vmem>>, vector<16xf32>,
      %mul3A_158 = arith.constant 16 : i32
      %mul3A_159 = arith.muli %scan3A_29, %mul3A_158 : i32
      %add3A_160 = arith.constant 2 : i32
      %add3A_161 = arith.addi %mul3A_159, %add3A_160 : i32
      %swap3A_162 = arith.index_cast %add3A_161 : i32 to index
      %swap3A_163 = arith.constant 16 : index
      %swap3A_164 = tpu.vector_load %arg8[%swap3A_162, %swap3A_163] {strides = array<i32>} : memref<640x128xf32, #tpu.memory_space<vmem>>, vector<16xf32>,
      tpu.vector_store %arg8[%swap3A_162, %swap3A_163], %broadcast_in_dim3A_150 {strides = array<i32>} : memref<640x128xf32, #tpu.memory_space<vmem>>, vector<16xf32>,
      %mul3A_165 = arith.constant 16 : i32
      %mul3A_166 = arith.muli %scan3A_29, %mul3A_165 : i32
      %add3A_167 = arith.constant 2 : i32
      %add3A_168 = arith.addi %mul3A_166, %add3A_167 : i32
      %swap3A_169 = arith.index_cast %add3A_168 : i32 to index
      %swap3A_170 = arith.constant 32 : index
      %swap3A_171 = tpu.vector_load %arg8[%swap3A_169, %swap3A_170] {strides = array<i32>} : memref<640x128xf32, #tpu.memory_space<vmem>>, vector<16xf32>,
      tpu.vector_store %arg8[%swap3A_169, %swap3A_170], %broadcast_in_dim3A_150 {strides = array<i32>} : memref<640x128xf32, #tpu.memory_space<vmem>>, vector<16xf32>,
      %mul3A_172 = arith.constant 16 : i32
      %mul3A_173 = arith.muli %scan3A_29, %mul3A_172 : i32
      %add3A_174 = arith.constant 2 : i32
      %add3A_175 = arith.addi %mul3A_173, %add3A_174 : i32
      %swap3A_176 = arith.index_cast %add3A_175 : i32 to index
      %swap3A_177 = arith.constant 48 : index
      %swap3A_178 = tpu.vector_load %arg8[%swap3A_176, %swap3A_177] {strides = array<i32>} : memref<640x128xf32, #tpu.memory_space<vmem>>, vector<16xf32>,
      tpu.vector_store %arg8[%swap3A_176, %swap3A_177], %broadcast_in_dim3A_150 {strides = array<i32>} : memref<640x128xf32, #tpu.memory_space<vmem>>, vector<16xf32>,
      %mul3A_179 = arith.constant 16 : i32
      %mul3A_180 = arith.muli %scan3A_29, %mul3A_179 : i32
      %add3A_181 = arith.constant 2 : i32
      %add3A_182 = arith.addi %mul3A_180, %add3A_181 : i32
      %swap3A_183 = arith.index_cast %add3A_182 : i32 to index
      %swap3A_184 = arith.constant 64 : index
      %swap3A_185 = tpu.vector_load %arg8[%swap3A_183, %swap3A_184] {strides = array<i32>} : memref<640x128xf32, #tpu.memory_space<vmem>>, vector<16xf32>,
      tpu.vector_store %arg8[%swap3A_183, %swap3A_184], %broadcast_in_dim3A_150 {strides = array<i32>} : memref<640x128xf32, #tpu.memory_space<vmem>>, vector<16xf32>,
      %mul3A_186 = arith.constant 16 : i32
      %mul3A_187 = arith.muli %scan3A_29, %mul3A_186 : i32
      %add3A_188 = arith.constant 2 : i32
      %add3A_189 = arith.addi %mul3A_187, %add3A_188 : i32
      %swap3A_190 = arith.index_cast %add3A_189 : i32 to index
      %swap3A_191 = arith.constant 80 : index
      %swap3A_192 = tpu.vector_load %arg8[%swap3A_190, %swap3A_191] {strides = array<i32>} : memref<640x128xf32, #tpu.memory_space<vmem>>, vector<16xf32>,
      tpu.vector_store %arg8[%swap3A_190, %swap3A_191], %broadcast_in_dim3A_150 {strides = array<i32>} : memref<640x128xf32, #tpu.memory_space<vmem>>, vector<16xf32>,
      %mul3A_193 = arith.constant 16 : i32
      %mul3A_194 = arith.muli %scan3A_29, %mul3A_193 : i32
      %add3A_195 = arith.constant 2 : i32
      %add3A_196 = arith.addi %mul3A_194, %add3A_195 : i32
      %swap3A_197 = arith.index_cast %add3A_196 : i32 to index
      %swap3A_198 = arith.constant 96 : index
      %swap3A_199 = tpu.vector_load %arg8[%swap3A_197, %swap3A_198] {strides = array<i32>} : memref<640x128xf32, #tpu.memory_space<vmem>>, vector<16xf32>,
      tpu.vector_store %arg8[%swap3A_197, %swap3A_198], %broadcast_in_dim3A_150 {strides = array<i32>} : memref<640x128xf32, #tpu.memory_space<vmem>>, vector<16xf32>,
      %mul3A_200 = arith.constant 16 : i32
      %mul3A_201 = arith.muli %scan3A_29, %mul3A_200 : i32
      %add3A_202 = arith.constant 2 : i32
      %add3A_203 = arith.addi %mul3A_201, %add3A_202 : i32
      %swap3A_204 = arith.index_cast %add3A_203 : i32 to index
      %swap3A_205 = arith.constant 112 : index
      %swap3A_206 = tpu.vector_load %arg8[%swap3A_204, %swap3A_205] {strides = array<i32>} : memref<640x128xf32, #tpu.memory_space<vmem>>, vector<16xf32>,
      tpu.vector_store %arg8[%swap3A_204, %swap3A_205], %broadcast_in_dim3A_150 {strides = array<i32>} : memref<640x128xf32, #tpu.memory_space<vmem>>, vector<16xf32>,
      %slice3A_207 = vector.extract_strided_slice %get3A_32 {offsets = [3], sizes = [1], strides = [1]} : vector<16xf32> to vector<1xf32>
      %squeeze3A_208 = vector.extract %slice3A_207[0] : f32 from vector<1xf32>
      %broadcast_in_dim3A_209 = vector.broadcast %squeeze3A_208 : f32 to vector<16xf32>
      %mul3A_210 = arith.constant 16 : i32
      %mul3A_211 = arith.muli %scan3A_29, %mul3A_210 : i32
      %add3A_212 = arith.constant 3 : i32
      %add3A_213 = arith.addi %mul3A_211, %add3A_212 : i32
      %swap3A_214 = arith.index_cast %add3A_213 : i32 to index
      %swap3A_215 = arith.constant 0 : index
      %swap3A_216 = tpu.vector_load %arg8[%swap3A_214, %swap3A_215] {strides = array<i32>} : memref<640x128xf32, #tpu.memory_space<vmem>>, vector<16xf32>,
      tpu.vector_store %arg8[%swap3A_214, %swap3A_215], %broadcast_in_dim3A_209 {strides = array<i32>} : memref<640x128xf32, #tpu.memory_space<vmem>>, vector<16xf32>,
      %mul3A_217 = arith.constant 16 : i32
      %mul3A_218 = arith.muli %scan3A_29, %mul3A_217 : i32
      %add3A_219 = arith.constant 3 : i32
      %add3A_220 = arith.addi %mul3A_218, %add3A_219 : i32
      %swap3A_221 = arith.index_cast %add3A_220 : i32 to index
      %swap3A_222 = arith.constant 16 : index
      %swap3A_223 = tpu.vector_load %arg8[%swap3A_221, %swap3A_222] {strides = array<i32>} : memref<640x128xf32, #tpu.memory_space<vmem>>, vector<16xf32>,
      tpu.vector_store %arg8[%swap3A_221, %swap3A_222], %broadcast_in_dim3A_209 {strides = array<i32>} : memref<640x128xf32, #tpu.memory_space<vmem>>, vector<16xf32>,
      %mul3A_224 = arith.constant 16 : i32
      %mul3A_225 = arith.muli %scan3A_29, %mul3A_224 : i32
      %add3A_226 = arith.constant 3 : i32
      %add3A_227 = arith.addi %mul3A_225, %add3A_226 : i32
      %swap3A_228 = arith.index_cast %add3A_227 : i32 to index
      %swap3A_229 = arith.constant 32 : index
      %swap3A_230 = tpu.vector_load %arg8[%swap3A_228, %swap3A_229] {strides = array<i32>} : memref<640x128xf32, #tpu.memory_space<vmem>>, vector<16xf32>,
      tpu.vector_store %arg8[%swap3A_228, %swap3A_229], %broadcast_in_dim3A_209 {strides = array<i32>} : memref<640x128xf32, #tpu.memory_space<vmem>>, vector<16xf32>,
      %mul3A_231 = arith.constant 16 : i32
      %mul3A_232 = arith.muli %scan3A_29, %mul3A_231 : i32
      %add3A_233 = arith.constant 3 : i32
      %add3A_234 = arith.addi %mul3A_232, %add3A_233 : i32
      %swap3A_235 = arith.index_cast %add3A_234 : i32 to index
      %swap3A_236 = arith.constant 48 : index
      %swap3A_237 = tpu.vector_load %arg8[%swap3A_235, %swap3A_236] {strides = array<i32>} : memref<640x128xf32, #tpu.memory_space<vmem>>, vector<16xf32>,
      tpu.vector_store %arg8[%swap3A_235, %swap3A_236], %broadcast_in_dim3A_209 {strides = array<i32>} : memref<640x128xf32, #tpu.memory_space<vmem>>, vector<16xf32>,
      %mul3A_238 = arith.constant 16 : i32
      %mul3A_239 = arith.muli %scan3A_29, %mul3A_238 : i32
      %add3A_240 = arith.constant 3 : i32
      %add3A_241 = arith.addi %mul3A_239, %add3A_240 : i32
      %swap3A_242 = arith.index_cast %add3A_241 : i32 to index
      %swap3A_243 = arith.constant 64 : index
      %swap3A_244 = tpu.vector_load %arg8[%swap3A_242, %swap3A_243] {strides = array<i32>} : memref<640x128xf32, #tpu.memory_space<vmem>>, vector<16xf32>,
      tpu.vector_store %arg8[%swap3A_242, %swap3A_243], %broadcast_in_dim3A_209 {strides = array<i32>} : memref<640x128xf32, #tpu.memory_space<vmem>>, vector<16xf32>,
      %mul3A_245 = arith.constant 16 : i32
      %mul3A_246 = arith.muli %scan3A_29, %mul3A_245 : i32
      %add3A_247 = arith.constant 3 : i32
      %add3A_248 = arith.addi %mul3A_246, %add3A_247 : i32
      %swap3A_249 = arith.index_cast %add3A_248 : i32 to index
      %swap3A_250 = arith.constant 80 : index
      %swap3A_251 = tpu.vector_load %arg8[%swap3A_249, %swap3A_250] {strides = array<i32>} : memref<640x128xf32, #tpu.memory_space<vmem>>, vector<16xf32>,
      tpu.vector_store %arg8[%swap3A_249, %swap3A_250], %broadcast_in_dim3A_209 {strides = array<i32>} : memref<640x128xf32, #tpu.memory_space<vmem>>, vector<16xf32>,
      %mul3A_252 = arith.constant 16 : i32
      %mul3A_253 = arith.muli %scan3A_29, %mul3A_252 : i32
      %add3A_254 = arith.constant 3 : i32
      %add3A_255 = arith.addi %mul3A_253, %add3A_254 : i32
      %swap3A_256 = arith.index_cast %add3A_255 : i32 to index
      %swap3A_257 = arith.constant 96 : index
      %swap3A_258 = tpu.vector_load %arg8[%swap3A_256, %swap3A_257] {strides = array<i32>} : memref<640x128xf32, #tpu.memory_space<vmem>>, vector<16xf32>,
      tpu.vector_store %arg8[%swap3A_256, %swap3A_257], %broadcast_in_dim3A_209 {strides = array<i32>} : memref<640x128xf32, #tpu.memory_space<vmem>>, vector<16xf32>,
      %mul3A_259 = arith.constant 16 : i32
      %mul3A_260 = arith.muli %scan3A_29, %mul3A_259 : i32
      %add3A_261 = arith.constant 3 : i32
      %add3A_262 = arith.addi %mul3A_260, %add3A_261 : i32
      %swap3A_263 = arith.index_cast %add3A_262 : i32 to index
      %swap3A_264 = arith.constant 112 : index
      %swap3A_265 = tpu.vector_load %arg8[%swap3A_263, %swap3A_264] {strides = array<i32>} : memref<640x128xf32, #tpu.memory_space<vmem>>, vector<16xf32>,
      tpu.vector_store %arg8[%swap3A_263, %swap3A_264], %broadcast_in_dim3A_209 {strides = array<i32>} : memref<640x128xf32, #tpu.memory_space<vmem>>, vector<16xf32>,
      %slice3A_266 = vector.extract_strided_slice %get3A_32 {offsets = [4], sizes = [1], strides = [1]} : vector<16xf32> to vector<1xf32>
      %squeeze3A_267 = vector.extract %slice3A_266[0] : f32 from vector<1xf32>
      %broadcast_in_dim3A_268 = vector.broadcast %squeeze3A_267 : f32 to vector<16xf32>
      %mul3A_269 = arith.constant 16 : i32
      %mul3A_270 = arith.muli %scan3A_29, %mul3A_269 : i32
      %add3A_271 = arith.constant 4 : i32
      %add3A_272 = arith.addi %mul3A_270, %add3A_271 : i32
      %swap3A_273 = arith.index_cast %add3A_272 : i32 to index
      %swap3A_274 = arith.constant 0 : index
      %swap3A_275 = tpu.vector_load %arg8[%swap3A_273, %swap3A_274] {strides = array<i32>} : memref<640x128xf32, #tpu.memory_space<vmem>>, vector<16xf32>,
      tpu.vector_store %arg8[%swap3A_273, %swap3A_274], %broadcast_in_dim3A_268 {strides = array<i32>} : memref<640x128xf32, #tpu.memory_space<vmem>>, vector<16xf32>,
      %mul3A_276 = arith.constant 16 : i32
      %mul3A_277 = arith.muli %scan3A_29, %mul3A_276 : i32
      %add3A_278 = arith.constant 4 : i32
      %add3A_279 = arith.addi %mul3A_277, %add3A_278 : i32
      %swap3A_280 = arith.index_cast %add3A_279 : i32 to index
      %swap3A_281 = arith.constant 16 : index
      %swap3A_282 = tpu.vector_load %arg8[%swap3A_280, %swap3A_281] {strides = array<i32>} : memref<640x128xf32, #tpu.memory_space<vmem>>, vector<16xf32>,
      tpu.vector_store %arg8[%swap3A_280, %swap3A_281], %broadcast_in_dim3A_268 {strides = array<i32>} : memref<640x128xf32, #tpu.memory_space<vmem>>, vector<16xf32>,
      %mul3A_283 = arith.constant 16 : i32
      %mul3A_284 = arith.muli %scan3A_29, %mul3A_283 : i32
      %add3A_285 = arith.constant 4 : i32
      %add3A_286 = arith.addi %mul3A_284, %add3A_285 : i32
      %swap3A_287 = arith.index_cast %add3A_286 : i32 to index
      %swap3A_288 = arith.constant 32 : index
      %swap3A_289 = tpu.vector_load %arg8[%swap3A_287, %swap3A_288] {strides = array<i32>} : memref<640x128xf32, #tpu.memory_space<vmem>>, vector<16xf32>,
      tpu.vector_store %arg8[%swap3A_287, %swap3A_288], %broadcast_in_dim3A_268 {strides = array<i32>} : memref<640x128xf32, #tpu.memory_space<vmem>>, vector<16xf32>,
      %mul3A_290 = arith.constant 16 : i32
      %mul3A_291 = arith.muli %scan3A_29, %mul3A_290 : i32
      %add3A_292 = arith.constant 4 : i32
      %add3A_293 = arith.addi %mul3A_291, %add3A_292 : i32
      %swap3A_294 = arith.index_cast %add3A_293 : i32 to index
      %swap3A_295 = arith.constant 48 : index
      %swap3A_296 = tpu.vector_load %arg8[%swap3A_294, %swap3A_295] {strides = array<i32>} : memref<640x128xf32, #tpu.memory_space<vmem>>, vector<16xf32>,
      tpu.vector_store %arg8[%swap3A_294, %swap3A_295], %broadcast_in_dim3A_268 {strides = array<i32>} : memref<640x128xf32, #tpu.memory_space<vmem>>, vector<16xf32>,
      %mul3A_297 = arith.constant 16 : i32
      %mul3A_298 = arith.muli %scan3A_29, %mul3A_297 : i32
      %add3A_299 = arith.constant 4 : i32
      %add3A_300 = arith.addi %mul3A_298, %add3A_299 : i32
      %swap3A_301 = arith.index_cast %add3A_300 : i32 to index
      %swap3A_302 = arith.constant 64 : index
      %swap3A_303 = tpu.vector_load %arg8[%swap3A_301, %swap3A_302] {strides = array<i32>} : memref<640x128xf32, #tpu.memory_space<vmem>>, vector<16xf32>,
      tpu.vector_store %arg8[%swap3A_301, %swap3A_302], %broadcast_in_dim3A_268 {strides = array<i32>} : memref<640x128xf32, #tpu.memory_space<vmem>>, vector<16xf32>,
      %mul3A_304 = arith.constant 16 : i32
      %mul3A_305 = arith.muli %scan3A_29, %mul3A_304 : i32
      %add3A_306 = arith.constant 4 : i32
      %add3A_307 = arith.addi %mul3A_305, %add3A_306 : i32
      %swap3A_308 = arith.index_cast %add3A_307 : i32 to index
      %swap3A_309 = arith.constant 80 : index
      %swap3A_310 = tpu.vector_load %arg8[%swap3A_308, %swap3A_309] {strides = array<i32>} : memref<640x128xf32, #tpu.memory_space<vmem>>, vector<16xf32>,
      tpu.vector_store %arg8[%swap3A_308, %swap3A_309], %broadcast_in_dim3A_268 {strides = array<i32>} : memref<640x128xf32, #tpu.memory_space<vmem>>, vector<16xf32>,
      %mul3A_311 = arith.constant 16 : i32
      %mul3A_312 = arith.muli %scan3A_29, %mul3A_311 : i32
      %add3A_313 = arith.constant 4 : i32
      %add3A_314 = arith.addi %mul3A_312, %add3A_313 : i32
      %swap3A_315 = arith.index_cast %add3A_314 : i32 to index
      %swap3A_316 = arith.constant 96 : index
      %swap3A_317 = tpu.vector_load %arg8[%swap3A_315, %swap3A_316] {strides = array<i32>} : memref<640x128xf32, #tpu.memory_space<vmem>>, vector<16xf32>,
      tpu.vector_store %arg8[%swap3A_315, %swap3A_316], %broadcast_in_dim3A_268 {strides = array<i32>} : memref<640x128xf32, #tpu.memory_space<vmem>>, vector<16xf32>,
      %mul3A_318 = arith.constant 16 : i32
      %mul3A_319 = arith.muli %scan3A_29, %mul3A_318 : i32
      %add3A_320 = arith.constant 4 : i32
      %add3A_321 = arith.addi %mul3A_319, %add3A_320 : i32
      %swap3A_322 = arith.index_cast %add3A_321 : i32 to index
      %swap3A_323 = arith.constant 112 : index
      %swap3A_324 = tpu.vector_load %arg8[%swap3A_322, %swap3A_323] {strides = array<i32>} : memref<640x128xf32, #tpu.memory_space<vmem>>, vector<16xf32>,
      tpu.vector_store %arg8[%swap3A_322, %swap3A_323], %broadcast_in_dim3A_268 {strides = array<i32>} : memref<640x128xf32, #tpu.memory_space<vmem>>, vector<16xf32>,
      %slice3A_325 = vector.extract_strided_slice %get3A_32 {offsets = [5], sizes = [1], strides = [1]} : vector<16xf32> to vector<1xf32>
      %squeeze3A_326 = vector.extract %slice3A_325[0] : f32 from vector<1xf32>
      %broadcast_in_dim3A_327 = vector.broadcast %squeeze3A_326 : f32 to vector<16xf32>
      %mul3A_328 = arith.constant 16 : i32
      %mul3A_329 = arith.muli %scan3A_29, %mul3A_328 : i32
      %add3A_330 = arith.constant 5 : i32
      %add3A_331 = arith.addi %mul3A_329, %add3A_330 : i32
      %swap3A_332 = arith.index_cast %add3A_331 : i32 to index
      %swap3A_333 = arith.constant 0 : index
      %swap3A_334 = tpu.vector_load %arg8[%swap3A_332, %swap3A_333] {strides = array<i32>} : memref<640x128xf32, #tpu.memory_space<vmem>>, vector<16xf32>,
      tpu.vector_store %arg8[%swap3A_332, %swap3A_333], %broadcast_in_dim3A_327 {strides = array<i32>} : memref<640x128xf32, #tpu.memory_space<vmem>>, vector<16xf32>,
      %mul3A_335 = arith.constant 16 : i32
      %mul3A_336 = arith.muli %scan3A_29, %mul3A_335 : i32
      %add3A_337 = arith.constant 5 : i32
      %add3A_338 = arith.addi %mul3A_336, %add3A_337 : i32
      %swap3A_339 = arith.index_cast %add3A_338 : i32 to index
      %swap3A_340 = arith.constant 16 : index
      %swap3A_341 = tpu.vector_load %arg8[%swap3A_339, %swap3A_340] {strides = array<i32>} : memref<640x128xf32, #tpu.memory_space<vmem>>, vector<16xf32>,
      tpu.vector_store %arg8[%swap3A_339, %swap3A_340], %broadcast_in_dim3A_327 {strides = array<i32>} : memref<640x128xf32, #tpu.memory_space<vmem>>, vector<16xf32>,
      %mul3A_342 = arith.constant 16 : i32
      %mul3A_343 = arith.muli %scan3A_29, %mul3A_342 : i32
      %add3A_344 = arith.constant 5 : i32
      %add3A_345 = arith.addi %mul3A_343, %add3A_344 : i32
      %swap3A_346 = arith.index_cast %add3A_345 : i32 to index
      %swap3A_347 = arith.constant 32 : index
      %swap3A_348 = tpu.vector_load %arg8[%swap3A_346, %swap3A_347] {strides = array<i32>} : memref<640x128xf32, #tpu.memory_space<vmem>>, vector<16xf32>,
      tpu.vector_store %arg8[%swap3A_346, %swap3A_347], %broadcast_in_dim3A_327 {strides = array<i32>} : memref<640x128xf32, #tpu.memory_space<vmem>>, vector<16xf32>,
      %mul3A_349 = arith.constant 16 : i32
      %mul3A_350 = arith.muli %scan3A_29, %mul3A_349 : i32
      %add3A_351 = arith.constant 5 : i32
      %add3A_352 = arith.addi %mul3A_350, %add3A_351 : i32
      %swap3A_353 = arith.index_cast %add3A_352 : i32 to index
      %swap3A_354 = arith.constant 48 : index
      %swap3A_355 = tpu.vector_load %arg8[%swap3A_353, %swap3A_354] {strides = array<i32>} : memref<640x128xf32, #tpu.memory_space<vmem>>, vector<16xf32>,
      tpu.vector_store %arg8[%swap3A_353, %swap3A_354], %broadcast_in_dim3A_327 {strides = array<i32>} : memref<640x128xf32, #tpu.memory_space<vmem>>, vector<16xf32>,
      %mul3A_356 = arith.constant 16 : i32
      %mul3A_357 = arith.muli %scan3A_29, %mul3A_356 : i32
      %add3A_358 = arith.constant 5 : i32
      %add3A_359 = arith.addi %mul3A_357, %add3A_358 : i32
      %swap3A_360 = arith.index_cast %add3A_359 : i32 to index
      %swap3A_361 = arith.constant 64 : index
      %swap3A_362 = tpu.vector_load %arg8[%swap3A_360, %swap3A_361] {strides = array<i32>} : memref<640x128xf32, #tpu.memory_space<vmem>>, vector<16xf32>,
      tpu.vector_store %arg8[%swap3A_360, %swap3A_361], %broadcast_in_dim3A_327 {strides = array<i32>} : memref<640x128xf32, #tpu.memory_space<vmem>>, vector<16xf32>,
      %mul3A_363 = arith.constant 16 : i32
      %mul3A_364 = arith.muli %scan3A_29, %mul3A_363 : i32
      %add3A_365 = arith.constant 5 : i32
      %add3A_366 = arith.addi %mul3A_364, %add3A_365 : i32
      %swap3A_367 = arith.index_cast %add3A_366 : i32 to index
      %swap3A_368 = arith.constant 80 : index
      %swap3A_369 = tpu.vector_load %arg8[%swap3A_367, %swap3A_368] {strides = array<i32>} : memref<640x128xf32, #tpu.memory_space<vmem>>, vector<16xf32>,
      tpu.vector_store %arg8[%swap3A_367, %swap3A_368], %broadcast_in_dim3A_327 {strides = array<i32>} : memref<640x128xf32, #tpu.memory_space<vmem>>, vector<16xf32>,
      %mul3A_370 = arith.constant 16 : i32
      %mul3A_371 = arith.muli %scan3A_29, %mul3A_370 : i32
      %add3A_372 = arith.constant 5 : i32
      %add3A_373 = arith.addi %mul3A_371, %add3A_372 : i32
      %swap3A_374 = arith.index_cast %add3A_373 : i32 to index
      %swap3A_375 = arith.constant 96 : index
      %swap3A_376 = tpu.vector_load %arg8[%swap3A_374, %swap3A_375] {strides = array<i32>} : memref<640x128xf32, #tpu.memory_space<vmem>>, vector<16xf32>,
      tpu.vector_store %arg8[%swap3A_374, %swap3A_375], %broadcast_in_dim3A_327 {strides = array<i32>} : memref<640x128xf32, #tpu.memory_space<vmem>>, vector<16xf32>,
      %mul3A_377 = arith.constant 16 : i32
      %mul3A_378 = arith.muli %scan3A_29, %mul3A_377 : i32
      %add3A_379 = arith.constant 5 : i32
      %add3A_380 = arith.addi %mul3A_378, %add3A_379 : i32
      %swap3A_381 = arith.index_cast %add3A_380 : i32 to index
      %swap3A_382 = arith.constant 112 : index
      %swap3A_383 = tpu.vector_load %arg8[%swap3A_381, %swap3A_382] {strides = array<i32>} : memref<640x128xf32, #tpu.memory_space<vmem>>, vector<16xf32>,
      tpu.vector_store %arg8[%swap3A_381, %swap3A_382], %broadcast_in_dim3A_327 {strides = array<i32>} : memref<640x128xf32, #tpu.memory_space<vmem>>, vector<16xf32>,
      %slice3A_384 = vector.extract_strided_slice %get3A_32 {offsets = [6], sizes = [1], strides = [1]} : vector<16xf32> to vector<1xf32>
      %squeeze3A_385 = vector.extract %slice3A_384[0] : f32 from vector<1xf32>
      %broadcast_in_dim3A_386 = vector.broadcast %squeeze3A_385 : f32 to vector<16xf32>
      %mul3A_387 = arith.constant 16 : i32
      %mul3A_388 = arith.muli %scan3A_29, %mul3A_387 : i32
      %add3A_389 = arith.constant 6 : i32
      %add3A_390 = arith.addi %mul3A_388, %add3A_389 : i32
      %swap3A_391 = arith.index_cast %add3A_390 : i32 to index
      %swap3A_392 = arith.constant 0 : index
      %swap3A_393 = tpu.vector_load %arg8[%swap3A_391, %swap3A_392] {strides = array<i32>} : memref<640x128xf32, #tpu.memory_space<vmem>>, vector<16xf32>,
      tpu.vector_store %arg8[%swap3A_391, %swap3A_392], %broadcast_in_dim3A_386 {strides = array<i32>} : memref<640x128xf32, #tpu.memory_space<vmem>>, vector<16xf32>,
      %mul3A_394 = arith.constant 16 : i32
      %mul3A_395 = arith.muli %scan3A_29, %mul3A_394 : i32
      %add3A_396 = arith.constant 6 : i32
      %add3A_397 = arith.addi %mul3A_395, %add3A_396 : i32
      %swap3A_398 = arith.index_cast %add3A_397 : i32 to index
      %swap3A_399 = arith.constant 16 : index
      %swap3A_400 = tpu.vector_load %arg8[%swap3A_398, %swap3A_399] {strides = array<i32>} : memref<640x128xf32, #tpu.memory_space<vmem>>, vector<16xf32>,
      tpu.vector_store %arg8[%swap3A_398, %swap3A_399], %broadcast_in_dim3A_386 {strides = array<i32>} : memref<640x128xf32, #tpu.memory_space<vmem>>, vector<16xf32>,
      %mul3A_401 = arith.constant 16 : i32
      %mul3A_402 = arith.muli %scan3A_29, %mul3A_401 : i32
      %add3A_403 = arith.constant 6 : i32
      %add3A_404 = arith.addi %mul3A_402, %add3A_403 : i32
      %swap3A_405 = arith.index_cast %add3A_404 : i32 to index
      %swap3A_406 = arith.constant 32 : index
      %swap3A_407 = tpu.vector_load %arg8[%swap3A_405, %swap3A_406] {strides = array<i32>} : memref<640x128xf32, #tpu.memory_space<vmem>>, vector<16xf32>,
      tpu.vector_store %arg8[%swap3A_405, %swap3A_406], %broadcast_in_dim3A_386 {strides = array<i32>} : memref<640x128xf32, #tpu.memory_space<vmem>>, vector<16xf32>,
      %mul3A_408 = arith.constant 16 : i32
      %mul3A_409 = arith.muli %scan3A_29, %mul3A_408 : i32
      %add3A_410 = arith.constant 6 : i32
      %add3A_411 = arith.addi %mul3A_409, %add3A_410 : i32
      %swap3A_412 = arith.index_cast %add3A_411 : i32 to index
      %swap3A_413 = arith.constant 48 : index
      %swap3A_414 = tpu.vector_load %arg8[%swap3A_412, %swap3A_413] {strides = array<i32>} : memref<640x128xf32, #tpu.memory_space<vmem>>, vector<16xf32>,
      tpu.vector_store %arg8[%swap3A_412, %swap3A_413], %broadcast_in_dim3A_386 {strides = array<i32>} : memref<640x128xf32, #tpu.memory_space<vmem>>, vector<16xf32>,
      %mul3A_415 = arith.constant 16 : i32
      %mul3A_416 = arith.muli %scan3A_29, %mul3A_415 : i32
      %add3A_417 = arith.constant 6 : i32
      %add3A_418 = arith.addi %mul3A_416, %add3A_417 : i32
      %swap3A_419 = arith.index_cast %add3A_418 : i32 to index
      %swap3A_420 = arith.constant 64 : index
      %swap3A_421 = tpu.vector_load %arg8[%swap3A_419, %swap3A_420] {strides = array<i32>} : memref<640x128xf32, #tpu.memory_space<vmem>>, vector<16xf32>,
      tpu.vector_store %arg8[%swap3A_419, %swap3A_420], %broadcast_in_dim3A_386 {strides = array<i32>} : memref<640x128xf32, #tpu.memory_space<vmem>>, vector<16xf32>,
      %mul3A_422 = arith.constant 16 : i32
      %mul3A_423 = arith.muli %scan3A_29, %mul3A_422 : i32
      %add3A_424 = arith.constant 6 : i32
      %add3A_425 = arith.addi %mul3A_423, %add3A_424 : i32
      %swap3A_426 = arith.index_cast %add3A_425 : i32 to index
      %swap3A_427 = arith.constant 80 : index
      %swap3A_428 = tpu.vector_load %arg8[%swap3A_426, %swap3A_427] {strides = array<i32>} : memref<640x128xf32, #tpu.memory_space<vmem>>, vector<16xf32>,
      tpu.vector_store %arg8[%swap3A_426, %swap3A_427], %broadcast_in_dim3A_386 {strides = array<i32>} : memref<640x128xf32, #tpu.memory_space<vmem>>, vector<16xf32>,
      %mul3A_429 = arith.constant 16 : i32
      %mul3A_430 = arith.muli %scan3A_29, %mul3A_429 : i32
      %add3A_431 = arith.constant 6 : i32
      %add3A_432 = arith.addi %mul3A_430, %add3A_431 : i32
      %swap3A_433 = arith.index_cast %add3A_432 : i32 to index
      %swap3A_434 = arith.constant 96 : index
      %swap3A_435 = tpu.vector_load %arg8[%swap3A_433, %swap3A_434] {strides = array<i32>} : memref<640x128xf32, #tpu.memory_space<vmem>>, vector<16xf32>,
      tpu.vector_store %arg8[%swap3A_433, %swap3A_434], %broadcast_in_dim3A_386 {strides = array<i32>} : memref<640x128xf32, #tpu.memory_space<vmem>>, vector<16xf32>,
      %mul3A_436 = arith.constant 16 : i32
      %mul3A_437 = arith.muli %scan3A_29, %mul3A_436 : i32
      %add3A_438 = arith.constant 6 : i32
      %add3A_439 = arith.addi %mul3A_437, %add3A_438 : i32
      %swap3A_440 = arith.index_cast %add3A_439 : i32 to index
      %swap3A_441 = arith.constant 112 : index
      %swap3A_442 = tpu.vector_load %arg8[%swap3A_440, %swap3A_441] {strides = array<i32>} : memref<640x128xf32, #tpu.memory_space<vmem>>, vector<16xf32>,
      tpu.vector_store %arg8[%swap3A_440, %swap3A_441], %broadcast_in_dim3A_386 {strides = array<i32>} : memref<640x128xf32, #tpu.memory_space<vmem>>, vector<16xf32>,
      %slice3A_443 = vector.extract_strided_slice %get3A_32 {offsets = [7], sizes = [1], strides = [1]} : vector<16xf32> to vector<1xf32>
      %squeeze3A_444 = vector.extract %slice3A_443[0] : f32 from vector<1xf32>
      %broadcast_in_dim3A_445 = vector.broadcast %squeeze3A_444 : f32 to vector<16xf32>
      %mul3A_446 = arith.constant 16 : i32
      %mul3A_447 = arith.muli %scan3A_29, %mul3A_446 : i32
      %add3A_448 = arith.constant 7 : i32
      %add3A_449 = arith.addi %mul3A_447, %add3A_448 : i32
      %swap3A_450 = arith.index_cast %add3A_449 : i32 to index
      %swap3A_451 = arith.constant 0 : index
      %swap3A_452 = tpu.vector_load %arg8[%swap3A_450, %swap3A_451] {strides = array<i32>} : memref<640x128xf32, #tpu.memory_space<vmem>>, vector<16xf32>,
      tpu.vector_store %arg8[%swap3A_450, %swap3A_451], %broadcast_in_dim3A_445 {strides = array<i32>} : memref<640x128xf32, #tpu.memory_space<vmem>>, vector<16xf32>,
      %mul3A_453 = arith.constant 16 : i32
      %mul3A_454 = arith.muli %scan3A_29, %mul3A_453 : i32
      %add3A_455 = arith.constant 7 : i32
      %add3A_456 = arith.addi %mul3A_454, %add3A_455 : i32
      %swap3A_457 = arith.index_cast %add3A_456 : i32 to index
      %swap3A_458 = arith.constant 16 : index
      %swap3A_459 = tpu.vector_load %arg8[%swap3A_457, %swap3A_458] {strides = array<i32>} : memref<640x128xf32, #tpu.memory_space<vmem>>, vector<16xf32>,
      tpu.vector_store %arg8[%swap3A_457, %swap3A_458], %broadcast_in_dim3A_445 {strides = array<i32>} : memref<640x128xf32, #tpu.memory_space<vmem>>, vector<16xf32>,
      %mul3A_460 = arith.constant 16 : i32
      %mul3A_461 = arith.muli %scan3A_29, %mul3A_460 : i32
      %add3A_462 = arith.constant 7 : i32
      %add3A_463 = arith.addi %mul3A_461, %add3A_462 : i32
      %swap3A_464 = arith.index_cast %add3A_463 : i32 to index
      %swap3A_465 = arith.constant 32 : index
      %swap3A_466 = tpu.vector_load %arg8[%swap3A_464, %swap3A_465] {strides = array<i32>} : memref<640x128xf32, #tpu.memory_space<vmem>>, vector<16xf32>,
      tpu.vector_store %arg8[%swap3A_464, %swap3A_465], %broadcast_in_dim3A_445 {strides = array<i32>} : memref<640x128xf32, #tpu.memory_space<vmem>>, vector<16xf32>,
      %mul3A_467 = arith.constant 16 : i32
      %mul3A_468 = arith.muli %scan3A_29, %mul3A_467 : i32
      %add3A_469 = arith.constant 7 : i32
      %add3A_470 = arith.addi %mul3A_468, %add3A_469 : i32
      %swap3A_471 = arith.index_cast %add3A_470 : i32 to index
      %swap3A_472 = arith.constant 48 : index
      %swap3A_473 = tpu.vector_load %arg8[%swap3A_471, %swap3A_472] {strides = array<i32>} : memref<640x128xf32, #tpu.memory_space<vmem>>, vector<16xf32>,
      tpu.vector_store %arg8[%swap3A_471, %swap3A_472], %broadcast_in_dim3A_445 {strides = array<i32>} : memref<640x128xf32, #tpu.memory_space<vmem>>, vector<16xf32>,
      %mul3A_474 = arith.constant 16 : i32
      %mul3A_475 = arith.muli %scan3A_29, %mul3A_474 : i32
      %add3A_476 = arith.constant 7 : i32
      %add3A_477 = arith.addi %mul3A_475, %add3A_476 : i32
      %swap3A_478 = arith.index_cast %add3A_477 : i32 to index
      %swap3A_479 = arith.constant 64 : index
      %swap3A_480 = tpu.vector_load %arg8[%swap3A_478, %swap3A_479] {strides = array<i32>} : memref<640x128xf32, #tpu.memory_space<vmem>>, vector<16xf32>,
      tpu.vector_store %arg8[%swap3A_478, %swap3A_479], %broadcast_in_dim3A_445 {strides = array<i32>} : memref<640x128xf32, #tpu.memory_space<vmem>>, vector<16xf32>,
      %mul3A_481 = arith.constant 16 : i32
      %mul3A_482 = arith.muli %scan3A_29, %mul3A_481 : i32
      %add3A_483 = arith.constant 7 : i32
      %add3A_484 = arith.addi %mul3A_482, %add3A_483 : i32
      %swap3A_485 = arith.index_cast %add3A_484 : i32 to index
      %swap3A_486 = arith.constant 80 : index
      %swap3A_487 = tpu.vector_load %arg8[%swap3A_485, %swap3A_486] {strides = array<i32>} : memref<640x128xf32, #tpu.memory_space<vmem>>, vector<16xf32>,
      tpu.vector_store %arg8[%swap3A_485, %swap3A_486], %broadcast_in_dim3A_445 {strides = array<i32>} : memref<640x128xf32, #tpu.memory_space<vmem>>, vector<16xf32>,
      %mul3A_488 = arith.constant 16 : i32
      %mul3A_489 = arith.muli %scan3A_29, %mul3A_488 : i32
      %add3A_490 = arith.constant 7 : i32
      %add3A_491 = arith.addi %mul3A_489, %add3A_490 : i32
      %swap3A_492 = arith.index_cast %add3A_491 : i32 to index
      %swap3A_493 = arith.constant 96 : index
      %swap3A_494 = tpu.vector_load %arg8[%swap3A_492, %swap3A_493] {strides = array<i32>} : memref<640x128xf32, #tpu.memory_space<vmem>>, vector<16xf32>,
      tpu.vector_store %arg8[%swap3A_492, %swap3A_493], %broadcast_in_dim3A_445 {strides = array<i32>} : memref<640x128xf32, #tpu.memory_space<vmem>>, vector<16xf32>,
      %mul3A_495 = arith.constant 16 : i32
      %mul3A_496 = arith.muli %scan3A_29, %mul3A_495 : i32
      %add3A_497 = arith.constant 7 : i32
      %add3A_498 = arith.addi %mul3A_496, %add3A_497 : i32
      %swap3A_499 = arith.index_cast %add3A_498 : i32 to index
      %swap3A_500 = arith.constant 112 : index
      %swap3A_501 = tpu.vector_load %arg8[%swap3A_499, %swap3A_500] {strides = array<i32>} : memref<640x128xf32, #tpu.memory_space<vmem>>, vector<16xf32>,
      tpu.vector_store %arg8[%swap3A_499, %swap3A_500], %broadcast_in_dim3A_445 {strides = array<i32>} : memref<640x128xf32, #tpu.memory_space<vmem>>, vector<16xf32>,
      %slice3A_502 = vector.extract_strided_slice %get3A_32 {offsets = [8], sizes = [1], strides = [1]} : vector<16xf32> to vector<1xf32>
      %squeeze3A_503 = vector.extract %slice3A_502[0] : f32 from vector<1xf32>
      %broadcast_in_dim3A_504 = vector.broadcast %squeeze3A_503 : f32 to vector<16xf32>
      %mul3A_505 = arith.constant 16 : i32
      %mul3A_506 = arith.muli %scan3A_29, %mul3A_505 : i32
      %add3A_507 = arith.constant 8 : i32
      %add3A_508 = arith.addi %mul3A_506, %add3A_507 : i32
      %swap3A_509 = arith.index_cast %add3A_508 : i32 to index
      %swap3A_510 = arith.constant 0 : index
      %swap3A_511 = tpu.vector_load %arg8[%swap3A_509, %swap3A_510] {strides = array<i32>} : memref<640x128xf32, #tpu.memory_space<vmem>>, vector<16xf32>,
      tpu.vector_store %arg8[%swap3A_509, %swap3A_510], %broadcast_in_dim3A_504 {strides = array<i32>} : memref<640x128xf32, #tpu.memory_space<vmem>>, vector<16xf32>,
      %mul3A_512 = arith.constant 16 : i32
      %mul3A_513 = arith.muli %scan3A_29, %mul3A_512 : i32
      %add3A_514 = arith.constant 8 : i32
      %add3A_515 = arith.addi %mul3A_513, %add3A_514 : i32
      %swap3A_516 = arith.index_cast %add3A_515 : i32 to index
      %swap3A_517 = arith.constant 16 : index
      %swap3A_518 = tpu.vector_load %arg8[%swap3A_516, %swap3A_517] {strides = array<i32>} : memref<640x128xf32, #tpu.memory_space<vmem>>, vector<16xf32>,
      tpu.vector_store %arg8[%swap3A_516, %swap3A_517], %broadcast_in_dim3A_504 {strides = array<i32>} : memref<640x128xf32, #tpu.memory_space<vmem>>, vector<16xf32>,
      %mul3A_519 = arith.constant 16 : i32
      %mul3A_520 = arith.muli %scan3A_29, %mul3A_519 : i32
      %add3A_521 = arith.constant 8 : i32
      %add3A_522 = arith.addi %mul3A_520, %add3A_521 : i32
      %swap3A_523 = arith.index_cast %add3A_522 : i32 to index
      %swap3A_524 = arith.constant 32 : index
      %swap3A_525 = tpu.vector_load %arg8[%swap3A_523, %swap3A_524] {strides = array<i32>} : memref<640x128xf32, #tpu.memory_space<vmem>>, vector<16xf32>,
      tpu.vector_store %arg8[%swap3A_523, %swap3A_524], %broadcast_in_dim3A_504 {strides = array<i32>} : memref<640x128xf32, #tpu.memory_space<vmem>>, vector<16xf32>,
      %mul3A_526 = arith.constant 16 : i32
      %mul3A_527 = arith.muli %scan3A_29, %mul3A_526 : i32
      %add3A_528 = arith.constant 8 : i32
      %add3A_529 = arith.addi %mul3A_527, %add3A_528 : i32
      %swap3A_530 = arith.index_cast %add3A_529 : i32 to index
      %swap3A_531 = arith.constant 48 : index
      %swap3A_532 = tpu.vector_load %arg8[%swap3A_530, %swap3A_531] {strides = array<i32>} : memref<640x128xf32, #tpu.memory_space<vmem>>, vector<16xf32>,
      tpu.vector_store %arg8[%swap3A_530, %swap3A_531], %broadcast_in_dim3A_504 {strides = array<i32>} : memref<640x128xf32, #tpu.memory_space<vmem>>, vector<16xf32>,
      %mul3A_533 = arith.constant 16 : i32
      %mul3A_534 = arith.muli %scan3A_29, %mul3A_533 : i32
      %add3A_535 = arith.constant 8 : i32
      %add3A_536 = arith.addi %mul3A_534, %add3A_535 : i32
      %swap3A_537 = arith.index_cast %add3A_536 : i32 to index
      %swap3A_538 = arith.constant 64 : index
      %swap3A_539 = tpu.vector_load %arg8[%swap3A_537, %swap3A_538] {strides = array<i32>} : memref<640x128xf32, #tpu.memory_space<vmem>>, vector<16xf32>,
      tpu.vector_store %arg8[%swap3A_537, %swap3A_538], %broadcast_in_dim3A_504 {strides = array<i32>} : memref<640x128xf32, #tpu.memory_space<vmem>>, vector<16xf32>,
      %mul3A_540 = arith.constant 16 : i32
      %mul3A_541 = arith.muli %scan3A_29, %mul3A_540 : i32
      %add3A_542 = arith.constant 8 : i32
      %add3A_543 = arith.addi %mul3A_541, %add3A_542 : i32
      %swap3A_544 = arith.index_cast %add3A_543 : i32 to index
      %swap3A_545 = arith.constant 80 : index
      %swap3A_546 = tpu.vector_load %arg8[%swap3A_544, %swap3A_545] {strides = array<i32>} : memref<640x128xf32, #tpu.memory_space<vmem>>, vector<16xf32>,
      tpu.vector_store %arg8[%swap3A_544, %swap3A_545], %broadcast_in_dim3A_504 {strides = array<i32>} : memref<640x128xf32, #tpu.memory_space<vmem>>, vector<16xf32>,
      %mul3A_547 = arith.constant 16 : i32
      %mul3A_548 = arith.muli %scan3A_29, %mul3A_547 : i32
      %add3A_549 = arith.constant 8 : i32
      %add3A_550 = arith.addi %mul3A_548, %add3A_549 : i32
      %swap3A_551 = arith.index_cast %add3A_550 : i32 to index
      %swap3A_552 = arith.constant 96 : index
      %swap3A_553 = tpu.vector_load %arg8[%swap3A_551, %swap3A_552] {strides = array<i32>} : memref<640x128xf32, #tpu.memory_space<vmem>>, vector<16xf32>,
      tpu.vector_store %arg8[%swap3A_551, %swap3A_552], %broadcast_in_dim3A_504 {strides = array<i32>} : memref<640x128xf32, #tpu.memory_space<vmem>>, vector<16xf32>,
      %mul3A_554 = arith.constant 16 : i32
      %mul3A_555 = arith.muli %scan3A_29, %mul3A_554 : i32
      %add3A_556 = arith.constant 8 : i32
      %add3A_557 = arith.addi %mul3A_555, %add3A_556 : i32
      %swap3A_558 = arith.index_cast %add3A_557 : i32 to index
      %swap3A_559 = arith.constant 112 : index
      %swap3A_560 = tpu.vector_load %arg8[%swap3A_558, %swap3A_559] {strides = array<i32>} : memref<640x128xf32, #tpu.memory_space<vmem>>, vector<16xf32>,
      tpu.vector_store %arg8[%swap3A_558, %swap3A_559], %broadcast_in_dim3A_504 {strides = array<i32>} : memref<640x128xf32, #tpu.memory_space<vmem>>, vector<16xf32>,
      %slice3A_561 = vector.extract_strided_slice %get3A_32 {offsets = [9], sizes = [1], strides = [1]} : vector<16xf32> to vector<1xf32>
      %squeeze3A_562 = vector.extract %slice3A_561[0] : f32 from vector<1xf32>
      %broadcast_in_dim3A_563 = vector.broadcast %squeeze3A_562 : f32 to vector<16xf32>
      %mul3A_564 = arith.constant 16 : i32
      %mul3A_565 = arith.muli %scan3A_29, %mul3A_564 : i32
      %add3A_566 = arith.constant 9 : i32
      %add3A_567 = arith.addi %mul3A_565, %add3A_566 : i32
      %swap3A_568 = arith.index_cast %add3A_567 : i32 to index
      %swap3A_569 = arith.constant 0 : index
      %swap3A_570 = tpu.vector_load %arg8[%swap3A_568, %swap3A_569] {strides = array<i32>} : memref<640x128xf32, #tpu.memory_space<vmem>>, vector<16xf32>,
      tpu.vector_store %arg8[%swap3A_568, %swap3A_569], %broadcast_in_dim3A_563 {strides = array<i32>} : memref<640x128xf32, #tpu.memory_space<vmem>>, vector<16xf32>,
      %mul3A_571 = arith.constant 16 : i32
      %mul3A_572 = arith.muli %scan3A_29, %mul3A_571 : i32
      %add3A_573 = arith.constant 9 : i32
      %add3A_574 = arith.addi %mul3A_572, %add3A_573 : i32
      %swap3A_575 = arith.index_cast %add3A_574 : i32 to index
      %swap3A_576 = arith.constant 16 : index
      %swap3A_577 = tpu.vector_load %arg8[%swap3A_575, %swap3A_576] {strides = array<i32>} : memref<640x128xf32, #tpu.memory_space<vmem>>, vector<16xf32>,
      tpu.vector_store %arg8[%swap3A_575, %swap3A_576], %broadcast_in_dim3A_563 {strides = array<i32>} : memref<640x128xf32, #tpu.memory_space<vmem>>, vector<16xf32>,
      %mul3A_578 = arith.constant 16 : i32
      %mul3A_579 = arith.muli %scan3A_29, %mul3A_578 : i32
      %add3A_580 = arith.constant 9 : i32
      %add3A_581 = arith.addi %mul3A_579, %add3A_580 : i32
      %swap3A_582 = arith.index_cast %add3A_581 : i32 to index
      %swap3A_583 = arith.constant 32 : index
      %swap3A_584 = tpu.vector_load %arg8[%swap3A_582, %swap3A_583] {strides = array<i32>} : memref<640x128xf32, #tpu.memory_space<vmem>>, vector<16xf32>,
      tpu.vector_store %arg8[%swap3A_582, %swap3A_583], %broadcast_in_dim3A_563 {strides = array<i32>} : memref<640x128xf32, #tpu.memory_space<vmem>>, vector<16xf32>,
      %mul3A_585 = arith.constant 16 : i32
      %mul3A_586 = arith.muli %scan3A_29, %mul3A_585 : i32
      %add3A_587 = arith.constant 9 : i32
      %add3A_588 = arith.addi %mul3A_586, %add3A_587 : i32
      %swap3A_589 = arith.index_cast %add3A_588 : i32 to index
      %swap3A_590 = arith.constant 48 : index
      %swap3A_591 = tpu.vector_load %arg8[%swap3A_589, %swap3A_590] {strides = array<i32>} : memref<640x128xf32, #tpu.memory_space<vmem>>, vector<16xf32>,
      tpu.vector_store %arg8[%swap3A_589, %swap3A_590], %broadcast_in_dim3A_563 {strides = array<i32>} : memref<640x128xf32, #tpu.memory_space<vmem>>, vector<16xf32>,
      %mul3A_592 = arith.constant 16 : i32
      %mul3A_593 = arith.muli %scan3A_29, %mul3A_592 : i32
      %add3A_594 = arith.constant 9 : i32
      %add3A_595 = arith.addi %mul3A_593, %add3A_594 : i32
      %swap3A_596 = arith.index_cast %add3A_595 : i32 to index
      %swap3A_597 = arith.constant 64 : index
      %swap3A_598 = tpu.vector_load %arg8[%swap3A_596, %swap3A_597] {strides = array<i32>} : memref<640x128xf32, #tpu.memory_space<vmem>>, vector<16xf32>,
      tpu.vector_store %arg8[%swap3A_596, %swap3A_597], %broadcast_in_dim3A_563 {strides = array<i32>} : memref<640x128xf32, #tpu.memory_space<vmem>>, vector<16xf32>,
      %mul3A_599 = arith.constant 16 : i32
      %mul3A_600 = arith.muli %scan3A_29, %mul3A_599 : i32
      %add3A_601 = arith.constant 9 : i32
      %add3A_602 = arith.addi %mul3A_600, %add3A_601 : i32
      %swap3A_603 = arith.index_cast %add3A_602 : i32 to index
      %swap3A_604 = arith.constant 80 : index
      %swap3A_605 = tpu.vector_load %arg8[%swap3A_603, %swap3A_604] {strides = array<i32>} : memref<640x128xf32, #tpu.memory_space<vmem>>, vector<16xf32>,
      tpu.vector_store %arg8[%swap3A_603, %swap3A_604], %broadcast_in_dim3A_563 {strides = array<i32>} : memref<640x128xf32, #tpu.memory_space<vmem>>, vector<16xf32>,
      %mul3A_606 = arith.constant 16 : i32
      %mul3A_607 = arith.muli %scan3A_29, %mul3A_606 : i32
      %add3A_608 = arith.constant 9 : i32
      %add3A_609 = arith.addi %mul3A_607, %add3A_608 : i32
      %swap3A_610 = arith.index_cast %add3A_609 : i32 to index
      %swap3A_611 = arith.constant 96 : index
      %swap3A_612 = tpu.vector_load %arg8[%swap3A_610, %swap3A_611] {strides = array<i32>} : memref<640x128xf32, #tpu.memory_space<vmem>>, vector<16xf32>,
      tpu.vector_store %arg8[%swap3A_610, %swap3A_611], %broadcast_in_dim3A_563 {strides = array<i32>} : memref<640x128xf32, #tpu.memory_space<vmem>>, vector<16xf32>,
      %mul3A_613 = arith.constant 16 : i32
      %mul3A_614 = arith.muli %scan3A_29, %mul3A_613 : i32
      %add3A_615 = arith.constant 9 : i32
      %add3A_616 = arith.addi %mul3A_614, %add3A_615 : i32
      %swap3A_617 = arith.index_cast %add3A_616 : i32 to index
      %swap3A_618 = arith.constant 112 : index
      %swap3A_619 = tpu.vector_load %arg8[%swap3A_617, %swap3A_618] {strides = array<i32>} : memref<640x128xf32, #tpu.memory_space<vmem>>, vector<16xf32>,
      tpu.vector_store %arg8[%swap3A_617, %swap3A_618], %broadcast_in_dim3A_563 {strides = array<i32>} : memref<640x128xf32, #tpu.memory_space<vmem>>, vector<16xf32>,
      %slice3A_620 = vector.extract_strided_slice %get3A_32 {offsets = [10], sizes = [1], strides = [1]} : vector<16xf32> to vector<1xf32>
      %squeeze3A_621 = vector.extract %slice3A_620[0] : f32 from vector<1xf32>
      %broadcast_in_dim3A_622 = vector.broadcast %squeeze3A_621 : f32 to vector<16xf32>
      %mul3A_623 = arith.constant 16 : i32
      %mul3A_624 = arith.muli %scan3A_29, %mul3A_623 : i32
      %add3A_625 = arith.constant 10 : i32
      %add3A_626 = arith.addi %mul3A_624, %add3A_625 : i32
      %swap3A_627 = arith.index_cast %add3A_626 : i32 to index
      %swap3A_628 = arith.constant 0 : index
      %swap3A_629 = tpu.vector_load %arg8[%swap3A_627, %swap3A_628] {strides = array<i32>} : memref<640x128xf32, #tpu.memory_space<vmem>>, vector<16xf32>,
      tpu.vector_store %arg8[%swap3A_627, %swap3A_628], %broadcast_in_dim3A_622 {strides = array<i32>} : memref<640x128xf32, #tpu.memory_space<vmem>>, vector<16xf32>,
      %mul3A_630 = arith.constant 16 : i32
      %mul3A_631 = arith.muli %scan3A_29, %mul3A_630 : i32
      %add3A_632 = arith.constant 10 : i32
      %add3A_633 = arith.addi %mul3A_631, %add3A_632 : i32
      %swap3A_634 = arith.index_cast %add3A_633 : i32 to index
      %swap3A_635 = arith.constant 16 : index
      %swap3A_636 = tpu.vector_load %arg8[%swap3A_634, %swap3A_635] {strides = array<i32>} : memref<640x128xf32, #tpu.memory_space<vmem>>, vector<16xf32>,
      tpu.vector_store %arg8[%swap3A_634, %swap3A_635], %broadcast_in_dim3A_622 {strides = array<i32>} : memref<640x128xf32, #tpu.memory_space<vmem>>, vector<16xf32>,
      %mul3A_637 = arith.constant 16 : i32
      %mul3A_638 = arith.muli %scan3A_29, %mul3A_637 : i32
      %add3A_639 = arith.constant 10 : i32
      %add3A_640 = arith.addi %mul3A_638, %add3A_639 : i32
      %swap3A_641 = arith.index_cast %add3A_640 : i32 to index
      %swap3A_642 = arith.constant 32 : index
      %swap3A_643 = tpu.vector_load %arg8[%swap3A_641, %swap3A_642] {strides = array<i32>} : memref<640x128xf32, #tpu.memory_space<vmem>>, vector<16xf32>,
      tpu.vector_store %arg8[%swap3A_641, %swap3A_642], %broadcast_in_dim3A_622 {strides = array<i32>} : memref<640x128xf32, #tpu.memory_space<vmem>>, vector<16xf32>,
      %mul3A_644 = arith.constant 16 : i32
      %mul3A_645 = arith.muli %scan3A_29, %mul3A_644 : i32
      %add3A_646 = arith.constant 10 : i32
      %add3A_647 = arith.addi %mul3A_645, %add3A_646 : i32
      %swap3A_648 = arith.index_cast %add3A_647 : i32 to index
      %swap3A_649 = arith.constant 48 : index
      %swap3A_650 = tpu.vector_load %arg8[%swap3A_648, %swap3A_649] {strides = array<i32>} : memref<640x128xf32, #tpu.memory_space<vmem>>, vector<16xf32>,
      tpu.vector_store %arg8[%swap3A_648, %swap3A_649], %broadcast_in_dim3A_622 {strides = array<i32>} : memref<640x128xf32, #tpu.memory_space<vmem>>, vector<16xf32>,
      %mul3A_651 = arith.constant 16 : i32
      %mul3A_652 = arith.muli %scan3A_29, %mul3A_651 : i32
      %add3A_653 = arith.constant 10 : i32
      %add3A_654 = arith.addi %mul3A_652, %add3A_653 : i32
      %swap3A_655 = arith.index_cast %add3A_654 : i32 to index
      %swap3A_656 = arith.constant 64 : index
      %swap3A_657 = tpu.vector_load %arg8[%swap3A_655, %swap3A_656] {strides = array<i32>} : memref<640x128xf32, #tpu.memory_space<vmem>>, vector<16xf32>,
      tpu.vector_store %arg8[%swap3A_655, %swap3A_656], %broadcast_in_dim3A_622 {strides = array<i32>} : memref<640x128xf32, #tpu.memory_space<vmem>>, vector<16xf32>,
      %mul3A_658 = arith.constant 16 : i32
      %mul3A_659 = arith.muli %scan3A_29, %mul3A_658 : i32
      %add3A_660 = arith.constant 10 : i32
      %add3A_661 = arith.addi %mul3A_659, %add3A_660 : i32
      %swap3A_662 = arith.index_cast %add3A_661 : i32 to index
      %swap3A_663 = arith.constant 80 : index
      %swap3A_664 = tpu.vector_load %arg8[%swap3A_662, %swap3A_663] {strides = array<i32>} : memref<640x128xf32, #tpu.memory_space<vmem>>, vector<16xf32>,
      tpu.vector_store %arg8[%swap3A_662, %swap3A_663], %broadcast_in_dim3A_622 {strides = array<i32>} : memref<640x128xf32, #tpu.memory_space<vmem>>, vector<16xf32>,
      %mul3A_665 = arith.constant 16 : i32
      %mul3A_666 = arith.muli %scan3A_29, %mul3A_665 : i32
      %add3A_667 = arith.constant 10 : i32
      %add3A_668 = arith.addi %mul3A_666, %add3A_667 : i32
      %swap3A_669 = arith.index_cast %add3A_668 : i32 to index
      %swap3A_670 = arith.constant 96 : index
      %swap3A_671 = tpu.vector_load %arg8[%swap3A_669, %swap3A_670] {strides = array<i32>} : memref<640x128xf32, #tpu.memory_space<vmem>>, vector<16xf32>,
      tpu.vector_store %arg8[%swap3A_669, %swap3A_670], %broadcast_in_dim3A_622 {strides = array<i32>} : memref<640x128xf32, #tpu.memory_space<vmem>>, vector<16xf32>,
      %mul3A_672 = arith.constant 16 : i32
      %mul3A_673 = arith.muli %scan3A_29, %mul3A_672 : i32
      %add3A_674 = arith.constant 10 : i32
      %add3A_675 = arith.addi %mul3A_673, %add3A_674 : i32
      %swap3A_676 = arith.index_cast %add3A_675 : i32 to index
      %swap3A_677 = arith.constant 112 : index
      %swap3A_678 = tpu.vector_load %arg8[%swap3A_676, %swap3A_677] {strides = array<i32>} : memref<640x128xf32, #tpu.memory_space<vmem>>, vector<16xf32>,
      tpu.vector_store %arg8[%swap3A_676, %swap3A_677], %broadcast_in_dim3A_622 {strides = array<i32>} : memref<640x128xf32, #tpu.memory_space<vmem>>, vector<16xf32>,
      %slice3A_679 = vector.extract_strided_slice %get3A_32 {offsets = [11], sizes = [1], strides = [1]} : vector<16xf32> to vector<1xf32>
      %squeeze3A_680 = vector.extract %slice3A_679[0] : f32 from vector<1xf32>
      %broadcast_in_dim3A_681 = vector.broadcast %squeeze3A_680 : f32 to vector<16xf32>
      %mul3A_682 = arith.constant 16 : i32
      %mul3A_683 = arith.muli %scan3A_29, %mul3A_682 : i32
      %add3A_684 = arith.constant 11 : i32
      %add3A_685 = arith.addi %mul3A_683, %add3A_684 : i32
      %swap3A_686 = arith.index_cast %add3A_685 : i32 to index
      %swap3A_687 = arith.constant 0 : index
      %swap3A_688 = tpu.vector_load %arg8[%swap3A_686, %swap3A_687] {strides = array<i32>} : memref<640x128xf32, #tpu.memory_space<vmem>>, vector<16xf32>,
      tpu.vector_store %arg8[%swap3A_686, %swap3A_687], %broadcast_in_dim3A_681 {strides = array<i32>} : memref<640x128xf32, #tpu.memory_space<vmem>>, vector<16xf32>,
      %mul3A_689 = arith.constant 16 : i32
      %mul3A_690 = arith.muli %scan3A_29, %mul3A_689 : i32
      %add3A_691 = arith.constant 11 : i32
      %add3A_692 = arith.addi %mul3A_690, %add3A_691 : i32
      %swap3A_693 = arith.index_cast %add3A_692 : i32 to index
      %swap3A_694 = arith.constant 16 : index
      %swap3A_695 = tpu.vector_load %arg8[%swap3A_693, %swap3A_694] {strides = array<i32>} : memref<640x128xf32, #tpu.memory_space<vmem>>, vector<16xf32>,
      tpu.vector_store %arg8[%swap3A_693, %swap3A_694], %broadcast_in_dim3A_681 {strides = array<i32>} : memref<640x128xf32, #tpu.memory_space<vmem>>, vector<16xf32>,
      %mul3A_696 = arith.constant 16 : i32
      %mul3A_697 = arith.muli %scan3A_29, %mul3A_696 : i32
      %add3A_698 = arith.constant 11 : i32
      %add3A_699 = arith.addi %mul3A_697, %add3A_698 : i32
      %swap3A_700 = arith.index_cast %add3A_699 : i32 to index
      %swap3A_701 = arith.constant 32 : index
      %swap3A_702 = tpu.vector_load %arg8[%swap3A_700, %swap3A_701] {strides = array<i32>} : memref<640x128xf32, #tpu.memory_space<vmem>>, vector<16xf32>,
      tpu.vector_store %arg8[%swap3A_700, %swap3A_701], %broadcast_in_dim3A_681 {strides = array<i32>} : memref<640x128xf32, #tpu.memory_space<vmem>>, vector<16xf32>,
      %mul3A_703 = arith.constant 16 : i32
      %mul3A_704 = arith.muli %scan3A_29, %mul3A_703 : i32
      %add3A_705 = arith.constant 11 : i32
      %add3A_706 = arith.addi %mul3A_704, %add3A_705 : i32
      %swap3A_707 = arith.index_cast %add3A_706 : i32 to index
      %swap3A_708 = arith.constant 48 : index
      %swap3A_709 = tpu.vector_load %arg8[%swap3A_707, %swap3A_708] {strides = array<i32>} : memref<640x128xf32, #tpu.memory_space<vmem>>, vector<16xf32>,
      tpu.vector_store %arg8[%swap3A_707, %swap3A_708], %broadcast_in_dim3A_681 {strides = array<i32>} : memref<640x128xf32, #tpu.memory_space<vmem>>, vector<16xf32>,
      %mul3A_710 = arith.constant 16 : i32
      %mul3A_711 = arith.muli %scan3A_29, %mul3A_710 : i32
      %add3A_712 = arith.constant 11 : i32
      %add3A_713 = arith.addi %mul3A_711, %add3A_712 : i32
      %swap3A_714 = arith.index_cast %add3A_713 : i32 to index
      %swap3A_715 = arith.constant 64 : index
      %swap3A_716 = tpu.vector_load %arg8[%swap3A_714, %swap3A_715] {strides = array<i32>} : memref<640x128xf32, #tpu.memory_space<vmem>>, vector<16xf32>,
      tpu.vector_store %arg8[%swap3A_714, %swap3A_715], %broadcast_in_dim3A_681 {strides = array<i32>} : memref<640x128xf32, #tpu.memory_space<vmem>>, vector<16xf32>,
      %mul3A_717 = arith.constant 16 : i32
      %mul3A_718 = arith.muli %scan3A_29, %mul3A_717 : i32
      %add3A_719 = arith.constant 11 : i32
      %add3A_720 = arith.addi %mul3A_718, %add3A_719 : i32
      %swap3A_721 = arith.index_cast %add3A_720 : i32 to index
      %swap3A_722 = arith.constant 80 : index
      %swap3A_723 = tpu.vector_load %arg8[%swap3A_721, %swap3A_722] {strides = array<i32>} : memref<640x128xf32, #tpu.memory_space<vmem>>, vector<16xf32>,
      tpu.vector_store %arg8[%swap3A_721, %swap3A_722], %broadcast_in_dim3A_681 {strides = array<i32>} : memref<640x128xf32, #tpu.memory_space<vmem>>, vector<16xf32>,
      %mul3A_724 = arith.constant 16 : i32
      %mul3A_725 = arith.muli %scan3A_29, %mul3A_724 : i32
      %add3A_726 = arith.constant 11 : i32
      %add3A_727 = arith.addi %mul3A_725, %add3A_726 : i32
      %swap3A_728 = arith.index_cast %add3A_727 : i32 to index
      %swap3A_729 = arith.constant 96 : index
      %swap3A_730 = tpu.vector_load %arg8[%swap3A_728, %swap3A_729] {strides = array<i32>} : memref<640x128xf32, #tpu.memory_space<vmem>>, vector<16xf32>,
      tpu.vector_store %arg8[%swap3A_728, %swap3A_729], %broadcast_in_dim3A_681 {strides = array<i32>} : memref<640x128xf32, #tpu.memory_space<vmem>>, vector<16xf32>,
      %mul3A_731 = arith.constant 16 : i32
      %mul3A_732 = arith.muli %scan3A_29, %mul3A_731 : i32
      %add3A_733 = arith.constant 11 : i32
      %add3A_734 = arith.addi %mul3A_732, %add3A_733 : i32
      %swap3A_735 = arith.index_cast %add3A_734 : i32 to index
      %swap3A_736 = arith.constant 112 : index
      %swap3A_737 = tpu.vector_load %arg8[%swap3A_735, %swap3A_736] {strides = array<i32>} : memref<640x128xf32, #tpu.memory_space<vmem>>, vector<16xf32>,
      tpu.vector_store %arg8[%swap3A_735, %swap3A_736], %broadcast_in_dim3A_681 {strides = array<i32>} : memref<640x128xf32, #tpu.memory_space<vmem>>, vector<16xf32>,
      %slice3A_738 = vector.extract_strided_slice %get3A_32 {offsets = [12], sizes = [1], strides = [1]} : vector<16xf32> to vector<1xf32>
      %squeeze3A_739 = vector.extract %slice3A_738[0] : f32 from vector<1xf32>
      %broadcast_in_dim3A_740 = vector.broadcast %squeeze3A_739 : f32 to vector<16xf32>
      %mul3A_741 = arith.constant 16 : i32
      %mul3A_742 = arith.muli %scan3A_29, %mul3A_741 : i32
      %add3A_743 = arith.constant 12 : i32
      %add3A_744 = arith.addi %mul3A_742, %add3A_743 : i32
      %swap3A_745 = arith.index_cast %add3A_744 : i32 to index
      %swap3A_746 = arith.constant 0 : index
      %swap3A_747 = tpu.vector_load %arg8[%swap3A_745, %swap3A_746] {strides = array<i32>} : memref<640x128xf32, #tpu.memory_space<vmem>>, vector<16xf32>,
      tpu.vector_store %arg8[%swap3A_745, %swap3A_746], %broadcast_in_dim3A_740 {strides = array<i32>} : memref<640x128xf32, #tpu.memory_space<vmem>>, vector<16xf32>,
      %mul3A_748 = arith.constant 16 : i32
      %mul3A_749 = arith.muli %scan3A_29, %mul3A_748 : i32
      %add3A_750 = arith.constant 12 : i32
      %add3A_751 = arith.addi %mul3A_749, %add3A_750 : i32
      %swap3A_752 = arith.index_cast %add3A_751 : i32 to index
      %swap3A_753 = arith.constant 16 : index
      %swap3A_754 = tpu.vector_load %arg8[%swap3A_752, %swap3A_753] {strides = array<i32>} : memref<640x128xf32, #tpu.memory_space<vmem>>, vector<16xf32>,
      tpu.vector_store %arg8[%swap3A_752, %swap3A_753], %broadcast_in_dim3A_740 {strides = array<i32>} : memref<640x128xf32, #tpu.memory_space<vmem>>, vector<16xf32>,
      %mul3A_755 = arith.constant 16 : i32
      %mul3A_756 = arith.muli %scan3A_29, %mul3A_755 : i32
      %add3A_757 = arith.constant 12 : i32
      %add3A_758 = arith.addi %mul3A_756, %add3A_757 : i32
      %swap3A_759 = arith.index_cast %add3A_758 : i32 to index
      %swap3A_760 = arith.constant 32 : index
      %swap3A_761 = tpu.vector_load %arg8[%swap3A_759, %swap3A_760] {strides = array<i32>} : memref<640x128xf32, #tpu.memory_space<vmem>>, vector<16xf32>,
      tpu.vector_store %arg8[%swap3A_759, %swap3A_760], %broadcast_in_dim3A_740 {strides = array<i32>} : memref<640x128xf32, #tpu.memory_space<vmem>>, vector<16xf32>,
      %mul3A_762 = arith.constant 16 : i32
      %mul3A_763 = arith.muli %scan3A_29, %mul3A_762 : i32
      %add3A_764 = arith.constant 12 : i32
      %add3A_765 = arith.addi %mul3A_763, %add3A_764 : i32
      %swap3A_766 = arith.index_cast %add3A_765 : i32 to index
      %swap3A_767 = arith.constant 48 : index
      %swap3A_768 = tpu.vector_load %arg8[%swap3A_766, %swap3A_767] {strides = array<i32>} : memref<640x128xf32, #tpu.memory_space<vmem>>, vector<16xf32>,
      tpu.vector_store %arg8[%swap3A_766, %swap3A_767], %broadcast_in_dim3A_740 {strides = array<i32>} : memref<640x128xf32, #tpu.memory_space<vmem>>, vector<16xf32>,
      %mul3A_769 = arith.constant 16 : i32
      %mul3A_770 = arith.muli %scan3A_29, %mul3A_769 : i32
      %add3A_771 = arith.constant 12 : i32
      %add3A_772 = arith.addi %mul3A_770, %add3A_771 : i32
      %swap3A_773 = arith.index_cast %add3A_772 : i32 to index
      %swap3A_774 = arith.constant 64 : index
      %swap3A_775 = tpu.vector_load %arg8[%swap3A_773, %swap3A_774] {strides = array<i32>} : memref<640x128xf32, #tpu.memory_space<vmem>>, vector<16xf32>,
      tpu.vector_store %arg8[%swap3A_773, %swap3A_774], %broadcast_in_dim3A_740 {strides = array<i32>} : memref<640x128xf32, #tpu.memory_space<vmem>>, vector<16xf32>,
      %mul3A_776 = arith.constant 16 : i32
      %mul3A_777 = arith.muli %scan3A_29, %mul3A_776 : i32
      %add3A_778 = arith.constant 12 : i32
      %add3A_779 = arith.addi %mul3A_777, %add3A_778 : i32
      %swap3A_780 = arith.index_cast %add3A_779 : i32 to index
      %swap3A_781 = arith.constant 80 : index
      %swap3A_782 = tpu.vector_load %arg8[%swap3A_780, %swap3A_781] {strides = array<i32>} : memref<640x128xf32, #tpu.memory_space<vmem>>, vector<16xf32>,
      tpu.vector_store %arg8[%swap3A_780, %swap3A_781], %broadcast_in_dim3A_740 {strides = array<i32>} : memref<640x128xf32, #tpu.memory_space<vmem>>, vector<16xf32>,
      %mul3A_783 = arith.constant 16 : i32
      %mul3A_784 = arith.muli %scan3A_29, %mul3A_783 : i32
      %add3A_785 = arith.constant 12 : i32
      %add3A_786 = arith.addi %mul3A_784, %add3A_785 : i32
      %swap3A_787 = arith.index_cast %add3A_786 : i32 to index
      %swap3A_788 = arith.constant 96 : index
      %swap3A_789 = tpu.vector_load %arg8[%swap3A_787, %swap3A_788] {strides = array<i32>} : memref<640x128xf32, #tpu.memory_space<vmem>>, vector<16xf32>,
      tpu.vector_store %arg8[%swap3A_787, %swap3A_788], %broadcast_in_dim3A_740 {strides = array<i32>} : memref<640x128xf32, #tpu.memory_space<vmem>>, vector<16xf32>,
      %mul3A_790 = arith.constant 16 : i32
      %mul3A_791 = arith.muli %scan3A_29, %mul3A_790 : i32
      %add3A_792 = arith.constant 12 : i32
      %add3A_793 = arith.addi %mul3A_791, %add3A_792 : i32
      %swap3A_794 = arith.index_cast %add3A_793 : i32 to index
      %swap3A_795 = arith.constant 112 : index
      %swap3A_796 = tpu.vector_load %arg8[%swap3A_794, %swap3A_795] {strides = array<i32>} : memref<640x128xf32, #tpu.memory_space<vmem>>, vector<16xf32>,
      tpu.vector_store %arg8[%swap3A_794, %swap3A_795], %broadcast_in_dim3A_740 {strides = array<i32>} : memref<640x128xf32, #tpu.memory_space<vmem>>, vector<16xf32>,
      %slice3A_797 = vector.extract_strided_slice %get3A_32 {offsets = [13], sizes = [1], strides = [1]} : vector<16xf32> to vector<1xf32>
      %squeeze3A_798 = vector.extract %slice3A_797[0] : f32 from vector<1xf32>
      %broadcast_in_dim3A_799 = vector.broadcast %squeeze3A_798 : f32 to vector<16xf32>
      %mul3A_800 = arith.constant 16 : i32
      %mul3A_801 = arith.muli %scan3A_29, %mul3A_800 : i32
      %add3A_802 = arith.constant 13 : i32
      %add3A_803 = arith.addi %mul3A_801, %add3A_802 : i32
      %swap3A_804 = arith.index_cast %add3A_803 : i32 to index
      %swap3A_805 = arith.constant 0 : index
      %swap3A_806 = tpu.vector_load %arg8[%swap3A_804, %swap3A_805] {strides = array<i32>} : memref<640x128xf32, #tpu.memory_space<vmem>>, vector<16xf32>,
      tpu.vector_store %arg8[%swap3A_804, %swap3A_805], %broadcast_in_dim3A_799 {strides = array<i32>} : memref<640x128xf32, #tpu.memory_space<vmem>>, vector<16xf32>,
      %mul3A_807 = arith.constant 16 : i32
      %mul3A_808 = arith.muli %scan3A_29, %mul3A_807 : i32
      %add3A_809 = arith.constant 13 : i32
      %add3A_810 = arith.addi %mul3A_808, %add3A_809 : i32
      %swap3A_811 = arith.index_cast %add3A_810 : i32 to index
      %swap3A_812 = arith.constant 16 : index
      %swap3A_813 = tpu.vector_load %arg8[%swap3A_811, %swap3A_812] {strides = array<i32>} : memref<640x128xf32, #tpu.memory_space<vmem>>, vector<16xf32>,
      tpu.vector_store %arg8[%swap3A_811, %swap3A_812], %broadcast_in_dim3A_799 {strides = array<i32>} : memref<640x128xf32, #tpu.memory_space<vmem>>, vector<16xf32>,
      %mul3A_814 = arith.constant 16 : i32
      %mul3A_815 = arith.muli %scan3A_29, %mul3A_814 : i32
      %add3A_816 = arith.constant 13 : i32
      %add3A_817 = arith.addi %mul3A_815, %add3A_816 : i32
      %swap3A_818 = arith.index_cast %add3A_817 : i32 to index
      %swap3A_819 = arith.constant 32 : index
      %swap3A_820 = tpu.vector_load %arg8[%swap3A_818, %swap3A_819] {strides = array<i32>} : memref<640x128xf32, #tpu.memory_space<vmem>>, vector<16xf32>,
      tpu.vector_store %arg8[%swap3A_818, %swap3A_819], %broadcast_in_dim3A_799 {strides = array<i32>} : memref<640x128xf32, #tpu.memory_space<vmem>>, vector<16xf32>,
      %mul3A_821 = arith.constant 16 : i32
      %mul3A_822 = arith.muli %scan3A_29, %mul3A_821 : i32
      %add3A_823 = arith.constant 13 : i32
      %add3A_824 = arith.addi %mul3A_822, %add3A_823 : i32
      %swap3A_825 = arith.index_cast %add3A_824 : i32 to index
      %swap3A_826 = arith.constant 48 : index
      %swap3A_827 = tpu.vector_load %arg8[%swap3A_825, %swap3A_826] {strides = array<i32>} : memref<640x128xf32, #tpu.memory_space<vmem>>, vector<16xf32>,
      tpu.vector_store %arg8[%swap3A_825, %swap3A_826], %broadcast_in_dim3A_799 {strides = array<i32>} : memref<640x128xf32, #tpu.memory_space<vmem>>, vector<16xf32>,
      %mul3A_828 = arith.constant 16 : i32
      %mul3A_829 = arith.muli %scan3A_29, %mul3A_828 : i32
      %add3A_830 = arith.constant 13 : i32
      %add3A_831 = arith.addi %mul3A_829, %add3A_830 : i32
      %swap3A_832 = arith.index_cast %add3A_831 : i32 to index
      %swap3A_833 = arith.constant 64 : index
      %swap3A_834 = tpu.vector_load %arg8[%swap3A_832, %swap3A_833] {strides = array<i32>} : memref<640x128xf32, #tpu.memory_space<vmem>>, vector<16xf32>,
      tpu.vector_store %arg8[%swap3A_832, %swap3A_833], %broadcast_in_dim3A_799 {strides = array<i32>} : memref<640x128xf32, #tpu.memory_space<vmem>>, vector<16xf32>,
      %mul3A_835 = arith.constant 16 : i32
      %mul3A_836 = arith.muli %scan3A_29, %mul3A_835 : i32
      %add3A_837 = arith.constant 13 : i32
      %add3A_838 = arith.addi %mul3A_836, %add3A_837 : i32
      %swap3A_839 = arith.index_cast %add3A_838 : i32 to index
      %swap3A_840 = arith.constant 80 : index
      %swap3A_841 = tpu.vector_load %arg8[%swap3A_839, %swap3A_840] {strides = array<i32>} : memref<640x128xf32, #tpu.memory_space<vmem>>, vector<16xf32>,
      tpu.vector_store %arg8[%swap3A_839, %swap3A_840], %broadcast_in_dim3A_799 {strides = array<i32>} : memref<640x128xf32, #tpu.memory_space<vmem>>, vector<16xf32>,
      %mul3A_842 = arith.constant 16 : i32
      %mul3A_843 = arith.muli %scan3A_29, %mul3A_842 : i32
      %add3A_844 = arith.constant 13 : i32
      %add3A_845 = arith.addi %mul3A_843, %add3A_844 : i32
      %swap3A_846 = arith.index_cast %add3A_845 : i32 to index
      %swap3A_847 = arith.constant 96 : index
      %swap3A_848 = tpu.vector_load %arg8[%swap3A_846, %swap3A_847] {strides = array<i32>} : memref<640x128xf32, #tpu.memory_space<vmem>>, vector<16xf32>,
      tpu.vector_store %arg8[%swap3A_846, %swap3A_847], %broadcast_in_dim3A_799 {strides = array<i32>} : memref<640x128xf32, #tpu.memory_space<vmem>>, vector<16xf32>,
      %mul3A_849 = arith.constant 16 : i32
      %mul3A_850 = arith.muli %scan3A_29, %mul3A_849 : i32
      %add3A_851 = arith.constant 13 : i32
      %add3A_852 = arith.addi %mul3A_850, %add3A_851 : i32
      %swap3A_853 = arith.index_cast %add3A_852 : i32 to index
      %swap3A_854 = arith.constant 112 : index
      %swap3A_855 = tpu.vector_load %arg8[%swap3A_853, %swap3A_854] {strides = array<i32>} : memref<640x128xf32, #tpu.memory_space<vmem>>, vector<16xf32>,
      tpu.vector_store %arg8[%swap3A_853, %swap3A_854], %broadcast_in_dim3A_799 {strides = array<i32>} : memref<640x128xf32, #tpu.memory_space<vmem>>, vector<16xf32>,
      %slice3A_856 = vector.extract_strided_slice %get3A_32 {offsets = [14], sizes = [1], strides = [1]} : vector<16xf32> to vector<1xf32>
      %squeeze3A_857 = vector.extract %slice3A_856[0] : f32 from vector<1xf32>
      %broadcast_in_dim3A_858 = vector.broadcast %squeeze3A_857 : f32 to vector<16xf32>
      %mul3A_859 = arith.constant 16 : i32
      %mul3A_860 = arith.muli %scan3A_29, %mul3A_859 : i32
      %add3A_861 = arith.constant 14 : i32
      %add3A_862 = arith.addi %mul3A_860, %add3A_861 : i32
      %swap3A_863 = arith.index_cast %add3A_862 : i32 to index
      %swap3A_864 = arith.constant 0 : index
      %swap3A_865 = tpu.vector_load %arg8[%swap3A_863, %swap3A_864] {strides = array<i32>} : memref<640x128xf32, #tpu.memory_space<vmem>>, vector<16xf32>,
      tpu.vector_store %arg8[%swap3A_863, %swap3A_864], %broadcast_in_dim3A_858 {strides = array<i32>} : memref<640x128xf32, #tpu.memory_space<vmem>>, vector<16xf32>,
      %mul3A_866 = arith.constant 16 : i32
      %mul3A_867 = arith.muli %scan3A_29, %mul3A_866 : i32
      %add3A_868 = arith.constant 14 : i32
      %add3A_869 = arith.addi %mul3A_867, %add3A_868 : i32
      %swap3A_870 = arith.index_cast %add3A_869 : i32 to index
      %swap3A_871 = arith.constant 16 : index
      %swap3A_872 = tpu.vector_load %arg8[%swap3A_870, %swap3A_871] {strides = array<i32>} : memref<640x128xf32, #tpu.memory_space<vmem>>, vector<16xf32>,
      tpu.vector_store %arg8[%swap3A_870, %swap3A_871], %broadcast_in_dim3A_858 {strides = array<i32>} : memref<640x128xf32, #tpu.memory_space<vmem>>, vector<16xf32>,
      %mul3A_873 = arith.constant 16 : i32
      %mul3A_874 = arith.muli %scan3A_29, %mul3A_873 : i32
      %add3A_875 = arith.constant 14 : i32
      %add3A_876 = arith.addi %mul3A_874, %add3A_875 : i32
      %swap3A_877 = arith.index_cast %add3A_876 : i32 to index
      %swap3A_878 = arith.constant 32 : index
      %swap3A_879 = tpu.vector_load %arg8[%swap3A_877, %swap3A_878] {strides = array<i32>} : memref<640x128xf32, #tpu.memory_space<vmem>>, vector<16xf32>,
      tpu.vector_store %arg8[%swap3A_877, %swap3A_878], %broadcast_in_dim3A_858 {strides = array<i32>} : memref<640x128xf32, #tpu.memory_space<vmem>>, vector<16xf32>,
      %mul3A_880 = arith.constant 16 : i32
      %mul3A_881 = arith.muli %scan3A_29, %mul3A_880 : i32
      %add3A_882 = arith.constant 14 : i32
      %add3A_883 = arith.addi %mul3A_881, %add3A_882 : i32
      %swap3A_884 = arith.index_cast %add3A_883 : i32 to index
      %swap3A_885 = arith.constant 48 : index
      %swap3A_886 = tpu.vector_load %arg8[%swap3A_884, %swap3A_885] {strides = array<i32>} : memref<640x128xf32, #tpu.memory_space<vmem>>, vector<16xf32>,
      tpu.vector_store %arg8[%swap3A_884, %swap3A_885], %broadcast_in_dim3A_858 {strides = array<i32>} : memref<640x128xf32, #tpu.memory_space<vmem>>, vector<16xf32>,
      %mul3A_887 = arith.constant 16 : i32
      %mul3A_888 = arith.muli %scan3A_29, %mul3A_887 : i32
      %add3A_889 = arith.constant 14 : i32
      %add3A_890 = arith.addi %mul3A_888, %add3A_889 : i32
      %swap3A_891 = arith.index_cast %add3A_890 : i32 to index
      %swap3A_892 = arith.constant 64 : index
      %swap3A_893 = tpu.vector_load %arg8[%swap3A_891, %swap3A_892] {strides = array<i32>} : memref<640x128xf32, #tpu.memory_space<vmem>>, vector<16xf32>,
      tpu.vector_store %arg8[%swap3A_891, %swap3A_892], %broadcast_in_dim3A_858 {strides = array<i32>} : memref<640x128xf32, #tpu.memory_space<vmem>>, vector<16xf32>,
      %mul3A_894 = arith.constant 16 : i32
      %mul3A_895 = arith.muli %scan3A_29, %mul3A_894 : i32
      %add3A_896 = arith.constant 14 : i32
      %add3A_897 = arith.addi %mul3A_895, %add3A_896 : i32
      %swap3A_898 = arith.index_cast %add3A_897 : i32 to index
      %swap3A_899 = arith.constant 80 : index
      %swap3A_900 = tpu.vector_load %arg8[%swap3A_898, %swap3A_899] {strides = array<i32>} : memref<640x128xf32, #tpu.memory_space<vmem>>, vector<16xf32>,
      tpu.vector_store %arg8[%swap3A_898, %swap3A_899], %broadcast_in_dim3A_858 {strides = array<i32>} : memref<640x128xf32, #tpu.memory_space<vmem>>, vector<16xf32>,
      %mul3A_901 = arith.constant 16 : i32
      %mul3A_902 = arith.muli %scan3A_29, %mul3A_901 : i32
      %add3A_903 = arith.constant 14 : i32
      %add3A_904 = arith.addi %mul3A_902, %add3A_903 : i32
      %swap3A_905 = arith.index_cast %add3A_904 : i32 to index
      %swap3A_906 = arith.constant 96 : index
      %swap3A_907 = tpu.vector_load %arg8[%swap3A_905, %swap3A_906] {strides = array<i32>} : memref<640x128xf32, #tpu.memory_space<vmem>>, vector<16xf32>,
      tpu.vector_store %arg8[%swap3A_905, %swap3A_906], %broadcast_in_dim3A_858 {strides = array<i32>} : memref<640x128xf32, #tpu.memory_space<vmem>>, vector<16xf32>,
      %mul3A_908 = arith.constant 16 : i32
      %mul3A_909 = arith.muli %scan3A_29, %mul3A_908 : i32
      %add3A_910 = arith.constant 14 : i32
      %add3A_911 = arith.addi %mul3A_909, %add3A_910 : i32
      %swap3A_912 = arith.index_cast %add3A_911 : i32 to index
      %swap3A_913 = arith.constant 112 : index
      %swap3A_914 = tpu.vector_load %arg8[%swap3A_912, %swap3A_913] {strides = array<i32>} : memref<640x128xf32, #tpu.memory_space<vmem>>, vector<16xf32>,
      tpu.vector_store %arg8[%swap3A_912, %swap3A_913], %broadcast_in_dim3A_858 {strides = array<i32>} : memref<640x128xf32, #tpu.memory_space<vmem>>, vector<16xf32>,
      %slice3A_915 = vector.extract_strided_slice %get3A_32 {offsets = [15], sizes = [1], strides = [1]} : vector<16xf32> to vector<1xf32>
      %squeeze3A_916 = vector.extract %slice3A_915[0] : f32 from vector<1xf32>
      %broadcast_in_dim3A_917 = vector.broadcast %squeeze3A_916 : f32 to vector<16xf32>
      %mul3A_918 = arith.constant 16 : i32
      %mul3A_919 = arith.muli %scan3A_29, %mul3A_918 : i32
      %add3A_920 = arith.constant 15 : i32
      %add3A_921 = arith.addi %mul3A_919, %add3A_920 : i32
      %swap3A_922 = arith.index_cast %add3A_921 : i32 to index
      %swap3A_923 = arith.constant 0 : index
      %swap3A_924 = tpu.vector_load %arg8[%swap3A_922, %swap3A_923] {strides = array<i32>} : memref<640x128xf32, #tpu.memory_space<vmem>>, vector<16xf32>,
      tpu.vector_store %arg8[%swap3A_922, %swap3A_923], %broadcast_in_dim3A_917 {strides = array<i32>} : memref<640x128xf32, #tpu.memory_space<vmem>>, vector<16xf32>,
      %mul3A_925 = arith.constant 16 : i32
      %mul3A_926 = arith.muli %scan3A_29, %mul3A_925 : i32
      %add3A_927 = arith.constant 15 : i32
      %add3A_928 = arith.addi %mul3A_926, %add3A_927 : i32
      %swap3A_929 = arith.index_cast %add3A_928 : i32 to index
      %swap3A_930 = arith.constant 16 : index
      %swap3A_931 = tpu.vector_load %arg8[%swap3A_929, %swap3A_930] {strides = array<i32>} : memref<640x128xf32, #tpu.memory_space<vmem>>, vector<16xf32>,
      tpu.vector_store %arg8[%swap3A_929, %swap3A_930], %broadcast_in_dim3A_917 {strides = array<i32>} : memref<640x128xf32, #tpu.memory_space<vmem>>, vector<16xf32>,
      %mul3A_932 = arith.constant 16 : i32
      %mul3A_933 = arith.muli %scan3A_29, %mul3A_932 : i32
      %add3A_934 = arith.constant 15 : i32
      %add3A_935 = arith.addi %mul3A_933, %add3A_934 : i32
      %swap3A_936 = arith.index_cast %add3A_935 : i32 to index
      %swap3A_937 = arith.constant 32 : index
      %swap3A_938 = tpu.vector_load %arg8[%swap3A_936, %swap3A_937] {strides = array<i32>} : memref<640x128xf32, #tpu.memory_space<vmem>>, vector<16xf32>,
      tpu.vector_store %arg8[%swap3A_936, %swap3A_937], %broadcast_in_dim3A_917 {strides = array<i32>} : memref<640x128xf32, #tpu.memory_space<vmem>>, vector<16xf32>,
      %mul3A_939 = arith.constant 16 : i32
      %mul3A_940 = arith.muli %scan3A_29, %mul3A_939 : i32
      %add3A_941 = arith.constant 15 : i32
      %add3A_942 = arith.addi %mul3A_940, %add3A_941 : i32
      %swap3A_943 = arith.index_cast %add3A_942 : i32 to index
      %swap3A_944 = arith.constant 48 : index
      %swap3A_945 = tpu.vector_load %arg8[%swap3A_943, %swap3A_944] {strides = array<i32>} : memref<640x128xf32, #tpu.memory_space<vmem>>, vector<16xf32>,
      tpu.vector_store %arg8[%swap3A_943, %swap3A_944], %broadcast_in_dim3A_917 {strides = array<i32>} : memref<640x128xf32, #tpu.memory_space<vmem>>, vector<16xf32>,
      %mul3A_946 = arith.constant 16 : i32
      %mul3A_947 = arith.muli %scan3A_29, %mul3A_946 : i32
      %add3A_948 = arith.constant 15 : i32
      %add3A_949 = arith.addi %mul3A_947, %add3A_948 : i32
      %swap3A_950 = arith.index_cast %add3A_949 : i32 to index
      %swap3A_951 = arith.constant 64 : index
      %swap3A_952 = tpu.vector_load %arg8[%swap3A_950, %swap3A_951] {strides = array<i32>} : memref<640x128xf32, #tpu.memory_space<vmem>>, vector<16xf32>,
      tpu.vector_store %arg8[%swap3A_950, %swap3A_951], %broadcast_in_dim3A_917 {strides = array<i32>} : memref<640x128xf32, #tpu.memory_space<vmem>>, vector<16xf32>,
      %mul3A_953 = arith.constant 16 : i32
      %mul3A_954 = arith.muli %scan3A_29, %mul3A_953 : i32
      %add3A_955 = arith.constant 15 : i32
      %add3A_956 = arith.addi %mul3A_954, %add3A_955 : i32
      %swap3A_957 = arith.index_cast %add3A_956 : i32 to index
      %swap3A_958 = arith.constant 80 : index
      %swap3A_959 = tpu.vector_load %arg8[%swap3A_957, %swap3A_958] {strides = array<i32>} : memref<640x128xf32, #tpu.memory_space<vmem>>, vector<16xf32>,
      tpu.vector_store %arg8[%swap3A_957, %swap3A_958], %broadcast_in_dim3A_917 {strides = array<i32>} : memref<640x128xf32, #tpu.memory_space<vmem>>, vector<16xf32>,
      %mul3A_960 = arith.constant 16 : i32
      %mul3A_961 = arith.muli %scan3A_29, %mul3A_960 : i32
      %add3A_962 = arith.constant 15 : i32
      %add3A_963 = arith.addi %mul3A_961, %add3A_962 : i32
      %swap3A_964 = arith.index_cast %add3A_963 : i32 to index
      %swap3A_965 = arith.constant 96 : index
      %swap3A_966 = tpu.vector_load %arg8[%swap3A_964, %swap3A_965] {strides = array<i32>} : memref<640x128xf32, #tpu.memory_space<vmem>>, vector<16xf32>,
      tpu.vector_store %arg8[%swap3A_964, %swap3A_965], %broadcast_in_dim3A_917 {strides = array<i32>} : memref<640x128xf32, #tpu.memory_space<vmem>>, vector<16xf32>,
      %mul3A_967 = arith.constant 16 : i32
      %mul3A_968 = arith.muli %scan3A_29, %mul3A_967 : i32
      %add3A_969 = arith.constant 15 : i32
      %add3A_970 = arith.addi %mul3A_968, %add3A_969 : i32
      %swap3A_971 = arith.index_cast %add3A_970 : i32 to index
      %swap3A_972 = arith.constant 112 : index
      %swap3A_973 = tpu.vector_load %arg8[%swap3A_971, %swap3A_972] {strides = array<i32>} : memref<640x128xf32, #tpu.memory_space<vmem>>, vector<16xf32>,
      tpu.vector_store %arg8[%swap3A_971, %swap3A_972], %broadcast_in_dim3A_917 {strides = array<i32>} : memref<640x128xf32, #tpu.memory_space<vmem>>, vector<16xf32>,
    }
    %scan3A_28 = arith.constant 40 : i32
    "tpu.region"() ({
      %run_scoped3A_29 = tpu.sem_alloc : memref<!tpu.dma_semaphore, #tpu.memory_space<semaphore_mem>>
      %dma_start3A = arith.constant 0 : i32
      %dma_start3A_30 = tpu.memref_slice %arg3[%arg0, %mul3A_16, %dma_start3A] : memref<2x10240x128xf32, #tpu.memory_space<hbm>> -> memref<1x640x128xf32, #tpu.memory_space<hbm>>
      %dma_start3A_31 = tpu.memref_squeeze %dma_start3A_30 : memref<1x640x128xf32, #tpu.memory_space<hbm>> -> memref<640x128xf32, #tpu.memory_space<hbm>>
      %dma_start3A_32 = arith.constant 0 : i32
      %dma_start3A_33 = tpu.memref_slice %arg3[%arg0, %mul3A_16, %dma_start3A_32] : memref<2x10240x128xf32, #tpu.memory_space<hbm>> -> memref<1x640x128xf32, #tpu.memory_space<hbm>>
      %dma_start3A_34 = tpu.memref_squeeze %dma_start3A_33 : memref<1x640x128xf32, #tpu.memory_space<hbm>> -> memref<640x128xf32, #tpu.memory_space<hbm>>
      tpu.enqueue_dma source(%arg8 : memref<640x128xf32, #tpu.memory_space<vmem>>) target(%dma_start3A_34 : memref<640x128xf32, #tpu.memory_space<hbm>>) target_semaphore(%run_scoped3A_29 : memref<!tpu.dma_semaphore, #tpu.memory_space<semaphore_mem>>)
      %dma_wait3A = arith.constant 0 : i32
      %dma_wait3A_35 = tpu.memref_slice %arg3[%arg0, %mul3A_16, %dma_wait3A] : memref<2x10240x128xf32, #tpu.memory_space<hbm>> -> memref<1x640x128xf32, #tpu.memory_space<hbm>>
      %dma_wait3A_36 = tpu.memref_squeeze %dma_wait3A_35 : memref<1x640x128xf32, #tpu.memory_space<hbm>> -> memref<640x128xf32, #tpu.memory_space<hbm>>
      %dma_wait3A_37 = arith.constant 0 : i32
      %dma_wait3A_38 = tpu.memref_slice %arg3[%arg0, %mul3A_16, %dma_wait3A_37] : memref<2x10240x128xf32, #tpu.memory_space<hbm>> -> memref<1x640x128xf32, #tpu.memory_space<hbm>>
      %dma_wait3A_39 = tpu.memref_squeeze %dma_wait3A_38 : memref<1x640x128xf32, #tpu.memory_space<hbm>> -> memref<640x128xf32, #tpu.memory_space<hbm>>
      tpu.wait_dma2 semaphore(%run_scoped3A_29 : memref<!tpu.dma_semaphore, #tpu.memory_space<semaphore_mem>>) src(%arg8 : memref<640x128xf32, #tpu.memory_space<vmem>>) dst(%dma_wait3A_39 : memref<640x128xf32, #tpu.memory_space<hbm>>)
      tpu.yield
    }) : () -> ()
    return
  }
}

#map = affine_map<(d0, d1) -> (0, 0)>
#map1 = affine_map<(d0, d1) -> (0, 0, 0, 0, 0)>
#map2 = affine_map<(d0, d1) -> (0, 0, 0)>
module attributes {stable_mosaic.version = 14 : i64} {
  func.func @_agg_kernel(%arg0: i32, %arg1: i32, %arg2: memref<10240x128xf32, #tpu.memory_space<hbm>>, %arg3: memref<32x40x2x2x128xi32, #tpu.memory_space<hbm>>, %arg4: memref<2x10240x128xf32, #tpu.memory_space<hbm>>, %arg5: memref<327680x128xf32, #tpu.memory_space<hbm>>, %arg6: memref<2x2x128xi32, #tpu.memory_space<vmem>>, %arg7: memref<2x2x128xi32, #tpu.memory_space<vmem>>, %arg8: memref<128x128xf32, #tpu.memory_space<vmem>>, %arg9: memref<128x128xf32, #tpu.memory_space<vmem>>, %arg10: memref<10240x128xf32, #tpu.memory_space<vmem_shared>>, %arg11: memref<!tpu.dma_semaphore, #tpu.memory_space<semaphore_mem>>, %arg12: memref<!tpu.dma_semaphore, #tpu.memory_space<semaphore_mem>>) attributes {dimension_semantics = [#tpu.dimension_semantics<core_parallel>, #tpu.dimension_semantics<subcore_parallel>], iteration_bounds = array<i64: 2, 16>, scalar_prefetch = 0 : i64, scratch_operands = 7 : i64, tpu.core_type = #tpu.core_type<sc_vector_subcore>, window_params = [{transform_indices = #map}, {transform_indices = #map1}, {transform_indices = #map2}, {transform_indices = #map}]} {
    %mul3A = arith.constant 2 : i32
    %mul3A_0 = arith.muli %arg1, %mul3A : i32
    %add3A = arith.addi %mul3A_0, %arg0 : i32
    %broadcast_in_dim3A = arith.constant 0.000000e+00 : f32
    %broadcast_in_dim3A_1 = vector.broadcast %broadcast_in_dim3A : f32 to vector<16xf32>
    %mul3A_2 = arith.constant 640 : i32
    %mul3A_3 = arith.muli %arg1, %mul3A_2 : i32
    %mul3A_4 = arith.constant 10240 : i32
    %mul3A_5 = arith.muli %add3A, %mul3A_4 : i32
    "tpu.region"() ({
      %run_scoped3A_50 = tpu.sem_alloc : memref<!tpu.dma_semaphore, #tpu.memory_space<semaphore_mem>>
      %dma_start3A_51 = arith.constant 0 : i32
      %dma_start3A_52 = tpu.memref_slice %arg10[%mul3A_3, %dma_start3A_51] : memref<10240x128xf32, #tpu.memory_space<vmem_shared>> -> memref<640x128xf32, #tpu.memory_space<vmem_shared>>
      %dma_start3A_53 = arith.constant 0 : i32
      %dma_start3A_54 = tpu.memref_slice %arg2[%mul3A_3, %dma_start3A_53] : memref<10240x128xf32, #tpu.memory_space<hbm>> -> memref<640x128xf32, #tpu.memory_space<hbm>>
      tpu.enqueue_dma source(%dma_start3A_54 : memref<640x128xf32, #tpu.memory_space<hbm>>) target(%dma_start3A_52 : memref<640x128xf32, #tpu.memory_space<vmem_shared>>) target_semaphore(%run_scoped3A_50 : memref<!tpu.dma_semaphore, #tpu.memory_space<semaphore_mem>>)
      %dma_wait3A = arith.constant 0 : i32
      %dma_wait3A_55 = tpu.memref_slice %arg10[%mul3A_3, %dma_wait3A] : memref<10240x128xf32, #tpu.memory_space<vmem_shared>> -> memref<640x128xf32, #tpu.memory_space<vmem_shared>>
      %dma_wait3A_56 = arith.constant 0 : i32
      %dma_wait3A_57 = tpu.memref_slice %arg2[%mul3A_3, %dma_wait3A_56] : memref<10240x128xf32, #tpu.memory_space<hbm>> -> memref<640x128xf32, #tpu.memory_space<hbm>>
      tpu.wait_dma2 semaphore(%run_scoped3A_50 : memref<!tpu.dma_semaphore, #tpu.memory_space<semaphore_mem>>) src(%dma_wait3A_57 : memref<640x128xf32, #tpu.memory_space<hbm>>) dst(%dma_wait3A_55 : memref<640x128xf32, #tpu.memory_space<vmem_shared>>)
      tpu.yield
    }) : () -> ()
    %barrier3A = arith.constant 0 : index
    tpu.barrier barrier_id(%barrier3A)
    %run_scoped3A = arith.constant 0 : i32
    "tpu.region"() ({
      %run_scoped3A_50 = tpu.sem_alloc : memref<!tpu.dma_semaphore, #tpu.memory_space<semaphore_mem>>
      %dma_start3A_51 = arith.constant 0 : i32
      %dma_start3A_52 = arith.constant 0 : i32
      %dma_start3A_53 = arith.constant 0 : i32
      %dma_start3A_54 = tpu.memref_slice %arg3[%add3A, %run_scoped3A, %dma_start3A_51, %dma_start3A_52, %dma_start3A_53] : memref<32x40x2x2x128xi32, #tpu.memory_space<hbm>> -> memref<1x1x2x2x128xi32, #tpu.memory_space<hbm>>
      %dma_start3A_55 = tpu.memref_squeeze %dma_start3A_54 : memref<1x1x2x2x128xi32, #tpu.memory_space<hbm>> -> memref<2x2x128xi32, #tpu.memory_space<hbm>>
      %dma_start3A_56 = arith.constant 0 : i32
      %dma_start3A_57 = arith.constant 0 : i32
      %dma_start3A_58 = arith.constant 0 : i32
      %dma_start3A_59 = tpu.memref_slice %arg3[%add3A, %run_scoped3A, %dma_start3A_56, %dma_start3A_57, %dma_start3A_58] : memref<32x40x2x2x128xi32, #tpu.memory_space<hbm>> -> memref<1x1x2x2x128xi32, #tpu.memory_space<hbm>>
      %dma_start3A_60 = tpu.memref_squeeze %dma_start3A_59 : memref<1x1x2x2x128xi32, #tpu.memory_space<hbm>> -> memref<2x2x128xi32, #tpu.memory_space<hbm>>
      tpu.enqueue_dma source(%dma_start3A_60 : memref<2x2x128xi32, #tpu.memory_space<hbm>>) target(%arg6 : memref<2x2x128xi32, #tpu.memory_space<vmem>>) target_semaphore(%run_scoped3A_50 : memref<!tpu.dma_semaphore, #tpu.memory_space<semaphore_mem>>)
      %dma_wait3A = arith.constant 0 : i32
      %dma_wait3A_61 = arith.constant 0 : i32
      %dma_wait3A_62 = arith.constant 0 : i32
      %dma_wait3A_63 = tpu.memref_slice %arg3[%add3A, %run_scoped3A, %dma_wait3A, %dma_wait3A_61, %dma_wait3A_62] : memref<32x40x2x2x128xi32, #tpu.memory_space<hbm>> -> memref<1x1x2x2x128xi32, #tpu.memory_space<hbm>>
      %dma_wait3A_64 = tpu.memref_squeeze %dma_wait3A_63 : memref<1x1x2x2x128xi32, #tpu.memory_space<hbm>> -> memref<2x2x128xi32, #tpu.memory_space<hbm>>
      %dma_wait3A_65 = arith.constant 0 : i32
      %dma_wait3A_66 = arith.constant 0 : i32
      %dma_wait3A_67 = arith.constant 0 : i32
      %dma_wait3A_68 = tpu.memref_slice %arg3[%add3A, %run_scoped3A, %dma_wait3A_65, %dma_wait3A_66, %dma_wait3A_67] : memref<32x40x2x2x128xi32, #tpu.memory_space<hbm>> -> memref<1x1x2x2x128xi32, #tpu.memory_space<hbm>>
      %dma_wait3A_69 = tpu.memref_squeeze %dma_wait3A_68 : memref<1x1x2x2x128xi32, #tpu.memory_space<hbm>> -> memref<2x2x128xi32, #tpu.memory_space<hbm>>
      tpu.wait_dma2 semaphore(%run_scoped3A_50 : memref<!tpu.dma_semaphore, #tpu.memory_space<semaphore_mem>>) src(%dma_wait3A_69 : memref<2x2x128xi32, #tpu.memory_space<hbm>>) dst(%arg6 : memref<2x2x128xi32, #tpu.memory_space<vmem>>)
      tpu.yield
    }) : () -> ()
    %dma_start3A = arith.constant 0 : i32
    %dma_start3A_6 = arith.constant 0 : i32
    %dma_start3A_7 = arith.constant 0 : i32
    %dma_start3A_8 = tpu.memref_slice %arg6[%dma_start3A, %dma_start3A_6, %dma_start3A_7] : memref<2x2x128xi32, #tpu.memory_space<vmem>> -> memref<1x1x128xi32, #tpu.memory_space<vmem>>
    %dma_start3A_9 = tpu.memref_squeeze %dma_start3A_8 : memref<1x1x128xi32, #tpu.memory_space<vmem>> -> memref<128xi32, #tpu.memory_space<vmem>>
    %dma_start3A_10 = arith.constant 0 : i32
    %dma_start3A_11 = arith.constant 0 : i32
    %dma_start3A_12 = tpu.memref_slice %arg10[%dma_start3A_10, %dma_start3A_11] : memref<10240x128xf32, #tpu.memory_space<vmem_shared>> -> memref<10240x128xf32, #tpu.memory_space<vmem_shared>>
    tpu.enqueue_indirect_dma source(%dma_start3A_12 : memref<10240x128xf32, #tpu.memory_space<vmem_shared>>) target(%arg8 : memref<128x128xf32, #tpu.memory_space<vmem>>) offsets(%dma_start3A_9 : memref<128xi32, #tpu.memory_space<vmem>>) semaphore(%arg11 : memref<!tpu.dma_semaphore, #tpu.memory_space<semaphore_mem>>)
    %scan3A = arith.constant 0 : i32
    %scan3A_13 = arith.constant 0 : i32
    %scan3A_14 = arith.constant 20 : i32
    %scan3A_15 = arith.addi %scan3A_13, %scan3A_14 : i32
    %scan3A_16 = arith.constant 1 : i32
    scf.for %scan3A_50 = %scan3A_13 to %scan3A_15 step %scan3A_16  : i32 {
      %mul3A_51 = arith.constant 2 : i32
      %mul3A_52 = arith.muli %mul3A_51, %scan3A_50 : i32
      %add3A_53 = arith.constant 1 : i32
      %add3A_54 = arith.addi %mul3A_52, %add3A_53 : i32
      "tpu.region"() ({
        %run_scoped3A_139 = tpu.sem_alloc : memref<!tpu.dma_semaphore, #tpu.memory_space<semaphore_mem>>
        %dma_start3A_140 = arith.constant 0 : i32
        %dma_start3A_141 = arith.constant 0 : i32
        %dma_start3A_142 = arith.constant 0 : i32
        %dma_start3A_143 = tpu.memref_slice %arg3[%add3A, %add3A_54, %dma_start3A_140, %dma_start3A_141, %dma_start3A_142] : memref<32x40x2x2x128xi32, #tpu.memory_space<hbm>> -> memref<1x1x2x2x128xi32, #tpu.memory_space<hbm>>
        %dma_start3A_144 = tpu.memref_squeeze %dma_start3A_143 : memref<1x1x2x2x128xi32, #tpu.memory_space<hbm>> -> memref<2x2x128xi32, #tpu.memory_space<hbm>>
        %dma_start3A_145 = arith.constant 0 : i32
        %dma_start3A_146 = arith.constant 0 : i32
        %dma_start3A_147 = arith.constant 0 : i32
        %dma_start3A_148 = tpu.memref_slice %arg3[%add3A, %add3A_54, %dma_start3A_145, %dma_start3A_146, %dma_start3A_147] : memref<32x40x2x2x128xi32, #tpu.memory_space<hbm>> -> memref<1x1x2x2x128xi32, #tpu.memory_space<hbm>>
        %dma_start3A_149 = tpu.memref_squeeze %dma_start3A_148 : memref<1x1x2x2x128xi32, #tpu.memory_space<hbm>> -> memref<2x2x128xi32, #tpu.memory_space<hbm>>
        tpu.enqueue_dma source(%dma_start3A_149 : memref<2x2x128xi32, #tpu.memory_space<hbm>>) target(%arg7 : memref<2x2x128xi32, #tpu.memory_space<vmem>>) target_semaphore(%run_scoped3A_139 : memref<!tpu.dma_semaphore, #tpu.memory_space<semaphore_mem>>)
        %dma_wait3A_150 = arith.constant 0 : i32
        %dma_wait3A_151 = arith.constant 0 : i32
        %dma_wait3A_152 = arith.constant 0 : i32
        %dma_wait3A_153 = tpu.memref_slice %arg3[%add3A, %add3A_54, %dma_wait3A_150, %dma_wait3A_151, %dma_wait3A_152] : memref<32x40x2x2x128xi32, #tpu.memory_space<hbm>> -> memref<1x1x2x2x128xi32, #tpu.memory_space<hbm>>
        %dma_wait3A_154 = tpu.memref_squeeze %dma_wait3A_153 : memref<1x1x2x2x128xi32, #tpu.memory_space<hbm>> -> memref<2x2x128xi32, #tpu.memory_space<hbm>>
        %dma_wait3A_155 = arith.constant 0 : i32
        %dma_wait3A_156 = arith.constant 0 : i32
        %dma_wait3A_157 = arith.constant 0 : i32
        %dma_wait3A_158 = tpu.memref_slice %arg3[%add3A, %add3A_54, %dma_wait3A_155, %dma_wait3A_156, %dma_wait3A_157] : memref<32x40x2x2x128xi32, #tpu.memory_space<hbm>> -> memref<1x1x2x2x128xi32, #tpu.memory_space<hbm>>
        %dma_wait3A_159 = tpu.memref_squeeze %dma_wait3A_158 : memref<1x1x2x2x128xi32, #tpu.memory_space<hbm>> -> memref<2x2x128xi32, #tpu.memory_space<hbm>>
        tpu.wait_dma2 semaphore(%run_scoped3A_139 : memref<!tpu.dma_semaphore, #tpu.memory_space<semaphore_mem>>) src(%dma_wait3A_159 : memref<2x2x128xi32, #tpu.memory_space<hbm>>) dst(%arg7 : memref<2x2x128xi32, #tpu.memory_space<vmem>>)
        tpu.yield
      }) : () -> ()
      %dma_start3A_55 = arith.constant 0 : i32
      %dma_start3A_56 = arith.constant 1 : i32
      %dma_start3A_57 = arith.constant 0 : i32
      %dma_start3A_58 = tpu.memref_slice %arg6[%dma_start3A_55, %dma_start3A_56, %dma_start3A_57] : memref<2x2x128xi32, #tpu.memory_space<vmem>> -> memref<1x1x128xi32, #tpu.memory_space<vmem>>
      %dma_start3A_59 = tpu.memref_squeeze %dma_start3A_58 : memref<1x1x128xi32, #tpu.memory_space<vmem>> -> memref<128xi32, #tpu.memory_space<vmem>>
      %dma_start3A_60 = arith.constant 0 : i32
      %dma_start3A_61 = arith.constant 0 : i32
      %dma_start3A_62 = tpu.memref_slice %arg10[%dma_start3A_60, %dma_start3A_61] : memref<10240x128xf32, #tpu.memory_space<vmem_shared>> -> memref<10240x128xf32, #tpu.memory_space<vmem_shared>>
      tpu.enqueue_indirect_dma source(%dma_start3A_62 : memref<10240x128xf32, #tpu.memory_space<vmem_shared>>) target(%arg9 : memref<128x128xf32, #tpu.memory_space<vmem>>) offsets(%dma_start3A_59 : memref<128xi32, #tpu.memory_space<vmem>>) semaphore(%arg12 : memref<!tpu.dma_semaphore, #tpu.memory_space<semaphore_mem>>)
      %dma_wait3A = arith.constant 0 : i32
      %dma_wait3A_63 = arith.constant 0 : i32
      %dma_wait3A_64 = tpu.memref_slice %arg2[%dma_wait3A, %dma_wait3A_63] : memref<10240x128xf32, #tpu.memory_space<hbm>> -> memref<128x128xf32, #tpu.memory_space<hbm>>
      %dma_wait3A_65 = arith.constant 0 : i32
      %dma_wait3A_66 = arith.constant 0 : i32
      %dma_wait3A_67 = tpu.memref_slice %arg2[%dma_wait3A_65, %dma_wait3A_66] : memref<10240x128xf32, #tpu.memory_space<hbm>> -> memref<128x128xf32, #tpu.memory_space<hbm>>
      tpu.wait_dma2 semaphore(%arg11 : memref<!tpu.dma_semaphore, #tpu.memory_space<semaphore_mem>>) src(%dma_wait3A_67 : memref<128x128xf32, #tpu.memory_space<hbm>>) dst(%arg8 : memref<128x128xf32, #tpu.memory_space<vmem>>)
      %mul3A_68 = arith.constant 4 : i32
      %mul3A_69 = arith.muli %mul3A_68, %scan3A_50 : i32
      %mul3A_70 = arith.constant 128 : i32
      %mul3A_71 = arith.muli %mul3A_69, %mul3A_70 : i32
      %add3A_72 = arith.addi %mul3A_5, %mul3A_71 : i32
      "tpu.region"() ({
        %run_scoped3A_139 = tpu.sem_alloc : memref<!tpu.dma_semaphore, #tpu.memory_space<semaphore_mem>>
        %dma_start3A_140 = arith.constant 0 : i32
        %dma_start3A_141 = tpu.memref_slice %arg5[%add3A_72, %dma_start3A_140] : memref<327680x128xf32, #tpu.memory_space<hbm>> -> memref<128x128xf32, #tpu.memory_space<hbm>>
        %dma_start3A_142 = arith.constant 0 : i32
        %dma_start3A_143 = tpu.memref_slice %arg5[%add3A_72, %dma_start3A_142] : memref<327680x128xf32, #tpu.memory_space<hbm>> -> memref<128x128xf32, #tpu.memory_space<hbm>>
        tpu.enqueue_dma source(%arg8 : memref<128x128xf32, #tpu.memory_space<vmem>>) target(%dma_start3A_143 : memref<128x128xf32, #tpu.memory_space<hbm>>) target_semaphore(%run_scoped3A_139 : memref<!tpu.dma_semaphore, #tpu.memory_space<semaphore_mem>>)
        %dma_wait3A_144 = arith.constant 0 : i32
        %dma_wait3A_145 = tpu.memref_slice %arg5[%add3A_72, %dma_wait3A_144] : memref<327680x128xf32, #tpu.memory_space<hbm>> -> memref<128x128xf32, #tpu.memory_space<hbm>>
        %dma_wait3A_146 = arith.constant 0 : i32
        %dma_wait3A_147 = tpu.memref_slice %arg5[%add3A_72, %dma_wait3A_146] : memref<327680x128xf32, #tpu.memory_space<hbm>> -> memref<128x128xf32, #tpu.memory_space<hbm>>
        tpu.wait_dma2 semaphore(%run_scoped3A_139 : memref<!tpu.dma_semaphore, #tpu.memory_space<semaphore_mem>>) src(%arg8 : memref<128x128xf32, #tpu.memory_space<vmem>>) dst(%dma_wait3A_147 : memref<128x128xf32, #tpu.memory_space<hbm>>)
        tpu.yield
      }) : () -> ()
      %dma_start3A_73 = arith.constant 0 : i32
      %dma_start3A_74 = arith.constant 0 : i32
      %dma_start3A_75 = arith.constant 0 : i32
      %dma_start3A_76 = tpu.memref_slice %arg7[%dma_start3A_73, %dma_start3A_74, %dma_start3A_75] : memref<2x2x128xi32, #tpu.memory_space<vmem>> -> memref<1x1x128xi32, #tpu.memory_space<vmem>>
      %dma_start3A_77 = tpu.memref_squeeze %dma_start3A_76 : memref<1x1x128xi32, #tpu.memory_space<vmem>> -> memref<128xi32, #tpu.memory_space<vmem>>
      %dma_start3A_78 = arith.constant 0 : i32
      %dma_start3A_79 = arith.constant 0 : i32
      %dma_start3A_80 = tpu.memref_slice %arg10[%dma_start3A_78, %dma_start3A_79] : memref<10240x128xf32, #tpu.memory_space<vmem_shared>> -> memref<10240x128xf32, #tpu.memory_space<vmem_shared>>
      tpu.enqueue_indirect_dma source(%dma_start3A_80 : memref<10240x128xf32, #tpu.memory_space<vmem_shared>>) target(%arg8 : memref<128x128xf32, #tpu.memory_space<vmem>>) offsets(%dma_start3A_77 : memref<128xi32, #tpu.memory_space<vmem>>) semaphore(%arg11 : memref<!tpu.dma_semaphore, #tpu.memory_space<semaphore_mem>>)
      %dma_wait3A_81 = arith.constant 0 : i32
      %dma_wait3A_82 = arith.constant 0 : i32
      %dma_wait3A_83 = tpu.memref_slice %arg2[%dma_wait3A_81, %dma_wait3A_82] : memref<10240x128xf32, #tpu.memory_space<hbm>> -> memref<128x128xf32, #tpu.memory_space<hbm>>
      %dma_wait3A_84 = arith.constant 0 : i32
      %dma_wait3A_85 = arith.constant 0 : i32
      %dma_wait3A_86 = tpu.memref_slice %arg2[%dma_wait3A_84, %dma_wait3A_85] : memref<10240x128xf32, #tpu.memory_space<hbm>> -> memref<128x128xf32, #tpu.memory_space<hbm>>
      tpu.wait_dma2 semaphore(%arg12 : memref<!tpu.dma_semaphore, #tpu.memory_space<semaphore_mem>>) src(%dma_wait3A_86 : memref<128x128xf32, #tpu.memory_space<hbm>>) dst(%arg9 : memref<128x128xf32, #tpu.memory_space<vmem>>)
      %mul3A_87 = arith.constant 4 : i32
      %mul3A_88 = arith.muli %mul3A_87, %scan3A_50 : i32
      %add3A_89 = arith.constant 1 : i32
      %add3A_90 = arith.addi %mul3A_88, %add3A_89 : i32
      %mul3A_91 = arith.constant 128 : i32
      %mul3A_92 = arith.muli %add3A_90, %mul3A_91 : i32
      %add3A_93 = arith.addi %mul3A_5, %mul3A_92 : i32
      "tpu.region"() ({
        %run_scoped3A_139 = tpu.sem_alloc : memref<!tpu.dma_semaphore, #tpu.memory_space<semaphore_mem>>
        %dma_start3A_140 = arith.constant 0 : i32
        %dma_start3A_141 = tpu.memref_slice %arg5[%add3A_93, %dma_start3A_140] : memref<327680x128xf32, #tpu.memory_space<hbm>> -> memref<128x128xf32, #tpu.memory_space<hbm>>
        %dma_start3A_142 = arith.constant 0 : i32
        %dma_start3A_143 = tpu.memref_slice %arg5[%add3A_93, %dma_start3A_142] : memref<327680x128xf32, #tpu.memory_space<hbm>> -> memref<128x128xf32, #tpu.memory_space<hbm>>
        tpu.enqueue_dma source(%arg9 : memref<128x128xf32, #tpu.memory_space<vmem>>) target(%dma_start3A_143 : memref<128x128xf32, #tpu.memory_space<hbm>>) target_semaphore(%run_scoped3A_139 : memref<!tpu.dma_semaphore, #tpu.memory_space<semaphore_mem>>)
        %dma_wait3A_144 = arith.constant 0 : i32
        %dma_wait3A_145 = tpu.memref_slice %arg5[%add3A_93, %dma_wait3A_144] : memref<327680x128xf32, #tpu.memory_space<hbm>> -> memref<128x128xf32, #tpu.memory_space<hbm>>
        %dma_wait3A_146 = arith.constant 0 : i32
        %dma_wait3A_147 = tpu.memref_slice %arg5[%add3A_93, %dma_wait3A_146] : memref<327680x128xf32, #tpu.memory_space<hbm>> -> memref<128x128xf32, #tpu.memory_space<hbm>>
        tpu.wait_dma2 semaphore(%run_scoped3A_139 : memref<!tpu.dma_semaphore, #tpu.memory_space<semaphore_mem>>) src(%arg9 : memref<128x128xf32, #tpu.memory_space<vmem>>) dst(%dma_wait3A_147 : memref<128x128xf32, #tpu.memory_space<hbm>>)
        tpu.yield
      }) : () -> ()
      %add3A_94 = arith.constant 1 : i32
      %add3A_95 = arith.addi %scan3A_50, %add3A_94 : i32
      %lt3A = arith.constant 20 : i32
      %lt3A_96 = arith.cmpi slt, %add3A_95, %lt3A : i32
      %convert_element_type3A = arith.extui %lt3A_96 : i1 to i32
      %cond3A = arith.constant 0 : i32
      %cond3A_97 = arith.cmpi ne, %convert_element_type3A, %cond3A : i32
      scf.if %cond3A_97 {
        %add3A_139 = arith.constant 2 : i32
        %add3A_140 = arith.addi %mul3A_52, %add3A_139 : i32
        "tpu.region"() ({
          %run_scoped3A_141 = tpu.sem_alloc : memref<!tpu.dma_semaphore, #tpu.memory_space<semaphore_mem>>
          %dma_start3A_142 = arith.constant 0 : i32
          %dma_start3A_143 = arith.constant 0 : i32
          %dma_start3A_144 = arith.constant 0 : i32
          %dma_start3A_145 = tpu.memref_slice %arg3[%add3A, %add3A_140, %dma_start3A_142, %dma_start3A_143, %dma_start3A_144] : memref<32x40x2x2x128xi32, #tpu.memory_space<hbm>> -> memref<1x1x2x2x128xi32, #tpu.memory_space<hbm>>
          %dma_start3A_146 = tpu.memref_squeeze %dma_start3A_145 : memref<1x1x2x2x128xi32, #tpu.memory_space<hbm>> -> memref<2x2x128xi32, #tpu.memory_space<hbm>>
          %dma_start3A_147 = arith.constant 0 : i32
          %dma_start3A_148 = arith.constant 0 : i32
          %dma_start3A_149 = arith.constant 0 : i32
          %dma_start3A_150 = tpu.memref_slice %arg3[%add3A, %add3A_140, %dma_start3A_147, %dma_start3A_148, %dma_start3A_149] : memref<32x40x2x2x128xi32, #tpu.memory_space<hbm>> -> memref<1x1x2x2x128xi32, #tpu.memory_space<hbm>>
          %dma_start3A_151 = tpu.memref_squeeze %dma_start3A_150 : memref<1x1x2x2x128xi32, #tpu.memory_space<hbm>> -> memref<2x2x128xi32, #tpu.memory_space<hbm>>
          tpu.enqueue_dma source(%dma_start3A_151 : memref<2x2x128xi32, #tpu.memory_space<hbm>>) target(%arg6 : memref<2x2x128xi32, #tpu.memory_space<vmem>>) target_semaphore(%run_scoped3A_141 : memref<!tpu.dma_semaphore, #tpu.memory_space<semaphore_mem>>)
          %dma_wait3A_152 = arith.constant 0 : i32
          %dma_wait3A_153 = arith.constant 0 : i32
          %dma_wait3A_154 = arith.constant 0 : i32
          %dma_wait3A_155 = tpu.memref_slice %arg3[%add3A, %add3A_140, %dma_wait3A_152, %dma_wait3A_153, %dma_wait3A_154] : memref<32x40x2x2x128xi32, #tpu.memory_space<hbm>> -> memref<1x1x2x2x128xi32, #tpu.memory_space<hbm>>
          %dma_wait3A_156 = tpu.memref_squeeze %dma_wait3A_155 : memref<1x1x2x2x128xi32, #tpu.memory_space<hbm>> -> memref<2x2x128xi32, #tpu.memory_space<hbm>>
          %dma_wait3A_157 = arith.constant 0 : i32
          %dma_wait3A_158 = arith.constant 0 : i32
          %dma_wait3A_159 = arith.constant 0 : i32
          %dma_wait3A_160 = tpu.memref_slice %arg3[%add3A, %add3A_140, %dma_wait3A_157, %dma_wait3A_158, %dma_wait3A_159] : memref<32x40x2x2x128xi32, #tpu.memory_space<hbm>> -> memref<1x1x2x2x128xi32, #tpu.memory_space<hbm>>
          %dma_wait3A_161 = tpu.memref_squeeze %dma_wait3A_160 : memref<1x1x2x2x128xi32, #tpu.memory_space<hbm>> -> memref<2x2x128xi32, #tpu.memory_space<hbm>>
          tpu.wait_dma2 semaphore(%run_scoped3A_141 : memref<!tpu.dma_semaphore, #tpu.memory_space<semaphore_mem>>) src(%dma_wait3A_161 : memref<2x2x128xi32, #tpu.memory_space<hbm>>) dst(%arg6 : memref<2x2x128xi32, #tpu.memory_space<vmem>>)
          tpu.yield
        }) : () -> ()
      } else {
      }
      %dma_start3A_98 = arith.constant 0 : i32
      %dma_start3A_99 = arith.constant 1 : i32
      %dma_start3A_100 = arith.constant 0 : i32
      %dma_start3A_101 = tpu.memref_slice %arg7[%dma_start3A_98, %dma_start3A_99, %dma_start3A_100] : memref<2x2x128xi32, #tpu.memory_space<vmem>> -> memref<1x1x128xi32, #tpu.memory_space<vmem>>
      %dma_start3A_102 = tpu.memref_squeeze %dma_start3A_101 : memref<1x1x128xi32, #tpu.memory_space<vmem>> -> memref<128xi32, #tpu.memory_space<vmem>>
      %dma_start3A_103 = arith.constant 0 : i32
      %dma_start3A_104 = arith.constant 0 : i32
      %dma_start3A_105 = tpu.memref_slice %arg10[%dma_start3A_103, %dma_start3A_104] : memref<10240x128xf32, #tpu.memory_space<vmem_shared>> -> memref<10240x128xf32, #tpu.memory_space<vmem_shared>>
      tpu.enqueue_indirect_dma source(%dma_start3A_105 : memref<10240x128xf32, #tpu.memory_space<vmem_shared>>) target(%arg9 : memref<128x128xf32, #tpu.memory_space<vmem>>) offsets(%dma_start3A_102 : memref<128xi32, #tpu.memory_space<vmem>>) semaphore(%arg12 : memref<!tpu.dma_semaphore, #tpu.memory_space<semaphore_mem>>)
      %dma_wait3A_106 = arith.constant 0 : i32
      %dma_wait3A_107 = arith.constant 0 : i32
      %dma_wait3A_108 = tpu.memref_slice %arg2[%dma_wait3A_106, %dma_wait3A_107] : memref<10240x128xf32, #tpu.memory_space<hbm>> -> memref<128x128xf32, #tpu.memory_space<hbm>>
      %dma_wait3A_109 = arith.constant 0 : i32
      %dma_wait3A_110 = arith.constant 0 : i32
      %dma_wait3A_111 = tpu.memref_slice %arg2[%dma_wait3A_109, %dma_wait3A_110] : memref<10240x128xf32, #tpu.memory_space<hbm>> -> memref<128x128xf32, #tpu.memory_space<hbm>>
      tpu.wait_dma2 semaphore(%arg11 : memref<!tpu.dma_semaphore, #tpu.memory_space<semaphore_mem>>) src(%dma_wait3A_111 : memref<128x128xf32, #tpu.memory_space<hbm>>) dst(%arg8 : memref<128x128xf32, #tpu.memory_space<vmem>>)
      %mul3A_112 = arith.constant 4 : i32
      %mul3A_113 = arith.muli %mul3A_112, %scan3A_50 : i32
      %add3A_114 = arith.constant 2 : i32
      %add3A_115 = arith.addi %mul3A_113, %add3A_114 : i32
      %mul3A_116 = arith.constant 128 : i32
      %mul3A_117 = arith.muli %add3A_115, %mul3A_116 : i32
      %add3A_118 = arith.addi %mul3A_5, %mul3A_117 : i32
      "tpu.region"() ({
        %run_scoped3A_139 = tpu.sem_alloc : memref<!tpu.dma_semaphore, #tpu.memory_space<semaphore_mem>>
        %dma_start3A_140 = arith.constant 0 : i32
        %dma_start3A_141 = tpu.memref_slice %arg5[%add3A_118, %dma_start3A_140] : memref<327680x128xf32, #tpu.memory_space<hbm>> -> memref<128x128xf32, #tpu.memory_space<hbm>>
        %dma_start3A_142 = arith.constant 0 : i32
        %dma_start3A_143 = tpu.memref_slice %arg5[%add3A_118, %dma_start3A_142] : memref<327680x128xf32, #tpu.memory_space<hbm>> -> memref<128x128xf32, #tpu.memory_space<hbm>>
        tpu.enqueue_dma source(%arg8 : memref<128x128xf32, #tpu.memory_space<vmem>>) target(%dma_start3A_143 : memref<128x128xf32, #tpu.memory_space<hbm>>) target_semaphore(%run_scoped3A_139 : memref<!tpu.dma_semaphore, #tpu.memory_space<semaphore_mem>>)
        %dma_wait3A_144 = arith.constant 0 : i32
        %dma_wait3A_145 = tpu.memref_slice %arg5[%add3A_118, %dma_wait3A_144] : memref<327680x128xf32, #tpu.memory_space<hbm>> -> memref<128x128xf32, #tpu.memory_space<hbm>>
        %dma_wait3A_146 = arith.constant 0 : i32
        %dma_wait3A_147 = tpu.memref_slice %arg5[%add3A_118, %dma_wait3A_146] : memref<327680x128xf32, #tpu.memory_space<hbm>> -> memref<128x128xf32, #tpu.memory_space<hbm>>
        tpu.wait_dma2 semaphore(%run_scoped3A_139 : memref<!tpu.dma_semaphore, #tpu.memory_space<semaphore_mem>>) src(%arg8 : memref<128x128xf32, #tpu.memory_space<vmem>>) dst(%dma_wait3A_147 : memref<128x128xf32, #tpu.memory_space<hbm>>)
        tpu.yield
      }) : () -> ()
      %add3A_119 = arith.constant 1 : i32
      %add3A_120 = arith.addi %scan3A_50, %add3A_119 : i32
      %lt3A_121 = arith.constant 20 : i32
      %lt3A_122 = arith.cmpi slt, %add3A_120, %lt3A_121 : i32
      %convert_element_type3A_123 = arith.extui %lt3A_122 : i1 to i32
      %cond3A_124 = arith.constant 0 : i32
      %cond3A_125 = arith.cmpi ne, %convert_element_type3A_123, %cond3A_124 : i32
      scf.if %cond3A_125 {
        %dma_start3A_139 = arith.constant 0 : i32
        %dma_start3A_140 = arith.constant 0 : i32
        %dma_start3A_141 = arith.constant 0 : i32
        %dma_start3A_142 = tpu.memref_slice %arg6[%dma_start3A_139, %dma_start3A_140, %dma_start3A_141] : memref<2x2x128xi32, #tpu.memory_space<vmem>> -> memref<1x1x128xi32, #tpu.memory_space<vmem>>
        %dma_start3A_143 = tpu.memref_squeeze %dma_start3A_142 : memref<1x1x128xi32, #tpu.memory_space<vmem>> -> memref<128xi32, #tpu.memory_space<vmem>>
        %dma_start3A_144 = arith.constant 0 : i32
        %dma_start3A_145 = arith.constant 0 : i32
        %dma_start3A_146 = tpu.memref_slice %arg10[%dma_start3A_144, %dma_start3A_145] : memref<10240x128xf32, #tpu.memory_space<vmem_shared>> -> memref<10240x128xf32, #tpu.memory_space<vmem_shared>>
        tpu.enqueue_indirect_dma source(%dma_start3A_146 : memref<10240x128xf32, #tpu.memory_space<vmem_shared>>) target(%arg8 : memref<128x128xf32, #tpu.memory_space<vmem>>) offsets(%dma_start3A_143 : memref<128xi32, #tpu.memory_space<vmem>>) semaphore(%arg11 : memref<!tpu.dma_semaphore, #tpu.memory_space<semaphore_mem>>)
      } else {
      }
      %dma_wait3A_126 = arith.constant 0 : i32
      %dma_wait3A_127 = arith.constant 0 : i32
      %dma_wait3A_128 = tpu.memref_slice %arg2[%dma_wait3A_126, %dma_wait3A_127] : memref<10240x128xf32, #tpu.memory_space<hbm>> -> memref<128x128xf32, #tpu.memory_space<hbm>>
      %dma_wait3A_129 = arith.constant 0 : i32
      %dma_wait3A_130 = arith.constant 0 : i32
      %dma_wait3A_131 = tpu.memref_slice %arg2[%dma_wait3A_129, %dma_wait3A_130] : memref<10240x128xf32, #tpu.memory_space<hbm>> -> memref<128x128xf32, #tpu.memory_space<hbm>>
      tpu.wait_dma2 semaphore(%arg12 : memref<!tpu.dma_semaphore, #tpu.memory_space<semaphore_mem>>) src(%dma_wait3A_131 : memref<128x128xf32, #tpu.memory_space<hbm>>) dst(%arg9 : memref<128x128xf32, #tpu.memory_space<vmem>>)
      %mul3A_132 = arith.constant 4 : i32
      %mul3A_133 = arith.muli %mul3A_132, %scan3A_50 : i32
      %add3A_134 = arith.constant 3 : i32
      %add3A_135 = arith.addi %mul3A_133, %add3A_134 : i32
      %mul3A_136 = arith.constant 128 : i32
      %mul3A_137 = arith.muli %add3A_135, %mul3A_136 : i32
      %add3A_138 = arith.addi %mul3A_5, %mul3A_137 : i32
      "tpu.region"() ({
        %run_scoped3A_139 = tpu.sem_alloc : memref<!tpu.dma_semaphore, #tpu.memory_space<semaphore_mem>>
        %dma_start3A_140 = arith.constant 0 : i32
        %dma_start3A_141 = tpu.memref_slice %arg5[%add3A_138, %dma_start3A_140] : memref<327680x128xf32, #tpu.memory_space<hbm>> -> memref<128x128xf32, #tpu.memory_space<hbm>>
        %dma_start3A_142 = arith.constant 0 : i32
        %dma_start3A_143 = tpu.memref_slice %arg5[%add3A_138, %dma_start3A_142] : memref<327680x128xf32, #tpu.memory_space<hbm>> -> memref<128x128xf32, #tpu.memory_space<hbm>>
        tpu.enqueue_dma source(%arg9 : memref<128x128xf32, #tpu.memory_space<vmem>>) target(%dma_start3A_143 : memref<128x128xf32, #tpu.memory_space<hbm>>) target_semaphore(%run_scoped3A_139 : memref<!tpu.dma_semaphore, #tpu.memory_space<semaphore_mem>>)
        %dma_wait3A_144 = arith.constant 0 : i32
        %dma_wait3A_145 = tpu.memref_slice %arg5[%add3A_138, %dma_wait3A_144] : memref<327680x128xf32, #tpu.memory_space<hbm>> -> memref<128x128xf32, #tpu.memory_space<hbm>>
        %dma_wait3A_146 = arith.constant 0 : i32
        %dma_wait3A_147 = tpu.memref_slice %arg5[%add3A_138, %dma_wait3A_146] : memref<327680x128xf32, #tpu.memory_space<hbm>> -> memref<128x128xf32, #tpu.memory_space<hbm>>
        tpu.wait_dma2 semaphore(%run_scoped3A_139 : memref<!tpu.dma_semaphore, #tpu.memory_space<semaphore_mem>>) src(%arg9 : memref<128x128xf32, #tpu.memory_space<vmem>>) dst(%dma_wait3A_147 : memref<128x128xf32, #tpu.memory_space<hbm>>)
        tpu.yield
      }) : () -> ()
    }
    %scan3A_17 = arith.constant 20 : i32
    %barrier3A_18 = arith.constant 0 : index
    tpu.barrier barrier_id(%barrier3A_18)
    %scan3A_19 = arith.constant 0 : i32
    %scan3A_20 = arith.constant 0 : i32
    %scan3A_21 = arith.constant 128 : i32
    %scan3A_22 = arith.addi %scan3A_20, %scan3A_21 : i32
    %scan3A_23 = arith.constant 1 : i32
    scf.for %scan3A_50 = %scan3A_20 to %scan3A_22 step %scan3A_23  : i32 {
      %swap3A = arith.index_cast %scan3A_50 : i32 to index
      %swap3A_51 = arith.constant 0 : index
      %swap3A_52 = tpu.vector_load %arg8[%swap3A, %swap3A_51] {strides = array<i32>} : memref<128x128xf32, #tpu.memory_space<vmem>>, vector<16xf32>,
      tpu.vector_store %arg8[%swap3A, %swap3A_51], %broadcast_in_dim3A_1 {strides = array<i32>} : memref<128x128xf32, #tpu.memory_space<vmem>>, vector<16xf32>,
      %swap3A_53 = arith.index_cast %scan3A_50 : i32 to index
      %swap3A_54 = arith.constant 16 : index
      %swap3A_55 = tpu.vector_load %arg8[%swap3A_53, %swap3A_54] {strides = array<i32>} : memref<128x128xf32, #tpu.memory_space<vmem>>, vector<16xf32>,
      tpu.vector_store %arg8[%swap3A_53, %swap3A_54], %broadcast_in_dim3A_1 {strides = array<i32>} : memref<128x128xf32, #tpu.memory_space<vmem>>, vector<16xf32>,
      %swap3A_56 = arith.index_cast %scan3A_50 : i32 to index
      %swap3A_57 = arith.constant 32 : index
      %swap3A_58 = tpu.vector_load %arg8[%swap3A_56, %swap3A_57] {strides = array<i32>} : memref<128x128xf32, #tpu.memory_space<vmem>>, vector<16xf32>,
      tpu.vector_store %arg8[%swap3A_56, %swap3A_57], %broadcast_in_dim3A_1 {strides = array<i32>} : memref<128x128xf32, #tpu.memory_space<vmem>>, vector<16xf32>,
      %swap3A_59 = arith.index_cast %scan3A_50 : i32 to index
      %swap3A_60 = arith.constant 48 : index
      %swap3A_61 = tpu.vector_load %arg8[%swap3A_59, %swap3A_60] {strides = array<i32>} : memref<128x128xf32, #tpu.memory_space<vmem>>, vector<16xf32>,
      tpu.vector_store %arg8[%swap3A_59, %swap3A_60], %broadcast_in_dim3A_1 {strides = array<i32>} : memref<128x128xf32, #tpu.memory_space<vmem>>, vector<16xf32>,
      %swap3A_62 = arith.index_cast %scan3A_50 : i32 to index
      %swap3A_63 = arith.constant 64 : index
      %swap3A_64 = tpu.vector_load %arg8[%swap3A_62, %swap3A_63] {strides = array<i32>} : memref<128x128xf32, #tpu.memory_space<vmem>>, vector<16xf32>,
      tpu.vector_store %arg8[%swap3A_62, %swap3A_63], %broadcast_in_dim3A_1 {strides = array<i32>} : memref<128x128xf32, #tpu.memory_space<vmem>>, vector<16xf32>,
      %swap3A_65 = arith.index_cast %scan3A_50 : i32 to index
      %swap3A_66 = arith.constant 80 : index
      %swap3A_67 = tpu.vector_load %arg8[%swap3A_65, %swap3A_66] {strides = array<i32>} : memref<128x128xf32, #tpu.memory_space<vmem>>, vector<16xf32>,
      tpu.vector_store %arg8[%swap3A_65, %swap3A_66], %broadcast_in_dim3A_1 {strides = array<i32>} : memref<128x128xf32, #tpu.memory_space<vmem>>, vector<16xf32>,
      %swap3A_68 = arith.index_cast %scan3A_50 : i32 to index
      %swap3A_69 = arith.constant 96 : index
      %swap3A_70 = tpu.vector_load %arg8[%swap3A_68, %swap3A_69] {strides = array<i32>} : memref<128x128xf32, #tpu.memory_space<vmem>>, vector<16xf32>,
      tpu.vector_store %arg8[%swap3A_68, %swap3A_69], %broadcast_in_dim3A_1 {strides = array<i32>} : memref<128x128xf32, #tpu.memory_space<vmem>>, vector<16xf32>,
      %swap3A_71 = arith.index_cast %scan3A_50 : i32 to index
      %swap3A_72 = arith.constant 112 : index
      %swap3A_73 = tpu.vector_load %arg8[%swap3A_71, %swap3A_72] {strides = array<i32>} : memref<128x128xf32, #tpu.memory_space<vmem>>, vector<16xf32>,
      tpu.vector_store %arg8[%swap3A_71, %swap3A_72], %broadcast_in_dim3A_1 {strides = array<i32>} : memref<128x128xf32, #tpu.memory_space<vmem>>, vector<16xf32>,
    }
    %scan3A_24 = arith.constant 128 : i32
    %add3A_25 = arith.constant 0 : i32
    %add3A_26 = arith.addi %mul3A_3, %add3A_25 : i32
    "tpu.region"() ({
      %run_scoped3A_50 = tpu.sem_alloc : memref<!tpu.dma_semaphore, #tpu.memory_space<semaphore_mem>>
      %dma_start3A_51 = arith.constant 0 : i32
      %dma_start3A_52 = tpu.memref_slice %arg10[%add3A_26, %dma_start3A_51] : memref<10240x128xf32, #tpu.memory_space<vmem_shared>> -> memref<128x128xf32, #tpu.memory_space<vmem_shared>>
      %dma_start3A_53 = arith.constant 0 : i32
      %dma_start3A_54 = tpu.memref_slice %arg10[%add3A_26, %dma_start3A_53] : memref<10240x128xf32, #tpu.memory_space<vmem_shared>> -> memref<128x128xf32, #tpu.memory_space<vmem_shared>>
      tpu.enqueue_dma source(%arg8 : memref<128x128xf32, #tpu.memory_space<vmem>>) target(%dma_start3A_54 : memref<128x128xf32, #tpu.memory_space<vmem_shared>>) target_semaphore(%run_scoped3A_50 : memref<!tpu.dma_semaphore, #tpu.memory_space<semaphore_mem>>)
      %dma_wait3A = arith.constant 0 : i32
      %dma_wait3A_55 = tpu.memref_slice %arg10[%add3A_26, %dma_wait3A] : memref<10240x128xf32, #tpu.memory_space<vmem_shared>> -> memref<128x128xf32, #tpu.memory_space<vmem_shared>>
      %dma_wait3A_56 = arith.constant 0 : i32
      %dma_wait3A_57 = tpu.memref_slice %arg10[%add3A_26, %dma_wait3A_56] : memref<10240x128xf32, #tpu.memory_space<vmem_shared>> -> memref<128x128xf32, #tpu.memory_space<vmem_shared>>
      tpu.wait_dma2 semaphore(%run_scoped3A_50 : memref<!tpu.dma_semaphore, #tpu.memory_space<semaphore_mem>>) src(%arg8 : memref<128x128xf32, #tpu.memory_space<vmem>>) dst(%dma_wait3A_57 : memref<128x128xf32, #tpu.memory_space<vmem_shared>>)
      tpu.yield
    }) : () -> ()
    %add3A_27 = arith.constant 128 : i32
    %add3A_28 = arith.addi %mul3A_3, %add3A_27 : i32
    "tpu.region"() ({
      %run_scoped3A_50 = tpu.sem_alloc : memref<!tpu.dma_semaphore, #tpu.memory_space<semaphore_mem>>
      %dma_start3A_51 = arith.constant 0 : i32
      %dma_start3A_52 = tpu.memref_slice %arg10[%add3A_28, %dma_start3A_51] : memref<10240x128xf32, #tpu.memory_space<vmem_shared>> -> memref<128x128xf32, #tpu.memory_space<vmem_shared>>
      %dma_start3A_53 = arith.constant 0 : i32
      %dma_start3A_54 = tpu.memref_slice %arg10[%add3A_28, %dma_start3A_53] : memref<10240x128xf32, #tpu.memory_space<vmem_shared>> -> memref<128x128xf32, #tpu.memory_space<vmem_shared>>
      tpu.enqueue_dma source(%arg8 : memref<128x128xf32, #tpu.memory_space<vmem>>) target(%dma_start3A_54 : memref<128x128xf32, #tpu.memory_space<vmem_shared>>) target_semaphore(%run_scoped3A_50 : memref<!tpu.dma_semaphore, #tpu.memory_space<semaphore_mem>>)
      %dma_wait3A = arith.constant 0 : i32
      %dma_wait3A_55 = tpu.memref_slice %arg10[%add3A_28, %dma_wait3A] : memref<10240x128xf32, #tpu.memory_space<vmem_shared>> -> memref<128x128xf32, #tpu.memory_space<vmem_shared>>
      %dma_wait3A_56 = arith.constant 0 : i32
      %dma_wait3A_57 = tpu.memref_slice %arg10[%add3A_28, %dma_wait3A_56] : memref<10240x128xf32, #tpu.memory_space<vmem_shared>> -> memref<128x128xf32, #tpu.memory_space<vmem_shared>>
      tpu.wait_dma2 semaphore(%run_scoped3A_50 : memref<!tpu.dma_semaphore, #tpu.memory_space<semaphore_mem>>) src(%arg8 : memref<128x128xf32, #tpu.memory_space<vmem>>) dst(%dma_wait3A_57 : memref<128x128xf32, #tpu.memory_space<vmem_shared>>)
      tpu.yield
    }) : () -> ()
    %add3A_29 = arith.constant 256 : i32
    %add3A_30 = arith.addi %mul3A_3, %add3A_29 : i32
    "tpu.region"() ({
      %run_scoped3A_50 = tpu.sem_alloc : memref<!tpu.dma_semaphore, #tpu.memory_space<semaphore_mem>>
      %dma_start3A_51 = arith.constant 0 : i32
      %dma_start3A_52 = tpu.memref_slice %arg10[%add3A_30, %dma_start3A_51] : memref<10240x128xf32, #tpu.memory_space<vmem_shared>> -> memref<128x128xf32, #tpu.memory_space<vmem_shared>>
      %dma_start3A_53 = arith.constant 0 : i32
      %dma_start3A_54 = tpu.memref_slice %arg10[%add3A_30, %dma_start3A_53] : memref<10240x128xf32, #tpu.memory_space<vmem_shared>> -> memref<128x128xf32, #tpu.memory_space<vmem_shared>>
      tpu.enqueue_dma source(%arg8 : memref<128x128xf32, #tpu.memory_space<vmem>>) target(%dma_start3A_54 : memref<128x128xf32, #tpu.memory_space<vmem_shared>>) target_semaphore(%run_scoped3A_50 : memref<!tpu.dma_semaphore, #tpu.memory_space<semaphore_mem>>)
      %dma_wait3A = arith.constant 0 : i32
      %dma_wait3A_55 = tpu.memref_slice %arg10[%add3A_30, %dma_wait3A] : memref<10240x128xf32, #tpu.memory_space<vmem_shared>> -> memref<128x128xf32, #tpu.memory_space<vmem_shared>>
      %dma_wait3A_56 = arith.constant 0 : i32
      %dma_wait3A_57 = tpu.memref_slice %arg10[%add3A_30, %dma_wait3A_56] : memref<10240x128xf32, #tpu.memory_space<vmem_shared>> -> memref<128x128xf32, #tpu.memory_space<vmem_shared>>
      tpu.wait_dma2 semaphore(%run_scoped3A_50 : memref<!tpu.dma_semaphore, #tpu.memory_space<semaphore_mem>>) src(%arg8 : memref<128x128xf32, #tpu.memory_space<vmem>>) dst(%dma_wait3A_57 : memref<128x128xf32, #tpu.memory_space<vmem_shared>>)
      tpu.yield
    }) : () -> ()
    %add3A_31 = arith.constant 384 : i32
    %add3A_32 = arith.addi %mul3A_3, %add3A_31 : i32
    "tpu.region"() ({
      %run_scoped3A_50 = tpu.sem_alloc : memref<!tpu.dma_semaphore, #tpu.memory_space<semaphore_mem>>
      %dma_start3A_51 = arith.constant 0 : i32
      %dma_start3A_52 = tpu.memref_slice %arg10[%add3A_32, %dma_start3A_51] : memref<10240x128xf32, #tpu.memory_space<vmem_shared>> -> memref<128x128xf32, #tpu.memory_space<vmem_shared>>
      %dma_start3A_53 = arith.constant 0 : i32
      %dma_start3A_54 = tpu.memref_slice %arg10[%add3A_32, %dma_start3A_53] : memref<10240x128xf32, #tpu.memory_space<vmem_shared>> -> memref<128x128xf32, #tpu.memory_space<vmem_shared>>
      tpu.enqueue_dma source(%arg8 : memref<128x128xf32, #tpu.memory_space<vmem>>) target(%dma_start3A_54 : memref<128x128xf32, #tpu.memory_space<vmem_shared>>) target_semaphore(%run_scoped3A_50 : memref<!tpu.dma_semaphore, #tpu.memory_space<semaphore_mem>>)
      %dma_wait3A = arith.constant 0 : i32
      %dma_wait3A_55 = tpu.memref_slice %arg10[%add3A_32, %dma_wait3A] : memref<10240x128xf32, #tpu.memory_space<vmem_shared>> -> memref<128x128xf32, #tpu.memory_space<vmem_shared>>
      %dma_wait3A_56 = arith.constant 0 : i32
      %dma_wait3A_57 = tpu.memref_slice %arg10[%add3A_32, %dma_wait3A_56] : memref<10240x128xf32, #tpu.memory_space<vmem_shared>> -> memref<128x128xf32, #tpu.memory_space<vmem_shared>>
      tpu.wait_dma2 semaphore(%run_scoped3A_50 : memref<!tpu.dma_semaphore, #tpu.memory_space<semaphore_mem>>) src(%arg8 : memref<128x128xf32, #tpu.memory_space<vmem>>) dst(%dma_wait3A_57 : memref<128x128xf32, #tpu.memory_space<vmem_shared>>)
      tpu.yield
    }) : () -> ()
    %add3A_33 = arith.constant 512 : i32
    %add3A_34 = arith.addi %mul3A_3, %add3A_33 : i32
    "tpu.region"() ({
      %run_scoped3A_50 = tpu.sem_alloc : memref<!tpu.dma_semaphore, #tpu.memory_space<semaphore_mem>>
      %dma_start3A_51 = arith.constant 0 : i32
      %dma_start3A_52 = tpu.memref_slice %arg10[%add3A_34, %dma_start3A_51] : memref<10240x128xf32, #tpu.memory_space<vmem_shared>> -> memref<128x128xf32, #tpu.memory_space<vmem_shared>>
      %dma_start3A_53 = arith.constant 0 : i32
      %dma_start3A_54 = tpu.memref_slice %arg10[%add3A_34, %dma_start3A_53] : memref<10240x128xf32, #tpu.memory_space<vmem_shared>> -> memref<128x128xf32, #tpu.memory_space<vmem_shared>>
      tpu.enqueue_dma source(%arg8 : memref<128x128xf32, #tpu.memory_space<vmem>>) target(%dma_start3A_54 : memref<128x128xf32, #tpu.memory_space<vmem_shared>>) target_semaphore(%run_scoped3A_50 : memref<!tpu.dma_semaphore, #tpu.memory_space<semaphore_mem>>)
      %dma_wait3A = arith.constant 0 : i32
      %dma_wait3A_55 = tpu.memref_slice %arg10[%add3A_34, %dma_wait3A] : memref<10240x128xf32, #tpu.memory_space<vmem_shared>> -> memref<128x128xf32, #tpu.memory_space<vmem_shared>>
      %dma_wait3A_56 = arith.constant 0 : i32
      %dma_wait3A_57 = tpu.memref_slice %arg10[%add3A_34, %dma_wait3A_56] : memref<10240x128xf32, #tpu.memory_space<vmem_shared>> -> memref<128x128xf32, #tpu.memory_space<vmem_shared>>
      tpu.wait_dma2 semaphore(%run_scoped3A_50 : memref<!tpu.dma_semaphore, #tpu.memory_space<semaphore_mem>>) src(%arg8 : memref<128x128xf32, #tpu.memory_space<vmem>>) dst(%dma_wait3A_57 : memref<128x128xf32, #tpu.memory_space<vmem_shared>>)
      tpu.yield
    }) : () -> ()
    %barrier3A_35 = arith.constant 0 : index
    tpu.barrier barrier_id(%barrier3A_35)
    %run_scoped3A_36 = arith.constant 0 : i32
    "tpu.region"() ({
      %run_scoped3A_50 = tpu.sem_alloc : memref<!tpu.dma_semaphore, #tpu.memory_space<semaphore_mem>>
      %dma_start3A_51 = arith.constant 0 : i32
      %dma_start3A_52 = arith.constant 0 : i32
      %dma_start3A_53 = arith.constant 0 : i32
      %dma_start3A_54 = tpu.memref_slice %arg3[%add3A, %run_scoped3A_36, %dma_start3A_51, %dma_start3A_52, %dma_start3A_53] : memref<32x40x2x2x128xi32, #tpu.memory_space<hbm>> -> memref<1x1x2x2x128xi32, #tpu.memory_space<hbm>>
      %dma_start3A_55 = tpu.memref_squeeze %dma_start3A_54 : memref<1x1x2x2x128xi32, #tpu.memory_space<hbm>> -> memref<2x2x128xi32, #tpu.memory_space<hbm>>
      %dma_start3A_56 = arith.constant 0 : i32
      %dma_start3A_57 = arith.constant 0 : i32
      %dma_start3A_58 = arith.constant 0 : i32
      %dma_start3A_59 = tpu.memref_slice %arg3[%add3A, %run_scoped3A_36, %dma_start3A_56, %dma_start3A_57, %dma_start3A_58] : memref<32x40x2x2x128xi32, #tpu.memory_space<hbm>> -> memref<1x1x2x2x128xi32, #tpu.memory_space<hbm>>
      %dma_start3A_60 = tpu.memref_squeeze %dma_start3A_59 : memref<1x1x2x2x128xi32, #tpu.memory_space<hbm>> -> memref<2x2x128xi32, #tpu.memory_space<hbm>>
      tpu.enqueue_dma source(%dma_start3A_60 : memref<2x2x128xi32, #tpu.memory_space<hbm>>) target(%arg6 : memref<2x2x128xi32, #tpu.memory_space<vmem>>) target_semaphore(%run_scoped3A_50 : memref<!tpu.dma_semaphore, #tpu.memory_space<semaphore_mem>>)
      %dma_wait3A = arith.constant 0 : i32
      %dma_wait3A_61 = arith.constant 0 : i32
      %dma_wait3A_62 = arith.constant 0 : i32
      %dma_wait3A_63 = tpu.memref_slice %arg3[%add3A, %run_scoped3A_36, %dma_wait3A, %dma_wait3A_61, %dma_wait3A_62] : memref<32x40x2x2x128xi32, #tpu.memory_space<hbm>> -> memref<1x1x2x2x128xi32, #tpu.memory_space<hbm>>
      %dma_wait3A_64 = tpu.memref_squeeze %dma_wait3A_63 : memref<1x1x2x2x128xi32, #tpu.memory_space<hbm>> -> memref<2x2x128xi32, #tpu.memory_space<hbm>>
      %dma_wait3A_65 = arith.constant 0 : i32
      %dma_wait3A_66 = arith.constant 0 : i32
      %dma_wait3A_67 = arith.constant 0 : i32
      %dma_wait3A_68 = tpu.memref_slice %arg3[%add3A, %run_scoped3A_36, %dma_wait3A_65, %dma_wait3A_66, %dma_wait3A_67] : memref<32x40x2x2x128xi32, #tpu.memory_space<hbm>> -> memref<1x1x2x2x128xi32, #tpu.memory_space<hbm>>
      %dma_wait3A_69 = tpu.memref_squeeze %dma_wait3A_68 : memref<1x1x2x2x128xi32, #tpu.memory_space<hbm>> -> memref<2x2x128xi32, #tpu.memory_space<hbm>>
      tpu.wait_dma2 semaphore(%run_scoped3A_50 : memref<!tpu.dma_semaphore, #tpu.memory_space<semaphore_mem>>) src(%dma_wait3A_69 : memref<2x2x128xi32, #tpu.memory_space<hbm>>) dst(%arg6 : memref<2x2x128xi32, #tpu.memory_space<vmem>>)
      tpu.yield
    }) : () -> ()
    %add3A_37 = arith.constant 0 : i32
    %add3A_38 = arith.addi %mul3A_5, %add3A_37 : i32
    %dma_start3A_39 = arith.constant 0 : i32
    %dma_start3A_40 = tpu.memref_slice %arg5[%add3A_38, %dma_start3A_39] : memref<327680x128xf32, #tpu.memory_space<hbm>> -> memref<128x128xf32, #tpu.memory_space<hbm>>
    %dma_start3A_41 = arith.constant 0 : i32
    %dma_start3A_42 = tpu.memref_slice %arg5[%add3A_38, %dma_start3A_41] : memref<327680x128xf32, #tpu.memory_space<hbm>> -> memref<128x128xf32, #tpu.memory_space<hbm>>
    tpu.enqueue_dma source(%dma_start3A_42 : memref<128x128xf32, #tpu.memory_space<hbm>>) target(%arg8 : memref<128x128xf32, #tpu.memory_space<vmem>>) target_semaphore(%arg11 : memref<!tpu.dma_semaphore, #tpu.memory_space<semaphore_mem>>)
    %scan3A_43 = arith.constant 0 : i32
    %scan3A_44 = arith.constant 0 : i32
    %scan3A_45 = arith.constant 20 : i32
    %scan3A_46 = arith.addi %scan3A_44, %scan3A_45 : i32
    %scan3A_47 = arith.constant 1 : i32
    scf.for %scan3A_50 = %scan3A_44 to %scan3A_46 step %scan3A_47  : i32 {
      %mul3A_51 = arith.constant 2 : i32
      %mul3A_52 = arith.muli %mul3A_51, %scan3A_50 : i32
      %add3A_53 = arith.constant 1 : i32
      %add3A_54 = arith.addi %mul3A_52, %add3A_53 : i32
      "tpu.region"() ({
        %run_scoped3A_130 = tpu.sem_alloc : memref<!tpu.dma_semaphore, #tpu.memory_space<semaphore_mem>>
        %dma_start3A_131 = arith.constant 0 : i32
        %dma_start3A_132 = arith.constant 0 : i32
        %dma_start3A_133 = arith.constant 0 : i32
        %dma_start3A_134 = tpu.memref_slice %arg3[%add3A, %add3A_54, %dma_start3A_131, %dma_start3A_132, %dma_start3A_133] : memref<32x40x2x2x128xi32, #tpu.memory_space<hbm>> -> memref<1x1x2x2x128xi32, #tpu.memory_space<hbm>>
        %dma_start3A_135 = tpu.memref_squeeze %dma_start3A_134 : memref<1x1x2x2x128xi32, #tpu.memory_space<hbm>> -> memref<2x2x128xi32, #tpu.memory_space<hbm>>
        %dma_start3A_136 = arith.constant 0 : i32
        %dma_start3A_137 = arith.constant 0 : i32
        %dma_start3A_138 = arith.constant 0 : i32
        %dma_start3A_139 = tpu.memref_slice %arg3[%add3A, %add3A_54, %dma_start3A_136, %dma_start3A_137, %dma_start3A_138] : memref<32x40x2x2x128xi32, #tpu.memory_space<hbm>> -> memref<1x1x2x2x128xi32, #tpu.memory_space<hbm>>
        %dma_start3A_140 = tpu.memref_squeeze %dma_start3A_139 : memref<1x1x2x2x128xi32, #tpu.memory_space<hbm>> -> memref<2x2x128xi32, #tpu.memory_space<hbm>>
        tpu.enqueue_dma source(%dma_start3A_140 : memref<2x2x128xi32, #tpu.memory_space<hbm>>) target(%arg7 : memref<2x2x128xi32, #tpu.memory_space<vmem>>) target_semaphore(%run_scoped3A_130 : memref<!tpu.dma_semaphore, #tpu.memory_space<semaphore_mem>>)
        %dma_wait3A_141 = arith.constant 0 : i32
        %dma_wait3A_142 = arith.constant 0 : i32
        %dma_wait3A_143 = arith.constant 0 : i32
        %dma_wait3A_144 = tpu.memref_slice %arg3[%add3A, %add3A_54, %dma_wait3A_141, %dma_wait3A_142, %dma_wait3A_143] : memref<32x40x2x2x128xi32, #tpu.memory_space<hbm>> -> memref<1x1x2x2x128xi32, #tpu.memory_space<hbm>>
        %dma_wait3A_145 = tpu.memref_squeeze %dma_wait3A_144 : memref<1x1x2x2x128xi32, #tpu.memory_space<hbm>> -> memref<2x2x128xi32, #tpu.memory_space<hbm>>
        %dma_wait3A_146 = arith.constant 0 : i32
        %dma_wait3A_147 = arith.constant 0 : i32
        %dma_wait3A_148 = arith.constant 0 : i32
        %dma_wait3A_149 = tpu.memref_slice %arg3[%add3A, %add3A_54, %dma_wait3A_146, %dma_wait3A_147, %dma_wait3A_148] : memref<32x40x2x2x128xi32, #tpu.memory_space<hbm>> -> memref<1x1x2x2x128xi32, #tpu.memory_space<hbm>>
        %dma_wait3A_150 = tpu.memref_squeeze %dma_wait3A_149 : memref<1x1x2x2x128xi32, #tpu.memory_space<hbm>> -> memref<2x2x128xi32, #tpu.memory_space<hbm>>
        tpu.wait_dma2 semaphore(%run_scoped3A_130 : memref<!tpu.dma_semaphore, #tpu.memory_space<semaphore_mem>>) src(%dma_wait3A_150 : memref<2x2x128xi32, #tpu.memory_space<hbm>>) dst(%arg7 : memref<2x2x128xi32, #tpu.memory_space<vmem>>)
        tpu.yield
      }) : () -> ()
      %mul3A_55 = arith.constant 4 : i32
      %mul3A_56 = arith.muli %mul3A_55, %scan3A_50 : i32
      %add3A_57 = arith.constant 1 : i32
      %add3A_58 = arith.addi %mul3A_56, %add3A_57 : i32
      %mul3A_59 = arith.constant 128 : i32
      %mul3A_60 = arith.muli %add3A_58, %mul3A_59 : i32
      %add3A_61 = arith.addi %mul3A_5, %mul3A_60 : i32
      %dma_start3A_62 = arith.constant 0 : i32
      %dma_start3A_63 = tpu.memref_slice %arg5[%add3A_61, %dma_start3A_62] : memref<327680x128xf32, #tpu.memory_space<hbm>> -> memref<128x128xf32, #tpu.memory_space<hbm>>
      %dma_start3A_64 = arith.constant 0 : i32
      %dma_start3A_65 = tpu.memref_slice %arg5[%add3A_61, %dma_start3A_64] : memref<327680x128xf32, #tpu.memory_space<hbm>> -> memref<128x128xf32, #tpu.memory_space<hbm>>
      tpu.enqueue_dma source(%dma_start3A_65 : memref<128x128xf32, #tpu.memory_space<hbm>>) target(%arg9 : memref<128x128xf32, #tpu.memory_space<vmem>>) target_semaphore(%arg12 : memref<!tpu.dma_semaphore, #tpu.memory_space<semaphore_mem>>)
      %dma_wait3A = arith.constant 0 : i32
      %dma_wait3A_66 = arith.constant 0 : i32
      %dma_wait3A_67 = tpu.memref_slice %arg2[%dma_wait3A, %dma_wait3A_66] : memref<10240x128xf32, #tpu.memory_space<hbm>> -> memref<128x128xf32, #tpu.memory_space<hbm>>
      %dma_wait3A_68 = arith.constant 0 : i32
      %dma_wait3A_69 = arith.constant 0 : i32
      %dma_wait3A_70 = tpu.memref_slice %arg2[%dma_wait3A_68, %dma_wait3A_69] : memref<10240x128xf32, #tpu.memory_space<hbm>> -> memref<128x128xf32, #tpu.memory_space<hbm>>
      tpu.wait_dma2 semaphore(%arg11 : memref<!tpu.dma_semaphore, #tpu.memory_space<semaphore_mem>>) src(%dma_wait3A_70 : memref<128x128xf32, #tpu.memory_space<hbm>>) dst(%arg8 : memref<128x128xf32, #tpu.memory_space<vmem>>)
      %run_scoped3A_71 = arith.constant 1 : i32
      %run_scoped3A_72 = arith.constant 0 : i32
      "tpu.region"() ({
        %run_scoped3A_130 = tpu.sem_alloc : memref<!tpu.dma_semaphore, #tpu.memory_space<semaphore_mem>>
        %dma_start3A_131 = arith.constant 0 : i32
        %dma_start3A_132 = tpu.memref_slice %arg6[%run_scoped3A_71, %run_scoped3A_72, %dma_start3A_131] : memref<2x2x128xi32, #tpu.memory_space<vmem>> -> memref<1x1x128xi32, #tpu.memory_space<vmem>>
        %dma_start3A_133 = tpu.memref_squeeze %dma_start3A_132 : memref<1x1x128xi32, #tpu.memory_space<vmem>> -> memref<128xi32, #tpu.memory_space<vmem>>
        %dma_start3A_134 = arith.constant 0 : i32
        %dma_start3A_135 = arith.constant 0 : i32
        %dma_start3A_136 = tpu.memref_slice %arg10[%dma_start3A_134, %dma_start3A_135] : memref<10240x128xf32, #tpu.memory_space<vmem_shared>> -> memref<10240x128xf32, #tpu.memory_space<vmem_shared>>
        tpu.enqueue_indirect_dma source(%arg8 : memref<128x128xf32, #tpu.memory_space<vmem>>) target(%dma_start3A_136 : memref<10240x128xf32, #tpu.memory_space<vmem_shared>>) offsets(%dma_start3A_133 : memref<128xi32, #tpu.memory_space<vmem>>) semaphore(%run_scoped3A_130 : memref<!tpu.dma_semaphore, #tpu.memory_space<semaphore_mem>>) {add = true}
        %dma_wait3A_137 = arith.constant 0 : i32
        %dma_wait3A_138 = tpu.memref_slice %arg6[%run_scoped3A_71, %run_scoped3A_72, %dma_wait3A_137] : memref<2x2x128xi32, #tpu.memory_space<vmem>> -> memref<1x1x128xi32, #tpu.memory_space<vmem>>
        %dma_wait3A_139 = tpu.memref_squeeze %dma_wait3A_138 : memref<1x1x128xi32, #tpu.memory_space<vmem>> -> memref<128xi32, #tpu.memory_space<vmem>>
        %dma_wait3A_140 = arith.constant 0 : i32
        %dma_wait3A_141 = arith.constant 0 : i32
        %dma_wait3A_142 = tpu.memref_slice %arg10[%dma_wait3A_140, %dma_wait3A_141] : memref<10240x128xf32, #tpu.memory_space<vmem_shared>> -> memref<10240x128xf32, #tpu.memory_space<vmem_shared>>
        tpu.wait_indirect_dma semaphore(%run_scoped3A_130 : memref<!tpu.dma_semaphore, #tpu.memory_space<semaphore_mem>>) src(%arg8 : memref<128x128xf32, #tpu.memory_space<vmem>>) dst(%dma_wait3A_142 : memref<10240x128xf32, #tpu.memory_space<vmem_shared>>)
        tpu.yield
      }) : () -> ()
      %mul3A_73 = arith.constant 4 : i32
      %mul3A_74 = arith.muli %mul3A_73, %scan3A_50 : i32
      %add3A_75 = arith.constant 2 : i32
      %add3A_76 = arith.addi %mul3A_74, %add3A_75 : i32
      %mul3A_77 = arith.constant 128 : i32
      %mul3A_78 = arith.muli %add3A_76, %mul3A_77 : i32
      %add3A_79 = arith.addi %mul3A_5, %mul3A_78 : i32
      %dma_start3A_80 = arith.constant 0 : i32
      %dma_start3A_81 = tpu.memref_slice %arg5[%add3A_79, %dma_start3A_80] : memref<327680x128xf32, #tpu.memory_space<hbm>> -> memref<128x128xf32, #tpu.memory_space<hbm>>
      %dma_start3A_82 = arith.constant 0 : i32
      %dma_start3A_83 = tpu.memref_slice %arg5[%add3A_79, %dma_start3A_82] : memref<327680x128xf32, #tpu.memory_space<hbm>> -> memref<128x128xf32, #tpu.memory_space<hbm>>
      tpu.enqueue_dma source(%dma_start3A_83 : memref<128x128xf32, #tpu.memory_space<hbm>>) target(%arg8 : memref<128x128xf32, #tpu.memory_space<vmem>>) target_semaphore(%arg11 : memref<!tpu.dma_semaphore, #tpu.memory_space<semaphore_mem>>)
      %dma_wait3A_84 = arith.constant 0 : i32
      %dma_wait3A_85 = arith.constant 0 : i32
      %dma_wait3A_86 = tpu.memref_slice %arg2[%dma_wait3A_84, %dma_wait3A_85] : memref<10240x128xf32, #tpu.memory_space<hbm>> -> memref<128x128xf32, #tpu.memory_space<hbm>>
      %dma_wait3A_87 = arith.constant 0 : i32
      %dma_wait3A_88 = arith.constant 0 : i32
      %dma_wait3A_89 = tpu.memref_slice %arg2[%dma_wait3A_87, %dma_wait3A_88] : memref<10240x128xf32, #tpu.memory_space<hbm>> -> memref<128x128xf32, #tpu.memory_space<hbm>>
      tpu.wait_dma2 semaphore(%arg12 : memref<!tpu.dma_semaphore, #tpu.memory_space<semaphore_mem>>) src(%dma_wait3A_89 : memref<128x128xf32, #tpu.memory_space<hbm>>) dst(%arg9 : memref<128x128xf32, #tpu.memory_space<vmem>>)
      %run_scoped3A_90 = arith.constant 1 : i32
      %run_scoped3A_91 = arith.constant 1 : i32
      "tpu.region"() ({
        %run_scoped3A_130 = tpu.sem_alloc : memref<!tpu.dma_semaphore, #tpu.memory_space<semaphore_mem>>
        %dma_start3A_131 = arith.constant 0 : i32
        %dma_start3A_132 = tpu.memref_slice %arg6[%run_scoped3A_90, %run_scoped3A_91, %dma_start3A_131] : memref<2x2x128xi32, #tpu.memory_space<vmem>> -> memref<1x1x128xi32, #tpu.memory_space<vmem>>
        %dma_start3A_133 = tpu.memref_squeeze %dma_start3A_132 : memref<1x1x128xi32, #tpu.memory_space<vmem>> -> memref<128xi32, #tpu.memory_space<vmem>>
        %dma_start3A_134 = arith.constant 0 : i32
        %dma_start3A_135 = arith.constant 0 : i32
        %dma_start3A_136 = tpu.memref_slice %arg10[%dma_start3A_134, %dma_start3A_135] : memref<10240x128xf32, #tpu.memory_space<vmem_shared>> -> memref<10240x128xf32, #tpu.memory_space<vmem_shared>>
        tpu.enqueue_indirect_dma source(%arg9 : memref<128x128xf32, #tpu.memory_space<vmem>>) target(%dma_start3A_136 : memref<10240x128xf32, #tpu.memory_space<vmem_shared>>) offsets(%dma_start3A_133 : memref<128xi32, #tpu.memory_space<vmem>>) semaphore(%run_scoped3A_130 : memref<!tpu.dma_semaphore, #tpu.memory_space<semaphore_mem>>) {add = true}
        %dma_wait3A_137 = arith.constant 0 : i32
        %dma_wait3A_138 = tpu.memref_slice %arg6[%run_scoped3A_90, %run_scoped3A_91, %dma_wait3A_137] : memref<2x2x128xi32, #tpu.memory_space<vmem>> -> memref<1x1x128xi32, #tpu.memory_space<vmem>>
        %dma_wait3A_139 = tpu.memref_squeeze %dma_wait3A_138 : memref<1x1x128xi32, #tpu.memory_space<vmem>> -> memref<128xi32, #tpu.memory_space<vmem>>
        %dma_wait3A_140 = arith.constant 0 : i32
        %dma_wait3A_141 = arith.constant 0 : i32
        %dma_wait3A_142 = tpu.memref_slice %arg10[%dma_wait3A_140, %dma_wait3A_141] : memref<10240x128xf32, #tpu.memory_space<vmem_shared>> -> memref<10240x128xf32, #tpu.memory_space<vmem_shared>>
        tpu.wait_indirect_dma semaphore(%run_scoped3A_130 : memref<!tpu.dma_semaphore, #tpu.memory_space<semaphore_mem>>) src(%arg9 : memref<128x128xf32, #tpu.memory_space<vmem>>) dst(%dma_wait3A_142 : memref<10240x128xf32, #tpu.memory_space<vmem_shared>>)
        tpu.yield
      }) : () -> ()
      %add3A_92 = arith.constant 1 : i32
      %add3A_93 = arith.addi %scan3A_50, %add3A_92 : i32
      %lt3A = arith.constant 20 : i32
      %lt3A_94 = arith.cmpi slt, %add3A_93, %lt3A : i32
      %convert_element_type3A = arith.extui %lt3A_94 : i1 to i32
      %cond3A = arith.constant 0 : i32
      %cond3A_95 = arith.cmpi ne, %convert_element_type3A, %cond3A : i32
      scf.if %cond3A_95 {
        %add3A_130 = arith.constant 2 : i32
        %add3A_131 = arith.addi %mul3A_52, %add3A_130 : i32
        "tpu.region"() ({
          %run_scoped3A_132 = tpu.sem_alloc : memref<!tpu.dma_semaphore, #tpu.memory_space<semaphore_mem>>
          %dma_start3A_133 = arith.constant 0 : i32
          %dma_start3A_134 = arith.constant 0 : i32
          %dma_start3A_135 = arith.constant 0 : i32
          %dma_start3A_136 = tpu.memref_slice %arg3[%add3A, %add3A_131, %dma_start3A_133, %dma_start3A_134, %dma_start3A_135] : memref<32x40x2x2x128xi32, #tpu.memory_space<hbm>> -> memref<1x1x2x2x128xi32, #tpu.memory_space<hbm>>
          %dma_start3A_137 = tpu.memref_squeeze %dma_start3A_136 : memref<1x1x2x2x128xi32, #tpu.memory_space<hbm>> -> memref<2x2x128xi32, #tpu.memory_space<hbm>>
          %dma_start3A_138 = arith.constant 0 : i32
          %dma_start3A_139 = arith.constant 0 : i32
          %dma_start3A_140 = arith.constant 0 : i32
          %dma_start3A_141 = tpu.memref_slice %arg3[%add3A, %add3A_131, %dma_start3A_138, %dma_start3A_139, %dma_start3A_140] : memref<32x40x2x2x128xi32, #tpu.memory_space<hbm>> -> memref<1x1x2x2x128xi32, #tpu.memory_space<hbm>>
          %dma_start3A_142 = tpu.memref_squeeze %dma_start3A_141 : memref<1x1x2x2x128xi32, #tpu.memory_space<hbm>> -> memref<2x2x128xi32, #tpu.memory_space<hbm>>
          tpu.enqueue_dma source(%dma_start3A_142 : memref<2x2x128xi32, #tpu.memory_space<hbm>>) target(%arg6 : memref<2x2x128xi32, #tpu.memory_space<vmem>>) target_semaphore(%run_scoped3A_132 : memref<!tpu.dma_semaphore, #tpu.memory_space<semaphore_mem>>)
          %dma_wait3A_143 = arith.constant 0 : i32
          %dma_wait3A_144 = arith.constant 0 : i32
          %dma_wait3A_145 = arith.constant 0 : i32
          %dma_wait3A_146 = tpu.memref_slice %arg3[%add3A, %add3A_131, %dma_wait3A_143, %dma_wait3A_144, %dma_wait3A_145] : memref<32x40x2x2x128xi32, #tpu.memory_space<hbm>> -> memref<1x1x2x2x128xi32, #tpu.memory_space<hbm>>
          %dma_wait3A_147 = tpu.memref_squeeze %dma_wait3A_146 : memref<1x1x2x2x128xi32, #tpu.memory_space<hbm>> -> memref<2x2x128xi32, #tpu.memory_space<hbm>>
          %dma_wait3A_148 = arith.constant 0 : i32
          %dma_wait3A_149 = arith.constant 0 : i32
          %dma_wait3A_150 = arith.constant 0 : i32
          %dma_wait3A_151 = tpu.memref_slice %arg3[%add3A, %add3A_131, %dma_wait3A_148, %dma_wait3A_149, %dma_wait3A_150] : memref<32x40x2x2x128xi32, #tpu.memory_space<hbm>> -> memref<1x1x2x2x128xi32, #tpu.memory_space<hbm>>
          %dma_wait3A_152 = tpu.memref_squeeze %dma_wait3A_151 : memref<1x1x2x2x128xi32, #tpu.memory_space<hbm>> -> memref<2x2x128xi32, #tpu.memory_space<hbm>>
          tpu.wait_dma2 semaphore(%run_scoped3A_132 : memref<!tpu.dma_semaphore, #tpu.memory_space<semaphore_mem>>) src(%dma_wait3A_152 : memref<2x2x128xi32, #tpu.memory_space<hbm>>) dst(%arg6 : memref<2x2x128xi32, #tpu.memory_space<vmem>>)
          tpu.yield
        }) : () -> ()
      } else {
      }
      %mul3A_96 = arith.constant 4 : i32
      %mul3A_97 = arith.muli %mul3A_96, %scan3A_50 : i32
      %add3A_98 = arith.constant 3 : i32
      %add3A_99 = arith.addi %mul3A_97, %add3A_98 : i32
      %mul3A_100 = arith.constant 128 : i32
      %mul3A_101 = arith.muli %add3A_99, %mul3A_100 : i32
      %add3A_102 = arith.addi %mul3A_5, %mul3A_101 : i32
      %dma_start3A_103 = arith.constant 0 : i32
      %dma_start3A_104 = tpu.memref_slice %arg5[%add3A_102, %dma_start3A_103] : memref<327680x128xf32, #tpu.memory_space<hbm>> -> memref<128x128xf32, #tpu.memory_space<hbm>>
      %dma_start3A_105 = arith.constant 0 : i32
      %dma_start3A_106 = tpu.memref_slice %arg5[%add3A_102, %dma_start3A_105] : memref<327680x128xf32, #tpu.memory_space<hbm>> -> memref<128x128xf32, #tpu.memory_space<hbm>>
      tpu.enqueue_dma source(%dma_start3A_106 : memref<128x128xf32, #tpu.memory_space<hbm>>) target(%arg9 : memref<128x128xf32, #tpu.memory_space<vmem>>) target_semaphore(%arg12 : memref<!tpu.dma_semaphore, #tpu.memory_space<semaphore_mem>>)
      %dma_wait3A_107 = arith.constant 0 : i32
      %dma_wait3A_108 = arith.constant 0 : i32
      %dma_wait3A_109 = tpu.memref_slice %arg2[%dma_wait3A_107, %dma_wait3A_108] : memref<10240x128xf32, #tpu.memory_space<hbm>> -> memref<128x128xf32, #tpu.memory_space<hbm>>
      %dma_wait3A_110 = arith.constant 0 : i32
      %dma_wait3A_111 = arith.constant 0 : i32
      %dma_wait3A_112 = tpu.memref_slice %arg2[%dma_wait3A_110, %dma_wait3A_111] : memref<10240x128xf32, #tpu.memory_space<hbm>> -> memref<128x128xf32, #tpu.memory_space<hbm>>
      tpu.wait_dma2 semaphore(%arg11 : memref<!tpu.dma_semaphore, #tpu.memory_space<semaphore_mem>>) src(%dma_wait3A_112 : memref<128x128xf32, #tpu.memory_space<hbm>>) dst(%arg8 : memref<128x128xf32, #tpu.memory_space<vmem>>)
      %run_scoped3A_113 = arith.constant 1 : i32
      %run_scoped3A_114 = arith.constant 0 : i32
      "tpu.region"() ({
        %run_scoped3A_130 = tpu.sem_alloc : memref<!tpu.dma_semaphore, #tpu.memory_space<semaphore_mem>>
        %dma_start3A_131 = arith.constant 0 : i32
        %dma_start3A_132 = tpu.memref_slice %arg7[%run_scoped3A_113, %run_scoped3A_114, %dma_start3A_131] : memref<2x2x128xi32, #tpu.memory_space<vmem>> -> memref<1x1x128xi32, #tpu.memory_space<vmem>>
        %dma_start3A_133 = tpu.memref_squeeze %dma_start3A_132 : memref<1x1x128xi32, #tpu.memory_space<vmem>> -> memref<128xi32, #tpu.memory_space<vmem>>
        %dma_start3A_134 = arith.constant 0 : i32
        %dma_start3A_135 = arith.constant 0 : i32
        %dma_start3A_136 = tpu.memref_slice %arg10[%dma_start3A_134, %dma_start3A_135] : memref<10240x128xf32, #tpu.memory_space<vmem_shared>> -> memref<10240x128xf32, #tpu.memory_space<vmem_shared>>
        tpu.enqueue_indirect_dma source(%arg8 : memref<128x128xf32, #tpu.memory_space<vmem>>) target(%dma_start3A_136 : memref<10240x128xf32, #tpu.memory_space<vmem_shared>>) offsets(%dma_start3A_133 : memref<128xi32, #tpu.memory_space<vmem>>) semaphore(%run_scoped3A_130 : memref<!tpu.dma_semaphore, #tpu.memory_space<semaphore_mem>>) {add = true}
        %dma_wait3A_137 = arith.constant 0 : i32
        %dma_wait3A_138 = tpu.memref_slice %arg7[%run_scoped3A_113, %run_scoped3A_114, %dma_wait3A_137] : memref<2x2x128xi32, #tpu.memory_space<vmem>> -> memref<1x1x128xi32, #tpu.memory_space<vmem>>
        %dma_wait3A_139 = tpu.memref_squeeze %dma_wait3A_138 : memref<1x1x128xi32, #tpu.memory_space<vmem>> -> memref<128xi32, #tpu.memory_space<vmem>>
        %dma_wait3A_140 = arith.constant 0 : i32
        %dma_wait3A_141 = arith.constant 0 : i32
        %dma_wait3A_142 = tpu.memref_slice %arg10[%dma_wait3A_140, %dma_wait3A_141] : memref<10240x128xf32, #tpu.memory_space<vmem_shared>> -> memref<10240x128xf32, #tpu.memory_space<vmem_shared>>
        tpu.wait_indirect_dma semaphore(%run_scoped3A_130 : memref<!tpu.dma_semaphore, #tpu.memory_space<semaphore_mem>>) src(%arg8 : memref<128x128xf32, #tpu.memory_space<vmem>>) dst(%dma_wait3A_142 : memref<10240x128xf32, #tpu.memory_space<vmem_shared>>)
        tpu.yield
      }) : () -> ()
      %add3A_115 = arith.constant 1 : i32
      %add3A_116 = arith.addi %scan3A_50, %add3A_115 : i32
      %lt3A_117 = arith.constant 20 : i32
      %lt3A_118 = arith.cmpi slt, %add3A_116, %lt3A_117 : i32
      %convert_element_type3A_119 = arith.extui %lt3A_118 : i1 to i32
      %cond3A_120 = arith.constant 0 : i32
      %cond3A_121 = arith.cmpi ne, %convert_element_type3A_119, %cond3A_120 : i32
      scf.if %cond3A_121 {
        %mul3A_130 = arith.constant 4 : i32
        %mul3A_131 = arith.muli %mul3A_130, %scan3A_50 : i32
        %add3A_132 = arith.constant 4 : i32
        %add3A_133 = arith.addi %mul3A_131, %add3A_132 : i32
        %mul3A_134 = arith.constant 128 : i32
        %mul3A_135 = arith.muli %add3A_133, %mul3A_134 : i32
        %add3A_136 = arith.addi %mul3A_5, %mul3A_135 : i32
        %dma_start3A_137 = arith.constant 0 : i32
        %dma_start3A_138 = tpu.memref_slice %arg5[%add3A_136, %dma_start3A_137] : memref<327680x128xf32, #tpu.memory_space<hbm>> -> memref<128x128xf32, #tpu.memory_space<hbm>>
        %dma_start3A_139 = arith.constant 0 : i32
        %dma_start3A_140 = tpu.memref_slice %arg5[%add3A_136, %dma_start3A_139] : memref<327680x128xf32, #tpu.memory_space<hbm>> -> memref<128x128xf32, #tpu.memory_space<hbm>>
        tpu.enqueue_dma source(%dma_start3A_140 : memref<128x128xf32, #tpu.memory_space<hbm>>) target(%arg8 : memref<128x128xf32, #tpu.memory_space<vmem>>) target_semaphore(%arg11 : memref<!tpu.dma_semaphore, #tpu.memory_space<semaphore_mem>>)
      } else {
      }
      %dma_wait3A_122 = arith.constant 0 : i32
      %dma_wait3A_123 = arith.constant 0 : i32
      %dma_wait3A_124 = tpu.memref_slice %arg2[%dma_wait3A_122, %dma_wait3A_123] : memref<10240x128xf32, #tpu.memory_space<hbm>> -> memref<128x128xf32, #tpu.memory_space<hbm>>
      %dma_wait3A_125 = arith.constant 0 : i32
      %dma_wait3A_126 = arith.constant 0 : i32
      %dma_wait3A_127 = tpu.memref_slice %arg2[%dma_wait3A_125, %dma_wait3A_126] : memref<10240x128xf32, #tpu.memory_space<hbm>> -> memref<128x128xf32, #tpu.memory_space<hbm>>
      tpu.wait_dma2 semaphore(%arg12 : memref<!tpu.dma_semaphore, #tpu.memory_space<semaphore_mem>>) src(%dma_wait3A_127 : memref<128x128xf32, #tpu.memory_space<hbm>>) dst(%arg9 : memref<128x128xf32, #tpu.memory_space<vmem>>)
      %run_scoped3A_128 = arith.constant 1 : i32
      %run_scoped3A_129 = arith.constant 1 : i32
      "tpu.region"() ({
        %run_scoped3A_130 = tpu.sem_alloc : memref<!tpu.dma_semaphore, #tpu.memory_space<semaphore_mem>>
        %dma_start3A_131 = arith.constant 0 : i32
        %dma_start3A_132 = tpu.memref_slice %arg7[%run_scoped3A_128, %run_scoped3A_129, %dma_start3A_131] : memref<2x2x128xi32, #tpu.memory_space<vmem>> -> memref<1x1x128xi32, #tpu.memory_space<vmem>>
        %dma_start3A_133 = tpu.memref_squeeze %dma_start3A_132 : memref<1x1x128xi32, #tpu.memory_space<vmem>> -> memref<128xi32, #tpu.memory_space<vmem>>
        %dma_start3A_134 = arith.constant 0 : i32
        %dma_start3A_135 = arith.constant 0 : i32
        %dma_start3A_136 = tpu.memref_slice %arg10[%dma_start3A_134, %dma_start3A_135] : memref<10240x128xf32, #tpu.memory_space<vmem_shared>> -> memref<10240x128xf32, #tpu.memory_space<vmem_shared>>
        tpu.enqueue_indirect_dma source(%arg9 : memref<128x128xf32, #tpu.memory_space<vmem>>) target(%dma_start3A_136 : memref<10240x128xf32, #tpu.memory_space<vmem_shared>>) offsets(%dma_start3A_133 : memref<128xi32, #tpu.memory_space<vmem>>) semaphore(%run_scoped3A_130 : memref<!tpu.dma_semaphore, #tpu.memory_space<semaphore_mem>>) {add = true}
        %dma_wait3A_137 = arith.constant 0 : i32
        %dma_wait3A_138 = tpu.memref_slice %arg7[%run_scoped3A_128, %run_scoped3A_129, %dma_wait3A_137] : memref<2x2x128xi32, #tpu.memory_space<vmem>> -> memref<1x1x128xi32, #tpu.memory_space<vmem>>
        %dma_wait3A_139 = tpu.memref_squeeze %dma_wait3A_138 : memref<1x1x128xi32, #tpu.memory_space<vmem>> -> memref<128xi32, #tpu.memory_space<vmem>>
        %dma_wait3A_140 = arith.constant 0 : i32
        %dma_wait3A_141 = arith.constant 0 : i32
        %dma_wait3A_142 = tpu.memref_slice %arg10[%dma_wait3A_140, %dma_wait3A_141] : memref<10240x128xf32, #tpu.memory_space<vmem_shared>> -> memref<10240x128xf32, #tpu.memory_space<vmem_shared>>
        tpu.wait_indirect_dma semaphore(%run_scoped3A_130 : memref<!tpu.dma_semaphore, #tpu.memory_space<semaphore_mem>>) src(%arg9 : memref<128x128xf32, #tpu.memory_space<vmem>>) dst(%dma_wait3A_142 : memref<10240x128xf32, #tpu.memory_space<vmem_shared>>)
        tpu.yield
      }) : () -> ()
    }
    %scan3A_48 = arith.constant 20 : i32
    %barrier3A_49 = arith.constant 0 : index
    tpu.barrier barrier_id(%barrier3A_49)
    "tpu.region"() ({
      %run_scoped3A_50 = tpu.sem_alloc : memref<!tpu.dma_semaphore, #tpu.memory_space<semaphore_mem>>
      %dma_start3A_51 = arith.constant 0 : i32
      %dma_start3A_52 = tpu.memref_slice %arg4[%arg0, %mul3A_3, %dma_start3A_51] : memref<2x10240x128xf32, #tpu.memory_space<hbm>> -> memref<1x640x128xf32, #tpu.memory_space<hbm>>
      %dma_start3A_53 = tpu.memref_squeeze %dma_start3A_52 : memref<1x640x128xf32, #tpu.memory_space<hbm>> -> memref<640x128xf32, #tpu.memory_space<hbm>>
      %dma_start3A_54 = arith.constant 0 : i32
      %dma_start3A_55 = tpu.memref_slice %arg10[%mul3A_3, %dma_start3A_54] : memref<10240x128xf32, #tpu.memory_space<vmem_shared>> -> memref<640x128xf32, #tpu.memory_space<vmem_shared>>
      tpu.enqueue_dma source(%dma_start3A_55 : memref<640x128xf32, #tpu.memory_space<vmem_shared>>) target(%dma_start3A_53 : memref<640x128xf32, #tpu.memory_space<hbm>>) target_semaphore(%run_scoped3A_50 : memref<!tpu.dma_semaphore, #tpu.memory_space<semaphore_mem>>)
      %dma_wait3A = arith.constant 0 : i32
      %dma_wait3A_56 = tpu.memref_slice %arg4[%arg0, %mul3A_3, %dma_wait3A] : memref<2x10240x128xf32, #tpu.memory_space<hbm>> -> memref<1x640x128xf32, #tpu.memory_space<hbm>>
      %dma_wait3A_57 = tpu.memref_squeeze %dma_wait3A_56 : memref<1x640x128xf32, #tpu.memory_space<hbm>> -> memref<640x128xf32, #tpu.memory_space<hbm>>
      %dma_wait3A_58 = arith.constant 0 : i32
      %dma_wait3A_59 = tpu.memref_slice %arg10[%mul3A_3, %dma_wait3A_58] : memref<10240x128xf32, #tpu.memory_space<vmem_shared>> -> memref<640x128xf32, #tpu.memory_space<vmem_shared>>
      tpu.wait_dma2 semaphore(%run_scoped3A_50 : memref<!tpu.dma_semaphore, #tpu.memory_space<semaphore_mem>>) src(%dma_wait3A_59 : memref<640x128xf32, #tpu.memory_space<vmem_shared>>) dst(%dma_wait3A_57 : memref<640x128xf32, #tpu.memory_space<hbm>>)
      tpu.yield
    }) : () -> ()
    return
  }
}

module attributes {stable_mosaic.version = 14 : i64} {
  func.func @_ynorm_body(%arg0: i32, %arg1: memref<1280x128xf32, #tpu.memory_space<vmem>>, %arg2: memref<1280x128xf32, #tpu.memory_space<vmem>>, %arg3: memref<1280x128xf32, #tpu.memory_space<vmem>>, %arg4: memref<128x128xf32, #tpu.memory_space<vmem>>, %arg5: memref<1280x128xf32, #tpu.memory_space<vmem>>, %arg6: memref<1280x128xf32, #tpu.memory_space<vmem>>) attributes {dimension_semantics = [#tpu.dimension_semantics<arbitrary>], iteration_bounds = array<i64: 8>, scalar_prefetch = 0 : i64, scratch_operands = 0 : i64, tpu.core_type = #tpu.core_type<tc>, window_params = [{transform_indices = @transform_0, window_bounds = array<i64: 1280, 128>}, {transform_indices = @transform_1, window_bounds = array<i64: 1280, 128>}, {transform_indices = @transform_2, window_bounds = array<i64: 1280, 128>}, {pipeline_mode = #tpu.pipeline_mode<synchronous>, transform_indices = @transform_3, window_bounds = array<i64: 128, 128>}, {transform_indices = @transform_4, window_bounds = array<i64: 1280, 128>}, {transform_indices = @transform_5, window_bounds = array<i64: 1280, 128>}]} {
    %get3A = arith.constant 0 : index
    %get3A_0 = arith.constant 0 : index
    %get3A_1 = vector.load %arg1[%get3A, %get3A_0] : memref<1280x128xf32, #tpu.memory_space<vmem>>, vector<1280x128xf32>
    %get3A_2 = arith.constant 0 : index
    %get3A_3 = arith.constant 0 : index
    %get3A_4 = vector.load %arg2[%get3A_2, %get3A_3] : memref<1280x128xf32, #tpu.memory_space<vmem>>, vector<1280x128xf32>
    %add3A = arith.addf %get3A_1, %get3A_4 : vector<1280x128xf32>
    %add3A_5 = arith.constant 1.000000e+00 : f32
    %add3A_6 = vector.broadcast %add3A_5 : f32 to vector<1280x128xf32>
    %add3A_7 = arith.addf %add3A, %add3A_6 : vector<1280x128xf32>
    %rsqrt3A = math.rsqrt %add3A_7 : vector<1280x128xf32>
    %swap3A = arith.constant 0 : index
    %swap3A_8 = arith.constant 0 : index
    %swap3A_9 = vector.load %arg6[%swap3A, %swap3A_8] : memref<1280x128xf32, #tpu.memory_space<vmem>>, vector<1280x128xf32>
    tpu.vector_store %arg6[%swap3A, %swap3A_8], %rsqrt3A {strides = array<i32>} : memref<1280x128xf32, #tpu.memory_space<vmem>>, vector<1280x128xf32>,
    %get3A_10 = arith.constant 0 : index
    %get3A_11 = arith.constant 0 : index
    %get3A_12 = vector.load %arg3[%get3A_10, %get3A_11] : memref<1280x128xf32, #tpu.memory_space<vmem>>, vector<1280x128xf32>
    %get3A_13 = arith.constant 0 : index
    %get3A_14 = arith.constant 0 : index
    %get3A_15 = vector.load %arg4[%get3A_13, %get3A_14] : memref<128x128xf32, #tpu.memory_space<vmem>>, vector<128x128xf32>
    %dot_general3A = arith.constant dense<0.000000e+00> : vector<1280x128xf32>
    %dot_general3A_16 = tpu.matmul %get3A_12, %get3A_15, %dot_general3A {dimension_numbers = #tpu.dot_dimension_numbers<[1], [0], [0], [1], [0, 0, 1, 1], [], []>, transpose_lhs_hint = false} : vector<1280x128xf32>, vector<128x128xf32>, vector<1280x128xf32> -> vector<1280x128xf32>
    %mul3A = arith.mulf %rsqrt3A, %dot_general3A_16 : vector<1280x128xf32>
    %swap3A_17 = arith.constant 0 : index
    %swap3A_18 = arith.constant 0 : index
    %swap3A_19 = vector.load %arg5[%swap3A_17, %swap3A_18] : memref<1280x128xf32, #tpu.memory_space<vmem>>, vector<1280x128xf32>
    tpu.vector_store %arg5[%swap3A_17, %swap3A_18], %mul3A {strides = array<i32>} : memref<1280x128xf32, #tpu.memory_space<vmem>>, vector<1280x128xf32>,
    return
  }
  func.func @transform_0(%arg0: i32) -> (i32, i32) {
    %c0_i32 = arith.constant 0 : i32
    %c0_i32_0 = arith.constant 0 : i32
    return %arg0, %c0_i32 : i32, i32
  }
  func.func @transform_1(%arg0: i32) -> (i32, i32) {
    %c0_i32 = arith.constant 0 : i32
    %c0_i32_0 = arith.constant 0 : i32
    return %arg0, %c0_i32 : i32, i32
  }
  func.func @transform_2(%arg0: i32) -> (i32, i32) {
    %c0_i32 = arith.constant 0 : i32
    %c0_i32_0 = arith.constant 0 : i32
    return %arg0, %c0_i32 : i32, i32
  }
  func.func @transform_3(%arg0: i32) -> (i32, i32) {
    %c0_i32 = arith.constant 0 : i32
    %c0_i32_0 = arith.constant 0 : i32
    %c0_i32_1 = arith.constant 0 : i32
    return %c0_i32, %c0_i32_0 : i32, i32
  }
  func.func @transform_4(%arg0: i32) -> (i32, i32) {
    %c0_i32 = arith.constant 0 : i32
    %c0_i32_0 = arith.constant 0 : i32
    return %arg0, %c0_i32 : i32, i32
  }
  func.func @transform_5(%arg0: i32) -> (i32, i32) {
    %c0_i32 = arith.constant 0 : i32
    %c0_i32_0 = arith.constant 0 : i32
    return %arg0, %c0_i32 : i32, i32
  }
}

module attributes {stable_mosaic.version = 14 : i64} {
  func.func @_hidden_body(%arg0: i32, %arg1: memref<1280x128xf32, #tpu.memory_space<vmem>>, %arg2: memref<1280x128xf32, #tpu.memory_space<vmem>>, %arg3: memref<1280x128xf32, #tpu.memory_space<vmem>>, %arg4: memref<1280x128xf32, #tpu.memory_space<vmem>>, %arg5: memref<1x128xf32, #tpu.memory_space<vmem>>, %arg6: memref<1280x128xf32, #tpu.memory_space<vmem>>) attributes {dimension_semantics = [#tpu.dimension_semantics<arbitrary>], iteration_bounds = array<i64: 8>, scalar_prefetch = 0 : i64, scratch_operands = 0 : i64, tpu.core_type = #tpu.core_type<tc>, window_params = [{transform_indices = @transform_0, window_bounds = array<i64: 1280, 128>}, {transform_indices = @transform_1, window_bounds = array<i64: 1280, 128>}, {transform_indices = @transform_2, window_bounds = array<i64: 1280, 128>}, {transform_indices = @transform_3, window_bounds = array<i64: 1280, 128>}, {pipeline_mode = #tpu.pipeline_mode<synchronous>, transform_indices = @transform_4, window_bounds = array<i64: 1, 128>}, {transform_indices = @transform_5, window_bounds = array<i64: 1280, 128>}]} {
    %get3A = arith.constant 0 : index
    %get3A_0 = arith.constant 0 : index
    %get3A_1 = vector.load %arg4[%get3A, %get3A_0] : memref<1280x128xf32, #tpu.memory_space<vmem>>, vector<1280x128xf32>
    %get3A_2 = arith.constant 0 : index
    %get3A_3 = arith.constant 0 : index
    %get3A_4 = vector.load %arg1[%get3A_2, %get3A_3] : memref<1280x128xf32, #tpu.memory_space<vmem>>, vector<1280x128xf32>
    %get3A_5 = arith.constant 0 : index
    %get3A_6 = arith.constant 0 : index
    %get3A_7 = vector.load %arg2[%get3A_5, %get3A_6] : memref<1280x128xf32, #tpu.memory_space<vmem>>, vector<1280x128xf32>
    %add3A = arith.addf %get3A_4, %get3A_7 : vector<1280x128xf32>
    %get3A_8 = arith.constant 0 : index
    %get3A_9 = arith.constant 0 : index
    %get3A_10 = vector.load %arg3[%get3A_8, %get3A_9] : memref<1280x128xf32, #tpu.memory_space<vmem>>, vector<1280x128xf32>
    %add3A_11 = arith.addf %add3A, %get3A_10 : vector<1280x128xf32>
    %mul3A = arith.mulf %get3A_1, %add3A_11 : vector<1280x128xf32>
    %get3A_12 = arith.constant 0 : index
    %get3A_13 = arith.constant 0 : index
    %get3A_14 = vector.load %arg5[%get3A_12, %get3A_13] : memref<1x128xf32, #tpu.memory_space<vmem>>, vector<1x128xf32>
    %add3A_15 = vector.broadcast %get3A_14 : vector<1x128xf32> to vector<1280x128xf32>
    %add3A_16 = arith.addf %mul3A, %add3A_15 : vector<1280x128xf32>
    %max3A = arith.constant 0.000000e+00 : f32
    %max3A_17 = vector.broadcast %max3A : f32 to vector<1280x128xf32>
    %max3A_18 = arith.maximumf %add3A_16, %max3A_17 : vector<1280x128xf32>
    %mul3A_19 = arith.mulf %get3A_1, %max3A_18 : vector<1280x128xf32>
    %swap3A = arith.constant 0 : index
    %swap3A_20 = arith.constant 0 : index
    %swap3A_21 = vector.load %arg6[%swap3A, %swap3A_20] : memref<1280x128xf32, #tpu.memory_space<vmem>>, vector<1280x128xf32>
    tpu.vector_store %arg6[%swap3A, %swap3A_20], %mul3A_19 {strides = array<i32>} : memref<1280x128xf32, #tpu.memory_space<vmem>>, vector<1280x128xf32>,
    return
  }
  func.func @transform_0(%arg0: i32) -> (i32, i32) {
    %c0_i32 = arith.constant 0 : i32
    %c0_i32_0 = arith.constant 0 : i32
    return %arg0, %c0_i32 : i32, i32
  }
  func.func @transform_1(%arg0: i32) -> (i32, i32) {
    %c0_i32 = arith.constant 0 : i32
    %c0_i32_0 = arith.constant 0 : i32
    return %arg0, %c0_i32 : i32, i32
  }
  func.func @transform_2(%arg0: i32) -> (i32, i32) {
    %c0_i32 = arith.constant 0 : i32
    %c0_i32_0 = arith.constant 0 : i32
    return %arg0, %c0_i32 : i32, i32
  }
  func.func @transform_3(%arg0: i32) -> (i32, i32) {
    %c0_i32 = arith.constant 0 : i32
    %c0_i32_0 = arith.constant 0 : i32
    return %arg0, %c0_i32 : i32, i32
  }
  func.func @transform_4(%arg0: i32) -> (i32, i32) {
    %c0_i32 = arith.constant 0 : i32
    %c0_i32_0 = arith.constant 0 : i32
    %c0_i32_1 = arith.constant 0 : i32
    return %c0_i32, %c0_i32_0 : i32, i32
  }
  func.func @transform_5(%arg0: i32) -> (i32, i32) {
    %c0_i32 = arith.constant 0 : i32
    %c0_i32_0 = arith.constant 0 : i32
    return %arg0, %c0_i32 : i32, i32
  }
}

module attributes {stable_mosaic.version = 14 : i64} {
  func.func @_heads_body(%arg0: i32, %arg1: memref<1280x128xf32, #tpu.memory_space<vmem>>, %arg2: memref<1280x128xf32, #tpu.memory_space<vmem>>, %arg3: memref<1280x128xf32, #tpu.memory_space<vmem>>, %arg4: memref<1280x128xf32, #tpu.memory_space<vmem>>, %arg5: memref<128x128xf32, #tpu.memory_space<vmem>>, %arg6: memref<1x128xf32, #tpu.memory_space<vmem>>, %arg7: memref<128x128xf32, #tpu.memory_space<vmem>>, %arg8: memref<1x128xf32, #tpu.memory_space<vmem>>, %arg9: memref<1280x128xf32, #tpu.memory_space<vmem>>, %arg10: memref<1280x128xf32, #tpu.memory_space<vmem>>) attributes {dimension_semantics = [#tpu.dimension_semantics<arbitrary>], iteration_bounds = array<i64: 8>, scalar_prefetch = 0 : i64, scratch_operands = 0 : i64, tpu.core_type = #tpu.core_type<tc>, window_params = [{transform_indices = @transform_0, window_bounds = array<i64: 1280, 128>}, {transform_indices = @transform_1, window_bounds = array<i64: 1280, 128>}, {transform_indices = @transform_2, window_bounds = array<i64: 1280, 128>}, {transform_indices = @transform_3, window_bounds = array<i64: 1280, 128>}, {pipeline_mode = #tpu.pipeline_mode<synchronous>, transform_indices = @transform_4, window_bounds = array<i64: 128, 128>}, {pipeline_mode = #tpu.pipeline_mode<synchronous>, transform_indices = @transform_5, window_bounds = array<i64: 1, 128>}, {pipeline_mode = #tpu.pipeline_mode<synchronous>, transform_indices = @transform_6, window_bounds = array<i64: 128, 128>}, {pipeline_mode = #tpu.pipeline_mode<synchronous>, transform_indices = @transform_7, window_bounds = array<i64: 1, 128>}, {transform_indices = @transform_8, window_bounds = array<i64: 1280, 128>}, {transform_indices = @transform_9, window_bounds = array<i64: 1280, 128>}]} {
    %get3A = arith.constant 0 : index
    %get3A_0 = arith.constant 0 : index
    %get3A_1 = vector.load %arg4[%get3A, %get3A_0] : memref<1280x128xf32, #tpu.memory_space<vmem>>, vector<1280x128xf32>
    %get3A_2 = arith.constant 0 : index
    %get3A_3 = arith.constant 0 : index
    %get3A_4 = vector.load %arg1[%get3A_2, %get3A_3] : memref<1280x128xf32, #tpu.memory_space<vmem>>, vector<1280x128xf32>
    %get3A_5 = arith.constant 0 : index
    %get3A_6 = arith.constant 0 : index
    %get3A_7 = vector.load %arg2[%get3A_5, %get3A_6] : memref<1280x128xf32, #tpu.memory_space<vmem>>, vector<1280x128xf32>
    %add3A = arith.addf %get3A_4, %get3A_7 : vector<1280x128xf32>
    %get3A_8 = arith.constant 0 : index
    %get3A_9 = arith.constant 0 : index
    %get3A_10 = vector.load %arg3[%get3A_8, %get3A_9] : memref<1280x128xf32, #tpu.memory_space<vmem>>, vector<1280x128xf32>
    %add3A_11 = arith.addf %add3A, %get3A_10 : vector<1280x128xf32>
    %mul3A = arith.mulf %get3A_1, %add3A_11 : vector<1280x128xf32>
    %get3A_12 = arith.constant 0 : index
    %get3A_13 = arith.constant 0 : index
    %get3A_14 = vector.load %arg5[%get3A_12, %get3A_13] : memref<128x128xf32, #tpu.memory_space<vmem>>, vector<128x128xf32>
    %dot_general3A = arith.constant dense<0.000000e+00> : vector<1280x128xf32>
    %dot_general3A_15 = tpu.matmul %mul3A, %get3A_14, %dot_general3A {dimension_numbers = #tpu.dot_dimension_numbers<[1], [0], [0], [1], [0, 0, 1, 1], [], []>, transpose_lhs_hint = false} : vector<1280x128xf32>, vector<128x128xf32>, vector<1280x128xf32> -> vector<1280x128xf32>
    %get3A_16 = arith.constant 0 : index
    %get3A_17 = arith.constant 0 : index
    %get3A_18 = vector.load %arg6[%get3A_16, %get3A_17] : memref<1x128xf32, #tpu.memory_space<vmem>>, vector<1x128xf32>
    %add3A_19 = vector.broadcast %get3A_18 : vector<1x128xf32> to vector<1280x128xf32>
    %add3A_20 = arith.addf %dot_general3A_15, %add3A_19 : vector<1280x128xf32>
    %swap3A = arith.constant 0 : index
    %swap3A_21 = arith.constant 0 : index
    %swap3A_22 = vector.load %arg9[%swap3A, %swap3A_21] : memref<1280x128xf32, #tpu.memory_space<vmem>>, vector<1280x128xf32>
    tpu.vector_store %arg9[%swap3A, %swap3A_21], %add3A_20 {strides = array<i32>} : memref<1280x128xf32, #tpu.memory_space<vmem>>, vector<1280x128xf32>,
    %get3A_23 = arith.constant 0 : index
    %get3A_24 = arith.constant 0 : index
    %get3A_25 = vector.load %arg7[%get3A_23, %get3A_24] : memref<128x128xf32, #tpu.memory_space<vmem>>, vector<128x128xf32>
    %dot_general3A_26 = arith.constant dense<0.000000e+00> : vector<1280x128xf32>
    %dot_general3A_27 = tpu.matmul %mul3A, %get3A_25, %dot_general3A_26 {dimension_numbers = #tpu.dot_dimension_numbers<[1], [0], [0], [1], [0, 0, 1, 1], [], []>, transpose_lhs_hint = false} : vector<1280x128xf32>, vector<128x128xf32>, vector<1280x128xf32> -> vector<1280x128xf32>
    %get3A_28 = arith.constant 0 : index
    %get3A_29 = arith.constant 0 : index
    %get3A_30 = vector.load %arg8[%get3A_28, %get3A_29] : memref<1x128xf32, #tpu.memory_space<vmem>>, vector<1x128xf32>
    %add3A_31 = vector.broadcast %get3A_30 : vector<1x128xf32> to vector<1280x128xf32>
    %add3A_32 = arith.addf %dot_general3A_27, %add3A_31 : vector<1280x128xf32>
    %max3A = arith.constant 0.000000e+00 : f32
    %max3A_33 = vector.broadcast %max3A : f32 to vector<1280x128xf32>
    %max3A_34 = arith.maximumf %add3A_32, %max3A_33 : vector<1280x128xf32>
    %abs3A = math.absf %add3A_32 : vector<1280x128xf32>
    %neg3A = arith.constant 0.000000e+00 : f32
    %neg3A_35 = vector.broadcast %neg3A : f32 to vector<1280x128xf32>
    %neg3A_36 = arith.subf %neg3A_35, %abs3A : vector<1280x128xf32>
    %exp3A = math.exp %neg3A_36 : vector<1280x128xf32>
    %add3A_37 = arith.constant 1.000000e+00 : f32
    %add3A_38 = vector.broadcast %add3A_37 : f32 to vector<1280x128xf32>
    %add3A_39 = arith.addf %add3A_38, %exp3A : vector<1280x128xf32>
    %log3A = math.log %add3A_39 : vector<1280x128xf32>
    %add3A_40 = arith.addf %max3A_34, %log3A : vector<1280x128xf32>
    %add3A_41 = arith.constant 1.000000e-07 : f32
    %add3A_42 = vector.broadcast %add3A_41 : f32 to vector<1280x128xf32>
    %add3A_43 = arith.addf %add3A_40, %add3A_42 : vector<1280x128xf32>
    %swap3A_44 = arith.constant 0 : index
    %swap3A_45 = arith.constant 0 : index
    %swap3A_46 = vector.load %arg10[%swap3A_44, %swap3A_45] : memref<1280x128xf32, #tpu.memory_space<vmem>>, vector<1280x128xf32>
    tpu.vector_store %arg10[%swap3A_44, %swap3A_45], %add3A_43 {strides = array<i32>} : memref<1280x128xf32, #tpu.memory_space<vmem>>, vector<1280x128xf32>,
    return
  }
  func.func @transform_0(%arg0: i32) -> (i32, i32) {
    %c0_i32 = arith.constant 0 : i32
    %c0_i32_0 = arith.constant 0 : i32
    return %arg0, %c0_i32 : i32, i32
  }
  func.func @transform_1(%arg0: i32) -> (i32, i32) {
    %c0_i32 = arith.constant 0 : i32
    %c0_i32_0 = arith.constant 0 : i32
    return %arg0, %c0_i32 : i32, i32
  }
  func.func @transform_2(%arg0: i32) -> (i32, i32) {
    %c0_i32 = arith.constant 0 : i32
    %c0_i32_0 = arith.constant 0 : i32
    return %arg0, %c0_i32 : i32, i32
  }
  func.func @transform_3(%arg0: i32) -> (i32, i32) {
    %c0_i32 = arith.constant 0 : i32
    %c0_i32_0 = arith.constant 0 : i32
    return %arg0, %c0_i32 : i32, i32
  }
  func.func @transform_4(%arg0: i32) -> (i32, i32) {
    %c0_i32 = arith.constant 0 : i32
    %c0_i32_0 = arith.constant 0 : i32
    %c0_i32_1 = arith.constant 0 : i32
    return %c0_i32, %c0_i32_0 : i32, i32
  }
  func.func @transform_5(%arg0: i32) -> (i32, i32) {
    %c0_i32 = arith.constant 0 : i32
    %c0_i32_0 = arith.constant 0 : i32
    %c0_i32_1 = arith.constant 0 : i32
    return %c0_i32, %c0_i32_0 : i32, i32
  }
  func.func @transform_6(%arg0: i32) -> (i32, i32) {
    %c0_i32 = arith.constant 0 : i32
    %c0_i32_0 = arith.constant 0 : i32
    %c0_i32_1 = arith.constant 0 : i32
    return %c0_i32, %c0_i32_0 : i32, i32
  }
  func.func @transform_7(%arg0: i32) -> (i32, i32) {
    %c0_i32 = arith.constant 0 : i32
    %c0_i32_0 = arith.constant 0 : i32
    %c0_i32_1 = arith.constant 0 : i32
    return %c0_i32, %c0_i32_0 : i32, i32
  }
  func.func @transform_8(%arg0: i32) -> (i32, i32) {
    %c0_i32 = arith.constant 0 : i32
    %c0_i32_0 = arith.constant 0 : i32
    return %arg0, %c0_i32 : i32, i32
  }
  func.func @transform_9(%arg0: i32) -> (i32, i32) {
    %c0_i32 = arith.constant 0 : i32
    %c0_i32_0 = arith.constant 0 : i32
    return %arg0, %c0_i32 : i32, i32
  }
}

</mosaic_0001>

<sc_bundles>
// kernel: kernel.11.cloned.1.call-start
scs
__scs_entry_jumppad:
0x0: {  	(pc) =	sbr.rel $0x88, $3  }
0x1: {  	(tag) =	ssettag $0x0;
	lr =	simm.s32 $0x1  }
0x2: {  	[smem:$0x3F99] =	sst lr;
	_ =	strace $0xD0000000  }
0x3: {  	_ = 	snop  }
0x4: {  	_ = 	snop  }
0x5: {  	_ = 	snop  }
0x6: {  	_ = 	snop  }
0x7: {  	_ = 	snop  }
__scs_overlays_trampoline_lowered:
0x8: {  	[smem:$0x3FA8] =	sst s0  }
0x9: {  	[smem:$0x3FA9] =	sst s1  }
0xa: {  	[smem:$0x3FAA] =	sst s2  }
0xb: {  	[smem:$0x3FAB] =	sst s3  }
0xc: {  	[smem:$0x3FAC] =	sst s4  }
0xd: {  	[smem:$0x3FAD] =	sst s5  }
0xe: {  	[smem:$0x3FAE] =	sst s6  }
0xf: {  	[smem:$0x3FAF] =	sst s7  }
0x10: {  	[smem:$0x3FB0] =	sst s8  }
0x11: {  	[smem:$0x3FB1] =	sst s9;
	s0 =	simm.s32 @!p0 $0x0  }
0x12: {  	s1 =	sld [smem:$0x3F97];
	s0 =	simm.s32 @p0 $0x1  }
0x13: {  	[smem:$0x3FB2] =	sst s0;
	s0 =	simm.s32 @!p1 $0x0  }
0x14: {  	s2 =	sld [smem:$0x3F96];
	s0 =	simm.s32 @p1 $0x1  }
0x15: {  	[smem:$0x3FB3] =	sst s0;
	s0 =	simm.s32 @!p2 $0x0  }
0x16: {  	s3 =	sld [smem:$0x3FDB];
	s0 =	simm.s32 @p2 $0x1  }
0x17: {  	s4 =	simm.s32 $0x1BF5;
	[smem:$0x3FB5] =	sst s0  }
0x18: {  	s0 =	sld [smem:$0x3F98];
	_ =	swait.ge [sflag:s4], $0x0  }
0x19: {  	s7 =	sld [smem:$0x3F99]  }
0x1a: {  	s8 =	sadd.s32 $0xFFFFE003, lr  }
0x1b: {  	s9 =	sadd.s32 $0xFFFFFEF7, lr;
	s5 =	simm.s32 $0xFFFFFFFF;
	p2 =	slt.u32 s8, $0xFFFFF086  }
0x1c: {  	p1 =	slt.u32 s9, $0xF7A;
	s5 =	simm.s32 @!p2 $0x0  }
0x1d: {  	s5 =	simm.s32 @p1 $0x1;
	p0 =	seq.s32 s7, s2  }
0x1e: {  	s7 =	smul.u32 @!p0 $0xF7A, s2;
	p2 =	seq.s32 @!p0 s5, $0x0  }
0x1f: {  	s9 =	smul.u32 $0xF7A, s1;
	s8 =	simm.s32 @!p0 $0x1BF5;
	p2 =	por !p2, p0  }
0x20: {  	[sflag:s8] =	ssyncset.s32 @!p0 $0xFFFFF086;
	s6 =	sadd.s32 @!p0 s3, s7;
	s7 =	simm.s32 @!p0 $0x108  }
0x21: {  	s3 =	sadd.s32 s3, s9;
	s6 =	sadd.s32 @!p0 $0x88, s6;
	s7 =	simm.s32 @p2 $0x1082  }
0x22: {  	[simem:s7], [sflag:s8] =	dma.local @!p0 [hbm:s6], $0xF7A  }
0x23: {  	s9 =	sor.u32 $0xD0000000, s2;
	s6 =	simm.s32 $0x108;
	_ =	swait.ge @!p0 [sflag:s8], $0x0  }
0x24: {  	s3 =	sadd.s32 $0x88, s3;
	s6 =	simm.s32 @!p1 $0x1082;
	[sflag:s4] =	ssyncset.s32 $0xFFFFF086  }
0x25: {  	[simem:s6], [sflag:s4] =	dma.local [hbm:s3], $0xF7A  }
0x26: {  	[smem:$0x3F99] =	sst s1;
	(tag) =	ssettag s2;
	_ =	strace s9  }
0x27: {  	s1 =	sld [smem:$0x3FA9]  }
0x28: {  	s2 =	sld [smem:$0x3FAA]  }
0x29: {  	s4 =	sld [smem:$0x3FAC]  }
0x2a: {  	p0 =	seq.s32 s5, $0x0;
	s5 =	sld [smem:$0x3FAD]  }
0x2b: {  	s6 =	sld [smem:$0x3FAE]  }
0x2c: {  	s7 =	sld [smem:$0x3FAF]  }
0x2d: {  	s3 =	simm.s32 $0x108;
	s8 =	sld [smem:$0x3FB0]  }
0x2e: {  	s3 =	simm.s32 @!p0 $0x1082;
	s9 =	sld [smem:$0x3FB1]  }
0x2f: {  	lr =	sadd.s32 s0, s3;
	s0 =	sld [smem:$0x3FA8]  }
0x30: {  	s3 =	sld [smem:$0x3FAB]  }
0x31: {  	[smem:$0x3FB4] =	sst s10  }
0x32: {  	s10 =	sld [smem:$0x3FB2];
	_ =	sdelay $0x3  }
0x33: {  	p0 =	seq.s32 s10, $0x1;
	s10 =	sld [smem:$0x3FB4];
	_ =	sdelay $0x3  }
0x34: {  	[smem:$0x3FB4] =	sst s10  }
0x35: {  	s10 =	sld [smem:$0x3FB3];
	_ =	sdelay $0x3  }
0x36: {  	p1 =	seq.s32 s10, $0x1;
	s10 =	sld [smem:$0x3FB4];
	_ =	sdelay $0x3  }
0x37: {  	[smem:$0x3FB4] =	sst s10  }
0x38: {  	s10 =	sld [smem:$0x3FB5]  }
0x39: {  	_ = 	snop;
	(pc) =	sbr.ind lr, $3  }
0x3a: {  	_ = 	snop  }
0x3b: {  	_ = 	snop  }
0x3c: {  	p2 =	seq.s32 s10, $0x1;
	s10 =	sld [smem:$0x3FB4]  }
0x3d: {  	_ =	shalt  }
0x3e: {  	_ =	shalt  }
0x3f: {  	_ =	shalt  }
0x40: {  	_ =	shalt  }
0x41: {  	_ =	shalt  }
0x42: {  	_ =	shalt  }
0x43: {  	_ =	shalt  }
0x44: {  	_ =	shalt  }
0x45: {  	_ =	shalt  }
0x46: {  	_ =	shalt  }
0x47: {  	_ =	shalt  }
0x48: {  	_ =	shalt  }
0x49: {  	_ =	shalt  }
0x4a: {  	_ =	shalt  }
0x4b: {  	_ =	shalt  }
0x4c: {  	_ =	shalt  }
0x4d: {  	_ =	shalt  }
0x4e: {  	_ =	shalt  }
0x4f: {  	_ =	shalt  }
0x50: {  	_ =	shalt  }
0x51: {  	_ =	shalt  }
0x52: {  	_ =	shalt  }
0x53: {  	_ =	shalt  }
0x54: {  	_ =	shalt  }
0x55: {  	_ =	shalt  }
0x56: {  	_ =	shalt  }
0x57: {  	_ =	shalt  }
0x58: {  	_ =	shalt  }
0x59: {  	_ =	shalt  }
0x5a: {  	_ =	shalt  }
0x5b: {  	_ =	shalt  }
0x5c: {  	_ =	shalt  }
0x5d: {  	_ =	shalt  }
0x5e: {  	_ =	shalt  }
0x5f: {  	_ =	shalt  }
0x60: {  	_ =	shalt  }
0x61: {  	_ =	shalt  }
0x62: {  	_ =	shalt  }
0x63: {  	_ =	shalt  }
0x64: {  	_ =	shalt  }
0x65: {  	_ =	shalt  }
0x66: {  	_ =	shalt  }
0x67: {  	_ =	shalt  }
0x68: {  	_ =	shalt  }
0x69: {  	_ =	shalt  }
0x6a: {  	_ =	shalt  }
0x6b: {  	_ =	shalt  }
0x6c: {  	_ =	shalt  }
0x6d: {  	_ =	shalt  }
0x6e: {  	_ =	shalt  }
0x6f: {  	_ =	shalt  }
0x70: {  	_ =	shalt  }
0x71: {  	_ =	shalt  }
0x72: {  	_ =	shalt  }
0x73: {  	_ =	shalt  }
0x74: {  	_ =	shalt  }
0x75: {  	_ =	shalt  }
0x76: {  	_ =	shalt  }
0x77: {  	_ =	shalt  }
0x78: {  	_ =	shalt  }
0x79: {  	_ =	shalt  }
0x7a: {  	_ =	shalt  }
0x7b: {  	_ =	shalt  }
0x7c: {  	_ =	shalt  }
0x7d: {  	_ =	shalt  }
0x7e: {  	_ =	shalt  }
0x7f: {  	_ =	shalt  }
0x80: {  	_ =	shalt  }
0x81: {  	_ =	shalt  }
0x82: {  	_ =	shalt  }
0x83: {  	_ =	shalt  }
0x84: {  	_ =	shalt  }
0x85: {  	_ =	shalt  }
0x86: {  	_ =	shalt  }
0x87: {  	_ =	shalt  }
.Lfunc_end0:
.L_simem_size_0:
called_computation.1_lowered:
.L_overlay_start_0:
0x88: {  	s2 =	sld [smem:$0x3FD9]  }
0x89: {  	s3 =	sld [smem:$0x3FFE];
	_ =	sdelay $0x1  }
0x8a: {  	s1 =	srdreg.scid  }
0x8b: {  	s0 =	sand.u32 $0x1, s1  }
0x8c: {  	s14 =	sshll.u32 s0, $0xA;
	s2 =	sadd.s32 s3, s2  }
0x8d: {  	s2 =	sadd.s32 s2, s14  }
0x8e: {  	[smem:$0x3FC0] =	sst s2  }
0x8f: {  	_ = 	snop  }
0x90: {  	s2 =	sld [smem:$0x3FD0];
	_ =	sdelay $0x2  }
0x91: {  	s15 =	simm.s32 $0xA;
	s4 =	simm.s32 $0x10  }
0x92: {  	[smem:s4], [sflag:s15] =	dma.local [hbm:s2], $0x1  }
0x93: {  	_ =	swait.eq [sflag:s15], $0x1  }
0x94: {  	[sflag:s15] =	ssyncset.done $0x0  }
0x95: {  	[sflag:s15] =	ssyncadd.s32 $0xFFFFFFFF  }
0x96: {  	s16 =	sld [smem:$0x11];
	(tm) =	ssettm $0x1  }
0x97: {  	s17 =	sld [smem:$0x3FFB];
	_ =	sdelay $0x3  }
0x98: {  	_ =	strace s17  }
0x99: {  	s3 =	sld [smem:$0x3FFC];
	_ =	sdelay $0x3  }
0x9a: {  	_ =	strace s3  }
0x9b: {  	s3 =	sld [smem:$0x3FFD];
	_ =	sdelay $0x3  }
0x9c: {  	_ =	strace s3  }
0x9d: {  	_ =	strace $0x8FFFFFFF  }
0x9e: {  	s18 =	sld [smem:$0x3FDB];
	_ =	sdelay $0x1  }
0x9f: {  	s19 =	simm.s32 $_scs_section_size  }
0xa0: {  	s5 =	simm.s32 $_size__tile_overlayer_lowered;
	s6 =	simm.s32 $_tile_overlayer_lowered  }
0xa1: {  	s22 =	simm.s32 $0x1BFF;
	s21 =	sshll.u32 s6, $0x1;
	s3 =	sadd.s32 s19, s18  }
0xa2: {  	s7 =	simm.s32 $0x0;
	s20 =	sshll.u32 s5, $0x1;
	s5 =	sadd.s32 s21, s3  }
0xa3: {  	[timem:s7], [sflag:s22] =	dma.local [hbm:s5], s20  }
0xa4: {  	_ =	swait.ge [sflag:s22], s20  }
0xa5: {  	s4 =	ssub.s32 $0x0, s20;
	[sflag:s22] =	ssyncset.done $0x0  }
0xa6: {  	[sflag:s22] =	ssyncadd.s32 s4;
	_ =	sdelay $0x1  }
0xa7: {  	s23 =	simm.s32 $0x1B8B  }
0xa8: {  	_ =	swait.ge [sflag:s23], $0x1  }
0xa9: {  	[sflag:s23] =	ssyncset.done $0x0  }
0xaa: {  	s25 =	simm.s32 $0x1B8E;
	s24 =	sld [smem:$0x3FFE];
	[sflag:s23] =	ssyncadd.s32 $0xFFFFFFFF  }
0xab: {  	s26 =	simm.s32 $execute0_lowered;
	[smem:$0x3FD2] =	sst s25  }
0xac: {  	s5 =	sshll.u32 s26, $0x1;
	_ =	strace $0x80000049;
	[dreg:$0x1] =	wrdreg $0xFFFFFFFF  }
0xad: {  	s28 =	simm.s32 $_size_execute0_lowered;
	s3 =	sadd.s32 s3, s5;
	[dreg:$0x0] =	wrdreg $0x0  }
0xae: {  	s5 =	sshll.u32 s28, $0x1;
	[dreg:$0x2] =	wrdreg s3  }
0xaf: {  	[dreg:$0x3] =	wrdreg s5  }
0xb0: {  	[dreg:$0x4] =	wrdreg $0xC0  }
0xb1: {  	_ =	task [dreg:s7], $0x5FFFF  }
0xb2: {  	[dreg:$0x1] =	wrdreg $0xFFFFFFFF  }
0xb3: {  	[dreg:$0x0] =	wrdreg $0x60  }
0xb4: {  	[dreg:$0x2] =	wrdreg s24  }
0xb5: {  	[dreg:$0x3] =	wrdreg s16  }
0xb6: {  	[dreg:$0x4] =	wrdreg $0x84000  }
0xb7: {  	[dreg:$0x5] =	wrdreg $0x9  }
0xb8: {  	_ =	task.clear_ibuf [dreg:s7], $0x6FFFF;
	_ =	strace $0x90000049  }
0xb9: {  	s29 =	simm.s32 $0x9;
	_ =	strace $0x8000004B  }
0xba: {  	_ =	swait.ge [sflag:s29], $0x1  }
0xbb: {  	[sflag:s29] =	ssyncadd.s32 $0xFFFFFFFF  }
0xbc: {  	_ =	strace $0x9000004B  }
0xbd: {  	_ =	sfence  }
0xbe: {  	s30 =	sld [smem:$0x0];
	_ =	sdelay $0x2  }
0xbf: {  	s31 =	sshll.u32 s1, $0xD;
	s1 =	sshrl.u32 s1, $0x2  }
0xc0: {  	s3 =	sand.u32 $0x4000, s31;
	s1 =	sadd.s32 s1, s30  }
0xc1: {  	s0 =	sor.u32 s3, s0;
	s1 =	sshll.u32 s1, $0x11  }
0xc2: {  	s0 =	sor.u32 s1, s0  }
0xc3: {  	s0 =	sadd.s32 $0x8F2B, s0  }
0xc4: {  	[sflag:s0] =	ssyncadd.remote.s32 $0x1  }
0xc5: {  	_ =	sfence.sel $0xFFFF  }
0xc6: {  	[dreg:$0x0] =	wrdreg $0xFFFFFFFF;
	(pc) =	sbr.abs _section_cstart, $3  }
0xc7: {  	[dreg:$0x1] =	wrdreg $0xFFFFFFFF  }
0xc8: {  	_ =	task.clear_ibuf [dreg:s7], $0x2FFFF;
	_ =	strace $0x9FFFFFFF  }
0xc9: {  	(tm) =	ssettm $0x7FFFFFFF  }
tec
execute0_lowered:
.L_overlay_start_1:
0x0: {  	(tag) =	ssettag $0x1  }
0x1: {  	s0 =	rddreg [dreg:$0x0];
	s13 =	stileid.u32  }
0x2: {  	s1 =	srdreg.scid;
	s5 =	rddreg [dreg:$0x1]  }
0x3: {  	s2 =	rddreg [dreg:$0x2];
	s3 =	simm.s32 $0x0;
	s4 =	smul.u32 $0x14000, s13  }
0x4: {  	s28 =	simm.s32 $0x280;
	s29 =	simm.s32 $0x100;
	s16 =	smul.u32 $0x50000, s13  }
0x5: {  	s30 =	simm.s32 $0x180;
	s31 =	simm.s32 $0x300;
	s15 =	smul.u32 $0x280000, s13  }
0x6: {  	s1 =	sand.u32 $0x1, s1;
	[smem:$0x7FF] =	sst s3;
	s17 =	smul.u32 $0xA000, s13  }
0x7: {  	s23 =	sshll.u32 s13, $0x1;
	s25 =	sshll.u32 s13, $0x6;
	s8 =	smul.u32 $0x140000, s1  }
0x8: {  	_ =	strace $0x8000004A;
	s7 =	ssub.s32 $0x2, s1;
	s18 =	smul.u32 $0x5000, s1  }
0x9: {  	s10 =	sor.u32 s1, s23;
	s1 =	smul.u32 $0x28000, s1;
	s6 =	sshrl.u32 s4, $0x3  }
0xa: {  	s24 =	sshrl.u32 s7, $0x1;
	s11 =	sshrl.u32 s16, $0x2;
	s12 =	smul.u32 $0x5000, s10  }
0xb: {  	s4 =	sadd.s32 s4, s8;
	s6 =	sadd.s32 s6, s0;
	s14 =	ssub.s32 s7, s24  }
0xc: {  	s8 =	sadd.s32 s8, s15;
	s24 =	sadd.s32 s18, s17;
	s4 =	sshrl.u32 s4, $0x3  }
0xd: {  	s6 =	sadd.s32 $0x3400, s6;
	s26 =	sshrl.u32 s12, $0x3;
	s14 =	smax.u32 s14, $0x1  }
0xe: {  	s8 =	sshrl.u32 s8, $0x3;
	s17 =	sor.u32 $0x200, s24;
	s9 =	sadd.s32 s4, s0  }
0xf: {  	s0 =	sadd.s32 $0x53400, s0;
	s4 =	sadd.s32 s11, s2;
	[dreg:$0x4] =	wrdreg s6  }
0x10: {  	s11 =	smul.u32 $0x28000, s10;
	s6 =	sor.u32 $0x1C03, s25;
	s7 =	sadd.s32 s5, s26  }
0x11: {  	s25 =	sor.u32 $0x400, s24;
	s26 =	sshrl.u32 s17, $0x3;
	s24 =	simm.s32 $0x4400  }
0x12: {  	s19 =	sadd.s32 $0x4000, s4;
	s20 =	sadd.s32 $0x8000, s4;
	s21 =	sadd.s32 $0xC000, s4  }
0x13: {  	s22 =	sadd.s32 $0x10000, s4;
	s9 =	sadd.s32 $0x553400, s9;
	[dreg:$0x5] =	wrdreg s19  }
0x14: {  	s15 =	sadd.s32 s8, s0;
	s8 =	sshrl.u32 s25, $0x3;
	[dreg:$0x6] =	wrdreg s20  }
0x15: {  	s18 =	sadd.s32 s26, s5;
	s25 =	simm.s32 $0x1;
	[dreg:$0x7] =	wrdreg s21  }
0x16: {  	s26 =	simm.s32 $0x2;
	[dreg:$0x8] =	wrdreg s22;
	s23 =	sadd.s32 s0, s11  }
0x17: {  	[dreg:$0xa] =	wrdreg s9;
	s0 =	sadd.s32 s16, s0;
	s9 =	sadd.s32 s8, s5  }
0x18: {  	s19 =	sshrl.u32 s4, $0x3;
	s20 =	simm.s32 $0x3;
	s21 =	simm.s32 $0x80  }
0x19: {  	s22 =	simm.s32 $0x400;
	[dreg:$0x9] =	wrdreg s23;
	s16 =	sadd.s32 s1, s0  }
0x1a: {  	v0 =	vimm.f32 $0.0e+00;
	s23 =	simm.s32 $0x200;
	s1 =	simm.s32 $0x380;
	s0 =	simm.s32 $0x0  }
.LBB2_1:
0x1b: {  	s5 =	rddreg [dreg:$0x4]  }
0x1c: {  	[spmem:s19], [sflag:s6] =	dma.local [hbm:s5], $0x2800  }
0x1d: {  	_ =	swait.ge [sflag:s20], $0x2800  }
0x1e: {  	[sflag:s20] =	ssyncset.done $0x0  }
0x1f: {  	[sflag:s20] =	ssyncadd.s32 $0xFFFFD800  }
0x20: {  	[bflag:$0x0] =	sbarrier.arrive $0xFFFF  }
0x21: {  	[tilespmem:s3], [sflag:$0x3] =	stream.linear.gather [hbm4b:s7+s3], $0x200, $0x38;
	[tilespmem:$0x1C400] =	vst v63  }
0x22: {  	_ =	swait.ge [sflag:s20], $0x200  }
0x23: {  	[sflag:s20] =	ssyncset.done $0x0  }
0x24: {  	[sflag:s20] =	ssyncadd.s32 $0xFFFFFE00  }
0x25: {  	[tilespmem:s22], [sflag:$0x1] =	stream.indirect.gather [spmem:s2], $0x80, s3, s21, $0xb8;
	[tilespmem:$0x1C400] =	vst v63  }
0x26: {  	_ = 	snop  }
0x27: {  	[tilespmem:s23], [sflag:$0x3] =	stream.linear.gather [hbm4b:s18+s3], $0x200, $0x38;
	[tilespmem:$0x1C400] =	vst v63  }
0x28: {  	_ =	swait.ge [sflag:s20], $0x200  }
0x29: {  	[sflag:s20] =	ssyncset.done $0x0  }
0x2a: {  	[sflag:s20] =	ssyncadd.s32 $0xFFFFFE00  }
0x2b: {  	[tilespmem:s24], [sflag:$0x2] =	stream.indirect.gather [spmem:s2], $0x80, s21, s21, $0xb8;
	[tilespmem:$0x1C400] =	vst v63  }
0x2c: {  	_ =	swait.ge [sflag:s25], $0x4000  }
0x2d: {  	[sflag:s25] =	ssyncset.done $0x0  }
0x2e: {  	s11 =	sadd.s32 $0x0, s15;
	[sflag:s25] =	ssyncadd.s32 $0xFFFFC000  }
0x2f: {  	[hbm4b:s11+s3] =	stream.linear.scatter [tilespmem:s22], [sflag:$0x3], $0x4000, $0x38;
	[tilespmem:$0x1C400] =	vst v63  }
0x30: {  	_ =	swait.ge [sflag:s20], $0x4000  }
0x31: {  	[sflag:s20] =	ssyncset.done $0x0  }
0x32: {  	[sflag:s20] =	ssyncadd.s32 $0xFFFFC000  }
0x33: {  	[tilespmem:s22], [sflag:$0x1] =	stream.indirect.gather [spmem:s2], $0x80, s23, s21, $0xb8;
	[tilespmem:$0x1C400] =	vst v63  }
0x34: {  	_ =	swait.ge [sflag:s26], $0x4000  }
0x35: {  	s12 =	sadd.s32 $0x0, s16;
	[sflag:s26] =	ssyncset.done $0x0  }
0x36: {  	s8 =	sadd.s32 $0x800, s12;
	[sflag:s26] =	ssyncadd.s32 $0xFFFFC000  }
0x37: {  	[hbm4b:s8+s3] =	stream.linear.scatter [tilespmem:s24], [sflag:$0x3], $0x4000, $0x38;
	[tilespmem:$0x1C400] =	vst v63  }
0x38: {  	_ =	swait.ge [sflag:s20], $0x4000  }
0x39: {  	p0 =	por $0x0, $0x0;
	[sflag:s20] =	ssyncset.done $0x0  }
0x3a: {  	s17 =	simm.s32 @!p0 $0x3;
	s8 =	simm.s32 @!p0 $0x0;
	[sflag:s20] =	ssyncadd.s32 $0xFFFFC000  }
0x3b: {  	[tilespmem:s8], [sflag:$0x3] =	stream.linear.gather @!p0 [hbm4b:s9+s8], $0x200, $0x38;
	[tilespmem:$0x1C400] =	vst v63  }
0x3c: {  	_ =	swait.ge @!p0 [sflag:s17], $0x200  }
0x3d: {  	[sflag:s17] =	ssyncset.done @!p0 $0x0  }
0x3e: {  	[sflag:s17] =	ssyncadd.s32 @!p0 $0xFFFFFE00  }
0x3f: {  	[tilespmem:s24], [sflag:$0x2] =	stream.indirect.gather [spmem:s2], $0x80, s28, s21, $0xb8;
	[tilespmem:$0x1C400] =	vst v63  }
0x40: {  	_ =	swait.ge [sflag:s25], $0x4000  }
0x41: {  	[sflag:s25] =	ssyncset.done $0x0  }
0x42: {  	s13 =	sadd.s32 $0x1000, s12;
	[sflag:s25] =	ssyncadd.s32 $0xFFFFC000  }
0x43: {  	[hbm4b:s13+s3] =	stream.linear.scatter [tilespmem:s22], [sflag:$0x3], $0x4000, $0x38;
	[tilespmem:$0x1C400] =	vst v63  }
0x44: {  	_ =	swait.ge [sflag:s20], $0x4000  }
0x45: {  	[sflag:s20] =	ssyncset.done $0x0  }
0x46: {  	s10 =	simm.s32 @!p0 $0x400;
	s17 =	simm.s32 @!p0 $0x80;
	[sflag:s20] =	ssyncadd.s32 $0xFFFFC000  }
0x47: {  	[tilespmem:s10], [sflag:$0x1] =	stream.indirect.gather @!p0 [spmem:s2], $0x80, s8, s17, $0xb8;
	[tilespmem:$0x1C400] =	vst v63  }
0x48: {  	_ =	swait.ge [sflag:s26], $0x4000  }
0x49: {  	[sflag:s26] =	ssyncset.done $0x0  }
0x4a: {  	s5 =	sadd.s32 $0x1800, s12;
	[sflag:s26] =	ssyncadd.s32 $0xFFFFC000  }
0x4b: {  	[hbm4b:s5+s3] =	stream.linear.scatter [tilespmem:s24], [sflag:$0x3], $0x4000, $0x38;
	[tilespmem:$0x1C400] =	vst v63  }
0x4c: {  	s8 =	sadd.s32 $0x80, s18;
	_ =	swait.ge [sflag:s20], $0x4000  }
0x4d: {  	s17 =	smov.u32 s9;
	s5 =	simm.s32 $0x2000;
	[sflag:s20] =	ssyncset.done $0x0  }
.LBB2_2:
0x4e: {  	[sflag:s20] =	ssyncadd.s32 $0xFFFFC000  }
0x4f: {  	s17 =	sadd.s32 $0x80, s17;
	s10 =	smov.u32 s5;
	s5 =	sadd.s32 $0x2000, s5  }
0x50: {  	[tilespmem:s23], [sflag:$0x3] =	stream.linear.gather [hbm4b:s8+s3], $0x200, $0x38;
	[tilespmem:$0x1C400] =	vst v63  }
0x51: {  	p0 =	sne.s32 s5, $0x28000;
	_ =	swait.ge [sflag:s20], $0x200  }
0x52: {  	[sflag:s20] =	ssyncset.done $0x0  }
0x53: {  	[sflag:s20] =	ssyncadd.s32 $0xFFFFFE00  }
0x54: {  	[tilespmem:s24], [sflag:$0x2] =	stream.indirect.gather [spmem:s2], $0x80, s21, s21, $0xb8;
	[tilespmem:$0x1C400] =	vst v63  }
0x55: {  	_ =	swait.ge [sflag:s25], $0x4000  }
0x56: {  	[sflag:s25] =	ssyncset.done $0x0  }
0x57: {  	s11 =	sadd.s32 s10, s15;
	[sflag:s25] =	ssyncadd.s32 $0xFFFFC000  }
0x58: {  	[hbm4b:s11+s3] =	stream.linear.scatter [tilespmem:s22], [sflag:$0x3], $0x4000, $0x38;
	[tilespmem:$0x1C400] =	vst v63  }
0x59: {  	_ =	swait.ge [sflag:s20], $0x4000  }
0x5a: {  	[sflag:s20] =	ssyncset.done $0x0  }
0x5b: {  	[sflag:s20] =	ssyncadd.s32 $0xFFFFC000  }
0x5c: {  	[tilespmem:s22], [sflag:$0x1] =	stream.indirect.gather [spmem:s2], $0x80, s23, s21, $0xb8;
	[tilespmem:$0x1C400] =	vst v63  }
0x5d: {  	_ =	swait.ge [sflag:s26], $0x4000  }
0x5e: {  	s11 =	sadd.s32 s10, s16;
	[sflag:s26] =	ssyncset.done $0x0  }
0x5f: {  	s12 =	sadd.s32 $0x800, s11;
	[sflag:s26] =	ssyncadd.s32 $0xFFFFC000  }
0x60: {  	[hbm4b:s12+s3] =	stream.linear.scatter [tilespmem:s24], [sflag:$0x3], $0x4000, $0x38;
	[tilespmem:$0x1C400] =	vst v63  }
0x61: {  	_ =	swait.ge [sflag:s20], $0x4000  }
0x62: {  	p1 =	seq.s32 s10, $0x26000;
	[sflag:s20] =	ssyncset.done $0x0  }
0x63: {  	s10 =	simm.s32 @!p1 $0x0;
	s12 =	simm.s32 @!p1 $0x3;
	[sflag:s20] =	ssyncadd.s32 $0xFFFFC000  }
0x64: {  	[tilespmem:s10], [sflag:$0x3] =	stream.linear.gather @!p1 [hbm4b:s17+s10], $0x200, $0x38;
	[tilespmem:$0x1C400] =	vst v63  }
0x65: {  	_ =	swait.ge @!p1 [sflag:s12], $0x200  }
0x66: {  	[sflag:s12] =	ssyncset.done @!p1 $0x0  }
0x67: {  	[sflag:s12] =	ssyncadd.s32 @!p1 $0xFFFFFE00  }
0x68: {  	[tilespmem:s24], [sflag:$0x2] =	stream.indirect.gather [spmem:s2], $0x80, s28, s21, $0xb8;
	[tilespmem:$0x1C400] =	vst v63  }
0x69: {  	_ =	swait.ge [sflag:s25], $0x4000  }
0x6a: {  	[sflag:s25] =	ssyncset.done $0x0  }
0x6b: {  	s12 =	sadd.s32 $0x1000, s11;
	[sflag:s25] =	ssyncadd.s32 $0xFFFFC000  }
0x6c: {  	[hbm4b:s12+s3] =	stream.linear.scatter [tilespmem:s22], [sflag:$0x3], $0x4000, $0x38;
	[tilespmem:$0x1C400] =	vst v63  }
0x6d: {  	_ =	swait.ge [sflag:s20], $0x4000  }
0x6e: {  	[sflag:s20] =	ssyncset.done $0x0  }
0x6f: {  	s13 =	simm.s32 @!p1 $0x400;
	s12 =	simm.s32 @!p1 $0x80;
	[sflag:s20] =	ssyncadd.s32 $0xFFFFC000  }
0x70: {  	[tilespmem:s13], [sflag:$0x1] =	stream.indirect.gather @!p1 [spmem:s2], $0x80, s10, s12, $0xb8;
	[tilespmem:$0x1C400] =	vst v63  }
0x71: {  	_ =	swait.ge [sflag:s26], $0x4000  }
.Ltmp0:
0x72: {  	[sflag:s26] =	ssyncset.done $0x0;
	(pc) =	sbr.rel @p0 .LBB2_2-.Ltmp0, $4  }
0x73: {  	s10 =	sadd.s32 $0x1800, s11;
	[sflag:s26] =	ssyncadd.s32 $0xFFFFC000  }
0x74: {  	[hbm4b:s10+s3] =	stream.linear.scatter [tilespmem:s24], [sflag:$0x3], $0x4000, $0x38;
	[tilespmem:$0x1C400] =	vst v63  }
0x75: {  	_ =	swait.ge [sflag:s20], $0x4000  }
0x76: {  	s8 =	sadd.s32 $0x80, s8;
	[sflag:s20] =	ssyncset.done $0x0  }
0x77: {  	[sflag:s20] =	ssyncadd.s32 $0xFFFFC000  }
0x78: {  	s5 =	simm.s32 $0x0;
	s8 =	simm.s32 $0x200;
	[bflag:$0x0] =	sbarrier.arrive $0xFFFF  }
.LBB2_4:
0x79: {  	p0 =	sne.s32 s8, $0xFE00;
	[tilespmem:s5+$0x470] =	vst v0  }
0x7a: {  	[tilespmem:s5+$0x400] =	vst v0  }
0x7b: {  	[tilespmem:s5+$0x410] =	vst v0  }
.Ltmp1:
0x7c: {  	[tilespmem:s5+$0x420] =	vst v0;
	(pc) =	sbr.rel @p0 .LBB2_4-.Ltmp1, $4  }
0x7d: {  	[tilespmem:s5+$0x430] =	vst v0  }
0x7e: {  	[tilespmem:s5+$0x440] =	vst v0  }
0x7f: {  	[tilespmem:s5+$0x450] =	vst v0  }
0x80: {  	[tilespmem:s5+$0x460] =	vst v0;
	s5 =	sshra.s32 s8, $0x2;
	s8 =	sadd.s32 $0x200, s8  }
0x81: {  	[tilespmem:s5+$0x470] =	vst v0  }
0x82: {  	[tilespmem:s5+$0x400] =	vst v0  }
0x83: {  	[tilespmem:s5+$0x410] =	vst v0  }
0x84: {  	[tilespmem:s5+$0x420] =	vst v0  }
0x85: {  	[tilespmem:s5+$0x430] =	vst v0  }
0x86: {  	[tilespmem:s5+$0x440] =	vst v0  }
0x87: {  	[tilespmem:s5+$0x450] =	vst v0  }
0x88: {  	[tilespmem:s5+$0x460] =	vst v0  }
0x89: {  	[spmem:s4] =	stream.linear.scatter [tilespmem:s22], [sflag:$0x3], $0x4000, $0x38;
	[tilespmem:$0x1C400] =	vst v63  }
0x8a: {  	_ =	swait.ge [sflag:s20], $0x4000  }
0x8b: {  	[sflag:s20] =	ssyncset.done $0x0  }
0x8c: {  	s13 =	rddreg [dreg:$0x5];
	[sflag:s20] =	ssyncadd.s32 $0xFFFFC000  }
0x8d: {  	[spmem:s13] =	stream.linear.scatter [tilespmem:s22], [sflag:$0x3], $0x4000, $0x38;
	[tilespmem:$0x1C400] =	vst v63  }
0x8e: {  	_ =	swait.ge [sflag:s20], $0x4000  }
0x8f: {  	[sflag:s20] =	ssyncset.done $0x0  }
0x90: {  	s17 =	rddreg [dreg:$0x6];
	[sflag:s20] =	ssyncadd.s32 $0xFFFFC000  }
0x91: {  	[spmem:s17] =	stream.linear.scatter [tilespmem:s22], [sflag:$0x3], $0x4000, $0x38;
	[tilespmem:$0x1C400] =	vst v63  }
0x92: {  	_ =	swait.ge [sflag:s20], $0x4000  }
0x93: {  	[sflag:s20] =	ssyncset.done $0x0  }
0x94: {  	s8 =	rddreg [dreg:$0x7];
	[sflag:s20] =	ssyncadd.s32 $0xFFFFC000  }
0x95: {  	[spmem:s8] =	stream.linear.scatter [tilespmem:s22], [sflag:$0x3], $0x4000, $0x38;
	[tilespmem:$0x1C400] =	vst v63  }
0x96: {  	_ =	swait.ge [sflag:s20], $0x4000  }
0x97: {  	[sflag:s20] =	ssyncset.done $0x0  }
0x98: {  	s10 =	rddreg [dreg:$0x8];
	[sflag:s20] =	ssyncadd.s32 $0xFFFFC000  }
0x99: {  	[spmem:s10] =	stream.linear.scatter [tilespmem:s22], [sflag:$0x3], $0x4000, $0x38;
	[tilespmem:$0x1C400] =	vst v63  }
0x9a: {  	_ =	swait.ge [sflag:s20], $0x4000  }
0x9b: {  	[sflag:s20] =	ssyncset.done $0x0  }
0x9c: {  	[sflag:s20] =	ssyncadd.s32 $0xFFFFC000  }
0x9d: {  	s11 =	simm.s32 $0x0;
	[bflag:$0x0] =	sbarrier.arrive $0xFFFF  }
0x9e: {  	[tilespmem:s11], [sflag:$0x3] =	stream.linear.gather [hbm4b:s7+s11], $0x200, $0x38;
	[tilespmem:$0x1C400] =	vst v63  }
0x9f: {  	_ =	swait.ge [sflag:s20], $0x200  }
0xa0: {  	[sflag:s20] =	ssyncset.done $0x0  }
0xa1: {  	s8 =	rddreg [dreg:$0x9];
	[sflag:s20] =	ssyncadd.s32 $0xFFFFFE00  }
0xa2: {  	[tilespmem:s22], [sflag:$0x1] =	stream.linear.gather [hbm4b:s8+s11], $0x4000, $0x38;
	[tilespmem:$0x1C400] =	vst v63  }
0xa3: {  	_ = 	snop  }
0xa4: {  	[tilespmem:s23], [sflag:$0x3] =	stream.linear.gather [hbm4b:s18+s3], $0x200, $0x38;
	[tilespmem:$0x1C400] =	vst v63  }
0xa5: {  	_ =	swait.ge [sflag:s20], $0x200  }
0xa6: {  	s12 =	sadd.s32 $0x0, s16;
	[sflag:s20] =	ssyncset.done $0x0  }
0xa7: {  	s13 =	sadd.s32 $0x800, s12;
	[sflag:s20] =	ssyncadd.s32 $0xFFFFFE00  }
0xa8: {  	[tilespmem:s24], [sflag:$0x2] =	stream.linear.gather [hbm4b:s13+s3], $0x4000, $0x38;
	[tilespmem:$0x1C400] =	vst v63  }
0xa9: {  	_ =	swait.ge [sflag:s25], $0x4000  }
0xaa: {  	[sflag:s25] =	ssyncset.done $0x0  }
0xab: {  	[sflag:s25] =	ssyncadd.s32 $0xFFFFC000  }
0xac: {  	[spmem:s2] =	stream.indirect.scatter.add.f32 [tilespmem:s22], [sflag:$0x3], $0x80, s29, s21, $0xb8;
	[tilespmem:$0x1C400] =	vst v63  }
0xad: {  	_ =	swait.ge [sflag:s20], $0x4000  }
0xae: {  	[sflag:s20] =	ssyncset.done $0x0  }
0xaf: {  	s17 =	sadd.s32 $0x1000, s12;
	[sflag:s20] =	ssyncadd.s32 $0xFFFFC000  }
0xb0: {  	[tilespmem:s22], [sflag:$0x1] =	stream.linear.gather [hbm4b:s17+s3], $0x4000, $0x38;
	[tilespmem:$0x1C400] =	vst v63  }
0xb1: {  	_ =	swait.ge [sflag:s26], $0x4000  }
0xb2: {  	[sflag:s26] =	ssyncset.done $0x0  }
0xb3: {  	[sflag:s26] =	ssyncadd.s32 $0xFFFFC000  }
0xb4: {  	[spmem:s2] =	stream.indirect.scatter.add.f32 [tilespmem:s24], [sflag:$0x3], $0x80, s30, s21, $0xb8;
	[tilespmem:$0x1C400] =	vst v63  }
0xb5: {  	_ =	swait.ge [sflag:s20], $0x4000  }
0xb6: {  	p0 =	por $0x0, $0x0;
	[sflag:s20] =	ssyncset.done $0x0  }
0xb7: {  	s10 =	simm.s32 @!p0 $0x3;
	s8 =	simm.s32 @!p0 $0x0;
	[sflag:s20] =	ssyncadd.s32 $0xFFFFC000  }
0xb8: {  	[tilespmem:s8], [sflag:$0x3] =	stream.linear.gather @!p0 [hbm4b:s9+s8], $0x200, $0x38;
	[tilespmem:$0x1C400] =	vst v63  }
0xb9: {  	_ =	swait.ge @!p0 [sflag:s10], $0x200  }
0xba: {  	[sflag:s10] =	ssyncset.done @!p0 $0x0  }
0xbb: {  	s5 =	sadd.s32 $0x1800, s12;
	[sflag:s10] =	ssyncadd.s32 @!p0 $0xFFFFFE00  }
0xbc: {  	[tilespmem:s24], [sflag:$0x2] =	stream.linear.gather [hbm4b:s5+s3], $0x4000, $0x38;
	[tilespmem:$0x1C400] =	vst v63  }
0xbd: {  	_ =	swait.ge [sflag:s25], $0x4000  }
0xbe: {  	[sflag:s25] =	ssyncset.done $0x0  }
0xbf: {  	[sflag:s25] =	ssyncadd.s32 $0xFFFFC000  }
0xc0: {  	[spmem:s2] =	stream.indirect.scatter.add.f32 [tilespmem:s22], [sflag:$0x3], $0x80, s31, s21, $0xb8;
	[tilespmem:$0x1C400] =	vst v63  }
0xc1: {  	_ =	swait.ge [sflag:s20], $0x4000  }
0xc2: {  	s5 =	sadd.s32 @!p0 $0x0, s16;
	[sflag:s20] =	ssyncset.done $0x0  }
0xc3: {  	s10 =	simm.s32 @!p0 $0x400;
	s5 =	sadd.s32 @!p0 $0x2000, s5;
	[sflag:s20] =	ssyncadd.s32 $0xFFFFC000  }
0xc4: {  	[tilespmem:s10], [sflag:$0x1] =	stream.linear.gather @!p0 [hbm4b:s5+s8], $0x4000, $0x38;
	[tilespmem:$0x1C400] =	vst v63  }
0xc5: {  	_ =	swait.ge [sflag:s26], $0x4000  }
0xc6: {  	[sflag:s26] =	ssyncset.done $0x0  }
0xc7: {  	[sflag:s26] =	ssyncadd.s32 $0xFFFFC000  }
0xc8: {  	[spmem:s2] =	stream.indirect.scatter.add.f32 [tilespmem:s24], [sflag:$0x3], $0x80, s1, s21, $0xb8;
	[tilespmem:$0x1C400] =	vst v63  }
0xc9: {  	s17 =	smov.u32 s9;
	_ =	swait.ge [sflag:s20], $0x4000  }
0xca: {  	s5 =	simm.s32 $0x2000;
	s8 =	sadd.s32 $0x80, s18;
	[sflag:s20] =	ssyncset.done $0x0  }
.LBB2_6:
0xcb: {  	[sflag:s20] =	ssyncadd.s32 $0xFFFFC000  }
0xcc: {  	s17 =	sadd.s32 $0x80, s17;
	s10 =	smov.u32 s5;
	s5 =	sadd.s32 $0x2000, s5  }
0xcd: {  	[tilespmem:s23], [sflag:$0x3] =	stream.linear.gather [hbm4b:s8+s3], $0x200, $0x38;
	[tilespmem:$0x1C400] =	vst v63  }
0xce: {  	p0 =	sne.s32 s5, $0x28000;
	_ =	swait.ge [sflag:s20], $0x200  }
0xcf: {  	s11 =	sadd.s32 s10, s16;
	[sflag:s20] =	ssyncset.done $0x0  }
0xd0: {  	s12 =	sadd.s32 $0x800, s11;
	[sflag:s20] =	ssyncadd.s32 $0xFFFFFE00  }
0xd1: {  	[tilespmem:s24], [sflag:$0x2] =	stream.linear.gather [hbm4b:s12+s3], $0x4000, $0x38;
	[tilespmem:$0x1C400] =	vst v63  }
0xd2: {  	_ =	swait.ge [sflag:s25], $0x4000  }
0xd3: {  	[sflag:s25] =	ssyncset.done $0x0  }
0xd4: {  	[sflag:s25] =	ssyncadd.s32 $0xFFFFC000  }
0xd5: {  	[spmem:s2] =	stream.indirect.scatter.add.f32 [tilespmem:s22], [sflag:$0x3], $0x80, s29, s21, $0xb8;
	[tilespmem:$0x1C400] =	vst v63  }
0xd6: {  	_ =	swait.ge [sflag:s20], $0x4000  }
0xd7: {  	[sflag:s20] =	ssyncset.done $0x0  }
0xd8: {  	s12 =	sadd.s32 $0x1000, s11;
	[sflag:s20] =	ssyncadd.s32 $0xFFFFC000  }
0xd9: {  	[tilespmem:s22], [sflag:$0x1] =	stream.linear.gather [hbm4b:s12+s3], $0x4000, $0x38;
	[tilespmem:$0x1C400] =	vst v63  }
0xda: {  	_ =	swait.ge [sflag:s26], $0x4000  }
0xdb: {  	[sflag:s26] =	ssyncset.done $0x0  }
0xdc: {  	[sflag:s26] =	ssyncadd.s32 $0xFFFFC000  }
0xdd: {  	[spmem:s2] =	stream.indirect.scatter.add.f32 [tilespmem:s24], [sflag:$0x3], $0x80, s30, s21, $0xb8;
	[tilespmem:$0x1C400] =	vst v63  }
0xde: {  	_ =	swait.ge [sflag:s20], $0x4000  }
0xdf: {  	p1 =	seq.s32 s10, $0x26000;
	[sflag:s20] =	ssyncset.done $0x0  }
0xe0: {  	s13 =	simm.s32 @!p1 $0x3;
	s12 =	simm.s32 @!p1 $0x0;
	[sflag:s20] =	ssyncadd.s32 $0xFFFFC000  }
0xe1: {  	[tilespmem:s12], [sflag:$0x3] =	stream.linear.gather @!p1 [hbm4b:s17+s12], $0x200, $0x38;
	[tilespmem:$0x1C400] =	vst v63  }
0xe2: {  	s10 =	sadd.s32 @!p1 s10, s16;
	_ =	swait.ge @!p1 [sflag:s13], $0x200  }
0xe3: {  	s10 =	sadd.s32 @!p1 $0x2000, s10;
	[sflag:s13] =	ssyncset.done @!p1 $0x0  }
0xe4: {  	s11 =	sadd.s32 $0x1800, s11;
	[sflag:s13] =	ssyncadd.s32 @!p1 $0xFFFFFE00  }
0xe5: {  	[tilespmem:s24], [sflag:$0x2] =	stream.linear.gather [hbm4b:s11+s3], $0x4000, $0x38;
	[tilespmem:$0x1C400] =	vst v63  }
0xe6: {  	_ =	swait.ge [sflag:s25], $0x4000  }
0xe7: {  	[sflag:s25] =	ssyncset.done $0x0  }
0xe8: {  	[sflag:s25] =	ssyncadd.s32 $0xFFFFC000  }
0xe9: {  	[spmem:s2] =	stream.indirect.scatter.add.f32 [tilespmem:s22], [sflag:$0x3], $0x80, s31, s21, $0xb8;
	[tilespmem:$0x1C400] =	vst v63  }
0xea: {  	_ =	swait.ge [sflag:s20], $0x4000  }
0xeb: {  	[sflag:s20] =	ssyncset.done $0x0  }
0xec: {  	s11 =	simm.s32 @!p1 $0x400;
	[sflag:s20] =	ssyncadd.s32 $0xFFFFC000  }
0xed: {  	[tilespmem:s11], [sflag:$0x1] =	stream.linear.gather @!p1 [hbm4b:s10+s12], $0x4000, $0x38;
	[tilespmem:$0x1C400] =	vst v63  }
0xee: {  	_ =	swait.ge [sflag:s26], $0x4000  }
.Ltmp2:
0xef: {  	[sflag:s26] =	ssyncset.done $0x0;
	(pc) =	sbr.rel @p0 .LBB2_6-.Ltmp2, $4  }
0xf0: {  	[sflag:s26] =	ssyncadd.s32 $0xFFFFC000  }
0xf1: {  	[spmem:s2] =	stream.indirect.scatter.add.f32 [tilespmem:s24], [sflag:$0x3], $0x80, s1, s21, $0xb8;
	[tilespmem:$0x1C400] =	vst v63  }
0xf2: {  	_ =	swait.ge [sflag:s20], $0x4000  }
0xf3: {  	s8 =	sadd.s32 $0x80, s8;
	[sflag:s20] =	ssyncset.done $0x0  }
0xf4: {  	[sflag:s20] =	ssyncadd.s32 $0xFFFFC000;
	s0 =	sadd.s32 $0x1, s0  }
0xf5: {  	[bflag:$0x0] =	sbarrier.arrive $0xFFFF;
	p0 =	sne.s32 s0, s14  }
.Ltmp3:
0xf6: {  	s5 =	rddreg [dreg:$0xa];
	(pc) =	sbr.rel @p0 .LBB2_1-.Ltmp3, $4  }
0xf7: {  	[hbm:s5], [sflag:s6] =	dma.local [spmem:s19], $0x2800  }
0xf8: {  	_ =	swait.ge [sflag:s20], $0x2800  }
0xf9: {  	[sflag:s20] =	ssyncset.done $0x0  }
0xfa: {  	[sflag:s20] =	ssyncadd.s32 $0xFFFFD800  }
0xfb: {  	_ =	sfence.sel $0x180000  }
0xfc: {  	[bflag:$0x0] =	sbarrier.arrive $0xFFFF  }
0xfd: {  	_ =	strace $0x9000004A  }
0xfe: {  	s0 =	stileid.u32;
	[bflag:$0x2] =	sbarrier.arrive $0xFFFF  }
0xff: {  	p0 =	sne.s32 s0, $0x0;
	s0 =	rddreg [dreg:$0x3]  }
0x100: {  	s0 =	sadd.s32 @!p0 $0x100000, s0  }
0x101: {  	[sflag:s0] =	ssyncadd.tile.s32 @!p0 $0x1;
	_ =	shalt  }
.Lfunc_end2:
_tile_overlayer_lowered:
.L_overlay_start_2:
0x102: {  	(tag) =	ssettag $0x2  }
0x103: {  	s0 =	rddreg [dreg:$0x0];
	s2 =	stileid.u32  }
0x104: {  	s1 =	rddreg [dreg:$0x1];
	p0 =	sne.s32 s2, $0x0  }
0x105: {  	s3 =	rddreg [dreg:$0x2];
	[bflag:$0x3] =	sbarrier.arrive $0xFFFF;
	s2 =	simm.s32 @!p0 $0x1C03  }
0x106: {  	[timem:s3], [sflag:s2] =	dma.local @!p0 [hbm:s0], s1  }
0x107: {  	s0 =	simm.s32 @!p0 $0x3  }
0x108: {  	_ =	swait.ge @!p0 [sflag:s0], s1  }
0x109: {  	s1 =	ssub.s32 @!p0 $0x0, s1;
	[sflag:s0] =	ssyncset.done @!p0 $0x0  }
0x10a: {  	[sflag:s0] =	ssyncadd.s32 @!p0 s1  }
0x10b: {  	[bflag:$0x3] =	sbarrier.arrive $0xFFFF  }
0x10c: {  	_ =	shalt  }

// kernel: kernel.14.cloned.1.call-start
scs
__scs_entry_jumppad:
0x0: {  	(pc) =	sbr.rel $0x88, $3  }
0x1: {  	(tag) =	ssettag $0x0;
	lr =	simm.s32 $0x1  }
0x2: {  	[smem:$0x3F99] =	sst lr;
	_ =	strace $0xD0000000  }
0x3: {  	_ = 	snop  }
0x4: {  	_ = 	snop  }
0x5: {  	_ = 	snop  }
0x6: {  	_ = 	snop  }
0x7: {  	_ = 	snop  }
__scs_overlays_trampoline_lowered:
0x8: {  	[smem:$0x3FA8] =	sst s0  }
0x9: {  	[smem:$0x3FA9] =	sst s1  }
0xa: {  	[smem:$0x3FAA] =	sst s2  }
0xb: {  	[smem:$0x3FAB] =	sst s3  }
0xc: {  	[smem:$0x3FAC] =	sst s4  }
0xd: {  	[smem:$0x3FAD] =	sst s5  }
0xe: {  	[smem:$0x3FAE] =	sst s6  }
0xf: {  	[smem:$0x3FAF] =	sst s7  }
0x10: {  	[smem:$0x3FB0] =	sst s8  }
0x11: {  	[smem:$0x3FB1] =	sst s9;
	s0 =	simm.s32 @!p0 $0x0  }
0x12: {  	s1 =	sld [smem:$0x3F97];
	s0 =	simm.s32 @p0 $0x1  }
0x13: {  	[smem:$0x3FB2] =	sst s0;
	s0 =	simm.s32 @!p1 $0x0  }
0x14: {  	s2 =	sld [smem:$0x3F96];
	s0 =	simm.s32 @p1 $0x1  }
0x15: {  	[smem:$0x3FB3] =	sst s0;
	s0 =	simm.s32 @!p2 $0x0  }
0x16: {  	s3 =	sld [smem:$0x3FDB];
	s0 =	simm.s32 @p2 $0x1  }
0x17: {  	s4 =	simm.s32 $0x1BF5;
	[smem:$0x3FB5] =	sst s0  }
0x18: {  	s0 =	sld [smem:$0x3F98];
	_ =	swait.ge [sflag:s4], $0x0  }
0x19: {  	s7 =	sld [smem:$0x3F99]  }
0x1a: {  	s8 =	sadd.s32 $0xFFFFE003, lr  }
0x1b: {  	s9 =	sadd.s32 $0xFFFFFEF7, lr;
	s5 =	simm.s32 $0xFFFFFFFF;
	p2 =	slt.u32 s8, $0xFFFFF086  }
0x1c: {  	p1 =	slt.u32 s9, $0xF7A;
	s5 =	simm.s32 @!p2 $0x0  }
0x1d: {  	s5 =	simm.s32 @p1 $0x1;
	p0 =	seq.s32 s7, s2  }
0x1e: {  	s7 =	smul.u32 @!p0 $0xF7A, s2;
	p2 =	seq.s32 @!p0 s5, $0x0  }
0x1f: {  	s9 =	smul.u32 $0xF7A, s1;
	s8 =	simm.s32 @!p0 $0x1BF5;
	p2 =	por !p2, p0  }
0x20: {  	[sflag:s8] =	ssyncset.s32 @!p0 $0xFFFFF086;
	s6 =	sadd.s32 @!p0 s3, s7;
	s7 =	simm.s32 @!p0 $0x108  }
0x21: {  	s3 =	sadd.s32 s3, s9;
	s6 =	sadd.s32 @!p0 $0x88, s6;
	s7 =	simm.s32 @p2 $0x1082  }
0x22: {  	[simem:s7], [sflag:s8] =	dma.local @!p0 [hbm:s6], $0xF7A  }
0x23: {  	s9 =	sor.u32 $0xD0000000, s2;
	s6 =	simm.s32 $0x108;
	_ =	swait.ge @!p0 [sflag:s8], $0x0  }
0x24: {  	s3 =	sadd.s32 $0x88, s3;
	s6 =	simm.s32 @!p1 $0x1082;
	[sflag:s4] =	ssyncset.s32 $0xFFFFF086  }
0x25: {  	[simem:s6], [sflag:s4] =	dma.local [hbm:s3], $0xF7A  }
0x26: {  	[smem:$0x3F99] =	sst s1;
	(tag) =	ssettag s2;
	_ =	strace s9  }
0x27: {  	s1 =	sld [smem:$0x3FA9]  }
0x28: {  	s2 =	sld [smem:$0x3FAA]  }
0x29: {  	s4 =	sld [smem:$0x3FAC]  }
0x2a: {  	p0 =	seq.s32 s5, $0x0;
	s5 =	sld [smem:$0x3FAD]  }
0x2b: {  	s6 =	sld [smem:$0x3FAE]  }
0x2c: {  	s7 =	sld [smem:$0x3FAF]  }
0x2d: {  	s3 =	simm.s32 $0x108;
	s8 =	sld [smem:$0x3FB0]  }
0x2e: {  	s3 =	simm.s32 @!p0 $0x1082;
	s9 =	sld [smem:$0x3FB1]  }
0x2f: {  	lr =	sadd.s32 s0, s3;
	s0 =	sld [smem:$0x3FA8]  }
0x30: {  	s3 =	sld [smem:$0x3FAB]  }
0x31: {  	[smem:$0x3FB4] =	sst s10  }
0x32: {  	s10 =	sld [smem:$0x3FB2];
	_ =	sdelay $0x3  }
0x33: {  	p0 =	seq.s32 s10, $0x1;
	s10 =	sld [smem:$0x3FB4];
	_ =	sdelay $0x3  }
0x34: {  	[smem:$0x3FB4] =	sst s10  }
0x35: {  	s10 =	sld [smem:$0x3FB3];
	_ =	sdelay $0x3  }
0x36: {  	p1 =	seq.s32 s10, $0x1;
	s10 =	sld [smem:$0x3FB4];
	_ =	sdelay $0x3  }
0x37: {  	[smem:$0x3FB4] =	sst s10  }
0x38: {  	s10 =	sld [smem:$0x3FB5]  }
0x39: {  	_ = 	snop;
	(pc) =	sbr.ind lr, $3  }
0x3a: {  	_ = 	snop  }
0x3b: {  	_ = 	snop  }
0x3c: {  	p2 =	seq.s32 s10, $0x1;
	s10 =	sld [smem:$0x3FB4]  }
0x3d: {  	_ =	shalt  }
0x3e: {  	_ =	shalt  }
0x3f: {  	_ =	shalt  }
0x40: {  	_ =	shalt  }
0x41: {  	_ =	shalt  }
0x42: {  	_ =	shalt  }
0x43: {  	_ =	shalt  }
0x44: {  	_ =	shalt  }
0x45: {  	_ =	shalt  }
0x46: {  	_ =	shalt  }
0x47: {  	_ =	shalt  }
0x48: {  	_ =	shalt  }
0x49: {  	_ =	shalt  }
0x4a: {  	_ =	shalt  }
0x4b: {  	_ =	shalt  }
0x4c: {  	_ =	shalt  }
0x4d: {  	_ =	shalt  }
0x4e: {  	_ =	shalt  }
0x4f: {  	_ =	shalt  }
0x50: {  	_ =	shalt  }
0x51: {  	_ =	shalt  }
0x52: {  	_ =	shalt  }
0x53: {  	_ =	shalt  }
0x54: {  	_ =	shalt  }
0x55: {  	_ =	shalt  }
0x56: {  	_ =	shalt  }
0x57: {  	_ =	shalt  }
0x58: {  	_ =	shalt  }
0x59: {  	_ =	shalt  }
0x5a: {  	_ =	shalt  }
0x5b: {  	_ =	shalt  }
0x5c: {  	_ =	shalt  }
0x5d: {  	_ =	shalt  }
0x5e: {  	_ =	shalt  }
0x5f: {  	_ =	shalt  }
0x60: {  	_ =	shalt  }
0x61: {  	_ =	shalt  }
0x62: {  	_ =	shalt  }
0x63: {  	_ =	shalt  }
0x64: {  	_ =	shalt  }
0x65: {  	_ =	shalt  }
0x66: {  	_ =	shalt  }
0x67: {  	_ =	shalt  }
0x68: {  	_ =	shalt  }
0x69: {  	_ =	shalt  }
0x6a: {  	_ =	shalt  }
0x6b: {  	_ =	shalt  }
0x6c: {  	_ =	shalt  }
0x6d: {  	_ =	shalt  }
0x6e: {  	_ =	shalt  }
0x6f: {  	_ =	shalt  }
0x70: {  	_ =	shalt  }
0x71: {  	_ =	shalt  }
0x72: {  	_ =	shalt  }
0x73: {  	_ =	shalt  }
0x74: {  	_ =	shalt  }
0x75: {  	_ =	shalt  }
0x76: {  	_ =	shalt  }
0x77: {  	_ =	shalt  }
0x78: {  	_ =	shalt  }
0x79: {  	_ =	shalt  }
0x7a: {  	_ =	shalt  }
0x7b: {  	_ =	shalt  }
0x7c: {  	_ =	shalt  }
0x7d: {  	_ =	shalt  }
0x7e: {  	_ =	shalt  }
0x7f: {  	_ =	shalt  }
0x80: {  	_ =	shalt  }
0x81: {  	_ =	shalt  }
0x82: {  	_ =	shalt  }
0x83: {  	_ =	shalt  }
0x84: {  	_ =	shalt  }
0x85: {  	_ =	shalt  }
0x86: {  	_ =	shalt  }
0x87: {  	_ =	shalt  }
.Lfunc_end0:
.L_simem_size_0:
called_computation.2_lowered:
.L_overlay_start_0:
0x88: {  	s2 =	sld [smem:$0x3FD9]  }
0x89: {  	s3 =	sld [smem:$0x3FFE];
	_ =	sdelay $0x1  }
0x8a: {  	s1 =	srdreg.scid  }
0x8b: {  	s0 =	sand.u32 $0x1, s1  }
0x8c: {  	s14 =	sshll.u32 s0, $0xA;
	s2 =	sadd.s32 s3, s2  }
0x8d: {  	s2 =	sadd.s32 s2, s14  }
0x8e: {  	[smem:$0x3FC0] =	sst s2  }
0x8f: {  	_ = 	snop  }
0x90: {  	s2 =	sld [smem:$0x3FD0];
	_ =	sdelay $0x2  }
0x91: {  	s15 =	simm.s32 $0xA;
	s4 =	simm.s32 $0x10  }
0x92: {  	[smem:s4], [sflag:s15] =	dma.local [hbm:s2], $0x1  }
0x93: {  	_ =	swait.eq [sflag:s15], $0x1  }
0x94: {  	[sflag:s15] =	ssyncset.done $0x0  }
0x95: {  	[sflag:s15] =	ssyncadd.s32 $0xFFFFFFFF  }
0x96: {  	s16 =	sld [smem:$0x11];
	(tm) =	ssettm $0x1  }
0x97: {  	s17 =	sld [smem:$0x3FFB];
	_ =	sdelay $0x3  }
0x98: {  	_ =	strace s17  }
0x99: {  	s3 =	sld [smem:$0x3FFC];
	_ =	sdelay $0x3  }
0x9a: {  	_ =	strace s3  }
0x9b: {  	s3 =	sld [smem:$0x3FFD];
	_ =	sdelay $0x3  }
0x9c: {  	_ =	strace s3  }
0x9d: {  	_ =	strace $0x8FFFFFFF  }
0x9e: {  	s18 =	sld [smem:$0x3FDB];
	_ =	sdelay $0x1  }
0x9f: {  	s19 =	simm.s32 $_scs_section_size  }
0xa0: {  	s5 =	simm.s32 $_size__tile_overlayer_lowered;
	s6 =	simm.s32 $_tile_overlayer_lowered  }
0xa1: {  	s22 =	simm.s32 $0x1BFF;
	s21 =	sshll.u32 s6, $0x1;
	s3 =	sadd.s32 s19, s18  }
0xa2: {  	s7 =	simm.s32 $0x0;
	s20 =	sshll.u32 s5, $0x1;
	s5 =	sadd.s32 s21, s3  }
0xa3: {  	[timem:s7], [sflag:s22] =	dma.local [hbm:s5], s20  }
0xa4: {  	_ =	swait.ge [sflag:s22], s20  }
0xa5: {  	s4 =	ssub.s32 $0x0, s20;
	[sflag:s22] =	ssyncset.done $0x0  }
0xa6: {  	[sflag:s22] =	ssyncadd.s32 s4;
	_ =	sdelay $0x1  }
0xa7: {  	s23 =	simm.s32 $0x1B8B  }
0xa8: {  	_ =	swait.ge [sflag:s23], $0x1  }
0xa9: {  	[sflag:s23] =	ssyncset.done $0x0  }
0xaa: {  	s25 =	simm.s32 $0x1B8E;
	s24 =	sld [smem:$0x3FFE];
	[sflag:s23] =	ssyncadd.s32 $0xFFFFFFFF  }
0xab: {  	s26 =	simm.s32 $execute0_lowered;
	[smem:$0x3FD2] =	sst s25  }
0xac: {  	s5 =	sshll.u32 s26, $0x1;
	_ =	strace $0x8000004C;
	[dreg:$0x1] =	wrdreg $0xFFFFFFFF  }
0xad: {  	s28 =	simm.s32 $_size_execute0_lowered;
	s3 =	sadd.s32 s3, s5;
	[dreg:$0x0] =	wrdreg $0x0  }
0xae: {  	s5 =	sshll.u32 s28, $0x1;
	[dreg:$0x2] =	wrdreg s3  }
0xaf: {  	[dreg:$0x3] =	wrdreg s5  }
0xb0: {  	[dreg:$0x4] =	wrdreg $0xC0  }
0xb1: {  	_ =	task [dreg:s7], $0x5FFFF  }
0xb2: {  	[dreg:$0x1] =	wrdreg $0xFFFFFFFF  }
0xb3: {  	[dreg:$0x0] =	wrdreg $0x60  }
0xb4: {  	[dreg:$0x2] =	wrdreg s24  }
0xb5: {  	[dreg:$0x3] =	wrdreg s16  }
0xb6: {  	[dreg:$0x4] =	wrdreg $0x84000  }
0xb7: {  	[dreg:$0x5] =	wrdreg $0x9  }
0xb8: {  	_ =	task.clear_ibuf [dreg:s7], $0x6FFFF;
	_ =	strace $0x9000004C  }
0xb9: {  	s29 =	simm.s32 $0x9;
	_ =	strace $0x8000004E  }
0xba: {  	_ =	swait.ge [sflag:s29], $0x1  }
0xbb: {  	[sflag:s29] =	ssyncadd.s32 $0xFFFFFFFF  }
0xbc: {  	_ =	strace $0x9000004E  }
0xbd: {  	_ =	sfence  }
0xbe: {  	s30 =	sld [smem:$0x0];
	_ =	sdelay $0x2  }
0xbf: {  	s31 =	sshll.u32 s1, $0xD;
	s1 =	sshrl.u32 s1, $0x2  }
0xc0: {  	s3 =	sand.u32 $0x4000, s31;
	s1 =	sadd.s32 s1, s30  }
0xc1: {  	s0 =	sor.u32 s3, s0;
	s1 =	sshll.u32 s1, $0x11  }
0xc2: {  	s0 =	sor.u32 s1, s0  }
0xc3: {  	s0 =	sadd.s32 $0x8F2B, s0  }
0xc4: {  	[sflag:s0] =	ssyncadd.remote.s32 $0x1  }
0xc5: {  	_ =	sfence.sel $0xFFFF  }
0xc6: {  	[dreg:$0x0] =	wrdreg $0xFFFFFFFF;
	(pc) =	sbr.abs _section_cstart, $3  }
0xc7: {  	[dreg:$0x1] =	wrdreg $0xFFFFFFFF  }
0xc8: {  	_ =	task.clear_ibuf [dreg:s7], $0x2FFFF;
	_ =	strace $0x9FFFFFFF  }
0xc9: {  	(tm) =	ssettm $0x7FFFFFFF  }
tec
execute0_lowered:
.L_overlay_start_1:
0x0: {  	(tag) =	ssettag $0x1  }
0x1: {  	s0 =	rddreg [dreg:$0x0];
	s13 =	stileid.u32  }
0x2: {  	s1 =	srdreg.scid;
	s5 =	rddreg [dreg:$0x1]  }
0x3: {  	s2 =	rddreg [dreg:$0x2];
	s3 =	simm.s32 $0x0;
	s4 =	smul.u32 $0x14000, s13  }
0x4: {  	s28 =	simm.s32 $0x280;
	s29 =	simm.s32 $0x100;
	s16 =	smul.u32 $0x50000, s13  }
0x5: {  	s30 =	simm.s32 $0x180;
	s31 =	simm.s32 $0x300;
	s15 =	smul.u32 $0x280000, s13  }
0x6: {  	s1 =	sand.u32 $0x1, s1;
	[smem:$0x7FF] =	sst s3;
	s17 =	smul.u32 $0xA000, s13  }
0x7: {  	s23 =	sshll.u32 s13, $0x1;
	s25 =	sshll.u32 s13, $0x6;
	s8 =	smul.u32 $0x140000, s1  }
0x8: {  	_ =	strace $0x8000004D;
	s7 =	ssub.s32 $0x2, s1;
	s18 =	smul.u32 $0x5000, s1  }
0x9: {  	s10 =	sor.u32 s1, s23;
	s1 =	smul.u32 $0x28000, s1;
	s6 =	sshrl.u32 s4, $0x3  }
0xa: {  	s24 =	sshrl.u32 s7, $0x1;
	s11 =	sshrl.u32 s16, $0x2;
	s12 =	smul.u32 $0x5000, s10  }
0xb: {  	s4 =	sadd.s32 s4, s8;
	s6 =	sadd.s32 s6, s0;
	s14 =	ssub.s32 s7, s24  }
0xc: {  	s8 =	sadd.s32 s8, s15;
	s24 =	sadd.s32 s18, s17;
	s4 =	sshrl.u32 s4, $0x3  }
0xd: {  	s6 =	sadd.s32 $0x3400, s6;
	s26 =	sshrl.u32 s12, $0x3;
	s14 =	smax.u32 s14, $0x1  }
0xe: {  	s8 =	sshrl.u32 s8, $0x3;
	s17 =	sor.u32 $0x200, s24;
	s9 =	sadd.s32 s4, s0  }
0xf: {  	s0 =	sadd.s32 $0x53400, s0;
	s4 =	sadd.s32 s11, s2;
	[dreg:$0x4] =	wrdreg s6  }
0x10: {  	s11 =	smul.u32 $0x28000, s10;
	s6 =	sor.u32 $0x1C03, s25;
	s7 =	sadd.s32 s5, s26  }
0x11: {  	s25 =	sor.u32 $0x400, s24;
	s26 =	sshrl.u32 s17, $0x3;
	s24 =	simm.s32 $0x4400  }
0x12: {  	s19 =	sadd.s32 $0x4000, s4;
	s20 =	sadd.s32 $0x8000, s4;
	s21 =	sadd.s32 $0xC000, s4  }
0x13: {  	s22 =	sadd.s32 $0x10000, s4;
	s9 =	sadd.s32 $0x553400, s9;
	[dreg:$0x5] =	wrdreg s19  }
0x14: {  	s15 =	sadd.s32 s8, s0;
	s8 =	sshrl.u32 s25, $0x3;
	[dreg:$0x6] =	wrdreg s20  }
0x15: {  	s18 =	sadd.s32 s26, s5;
	s25 =	simm.s32 $0x1;
	[dreg:$0x7] =	wrdreg s21  }
0x16: {  	s26 =	simm.s32 $0x2;
	[dreg:$0x8] =	wrdreg s22;
	s23 =	sadd.s32 s0, s11  }
0x17: {  	[dreg:$0xa] =	wrdreg s9;
	s0 =	sadd.s32 s16, s0;
	s9 =	sadd.s32 s8, s5  }
0x18: {  	s19 =	sshrl.u32 s4, $0x3;
	s20 =	simm.s32 $0x3;
	s21 =	simm.s32 $0x80  }
0x19: {  	s22 =	simm.s32 $0x400;
	[dreg:$0x9] =	wrdreg s23;
	s16 =	sadd.s32 s1, s0  }
0x1a: {  	v0 =	vimm.f32 $0.0e+00;
	s23 =	simm.s32 $0x200;
	s1 =	simm.s32 $0x380;
	s0 =	simm.s32 $0x0  }
.LBB2_1:
0x1b: {  	s5 =	rddreg [dreg:$0x4]  }
0x1c: {  	[spmem:s19], [sflag:s6] =	dma.local [hbm:s5], $0x2800  }
0x1d: {  	_ =	swait.ge [sflag:s20], $0x2800  }
0x1e: {  	[sflag:s20] =	ssyncset.done $0x0  }
0x1f: {  	[sflag:s20] =	ssyncadd.s32 $0xFFFFD800  }
0x20: {  	[bflag:$0x0] =	sbarrier.arrive $0xFFFF  }
0x21: {  	[tilespmem:s3], [sflag:$0x3] =	stream.linear.gather [hbm4b:s7+s3], $0x200, $0x38;
	[tilespmem:$0x1C400] =	vst v63  }
0x22: {  	_ =	swait.ge [sflag:s20], $0x200  }
0x23: {  	[sflag:s20] =	ssyncset.done $0x0  }
0x24: {  	[sflag:s20] =	ssyncadd.s32 $0xFFFFFE00  }
0x25: {  	[tilespmem:s22], [sflag:$0x1] =	stream.indirect.gather [spmem:s2], $0x80, s3, s21, $0xb8;
	[tilespmem:$0x1C400] =	vst v63  }
0x26: {  	_ = 	snop  }
0x27: {  	[tilespmem:s23], [sflag:$0x3] =	stream.linear.gather [hbm4b:s18+s3], $0x200, $0x38;
	[tilespmem:$0x1C400] =	vst v63  }
0x28: {  	_ =	swait.ge [sflag:s20], $0x200  }
0x29: {  	[sflag:s20] =	ssyncset.done $0x0  }
0x2a: {  	[sflag:s20] =	ssyncadd.s32 $0xFFFFFE00  }
0x2b: {  	[tilespmem:s24], [sflag:$0x2] =	stream.indirect.gather [spmem:s2], $0x80, s21, s21, $0xb8;
	[tilespmem:$0x1C400] =	vst v63  }
0x2c: {  	_ =	swait.ge [sflag:s25], $0x4000  }
0x2d: {  	[sflag:s25] =	ssyncset.done $0x0  }
0x2e: {  	s11 =	sadd.s32 $0x0, s15;
	[sflag:s25] =	ssyncadd.s32 $0xFFFFC000  }
0x2f: {  	[hbm4b:s11+s3] =	stream.linear.scatter [tilespmem:s22], [sflag:$0x3], $0x4000, $0x38;
	[tilespmem:$0x1C400] =	vst v63  }
0x30: {  	_ =	swait.ge [sflag:s20], $0x4000  }
0x31: {  	[sflag:s20] =	ssyncset.done $0x0  }
0x32: {  	[sflag:s20] =	ssyncadd.s32 $0xFFFFC000  }
0x33: {  	[tilespmem:s22], [sflag:$0x1] =	stream.indirect.gather [spmem:s2], $0x80, s23, s21, $0xb8;
	[tilespmem:$0x1C400] =	vst v63  }
0x34: {  	_ =	swait.ge [sflag:s26], $0x4000  }
0x35: {  	s12 =	sadd.s32 $0x0, s16;
	[sflag:s26] =	ssyncset.done $0x0  }
0x36: {  	s8 =	sadd.s32 $0x800, s12;
	[sflag:s26] =	ssyncadd.s32 $0xFFFFC000  }
0x37: {  	[hbm4b:s8+s3] =	stream.linear.scatter [tilespmem:s24], [sflag:$0x3], $0x4000, $0x38;
	[tilespmem:$0x1C400] =	vst v63  }
0x38: {  	_ =	swait.ge [sflag:s20], $0x4000  }
0x39: {  	p0 =	por $0x0, $0x0;
	[sflag:s20] =	ssyncset.done $0x0  }
0x3a: {  	s17 =	simm.s32 @!p0 $0x3;
	s8 =	simm.s32 @!p0 $0x0;
	[sflag:s20] =	ssyncadd.s32 $0xFFFFC000  }
0x3b: {  	[tilespmem:s8], [sflag:$0x3] =	stream.linear.gather @!p0 [hbm4b:s9+s8], $0x200, $0x38;
	[tilespmem:$0x1C400] =	vst v63  }
0x3c: {  	_ =	swait.ge @!p0 [sflag:s17], $0x200  }
0x3d: {  	[sflag:s17] =	ssyncset.done @!p0 $0x0  }
0x3e: {  	[sflag:s17] =	ssyncadd.s32 @!p0 $0xFFFFFE00  }
0x3f: {  	[tilespmem:s24], [sflag:$0x2] =	stream.indirect.gather [spmem:s2], $0x80, s28, s21, $0xb8;
	[tilespmem:$0x1C400] =	vst v63  }
0x40: {  	_ =	swait.ge [sflag:s25], $0x4000  }
0x41: {  	[sflag:s25] =	ssyncset.done $0x0  }
0x42: {  	s13 =	sadd.s32 $0x1000, s12;
	[sflag:s25] =	ssyncadd.s32 $0xFFFFC000  }
0x43: {  	[hbm4b:s13+s3] =	stream.linear.scatter [tilespmem:s22], [sflag:$0x3], $0x4000, $0x38;
	[tilespmem:$0x1C400] =	vst v63  }
0x44: {  	_ =	swait.ge [sflag:s20], $0x4000  }
0x45: {  	[sflag:s20] =	ssyncset.done $0x0  }
0x46: {  	s10 =	simm.s32 @!p0 $0x400;
	s17 =	simm.s32 @!p0 $0x80;
	[sflag:s20] =	ssyncadd.s32 $0xFFFFC000  }
0x47: {  	[tilespmem:s10], [sflag:$0x1] =	stream.indirect.gather @!p0 [spmem:s2], $0x80, s8, s17, $0xb8;
	[tilespmem:$0x1C400] =	vst v63  }
0x48: {  	_ =	swait.ge [sflag:s26], $0x4000  }
0x49: {  	[sflag:s26] =	ssyncset.done $0x0  }
0x4a: {  	s5 =	sadd.s32 $0x1800, s12;
	[sflag:s26] =	ssyncadd.s32 $0xFFFFC000  }
0x4b: {  	[hbm4b:s5+s3] =	stream.linear.scatter [tilespmem:s24], [sflag:$0x3], $0x4000, $0x38;
	[tilespmem:$0x1C400] =	vst v63  }
0x4c: {  	s8 =	sadd.s32 $0x80, s18;
	_ =	swait.ge [sflag:s20], $0x4000  }
0x4d: {  	s17 =	smov.u32 s9;
	s5 =	simm.s32 $0x2000;
	[sflag:s20] =	ssyncset.done $0x0  }
.LBB2_2:
0x4e: {  	[sflag:s20] =	ssyncadd.s32 $0xFFFFC000  }
0x4f: {  	s17 =	sadd.s32 $0x80, s17;
	s10 =	smov.u32 s5;
	s5 =	sadd.s32 $0x2000, s5  }
0x50: {  	[tilespmem:s23], [sflag:$0x3] =	stream.linear.gather [hbm4b:s8+s3], $0x200, $0x38;
	[tilespmem:$0x1C400] =	vst v63  }
0x51: {  	p0 =	sne.s32 s5, $0x28000;
	_ =	swait.ge [sflag:s20], $0x200  }
0x52: {  	[sflag:s20] =	ssyncset.done $0x0  }
0x53: {  	[sflag:s20] =	ssyncadd.s32 $0xFFFFFE00  }
0x54: {  	[tilespmem:s24], [sflag:$0x2] =	stream.indirect.gather [spmem:s2], $0x80, s21, s21, $0xb8;
	[tilespmem:$0x1C400] =	vst v63  }
0x55: {  	_ =	swait.ge [sflag:s25], $0x4000  }
0x56: {  	[sflag:s25] =	ssyncset.done $0x0  }
0x57: {  	s11 =	sadd.s32 s10, s15;
	[sflag:s25] =	ssyncadd.s32 $0xFFFFC000  }
0x58: {  	[hbm4b:s11+s3] =	stream.linear.scatter [tilespmem:s22], [sflag:$0x3], $0x4000, $0x38;
	[tilespmem:$0x1C400] =	vst v63  }
0x59: {  	_ =	swait.ge [sflag:s20], $0x4000  }
0x5a: {  	[sflag:s20] =	ssyncset.done $0x0  }
0x5b: {  	[sflag:s20] =	ssyncadd.s32 $0xFFFFC000  }
0x5c: {  	[tilespmem:s22], [sflag:$0x1] =	stream.indirect.gather [spmem:s2], $0x80, s23, s21, $0xb8;
	[tilespmem:$0x1C400] =	vst v63  }
0x5d: {  	_ =	swait.ge [sflag:s26], $0x4000  }
0x5e: {  	s11 =	sadd.s32 s10, s16;
	[sflag:s26] =	ssyncset.done $0x0  }
0x5f: {  	s12 =	sadd.s32 $0x800, s11;
	[sflag:s26] =	ssyncadd.s32 $0xFFFFC000  }
0x60: {  	[hbm4b:s12+s3] =	stream.linear.scatter [tilespmem:s24], [sflag:$0x3], $0x4000, $0x38;
	[tilespmem:$0x1C400] =	vst v63  }
0x61: {  	_ =	swait.ge [sflag:s20], $0x4000  }
0x62: {  	p1 =	seq.s32 s10, $0x26000;
	[sflag:s20] =	ssyncset.done $0x0  }
0x63: {  	s10 =	simm.s32 @!p1 $0x0;
	s12 =	simm.s32 @!p1 $0x3;
	[sflag:s20] =	ssyncadd.s32 $0xFFFFC000  }
0x64: {  	[tilespmem:s10], [sflag:$0x3] =	stream.linear.gather @!p1 [hbm4b:s17+s10], $0x200, $0x38;
	[tilespmem:$0x1C400] =	vst v63  }
0x65: {  	_ =	swait.ge @!p1 [sflag:s12], $0x200  }
0x66: {  	[sflag:s12] =	ssyncset.done @!p1 $0x0  }
0x67: {  	[sflag:s12] =	ssyncadd.s32 @!p1 $0xFFFFFE00  }
0x68: {  	[tilespmem:s24], [sflag:$0x2] =	stream.indirect.gather [spmem:s2], $0x80, s28, s21, $0xb8;
	[tilespmem:$0x1C400] =	vst v63  }
0x69: {  	_ =	swait.ge [sflag:s25], $0x4000  }
0x6a: {  	[sflag:s25] =	ssyncset.done $0x0  }
0x6b: {  	s12 =	sadd.s32 $0x1000, s11;
	[sflag:s25] =	ssyncadd.s32 $0xFFFFC000  }
0x6c: {  	[hbm4b:s12+s3] =	stream.linear.scatter [tilespmem:s22], [sflag:$0x3], $0x4000, $0x38;
	[tilespmem:$0x1C400] =	vst v63  }
0x6d: {  	_ =	swait.ge [sflag:s20], $0x4000  }
0x6e: {  	[sflag:s20] =	ssyncset.done $0x0  }
0x6f: {  	s13 =	simm.s32 @!p1 $0x400;
	s12 =	simm.s32 @!p1 $0x80;
	[sflag:s20] =	ssyncadd.s32 $0xFFFFC000  }
0x70: {  	[tilespmem:s13], [sflag:$0x1] =	stream.indirect.gather @!p1 [spmem:s2], $0x80, s10, s12, $0xb8;
	[tilespmem:$0x1C400] =	vst v63  }
0x71: {  	_ =	swait.ge [sflag:s26], $0x4000  }
.Ltmp0:
0x72: {  	[sflag:s26] =	ssyncset.done $0x0;
	(pc) =	sbr.rel @p0 .LBB2_2-.Ltmp0, $4  }
0x73: {  	s10 =	sadd.s32 $0x1800, s11;
	[sflag:s26] =	ssyncadd.s32 $0xFFFFC000  }
0x74: {  	[hbm4b:s10+s3] =	stream.linear.scatter [tilespmem:s24], [sflag:$0x3], $0x4000, $0x38;
	[tilespmem:$0x1C400] =	vst v63  }
0x75: {  	_ =	swait.ge [sflag:s20], $0x4000  }
0x76: {  	s8 =	sadd.s32 $0x80, s8;
	[sflag:s20] =	ssyncset.done $0x0  }
0x77: {  	[sflag:s20] =	ssyncadd.s32 $0xFFFFC000  }
0x78: {  	s5 =	simm.s32 $0x0;
	s8 =	simm.s32 $0x200;
	[bflag:$0x0] =	sbarrier.arrive $0xFFFF  }
.LBB2_4:
0x79: {  	p0 =	sne.s32 s8, $0xFE00;
	[tilespmem:s5+$0x470] =	vst v0  }
0x7a: {  	[tilespmem:s5+$0x400] =	vst v0  }
0x7b: {  	[tilespmem:s5+$0x410] =	vst v0  }
.Ltmp1:
0x7c: {  	[tilespmem:s5+$0x420] =	vst v0;
	(pc) =	sbr.rel @p0 .LBB2_4-.Ltmp1, $4  }
0x7d: {  	[tilespmem:s5+$0x430] =	vst v0  }
0x7e: {  	[tilespmem:s5+$0x440] =	vst v0  }
0x7f: {  	[tilespmem:s5+$0x450] =	vst v0  }
0x80: {  	[tilespmem:s5+$0x460] =	vst v0;
	s5 =	sshra.s32 s8, $0x2;
	s8 =	sadd.s32 $0x200, s8  }
0x81: {  	[tilespmem:s5+$0x470] =	vst v0  }
0x82: {  	[tilespmem:s5+$0x400] =	vst v0  }
0x83: {  	[tilespmem:s5+$0x410] =	vst v0  }
0x84: {  	[tilespmem:s5+$0x420] =	vst v0  }
0x85: {  	[tilespmem:s5+$0x430] =	vst v0  }
0x86: {  	[tilespmem:s5+$0x440] =	vst v0  }
0x87: {  	[tilespmem:s5+$0x450] =	vst v0  }
0x88: {  	[tilespmem:s5+$0x460] =	vst v0  }
0x89: {  	[spmem:s4] =	stream.linear.scatter [tilespmem:s22], [sflag:$0x3], $0x4000, $0x38;
	[tilespmem:$0x1C400] =	vst v63  }
0x8a: {  	_ =	swait.ge [sflag:s20], $0x4000  }
0x8b: {  	[sflag:s20] =	ssyncset.done $0x0  }
0x8c: {  	s13 =	rddreg [dreg:$0x5];
	[sflag:s20] =	ssyncadd.s32 $0xFFFFC000  }
0x8d: {  	[spmem:s13] =	stream.linear.scatter [tilespmem:s22], [sflag:$0x3], $0x4000, $0x38;
	[tilespmem:$0x1C400] =	vst v63  }
0x8e: {  	_ =	swait.ge [sflag:s20], $0x4000  }
0x8f: {  	[sflag:s20] =	ssyncset.done $0x0  }
0x90: {  	s17 =	rddreg [dreg:$0x6];
	[sflag:s20] =	ssyncadd.s32 $0xFFFFC000  }
0x91: {  	[spmem:s17] =	stream.linear.scatter [tilespmem:s22], [sflag:$0x3], $0x4000, $0x38;
	[tilespmem:$0x1C400] =	vst v63  }
0x92: {  	_ =	swait.ge [sflag:s20], $0x4000  }
0x93: {  	[sflag:s20] =	ssyncset.done $0x0  }
0x94: {  	s8 =	rddreg [dreg:$0x7];
	[sflag:s20] =	ssyncadd.s32 $0xFFFFC000  }
0x95: {  	[spmem:s8] =	stream.linear.scatter [tilespmem:s22], [sflag:$0x3], $0x4000, $0x38;
	[tilespmem:$0x1C400] =	vst v63  }
0x96: {  	_ =	swait.ge [sflag:s20], $0x4000  }
0x97: {  	[sflag:s20] =	ssyncset.done $0x0  }
0x98: {  	s10 =	rddreg [dreg:$0x8];
	[sflag:s20] =	ssyncadd.s32 $0xFFFFC000  }
0x99: {  	[spmem:s10] =	stream.linear.scatter [tilespmem:s22], [sflag:$0x3], $0x4000, $0x38;
	[tilespmem:$0x1C400] =	vst v63  }
0x9a: {  	_ =	swait.ge [sflag:s20], $0x4000  }
0x9b: {  	[sflag:s20] =	ssyncset.done $0x0  }
0x9c: {  	[sflag:s20] =	ssyncadd.s32 $0xFFFFC000  }
0x9d: {  	s11 =	simm.s32 $0x0;
	[bflag:$0x0] =	sbarrier.arrive $0xFFFF  }
0x9e: {  	[tilespmem:s11], [sflag:$0x3] =	stream.linear.gather [hbm4b:s7+s11], $0x200, $0x38;
	[tilespmem:$0x1C400] =	vst v63  }
0x9f: {  	_ =	swait.ge [sflag:s20], $0x200  }
0xa0: {  	[sflag:s20] =	ssyncset.done $0x0  }
0xa1: {  	s8 =	rddreg [dreg:$0x9];
	[sflag:s20] =	ssyncadd.s32 $0xFFFFFE00  }
0xa2: {  	[tilespmem:s22], [sflag:$0x1] =	stream.linear.gather [hbm4b:s8+s11], $0x4000, $0x38;
	[tilespmem:$0x1C400] =	vst v63  }
0xa3: {  	_ = 	snop  }
0xa4: {  	[tilespmem:s23], [sflag:$0x3] =	stream.linear.gather [hbm4b:s18+s3], $0x200, $0x38;
	[tilespmem:$0x1C400] =	vst v63  }
0xa5: {  	_ =	swait.ge [sflag:s20], $0x200  }
0xa6: {  	s12 =	sadd.s32 $0x0, s16;
	[sflag:s20] =	ssyncset.done $0x0  }
0xa7: {  	s13 =	sadd.s32 $0x800, s12;
	[sflag:s20] =	ssyncadd.s32 $0xFFFFFE00  }
0xa8: {  	[tilespmem:s24], [sflag:$0x2] =	stream.linear.gather [hbm4b:s13+s3], $0x4000, $0x38;
	[tilespmem:$0x1C400] =	vst v63  }
0xa9: {  	_ =	swait.ge [sflag:s25], $0x4000  }
0xaa: {  	[sflag:s25] =	ssyncset.done $0x0  }
0xab: {  	[sflag:s25] =	ssyncadd.s32 $0xFFFFC000  }
0xac: {  	[spmem:s2] =	stream.indirect.scatter.add.f32 [tilespmem:s22], [sflag:$0x3], $0x80, s29, s21, $0xb8;
	[tilespmem:$0x1C400] =	vst v63  }
0xad: {  	_ =	swait.ge [sflag:s20], $0x4000  }
0xae: {  	[sflag:s20] =	ssyncset.done $0x0  }
0xaf: {  	s17 =	sadd.s32 $0x1000, s12;
	[sflag:s20] =	ssyncadd.s32 $0xFFFFC000  }
0xb0: {  	[tilespmem:s22], [sflag:$0x1] =	stream.linear.gather [hbm4b:s17+s3], $0x4000, $0x38;
	[tilespmem:$0x1C400] =	vst v63  }
0xb1: {  	_ =	swait.ge [sflag:s26], $0x4000  }
0xb2: {  	[sflag:s26] =	ssyncset.done $0x0  }
0xb3: {  	[sflag:s26] =	ssyncadd.s32 $0xFFFFC000  }
0xb4: {  	[spmem:s2] =	stream.indirect.scatter.add.f32 [tilespmem:s24], [sflag:$0x3], $0x80, s30, s21, $0xb8;
	[tilespmem:$0x1C400] =	vst v63  }
0xb5: {  	_ =	swait.ge [sflag:s20], $0x4000  }
0xb6: {  	p0 =	por $0x0, $0x0;
	[sflag:s20] =	ssyncset.done $0x0  }
0xb7: {  	s10 =	simm.s32 @!p0 $0x3;
	s8 =	simm.s32 @!p0 $0x0;
	[sflag:s20] =	ssyncadd.s32 $0xFFFFC000  }
0xb8: {  	[tilespmem:s8], [sflag:$0x3] =	stream.linear.gather @!p0 [hbm4b:s9+s8], $0x200, $0x38;
	[tilespmem:$0x1C400] =	vst v63  }
0xb9: {  	_ =	swait.ge @!p0 [sflag:s10], $0x200  }
0xba: {  	[sflag:s10] =	ssyncset.done @!p0 $0x0  }
0xbb: {  	s5 =	sadd.s32 $0x1800, s12;
	[sflag:s10] =	ssyncadd.s32 @!p0 $0xFFFFFE00  }
0xbc: {  	[tilespmem:s24], [sflag:$0x2] =	stream.linear.gather [hbm4b:s5+s3], $0x4000, $0x38;
	[tilespmem:$0x1C400] =	vst v63  }
0xbd: {  	_ =	swait.ge [sflag:s25], $0x4000  }
0xbe: {  	[sflag:s25] =	ssyncset.done $0x0  }
0xbf: {  	[sflag:s25] =	ssyncadd.s32 $0xFFFFC000  }
0xc0: {  	[spmem:s2] =	stream.indirect.scatter.add.f32 [tilespmem:s22], [sflag:$0x3], $0x80, s31, s21, $0xb8;
	[tilespmem:$0x1C400] =	vst v63  }
0xc1: {  	_ =	swait.ge [sflag:s20], $0x4000  }
0xc2: {  	s5 =	sadd.s32 @!p0 $0x0, s16;
	[sflag:s20] =	ssyncset.done $0x0  }
0xc3: {  	s10 =	simm.s32 @!p0 $0x400;
	s5 =	sadd.s32 @!p0 $0x2000, s5;
	[sflag:s20] =	ssyncadd.s32 $0xFFFFC000  }
0xc4: {  	[tilespmem:s10], [sflag:$0x1] =	stream.linear.gather @!p0 [hbm4b:s5+s8], $0x4000, $0x38;
	[tilespmem:$0x1C400] =	vst v63  }
0xc5: {  	_ =	swait.ge [sflag:s26], $0x4000  }
0xc6: {  	[sflag:s26] =	ssyncset.done $0x0  }
0xc7: {  	[sflag:s26] =	ssyncadd.s32 $0xFFFFC000  }
0xc8: {  	[spmem:s2] =	stream.indirect.scatter.add.f32 [tilespmem:s24], [sflag:$0x3], $0x80, s1, s21, $0xb8;
	[tilespmem:$0x1C400] =	vst v63  }
0xc9: {  	s17 =	smov.u32 s9;
	_ =	swait.ge [sflag:s20], $0x4000  }
0xca: {  	s5 =	simm.s32 $0x2000;
	s8 =	sadd.s32 $0x80, s18;
	[sflag:s20] =	ssyncset.done $0x0  }
.LBB2_6:
0xcb: {  	[sflag:s20] =	ssyncadd.s32 $0xFFFFC000  }
0xcc: {  	s17 =	sadd.s32 $0x80, s17;
	s10 =	smov.u32 s5;
	s5 =	sadd.s32 $0x2000, s5  }
0xcd: {  	[tilespmem:s23], [sflag:$0x3] =	stream.linear.gather [hbm4b:s8+s3], $0x200, $0x38;
	[tilespmem:$0x1C400] =	vst v63  }
0xce: {  	p0 =	sne.s32 s5, $0x28000;
	_ =	swait.ge [sflag:s20], $0x200  }
0xcf: {  	s11 =	sadd.s32 s10, s16;
	[sflag:s20] =	ssyncset.done $0x0  }
0xd0: {  	s12 =	sadd.s32 $0x800, s11;
	[sflag:s20] =	ssyncadd.s32 $0xFFFFFE00  }
0xd1: {  	[tilespmem:s24], [sflag:$0x2] =	stream.linear.gather [hbm4b:s12+s3], $0x4000, $0x38;
	[tilespmem:$0x1C400] =	vst v63  }
0xd2: {  	_ =	swait.ge [sflag:s25], $0x4000  }
0xd3: {  	[sflag:s25] =	ssyncset.done $0x0  }
0xd4: {  	[sflag:s25] =	ssyncadd.s32 $0xFFFFC000  }
0xd5: {  	[spmem:s2] =	stream.indirect.scatter.add.f32 [tilespmem:s22], [sflag:$0x3], $0x80, s29, s21, $0xb8;
	[tilespmem:$0x1C400] =	vst v63  }
0xd6: {  	_ =	swait.ge [sflag:s20], $0x4000  }
0xd7: {  	[sflag:s20] =	ssyncset.done $0x0  }
0xd8: {  	s12 =	sadd.s32 $0x1000, s11;
	[sflag:s20] =	ssyncadd.s32 $0xFFFFC000  }
0xd9: {  	[tilespmem:s22], [sflag:$0x1] =	stream.linear.gather [hbm4b:s12+s3], $0x4000, $0x38;
	[tilespmem:$0x1C400] =	vst v63  }
0xda: {  	_ =	swait.ge [sflag:s26], $0x4000  }
0xdb: {  	[sflag:s26] =	ssyncset.done $0x0  }
0xdc: {  	[sflag:s26] =	ssyncadd.s32 $0xFFFFC000  }
0xdd: {  	[spmem:s2] =	stream.indirect.scatter.add.f32 [tilespmem:s24], [sflag:$0x3], $0x80, s30, s21, $0xb8;
	[tilespmem:$0x1C400] =	vst v63  }
0xde: {  	_ =	swait.ge [sflag:s20], $0x4000  }
0xdf: {  	p1 =	seq.s32 s10, $0x26000;
	[sflag:s20] =	ssyncset.done $0x0  }
0xe0: {  	s13 =	simm.s32 @!p1 $0x3;
	s12 =	simm.s32 @!p1 $0x0;
	[sflag:s20] =	ssyncadd.s32 $0xFFFFC000  }
0xe1: {  	[tilespmem:s12], [sflag:$0x3] =	stream.linear.gather @!p1 [hbm4b:s17+s12], $0x200, $0x38;
	[tilespmem:$0x1C400] =	vst v63  }
0xe2: {  	s10 =	sadd.s32 @!p1 s10, s16;
	_ =	swait.ge @!p1 [sflag:s13], $0x200  }
0xe3: {  	s10 =	sadd.s32 @!p1 $0x2000, s10;
	[sflag:s13] =	ssyncset.done @!p1 $0x0  }
0xe4: {  	s11 =	sadd.s32 $0x1800, s11;
	[sflag:s13] =	ssyncadd.s32 @!p1 $0xFFFFFE00  }
0xe5: {  	[tilespmem:s24], [sflag:$0x2] =	stream.linear.gather [hbm4b:s11+s3], $0x4000, $0x38;
	[tilespmem:$0x1C400] =	vst v63  }
0xe6: {  	_ =	swait.ge [sflag:s25], $0x4000  }
0xe7: {  	[sflag:s25] =	ssyncset.done $0x0  }
0xe8: {  	[sflag:s25] =	ssyncadd.s32 $0xFFFFC000  }
0xe9: {  	[spmem:s2] =	stream.indirect.scatter.add.f32 [tilespmem:s22], [sflag:$0x3], $0x80, s31, s21, $0xb8;
	[tilespmem:$0x1C400] =	vst v63  }
0xea: {  	_ =	swait.ge [sflag:s20], $0x4000  }
0xeb: {  	[sflag:s20] =	ssyncset.done $0x0  }
0xec: {  	s11 =	simm.s32 @!p1 $0x400;
	[sflag:s20] =	ssyncadd.s32 $0xFFFFC000  }
0xed: {  	[tilespmem:s11], [sflag:$0x1] =	stream.linear.gather @!p1 [hbm4b:s10+s12], $0x4000, $0x38;
	[tilespmem:$0x1C400] =	vst v63  }
0xee: {  	_ =	swait.ge [sflag:s26], $0x4000  }
.Ltmp2:
0xef: {  	[sflag:s26] =	ssyncset.done $0x0;
	(pc) =	sbr.rel @p0 .LBB2_6-.Ltmp2, $4  }
0xf0: {  	[sflag:s26] =	ssyncadd.s32 $0xFFFFC000  }
0xf1: {  	[spmem:s2] =	stream.indirect.scatter.add.f32 [tilespmem:s24], [sflag:$0x3], $0x80, s1, s21, $0xb8;
	[tilespmem:$0x1C400] =	vst v63  }
0xf2: {  	_ =	swait.ge [sflag:s20], $0x4000  }
0xf3: {  	s8 =	sadd.s32 $0x80, s8;
	[sflag:s20] =	ssyncset.done $0x0  }
0xf4: {  	[sflag:s20] =	ssyncadd.s32 $0xFFFFC000;
	s0 =	sadd.s32 $0x1, s0  }
0xf5: {  	[bflag:$0x0] =	sbarrier.arrive $0xFFFF;
	p0 =	sne.s32 s0, s14  }
.Ltmp3:
0xf6: {  	s5 =	rddreg [dreg:$0xa];
	(pc) =	sbr.rel @p0 .LBB2_1-.Ltmp3, $4  }
0xf7: {  	[hbm:s5], [sflag:s6] =	dma.local [spmem:s19], $0x2800  }
0xf8: {  	_ =	swait.ge [sflag:s20], $0x2800  }
0xf9: {  	[sflag:s20] =	ssyncset.done $0x0  }
0xfa: {  	[sflag:s20] =	ssyncadd.s32 $0xFFFFD800  }
0xfb: {  	_ =	sfence.sel $0x180000  }
0xfc: {  	[bflag:$0x0] =	sbarrier.arrive $0xFFFF  }
0xfd: {  	_ =	strace $0x9000004D  }
0xfe: {  	s0 =	stileid.u32;
	[bflag:$0x2] =	sbarrier.arrive $0xFFFF  }
0xff: {  	p0 =	sne.s32 s0, $0x0;
	s0 =	rddreg [dreg:$0x3]  }
0x100: {  	s0 =	sadd.s32 @!p0 $0x100000, s0  }
0x101: {  	[sflag:s0] =	ssyncadd.tile.s32 @!p0 $0x1;
	_ =	shalt  }
.Lfunc_end2:
_tile_overlayer_lowered:
.L_overlay_start_2:
0x102: {  	(tag) =	ssettag $0x2  }
0x103: {  	s0 =	rddreg [dreg:$0x0];
	s2 =	stileid.u32  }
0x104: {  	s1 =	rddreg [dreg:$0x1];
	p0 =	sne.s32 s2, $0x0  }
0x105: {  	s3 =	rddreg [dreg:$0x2];
	[bflag:$0x3] =	sbarrier.arrive $0xFFFF;
	s2 =	simm.s32 @!p0 $0x1C03  }
0x106: {  	[timem:s3], [sflag:s2] =	dma.local @!p0 [hbm:s0], s1  }
0x107: {  	s0 =	simm.s32 @!p0 $0x3  }
0x108: {  	_ =	swait.ge @!p0 [sflag:s0], s1  }
0x109: {  	s1 =	ssub.s32 @!p0 $0x0, s1;
	[sflag:s0] =	ssyncset.done @!p0 $0x0  }
0x10a: {  	[sflag:s0] =	ssyncadd.s32 @!p0 s1  }
0x10b: {  	[bflag:$0x3] =	sbarrier.arrive $0xFFFF  }
0x10c: {  	_ =	shalt  }

// kernel: kernel.8.cloned.1.call-start
scs
__scs_entry_jumppad:
0x0: {  	(pc) =	sbr.rel $0x88, $3  }
0x1: {  	(tag) =	ssettag $0x0;
	lr =	simm.s32 $0x1  }
0x2: {  	[smem:$0x3F99] =	sst lr;
	_ =	strace $0xD0000000  }
0x3: {  	_ = 	snop  }
0x4: {  	_ = 	snop  }
0x5: {  	_ = 	snop  }
0x6: {  	_ = 	snop  }
0x7: {  	_ = 	snop  }
__scs_overlays_trampoline_lowered:
0x8: {  	[smem:$0x3FA8] =	sst s0  }
0x9: {  	[smem:$0x3FA9] =	sst s1  }
0xa: {  	[smem:$0x3FAA] =	sst s2  }
0xb: {  	[smem:$0x3FAB] =	sst s3  }
0xc: {  	[smem:$0x3FAC] =	sst s4  }
0xd: {  	[smem:$0x3FAD] =	sst s5  }
0xe: {  	[smem:$0x3FAE] =	sst s6  }
0xf: {  	[smem:$0x3FAF] =	sst s7  }
0x10: {  	[smem:$0x3FB0] =	sst s8  }
0x11: {  	[smem:$0x3FB1] =	sst s9;
	s0 =	simm.s32 @!p0 $0x0  }
0x12: {  	s1 =	sld [smem:$0x3F97];
	s0 =	simm.s32 @p0 $0x1  }
0x13: {  	[smem:$0x3FB2] =	sst s0;
	s0 =	simm.s32 @!p1 $0x0  }
0x14: {  	s2 =	sld [smem:$0x3F96];
	s0 =	simm.s32 @p1 $0x1  }
0x15: {  	[smem:$0x3FB3] =	sst s0;
	s0 =	simm.s32 @!p2 $0x0  }
0x16: {  	s3 =	sld [smem:$0x3FDB];
	s0 =	simm.s32 @p2 $0x1  }
0x17: {  	s4 =	simm.s32 $0x1BF5;
	[smem:$0x3FB5] =	sst s0  }
0x18: {  	s0 =	sld [smem:$0x3F98];
	_ =	swait.ge [sflag:s4], $0x0  }
0x19: {  	s7 =	sld [smem:$0x3F99]  }
0x1a: {  	s8 =	sadd.s32 $0xFFFFE003, lr  }
0x1b: {  	s9 =	sadd.s32 $0xFFFFFEF7, lr;
	s5 =	simm.s32 $0xFFFFFFFF;
	p2 =	slt.u32 s8, $0xFFFFF086  }
0x1c: {  	p1 =	slt.u32 s9, $0xF7A;
	s5 =	simm.s32 @!p2 $0x0  }
0x1d: {  	s5 =	simm.s32 @p1 $0x1;
	p0 =	seq.s32 s7, s2  }
0x1e: {  	s7 =	smul.u32 @!p0 $0xF7A, s2;
	p2 =	seq.s32 @!p0 s5, $0x0  }
0x1f: {  	s9 =	smul.u32 $0xF7A, s1;
	s8 =	simm.s32 @!p0 $0x1BF5;
	p2 =	por !p2, p0  }
0x20: {  	[sflag:s8] =	ssyncset.s32 @!p0 $0xFFFFF086;
	s6 =	sadd.s32 @!p0 s3, s7;
	s7 =	simm.s32 @!p0 $0x108  }
0x21: {  	s3 =	sadd.s32 s3, s9;
	s6 =	sadd.s32 @!p0 $0x88, s6;
	s7 =	simm.s32 @p2 $0x1082  }
0x22: {  	[simem:s7], [sflag:s8] =	dma.local @!p0 [hbm:s6], $0xF7A  }
0x23: {  	s9 =	sor.u32 $0xD0000000, s2;
	s6 =	simm.s32 $0x108;
	_ =	swait.ge @!p0 [sflag:s8], $0x0  }
0x24: {  	s3 =	sadd.s32 $0x88, s3;
	s6 =	simm.s32 @!p1 $0x1082;
	[sflag:s4] =	ssyncset.s32 $0xFFFFF086  }
0x25: {  	[simem:s6], [sflag:s4] =	dma.local [hbm:s3], $0xF7A  }
0x26: {  	[smem:$0x3F99] =	sst s1;
	(tag) =	ssettag s2;
	_ =	strace s9  }
0x27: {  	s1 =	sld [smem:$0x3FA9]  }
0x28: {  	s2 =	sld [smem:$0x3FAA]  }
0x29: {  	s4 =	sld [smem:$0x3FAC]  }
0x2a: {  	p0 =	seq.s32 s5, $0x0;
	s5 =	sld [smem:$0x3FAD]  }
0x2b: {  	s6 =	sld [smem:$0x3FAE]  }
0x2c: {  	s7 =	sld [smem:$0x3FAF]  }
0x2d: {  	s3 =	simm.s32 $0x108;
	s8 =	sld [smem:$0x3FB0]  }
0x2e: {  	s3 =	simm.s32 @!p0 $0x1082;
	s9 =	sld [smem:$0x3FB1]  }
0x2f: {  	lr =	sadd.s32 s0, s3;
	s0 =	sld [smem:$0x3FA8]  }
0x30: {  	s3 =	sld [smem:$0x3FAB]  }
0x31: {  	[smem:$0x3FB4] =	sst s10  }
0x32: {  	s10 =	sld [smem:$0x3FB2];
	_ =	sdelay $0x3  }
0x33: {  	p0 =	seq.s32 s10, $0x1;
	s10 =	sld [smem:$0x3FB4];
	_ =	sdelay $0x3  }
0x34: {  	[smem:$0x3FB4] =	sst s10  }
0x35: {  	s10 =	sld [smem:$0x3FB3];
	_ =	sdelay $0x3  }
0x36: {  	p1 =	seq.s32 s10, $0x1;
	s10 =	sld [smem:$0x3FB4];
	_ =	sdelay $0x3  }
0x37: {  	[smem:$0x3FB4] =	sst s10  }
0x38: {  	s10 =	sld [smem:$0x3FB5]  }
0x39: {  	_ = 	snop;
	(pc) =	sbr.ind lr, $3  }
0x3a: {  	_ = 	snop  }
0x3b: {  	_ = 	snop  }
0x3c: {  	p2 =	seq.s32 s10, $0x1;
	s10 =	sld [smem:$0x3FB4]  }
0x3d: {  	_ =	shalt  }
0x3e: {  	_ =	shalt  }
0x3f: {  	_ =	shalt  }
0x40: {  	_ =	shalt  }
0x41: {  	_ =	shalt  }
0x42: {  	_ =	shalt  }
0x43: {  	_ =	shalt  }
0x44: {  	_ =	shalt  }
0x45: {  	_ =	shalt  }
0x46: {  	_ =	shalt  }
0x47: {  	_ =	shalt  }
0x48: {  	_ =	shalt  }
0x49: {  	_ =	shalt  }
0x4a: {  	_ =	shalt  }
0x4b: {  	_ =	shalt  }
0x4c: {  	_ =	shalt  }
0x4d: {  	_ =	shalt  }
0x4e: {  	_ =	shalt  }
0x4f: {  	_ =	shalt  }
0x50: {  	_ =	shalt  }
0x51: {  	_ =	shalt  }
0x52: {  	_ =	shalt  }
0x53: {  	_ =	shalt  }
0x54: {  	_ =	shalt  }
0x55: {  	_ =	shalt  }
0x56: {  	_ =	shalt  }
0x57: {  	_ =	shalt  }
0x58: {  	_ =	shalt  }
0x59: {  	_ =	shalt  }
0x5a: {  	_ =	shalt  }
0x5b: {  	_ =	shalt  }
0x5c: {  	_ =	shalt  }
0x5d: {  	_ =	shalt  }
0x5e: {  	_ =	shalt  }
0x5f: {  	_ =	shalt  }
0x60: {  	_ =	shalt  }
0x61: {  	_ =	shalt  }
0x62: {  	_ =	shalt  }
0x63: {  	_ =	shalt  }
0x64: {  	_ =	shalt  }
0x65: {  	_ =	shalt  }
0x66: {  	_ =	shalt  }
0x67: {  	_ =	shalt  }
0x68: {  	_ =	shalt  }
0x69: {  	_ =	shalt  }
0x6a: {  	_ =	shalt  }
0x6b: {  	_ =	shalt  }
0x6c: {  	_ =	shalt  }
0x6d: {  	_ =	shalt  }
0x6e: {  	_ =	shalt  }
0x6f: {  	_ =	shalt  }
0x70: {  	_ =	shalt  }
0x71: {  	_ =	shalt  }
0x72: {  	_ =	shalt  }
0x73: {  	_ =	shalt  }
0x74: {  	_ =	shalt  }
0x75: {  	_ =	shalt  }
0x76: {  	_ =	shalt  }
0x77: {  	_ =	shalt  }
0x78: {  	_ =	shalt  }
0x79: {  	_ =	shalt  }
0x7a: {  	_ =	shalt  }
0x7b: {  	_ =	shalt  }
0x7c: {  	_ =	shalt  }
0x7d: {  	_ =	shalt  }
0x7e: {  	_ =	shalt  }
0x7f: {  	_ =	shalt  }
0x80: {  	_ =	shalt  }
0x81: {  	_ =	shalt  }
0x82: {  	_ =	shalt  }
0x83: {  	_ =	shalt  }
0x84: {  	_ =	shalt  }
0x85: {  	_ =	shalt  }
0x86: {  	_ =	shalt  }
0x87: {  	_ =	shalt  }
.Lfunc_end0:
.L_simem_size_0:
called_computation_lowered:
.L_overlay_start_0:
0x88: {  	s2 =	sld [smem:$0x3FD9]  }
0x89: {  	s3 =	sld [smem:$0x3FFE];
	_ =	sdelay $0x1  }
0x8a: {  	s1 =	srdreg.scid  }
0x8b: {  	s0 =	sand.u32 $0x1, s1  }
0x8c: {  	s14 =	sshll.u32 s0, $0xA;
	s2 =	sadd.s32 s3, s2  }
0x8d: {  	s2 =	sadd.s32 s2, s14  }
0x8e: {  	[smem:$0x3FC0] =	sst s2  }
0x8f: {  	_ = 	snop  }
0x90: {  	s2 =	sld [smem:$0x3FD0];
	_ =	sdelay $0x2  }
0x91: {  	s15 =	simm.s32 $0xA;
	s4 =	simm.s32 $0x10  }
0x92: {  	[smem:s4], [sflag:s15] =	dma.local [hbm:s2], $0x1  }
0x93: {  	_ =	swait.eq [sflag:s15], $0x1  }
0x94: {  	[sflag:s15] =	ssyncset.done $0x0  }
0x95: {  	[sflag:s15] =	ssyncadd.s32 $0xFFFFFFFF  }
0x96: {  	s16 =	sld [smem:$0x10];
	(tm) =	ssettm $0x1  }
0x97: {  	s17 =	sld [smem:$0x3FFB];
	_ =	sdelay $0x3  }
0x98: {  	_ =	strace s17  }
0x99: {  	s3 =	sld [smem:$0x3FFC];
	_ =	sdelay $0x3  }
0x9a: {  	_ =	strace s3  }
0x9b: {  	s3 =	sld [smem:$0x3FFD];
	_ =	sdelay $0x3  }
0x9c: {  	_ =	strace s3  }
0x9d: {  	_ =	strace $0x8FFFFFFF  }
0x9e: {  	s18 =	sld [smem:$0x3FDB];
	_ =	sdelay $0x1  }
0x9f: {  	s19 =	simm.s32 $_scs_section_size  }
0xa0: {  	s5 =	simm.s32 $_size__tile_overlayer_lowered;
	s6 =	simm.s32 $_tile_overlayer_lowered  }
0xa1: {  	s22 =	simm.s32 $0x1BFF;
	s21 =	sshll.u32 s6, $0x1;
	s3 =	sadd.s32 s19, s18  }
0xa2: {  	s7 =	simm.s32 $0x0;
	s20 =	sshll.u32 s5, $0x1;
	s5 =	sadd.s32 s21, s3  }
0xa3: {  	[timem:s7], [sflag:s22] =	dma.local [hbm:s5], s20  }
0xa4: {  	_ =	swait.ge [sflag:s22], s20  }
0xa5: {  	s4 =	ssub.s32 $0x0, s20;
	[sflag:s22] =	ssyncset.done $0x0  }
0xa6: {  	[sflag:s22] =	ssyncadd.s32 s4;
	_ =	sdelay $0x1  }
0xa7: {  	s23 =	simm.s32 $0x1B8B  }
0xa8: {  	_ =	swait.ge [sflag:s23], $0x1  }
0xa9: {  	[sflag:s23] =	ssyncset.done $0x0  }
0xaa: {  	s25 =	simm.s32 $0x1B8E;
	s24 =	sld [smem:$0x3FFE];
	[sflag:s23] =	ssyncadd.s32 $0xFFFFFFFF  }
0xab: {  	s26 =	simm.s32 $execute0_lowered;
	[smem:$0x3FD2] =	sst s25  }
0xac: {  	s5 =	sshll.u32 s26, $0x1;
	_ =	strace $0x80000046;
	[dreg:$0x1] =	wrdreg $0xFFFFFFFF  }
0xad: {  	s28 =	simm.s32 $_size_execute0_lowered;
	s3 =	sadd.s32 s3, s5;
	[dreg:$0x0] =	wrdreg $0x0  }
0xae: {  	s5 =	sshll.u32 s28, $0x1;
	[dreg:$0x2] =	wrdreg s3  }
0xaf: {  	[dreg:$0x3] =	wrdreg s5  }
0xb0: {  	[dreg:$0x4] =	wrdreg $0xC0  }
0xb1: {  	_ =	task [dreg:s7], $0x5FFFF  }
0xb2: {  	[dreg:$0x1] =	wrdreg $0xFFFFFFFF  }
0xb3: {  	[dreg:$0x0] =	wrdreg $0x60  }
0xb4: {  	[dreg:$0x2] =	wrdreg s16  }
0xb5: {  	[dreg:$0x3] =	wrdreg s24  }
0xb6: {  	[dreg:$0x4] =	wrdreg $0x195000  }
0xb7: {  	[dreg:$0x5] =	wrdreg $0x9  }
0xb8: {  	_ =	task.clear_ibuf [dreg:s7], $0x6FFFF;
	_ =	strace $0x90000046  }
0xb9: {  	s29 =	simm.s32 $0x9;
	_ =	strace $0x80000048  }
0xba: {  	_ =	swait.ge [sflag:s29], $0x1  }
0xbb: {  	[sflag:s29] =	ssyncadd.s32 $0xFFFFFFFF  }
0xbc: {  	_ =	strace $0x90000048  }
0xbd: {  	_ =	sfence  }
0xbe: {  	s30 =	sld [smem:$0x0];
	_ =	sdelay $0x2  }
0xbf: {  	s31 =	sshll.u32 s1, $0xD;
	s1 =	sshrl.u32 s1, $0x2  }
0xc0: {  	s3 =	sand.u32 $0x4000, s31;
	s1 =	sadd.s32 s1, s30  }
0xc1: {  	s0 =	sor.u32 s3, s0;
	s1 =	sshll.u32 s1, $0x11  }
0xc2: {  	s0 =	sor.u32 s1, s0  }
0xc3: {  	s0 =	sadd.s32 $0x8F2B, s0  }
0xc4: {  	[sflag:s0] =	ssyncadd.remote.s32 $0x1  }
0xc5: {  	_ =	sfence.sel $0xFFFF  }
0xc6: {  	[dreg:$0x0] =	wrdreg $0xFFFFFFFF;
	(pc) =	sbr.abs _section_cstart, $3  }
0xc7: {  	[dreg:$0x1] =	wrdreg $0xFFFFFFFF  }
0xc8: {  	_ =	task.clear_ibuf [dreg:s7], $0x2FFFF;
	_ =	strace $0x9FFFFFFF  }
0xc9: {  	(tm) =	ssettm $0x7FFFFFFF  }
tec
execute0_lowered:
.L_overlay_start_1:
0x0: {  	(tag) =	ssettag $0x1  }
0x1: {  	s3 =	rddreg [dreg:$0x0]  }
0x2: {  	s4 =	rddreg [dreg:$0x1];
	s0 =	srdreg.scid  }
0x3: {  	s5 =	rddreg [dreg:$0x2];
	s1 =	stileid.u32;
	s2 =	simm.s32 $0x0  }
0x4: {  	s11 =	simm.s32 $0x400;
	s12 =	simm.s32 $0x5000;
	s13 =	simm.s32 $0x5280  }
0x5: {  	s14 =	simm.s32 $0x5500;
	s6 =	sand.u32 $0x1, s0;
	s0 =	rddreg [dreg:$0x3]  }
0x6: {  	s15 =	simm.s32 $0x0;
	s8 =	smul.u32 $0x14000, s1;
	[smem:$0x7FF] =	sst s2  }
0x7: {  	s9 =	sshll.u32 s1, $0x1;
	s26 =	sshrl.u32 s1, $0x3;
	s28 =	smul.u32 $0x5000, s1  }
0x8: {  	s29 =	sshll.u32 s1, $0x7;
	s7 =	smul.u32 $0x140000, s6;
	_ =	strace $0x80000047  }
0x9: {  	s25 =	sor.u32 s6, s9;
	s6 =	ssub.s32 $0x2, s6;
	s9 =	smul.u32 $0x50000, s26  }
0xa: {  	s10 =	sshrl.u32 s6, $0x1;
	s31 =	sshrl.u32 s28, $0x2;
	s7 =	sadd.s32 s8, s7  }
0xb: {  	s8 =	smul.u32 $0x500, s25;
	s10 =	ssub.s32 s6, s10;
	s30 =	sshrl.u32 s9, $0x2  }
0xc: {  	s6 =	sand.u32 $0x380, s29;
	s9 =	simm.s32 $0x2800;
	s7 =	sshrl.u32 s7, $0x3  }
0xd: {  	s7 =	sadd.s32 s7, s4;
	s3 =	sadd.s32 s3, s8;
	s8 =	sadd.s32 s30, s5  }
0xe: {  	s5 =	sadd.s32 s31, s5;
	s4 =	sadd.s32 s6, s8;
	s6 =	sadd.s32 $0x3400, s7  }
0xf: {  	v0 =	vimm.f32 $0.0e+00;
	v1 =	vimm.f32 $1.000000000e+00;
	s7 =	smax.u32 s10, $0x1;
	s8 =	simm.s32 $0x1;
	s10 =	simm.s32 $0x80  }
.LBB2_1:
0x10: {  	[tilespmem:s2], [sflag:$0x1] =	stream.linear.gather [hbm4b:s3+s2], $0x2800, $0x38;
	[tilespmem:$0x1BD00] =	vst v63  }
0x11: {  	_ =	swait.ge [sflag:s8], $0x2800  }
0x12: {  	[sflag:s8] =	ssyncset.done $0x0  }
0x13: {  	s16 =	simm.s32 $0x0;
	[sflag:s8] =	ssyncadd.s32 $0xFFFFD800  }
.LBB2_2:
0x14: {  	p0 =	sne.s32 s16, $0x9FC0  }
.Ltmp0:
0x15: {  	_ = 	snop;
	(pc) =	sbr.rel @p0 .LBB2_2-.Ltmp0, $3  }
0x16: {  	_ =	sdelay $0x1  }
0x17: {  	s17 =	sshra.s32 s16, $0x2  }
0x18: {  	s16 =	sadd.s32 $0x40, s16;
	[tilespmem:s17+$0x2800] =	vst v0  }
0x19: {  	s16 =	simm.s32 $0x0  }
.LBB2_4:
0x1a: {  	s17 =	sshra.s32 s16, $0x2  }
0x1b: {  	v2 =	vld [tilespmem:s17+$0x0];
	_ =	sdelay $0x7  }
0x1c: {  	[tilespmem:v2+s9+$0x0] =	vst.idx.add.f32.msk $0xffff, v1  }
0x1d: {  	v2 =	vld [tilespmem:s17+$0x10];
	_ =	sdelay $0x7  }
0x1e: {  	[tilespmem:v2+s9+$0x0] =	vst.idx.add.f32.msk $0xffff, v1  }
0x1f: {  	v2 =	vld [tilespmem:s17+$0x20];
	_ =	sdelay $0x7  }
0x20: {  	[tilespmem:v2+s9+$0x0] =	vst.idx.add.f32.msk $0xffff, v1  }
0x21: {  	v2 =	vld [tilespmem:s17+$0x30];
	_ =	sdelay $0x7  }
0x22: {  	[tilespmem:v2+s9+$0x0] =	vst.idx.add.f32.msk $0xffff, v1  }
0x23: {  	v2 =	vld [tilespmem:s17+$0x40];
	_ =	sdelay $0x7  }
0x24: {  	[tilespmem:v2+s9+$0x0] =	vst.idx.add.f32.msk $0xffff, v1  }
0x25: {  	v2 =	vld [tilespmem:s17+$0x50];
	_ =	sdelay $0x7  }
0x26: {  	[tilespmem:v2+s9+$0x0] =	vst.idx.add.f32.msk $0xffff, v1  }
0x27: {  	v2 =	vld [tilespmem:s17+$0x60];
	_ =	sdelay $0x7  }
0x28: {  	[tilespmem:v2+s9+$0x0] =	vst.idx.add.f32.msk $0xffff, v1  }
0x29: {  	v2 =	vld [tilespmem:s17+$0x70];
	_ =	sdelay $0x2  }
0x2a: {  	p0 =	sne.s32 s16, $0x9E00  }
.Ltmp1:
0x2b: {  	_ = 	snop;
	(pc) =	sbr.rel @p0 .LBB2_4-.Ltmp1, $2  }
0x2c: {  	_ =	sdelay $0x2  }
0x2d: {  	s16 =	sadd.s32 $0x200, s16;
	[tilespmem:v2+s9+$0x0] =	vst.idx.add.f32.msk $0xffff, v1  }
0x2e: {  	[spmem:s4] =	stream.strided.scatter [tilespmem:s9], [sflag:$0x1], $0x2800, s11, s10, $0x38;
	[tilespmem:$0x1BD00] =	vst v63  }
0x2f: {  	s16 =	simm.s32 $0x1  }
0x30: {  	_ =	swait.ge [sflag:s16], $0x2800  }
0x31: {  	[sflag:s16] =	ssyncset.done $0x0  }
0x32: {  	[sflag:s16] =	ssyncadd.s32 $0xFFFFD800  }
0x33: {  	[bflag:$0x0] =	sbarrier.arrive $0xFFFF  }
0x34: {  	[tilespmem:s12], [sflag:$0x1] =	stream.strided.gather [spmem:s5], $0x280, s11, s10, $0x38;
	[tilespmem:$0x1BD00] =	vst v63  }
0x35: {  	_ =	swait.ge [sflag:s16], $0x280  }
0x36: {  	[sflag:s16] =	ssyncset.done $0x0  }
0x37: {  	[sflag:s16] =	ssyncadd.s32 $0xFFFFFD80  }
.LBB2_6:
0x38: {  	s17 =	sshrl.u32 s16, $0x3  }
0x39: {  	s17 =	smul.u32 $0x50000, s17;
	_ =	sdelay $0x1  }
0x3a: {  	s18 =	sshll.u32 s16, $0x7;
	s17 =	sshra.s32 s17, $0x2  }
0x3b: {  	s18 =	sand.u32 $0x380, s18;
	s17 =	sadd.s32 s17, s5  }
0x3c: {  	s17 =	sadd.s32 s18, s17  }
0x3d: {  	[tilespmem:s13], [sflag:$0x1] =	stream.strided.gather [spmem:s17], $0x280, s11, s10, $0x38;
	[tilespmem:$0x1BD00] =	vst v63  }
0x3e: {  	_ =	swait.ge [sflag:s8], $0x280  }
0x3f: {  	[sflag:s8] =	ssyncset.done $0x0  }
0x40: {  	s17 =	simm.s32 $0x0;
	[sflag:s8] =	ssyncadd.s32 $0xFFFFFD80  }
0x41: {  	s18 =	simm.s32 $0x40;
	v2 =	vld [tilespmem:s17+$0x5280]  }
.LBB2_7:
0x42: {  	p0 =	sne.s32 s18, $0x9C0;
	v3 =	vld [tilespmem:s17+$0x5000];
	_ =	sdelay $0x2  }
.Ltmp2:
0x43: {  	(pc) =	sbr.rel @p0 .LBB2_7-.Ltmp2, $4  }
0x44: {  	_ = 	snop  }
0x45: {  	v3 =	vadd.f32 v2, v3  }
0x46: {  	s19 =	sshra.s32 s18, $0x2  }
0x47: {  	s18 =	sadd.s32 $0x40, s18;
	v2 =	vld [tilespmem:s19+$0x5280];
	[tilespmem:s17+$0x5000] =	vst v3;
	s17 =	smov.u32 s19  }
0x48: {  	v3 =	vld [tilespmem:s17+$0x5000]  }
0x49: {  	s16 =	sadd.s32 $0x1, s16  }
0x4a: {  	p0 =	sne.s32 s16, $0x10  }
.Ltmp3:
0x4b: {  	_ = 	snop;
	(pc) =	sbr.rel @p0 .LBB2_6-.Ltmp3, $3  }
0x4c: {  	_ = 	snop  }
0x4d: {  	v2 =	vadd.f32 v2, v3;
	_ =	sdelay $0x1  }
0x4e: {  	[tilespmem:s17+$0x5000] =	vst v2  }
0x4f: {  	s16 =	simm.s32 $0x0  }
0x50: {  	v2 =	vld [tilespmem:s16+$0x5000];
	_ =	sdelay $0x4  }
0x51: {  	v3 =	vbroadcast v2, $0x0  }
0x52: {  	s16 =	simm.s32 $0x5900  }
0x53: {  	[tilespmem:s16+$0xFFFFFC00] =	vst v3  }
0x54: {  	[tilespmem:s16+$0xFFFFFC10] =	vst v3  }
0x55: {  	[tilespmem:s16+$0xFFFFFC20] =	vst v3  }
0x56: {  	[tilespmem:s16+$0xFFFFFC30] =	vst v3  }
0x57: {  	[tilespmem:s16+$0xFFFFFC40] =	vst v3  }
0x58: {  	[tilespmem:s16+$0xFFFFFC50] =	vst v3  }
0x59: {  	v4 =	vbroadcast v2, $0x1;
	[tilespmem:s16+$0xFFFFFC60] =	vst v3  }
0x5a: {  	[tilespmem:s16+$0xFFFFFC70] =	vst v3  }
0x5b: {  	[tilespmem:s16+$0xFFFFFC80] =	vst v4  }
0x5c: {  	[tilespmem:s16+$0xFFFFFC90] =	vst v4  }
0x5d: {  	[tilespmem:s16+$0xFFFFFCA0] =	vst v4  }
0x5e: {  	[tilespmem:s16+$0xFFFFFCB0] =	vst v4  }
0x5f: {  	[tilespmem:s16+$0xFFFFFCC0] =	vst v4  }
0x60: {  	[tilespmem:s16+$0xFFFFFCD0] =	vst v4  }
0x61: {  	v58 =	vbroadcast v2, $0x3;
	[tilespmem:s16+$0xFFFFFCE0] =	vst v4  }
0x62: {  	[tilespmem:s16+$0xFFFFFCF0] =	vst v4  }
0x63: {  	[tilespmem:s16+$0xFFFFFD80] =	vst v58  }
0x64: {  	[tilespmem:s16+$0xFFFFFD90] =	vst v58  }
0x65: {  	[tilespmem:s16+$0xFFFFFDA0] =	vst v58  }
0x66: {  	[tilespmem:s16+$0xFFFFFDB0] =	vst v58  }
0x67: {  	[tilespmem:s16+$0xFFFFFDC0] =	vst v58  }
0x68: {  	[tilespmem:s16+$0xFFFFFDD0] =	vst v58  }
0x69: {  	v59 =	vbroadcast v2, $0x5;
	[tilespmem:s16+$0xFFFFFDE0] =	vst v58  }
0x6a: {  	[tilespmem:s16+$0xFFFFFDF0] =	vst v58  }
0x6b: {  	[tilespmem:s16+$0xFFFFFE80] =	vst v59  }
0x6c: {  	[tilespmem:s16+$0xFFFFFE90] =	vst v59  }
0x6d: {  	[tilespmem:s16+$0xFFFFFEA0] =	vst v59  }
0x6e: {  	[tilespmem:s16+$0xFFFFFEB0] =	vst v59  }
0x6f: {  	[tilespmem:s16+$0xFFFFFEC0] =	vst v59  }
0x70: {  	[tilespmem:s16+$0xFFFFFED0] =	vst v59  }
0x71: {  	v60 =	vbroadcast v2, $0x7;
	[tilespmem:s16+$0xFFFFFEE0] =	vst v59  }
0x72: {  	[tilespmem:s16+$0xFFFFFEF0] =	vst v59  }
0x73: {  	[tilespmem:s16+$0xFFFFFF80] =	vst v60  }
0x74: {  	[tilespmem:s16+$0xFFFFFF90] =	vst v60  }
0x75: {  	[tilespmem:s16+$0xFFFFFFA0] =	vst v60  }
0x76: {  	[tilespmem:s16+$0xFFFFFFB0] =	vst v60  }
0x77: {  	[tilespmem:s16+$0xFFFFFFC0] =	vst v60  }
0x78: {  	[tilespmem:s16+$0xFFFFFFD0] =	vst v60  }
0x79: {  	v61 =	vbroadcast v2, $0x9;
	[tilespmem:s16+$0xFFFFFFE0] =	vst v60  }
0x7a: {  	[tilespmem:s16+$0xFFFFFFF0] =	vst v60  }
0x7b: {  	[tilespmem:s16+$0x80] =	vst v61  }
0x7c: {  	[tilespmem:s16+$0x90] =	vst v61  }
0x7d: {  	[tilespmem:s16+$0xA0] =	vst v61  }
0x7e: {  	[tilespmem:s16+$0xB0] =	vst v61  }
0x7f: {  	[tilespmem:s16+$0xC0] =	vst v61  }
0x80: {  	[tilespmem:s16+$0xD0] =	vst v61  }
0x81: {  	v62 =	vbroadcast v2, $0xB;
	[tilespmem:s16+$0xE0] =	vst v61  }
0x82: {  	[tilespmem:s16+$0xF0] =	vst v61  }
0x83: {  	[tilespmem:s16+$0x180] =	vst v62  }
0x84: {  	[tilespmem:s16+$0x190] =	vst v62  }
0x85: {  	[tilespmem:s16+$0x1A0] =	vst v62  }
0x86: {  	[tilespmem:s16+$0x1B0] =	vst v62  }
0x87: {  	[tilespmem:s16+$0x1C0] =	vst v62  }
0x88: {  	[tilespmem:s16+$0x1D0] =	vst v62  }
0x89: {  	v63 =	vbroadcast v2, $0xD;
	[tilespmem:s16+$0x1E0] =	vst v62  }
0x8a: {  	[tilespmem:s16+$0x1F0] =	vst v62  }
0x8b: {  	v3 =	vbroadcast v2, $0x2;
	[tilespmem:s16+$0x280] =	vst v63  }
0x8c: {  	[tilespmem:s16+$0x290] =	vst v63  }
0x8d: {  	[tilespmem:s16+$0xFFFFFD00] =	vst v3  }
0x8e: {  	[tilespmem:s16+$0xFFFFFD10] =	vst v3  }
0x8f: {  	[tilespmem:s16+$0xFFFFFD20] =	vst v3  }
0x90: {  	[tilespmem:s16+$0xFFFFFD30] =	vst v3  }
0x91: {  	[tilespmem:s16+$0xFFFFFD40] =	vst v3  }
0x92: {  	[tilespmem:s16+$0xFFFFFD50] =	vst v3  }
0x93: {  	[tilespmem:s16+$0xFFFFFD60] =	vst v3  }
0x94: {  	[tilespmem:s16+$0xFFFFFD70] =	vst v3;
	v3 =	vbroadcast v2, $0x4  }
0x95: {  	[tilespmem:s16+$0x2A0] =	vst v63  }
0x96: {  	[tilespmem:s16+$0xFFFFFE00] =	vst v3  }
0x97: {  	[tilespmem:s16+$0xFFFFFE10] =	vst v3  }
0x98: {  	[tilespmem:s16+$0xFFFFFE20] =	vst v3  }
0x99: {  	[tilespmem:s16+$0xFFFFFE30] =	vst v3  }
0x9a: {  	[tilespmem:s16+$0xFFFFFE40] =	vst v3  }
0x9b: {  	[tilespmem:s16+$0xFFFFFE50] =	vst v3  }
0x9c: {  	[tilespmem:s16+$0xFFFFFE60] =	vst v3  }
0x9d: {  	[tilespmem:s16+$0xFFFFFE70] =	vst v3;
	v3 =	vbroadcast v2, $0x6  }
0x9e: {  	[tilespmem:s16+$0x2B0] =	vst v63  }
0x9f: {  	[tilespmem:s16+$0xFFFFFF00] =	vst v3  }
0xa0: {  	[tilespmem:s16+$0xFFFFFF10] =	vst v3  }
0xa1: {  	[tilespmem:s16+$0xFFFFFF20] =	vst v3  }
0xa2: {  	[tilespmem:s16+$0xFFFFFF30] =	vst v3  }
0xa3: {  	[tilespmem:s16+$0xFFFFFF40] =	vst v3  }
0xa4: {  	[tilespmem:s16+$0xFFFFFF50] =	vst v3  }
0xa5: {  	[tilespmem:s16+$0xFFFFFF60] =	vst v3  }
0xa6: {  	[tilespmem:s16+$0xFFFFFF70] =	vst v3;
	v3 =	vbroadcast v2, $0x8  }
0xa7: {  	[tilespmem:s16+$0x2C0] =	vst v63  }
0xa8: {  	[tilespmem:s16+$0x0] =	vst v3  }
0xa9: {  	[tilespmem:s16+$0x10] =	vst v3  }
0xaa: {  	[tilespmem:s16+$0x20] =	vst v3  }
0xab: {  	[tilespmem:s16+$0x30] =	vst v3  }
0xac: {  	[tilespmem:s16+$0x40] =	vst v3  }
0xad: {  	[tilespmem:s16+$0x50] =	vst v3  }
0xae: {  	[tilespmem:s16+$0x60] =	vst v3  }
0xaf: {  	[tilespmem:s16+$0x70] =	vst v3;
	v3 =	vbroadcast v2, $0xA  }
0xb0: {  	[tilespmem:s16+$0x2D0] =	vst v63  }
0xb1: {  	[tilespmem:s16+$0x100] =	vst v3  }
0xb2: {  	[tilespmem:s16+$0x110] =	vst v3  }
0xb3: {  	[tilespmem:s16+$0x120] =	vst v3  }
0xb4: {  	[tilespmem:s16+$0x130] =	vst v3  }
0xb5: {  	[tilespmem:s16+$0x140] =	vst v3  }
0xb6: {  	[tilespmem:s16+$0x150] =	vst v3  }
0xb7: {  	[tilespmem:s16+$0x160] =	vst v3  }
0xb8: {  	[tilespmem:s16+$0x170] =	vst v3;
	v3 =	vbroadcast v2, $0xC  }
0xb9: {  	[tilespmem:s16+$0x2E0] =	vst v63  }
0xba: {  	[tilespmem:s16+$0x200] =	vst v3  }
0xbb: {  	[tilespmem:s16+$0x210] =	vst v3  }
0xbc: {  	[tilespmem:s16+$0x220] =	vst v3  }
0xbd: {  	[tilespmem:s16+$0x230] =	vst v3  }
0xbe: {  	[tilespmem:s16+$0x240] =	vst v3  }
0xbf: {  	[tilespmem:s16+$0x250] =	vst v3  }
0xc0: {  	[tilespmem:s16+$0x260] =	vst v3  }
0xc1: {  	[tilespmem:s16+$0x270] =	vst v3;
	v3 =	vbroadcast v2, $0xE  }
0xc2: {  	[tilespmem:s16+$0x2F0] =	vst v63  }
0xc3: {  	[tilespmem:s16+$0x300] =	vst v3  }
0xc4: {  	[tilespmem:s16+$0x310] =	vst v3  }
0xc5: {  	[tilespmem:s16+$0x320] =	vst v3  }
0xc6: {  	[tilespmem:s16+$0x330] =	vst v3  }
0xc7: {  	[tilespmem:s16+$0x340] =	vst v3  }
0xc8: {  	[tilespmem:s16+$0x350] =	vst v3  }
0xc9: {  	v2 =	vbroadcast v2, $0xF;
	[tilespmem:s16+$0x360] =	vst v3  }
0xca: {  	[tilespmem:s16+$0x370] =	vst v3  }
0xcb: {  	[tilespmem:s16+$0x380] =	vst v2  }
0xcc: {  	[tilespmem:s16+$0x390] =	vst v2  }
0xcd: {  	[tilespmem:s16+$0x3A0] =	vst v2  }
0xce: {  	[tilespmem:s16+$0x3B0] =	vst v2  }
0xcf: {  	[tilespmem:s16+$0x3C0] =	vst v2  }
0xd0: {  	[tilespmem:s16+$0x3D0] =	vst v2  }
0xd1: {  	[tilespmem:s16+$0x3E0] =	vst v2  }
0xd2: {  	s18 =	simm.s32 $0x10;
	s17 =	simm.s32 $0x80;
	[tilespmem:s16+$0x3F0] =	vst v2  }
.LBB2_10:
0xd3: {  	p0 =	sne.s32 s17, $0x9C0;
	v2 =	vld [tilespmem:s18+$0x5000];
	_ =	sdelay $0x4  }
0xd4: {  	v11 =	vbroadcast v2, $0x0;
	v12 =	vbroadcast v2, $0x1  }
0xd5: {  	s16 =	sadd.s32 $0x800, s16;
	v13 =	vbroadcast v2, $0x2;
	v14 =	vbroadcast v2, $0x3  }
0xd6: {  	v15 =	vbroadcast v2, $0x4;
	v16 =	vbroadcast v2, $0x5;
	[tilespmem:s16+$0xFFFFFC00] =	vst v11  }
0xd7: {  	v17 =	vbroadcast v2, $0x6;
	v10 =	vbroadcast v2, $0x7;
	[tilespmem:s16+$0xFFFFFC10] =	vst v11  }
0xd8: {  	v9 =	vbroadcast v2, $0x8;
	v8 =	vbroadcast v2, $0x9;
	[tilespmem:s16+$0xFFFFFC20] =	vst v11  }
0xd9: {  	v7 =	vbroadcast v2, $0xA;
	v6 =	vbroadcast v2, $0xB;
	[tilespmem:s16+$0xFFFFFC30] =	vst v11  }
0xda: {  	v5 =	vbroadcast v2, $0xC;
	v4 =	vbroadcast v2, $0xD;
	[tilespmem:s16+$0xFFFFFC40] =	vst v11  }
0xdb: {  	v3 =	vbroadcast v2, $0xE;
	v2 =	vbroadcast v2, $0xF;
	[tilespmem:s16+$0xFFFFFC50] =	vst v11  }
0xdc: {  	[tilespmem:s16+$0xFFFFFC60] =	vst v11  }
0xdd: {  	[tilespmem:s16+$0xFFFFFC70] =	vst v11  }
0xde: {  	[tilespmem:s16+$0xFFFFFC80] =	vst v12  }
0xdf: {  	[tilespmem:s16+$0xFFFFFC90] =	vst v12  }
0xe0: {  	[tilespmem:s16+$0xFFFFFCA0] =	vst v12  }
0xe1: {  	[tilespmem:s16+$0xFFFFFCB0] =	vst v12  }
0xe2: {  	[tilespmem:s16+$0xFFFFFCC0] =	vst v12  }
0xe3: {  	[tilespmem:s16+$0xFFFFFCD0] =	vst v12  }
0xe4: {  	[tilespmem:s16+$0xFFFFFCE0] =	vst v12  }
0xe5: {  	[tilespmem:s16+$0xFFFFFCF0] =	vst v12  }
0xe6: {  	[tilespmem:s16+$0xFFFFFD00] =	vst v13  }
0xe7: {  	[tilespmem:s16+$0xFFFFFD10] =	vst v13  }
0xe8: {  	[tilespmem:s16+$0xFFFFFD20] =	vst v13  }
0xe9: {  	[tilespmem:s16+$0xFFFFFD30] =	vst v13  }
0xea: {  	[tilespmem:s16+$0xFFFFFD40] =	vst v13  }
0xeb: {  	[tilespmem:s16+$0xFFFFFD50] =	vst v13  }
0xec: {  	[tilespmem:s16+$0xFFFFFD60] =	vst v13  }
0xed: {  	[tilespmem:s16+$0xFFFFFD70] =	vst v13  }
0xee: {  	[tilespmem:s16+$0xFFFFFD80] =	vst v14  }
0xef: {  	[tilespmem:s16+$0xFFFFFD90] =	vst v14  }
0xf0: {  	[tilespmem:s16+$0xFFFFFDA0] =	vst v14  }
0xf1: {  	[tilespmem:s16+$0xFFFFFDB0] =	vst v14  }
0xf2: {  	[tilespmem:s16+$0xFFFFFDC0] =	vst v14  }
0xf3: {  	[tilespmem:s16+$0xFFFFFDD0] =	vst v14  }
0xf4: {  	[tilespmem:s16+$0xFFFFFDE0] =	vst v14  }
0xf5: {  	[tilespmem:s16+$0xFFFFFDF0] =	vst v14  }
0xf6: {  	[tilespmem:s16+$0xFFFFFE00] =	vst v15  }
0xf7: {  	[tilespmem:s16+$0xFFFFFE10] =	vst v15  }
0xf8: {  	[tilespmem:s16+$0xFFFFFE20] =	vst v15  }
0xf9: {  	[tilespmem:s16+$0xFFFFFE30] =	vst v15  }
0xfa: {  	[tilespmem:s16+$0xFFFFFE40] =	vst v15  }
0xfb: {  	[tilespmem:s16+$0xFFFFFE50] =	vst v15  }
0xfc: {  	[tilespmem:s16+$0xFFFFFE60] =	vst v15  }
0xfd: {  	[tilespmem:s16+$0xFFFFFE70] =	vst v15  }
0xfe: {  	[tilespmem:s16+$0xFFFFFE80] =	vst v16  }
0xff: {  	[tilespmem:s16+$0xFFFFFE90] =	vst v16  }
0x100: {  	[tilespmem:s16+$0xFFFFFEA0] =	vst v16  }
0x101: {  	[tilespmem:s16+$0xFFFFFEB0] =	vst v16  }
0x102: {  	[tilespmem:s16+$0xFFFFFEC0] =	vst v16  }
0x103: {  	[tilespmem:s16+$0xFFFFFED0] =	vst v16  }
0x104: {  	[tilespmem:s16+$0xFFFFFEE0] =	vst v16  }
0x105: {  	[tilespmem:s16+$0xFFFFFEF0] =	vst v16  }
0x106: {  	[tilespmem:s16+$0xFFFFFF00] =	vst v17  }
0x107: {  	[tilespmem:s16+$0xFFFFFF10] =	vst v17  }
0x108: {  	[tilespmem:s16+$0xFFFFFF20] =	vst v17  }
0x109: {  	[tilespmem:s16+$0xFFFFFF30] =	vst v17  }
0x10a: {  	[tilespmem:s16+$0xFFFFFF40] =	vst v17  }
0x10b: {  	[tilespmem:s16+$0xFFFFFF50] =	vst v17  }
0x10c: {  	[tilespmem:s16+$0xFFFFFF60] =	vst v17  }
0x10d: {  	[tilespmem:s16+$0xFFFFFF70] =	vst v17  }
0x10e: {  	[tilespmem:s16+$0xFFFFFF80] =	vst v10  }
0x10f: {  	[tilespmem:s16+$0xFFFFFF90] =	vst v10  }
0x110: {  	[tilespmem:s16+$0xFFFFFFA0] =	vst v10  }
0x111: {  	[tilespmem:s16+$0xFFFFFFB0] =	vst v10  }
0x112: {  	[tilespmem:s16+$0xFFFFFFC0] =	vst v10  }
0x113: {  	[tilespmem:s16+$0xFFFFFFD0] =	vst v10  }
0x114: {  	[tilespmem:s16+$0xFFFFFFE0] =	vst v10  }
0x115: {  	[tilespmem:s16+$0xFFFFFFF0] =	vst v10  }
0x116: {  	[tilespmem:s16+$0x0] =	vst v9  }
0x117: {  	[tilespmem:s16+$0x10] =	vst v9  }
0x118: {  	[tilespmem:s16+$0x20] =	vst v9  }
0x119: {  	[tilespmem:s16+$0x30] =	vst v9  }
0x11a: {  	[tilespmem:s16+$0x40] =	vst v9  }
0x11b: {  	[tilespmem:s16+$0x50] =	vst v9  }
0x11c: {  	[tilespmem:s16+$0x60] =	vst v9  }
0x11d: {  	[tilespmem:s16+$0x70] =	vst v9  }
0x11e: {  	[tilespmem:s16+$0x80] =	vst v8  }
0x11f: {  	[tilespmem:s16+$0x90] =	vst v8  }
0x120: {  	[tilespmem:s16+$0xA0] =	vst v8  }
0x121: {  	[tilespmem:s16+$0xB0] =	vst v8  }
0x122: {  	[tilespmem:s16+$0xC0] =	vst v8  }
0x123: {  	[tilespmem:s16+$0xD0] =	vst v8  }
0x124: {  	[tilespmem:s16+$0xE0] =	vst v8  }
0x125: {  	[tilespmem:s16+$0xF0] =	vst v8  }
0x126: {  	[tilespmem:s16+$0x100] =	vst v7  }
0x127: {  	[tilespmem:s16+$0x110] =	vst v7  }
0x128: {  	[tilespmem:s16+$0x120] =	vst v7  }
0x129: {  	[tilespmem:s16+$0x130] =	vst v7  }
0x12a: {  	[tilespmem:s16+$0x140] =	vst v7  }
0x12b: {  	[tilespmem:s16+$0x150] =	vst v7  }
0x12c: {  	[tilespmem:s16+$0x160] =	vst v7  }
0x12d: {  	[tilespmem:s16+$0x170] =	vst v7  }
0x12e: {  	[tilespmem:s16+$0x180] =	vst v6  }
0x12f: {  	[tilespmem:s16+$0x190] =	vst v6  }
0x130: {  	[tilespmem:s16+$0x1A0] =	vst v6  }
0x131: {  	[tilespmem:s16+$0x1B0] =	vst v6  }
0x132: {  	[tilespmem:s16+$0x1C0] =	vst v6  }
0x133: {  	[tilespmem:s16+$0x1D0] =	vst v6  }
0x134: {  	[tilespmem:s16+$0x1E0] =	vst v6  }
0x135: {  	[tilespmem:s16+$0x1F0] =	vst v6  }
0x136: {  	[tilespmem:s16+$0x200] =	vst v5  }
0x137: {  	[tilespmem:s16+$0x210] =	vst v5  }
0x138: {  	[tilespmem:s16+$0x220] =	vst v5  }
0x139: {  	[tilespmem:s16+$0x230] =	vst v5  }
0x13a: {  	[tilespmem:s16+$0x240] =	vst v5  }
0x13b: {  	[tilespmem:s16+$0x250] =	vst v5  }
0x13c: {  	[tilespmem:s16+$0x260] =	vst v5  }
0x13d: {  	[tilespmem:s16+$0x270] =	vst v5  }
0x13e: {  	[tilespmem:s16+$0x280] =	vst v4  }
0x13f: {  	[tilespmem:s16+$0x290] =	vst v4  }
0x140: {  	[tilespmem:s16+$0x2A0] =	vst v4  }
0x141: {  	[tilespmem:s16+$0x2B0] =	vst v4  }
0x142: {  	[tilespmem:s16+$0x2C0] =	vst v4  }
0x143: {  	[tilespmem:s16+$0x2D0] =	vst v4  }
0x144: {  	[tilespmem:s16+$0x2E0] =	vst v4  }
0x145: {  	[tilespmem:s16+$0x2F0] =	vst v4  }
0x146: {  	[tilespmem:s16+$0x300] =	vst v3  }
0x147: {  	[tilespmem:s16+$0x310] =	vst v3  }
0x148: {  	[tilespmem:s16+$0x320] =	vst v3  }
0x149: {  	[tilespmem:s16+$0x330] =	vst v3  }
0x14a: {  	[tilespmem:s16+$0x340] =	vst v3  }
0x14b: {  	[tilespmem:s16+$0x350] =	vst v3  }
0x14c: {  	[tilespmem:s16+$0x360] =	vst v3  }
0x14d: {  	[tilespmem:s16+$0x370] =	vst v3  }
0x14e: {  	[tilespmem:s16+$0x380] =	vst v2  }
0x14f: {  	[tilespmem:s16+$0x390] =	vst v2  }
0x150: {  	[tilespmem:s16+$0x3A0] =	vst v2  }
.Ltmp4:
0x151: {  	[tilespmem:s16+$0x3B0] =	vst v2;
	(pc) =	sbr.rel @p0 .LBB2_10-.Ltmp4, $4  }
0x152: {  	[tilespmem:s16+$0x3C0] =	vst v2  }
0x153: {  	[tilespmem:s16+$0x3D0] =	vst v2  }
0x154: {  	[tilespmem:s16+$0x3E0] =	vst v2  }
0x155: {  	s18 =	sshra.s32 s17, $0x2;
	s17 =	sadd.s32 $0x40, s17;
	[tilespmem:s16+$0x3F0] =	vst v2  }
0x156: {  	v2 =	vld [tilespmem:s18+$0x5000];
	_ =	sdelay $0x4  }
0x157: {  	v3 =	vbroadcast v2, $0x0  }
0x158: {  	s16 =	sadd.s32 $0x800, s16  }
0x159: {  	[tilespmem:s16+$0xFFFFFC00] =	vst v3  }
0x15a: {  	[tilespmem:s16+$0xFFFFFC10] =	vst v3  }
0x15b: {  	[tilespmem:s16+$0xFFFFFC20] =	vst v3  }
0x15c: {  	[tilespmem:s16+$0xFFFFFC30] =	vst v3  }
0x15d: {  	[tilespmem:s16+$0xFFFFFC40] =	vst v3  }
0x15e: {  	[tilespmem:s16+$0xFFFFFC50] =	vst v3  }
0x15f: {  	v4 =	vbroadcast v2, $0x1;
	[tilespmem:s16+$0xFFFFFC60] =	vst v3  }
0x160: {  	[tilespmem:s16+$0xFFFFFC70] =	vst v3  }
0x161: {  	[tilespmem:s16+$0xFFFFFC80] =	vst v4  }
0x162: {  	[tilespmem:s16+$0xFFFFFC90] =	vst v4  }
0x163: {  	[tilespmem:s16+$0xFFFFFCA0] =	vst v4  }
0x164: {  	[tilespmem:s16+$0xFFFFFCB0] =	vst v4  }
0x165: {  	[tilespmem:s16+$0xFFFFFCC0] =	vst v4  }
0x166: {  	[tilespmem:s16+$0xFFFFFCD0] =	vst v4  }
0x167: {  	v58 =	vbroadcast v2, $0x3;
	[tilespmem:s16+$0xFFFFFCE0] =	vst v4  }
0x168: {  	[tilespmem:s16+$0xFFFFFCF0] =	vst v4  }
0x169: {  	[tilespmem:s16+$0xFFFFFD80] =	vst v58  }
0x16a: {  	[tilespmem:s16+$0xFFFFFD90] =	vst v58  }
0x16b: {  	[tilespmem:s16+$0xFFFFFDA0] =	vst v58  }
0x16c: {  	[tilespmem:s16+$0xFFFFFDB0] =	vst v58  }
0x16d: {  	[tilespmem:s16+$0xFFFFFDC0] =	vst v58  }
0x16e: {  	[tilespmem:s16+$0xFFFFFDD0] =	vst v58  }
0x16f: {  	v59 =	vbroadcast v2, $0x5;
	[tilespmem:s16+$0xFFFFFDE0] =	vst v58  }
0x170: {  	[tilespmem:s16+$0xFFFFFDF0] =	vst v58  }
0x171: {  	[tilespmem:s16+$0xFFFFFE80] =	vst v59  }
0x172: {  	[tilespmem:s16+$0xFFFFFE90] =	vst v59  }
0x173: {  	[tilespmem:s16+$0xFFFFFEA0] =	vst v59  }
0x174: {  	[tilespmem:s16+$0xFFFFFEB0] =	vst v59  }
0x175: {  	[tilespmem:s16+$0xFFFFFEC0] =	vst v59  }
0x176: {  	[tilespmem:s16+$0xFFFFFED0] =	vst v59  }
0x177: {  	v60 =	vbroadcast v2, $0x7;
	[tilespmem:s16+$0xFFFFFEE0] =	vst v59  }
0x178: {  	[tilespmem:s16+$0xFFFFFEF0] =	vst v59  }
0x179: {  	[tilespmem:s16+$0xFFFFFF80] =	vst v60  }
0x17a: {  	[tilespmem:s16+$0xFFFFFF90] =	vst v60  }
0x17b: {  	[tilespmem:s16+$0xFFFFFFA0] =	vst v60  }
0x17c: {  	[tilespmem:s16+$0xFFFFFFB0] =	vst v60  }
0x17d: {  	[tilespmem:s16+$0xFFFFFFC0] =	vst v60  }
0x17e: {  	[tilespmem:s16+$0xFFFFFFD0] =	vst v60  }
0x17f: {  	v61 =	vbroadcast v2, $0x9;
	[tilespmem:s16+$0xFFFFFFE0] =	vst v60  }
0x180: {  	[tilespmem:s16+$0xFFFFFFF0] =	vst v60  }
0x181: {  	[tilespmem:s16+$0x80] =	vst v61  }
0x182: {  	[tilespmem:s16+$0x90] =	vst v61  }
0x183: {  	[tilespmem:s16+$0xA0] =	vst v61  }
0x184: {  	[tilespmem:s16+$0xB0] =	vst v61  }
0x185: {  	[tilespmem:s16+$0xC0] =	vst v61  }
0x186: {  	[tilespmem:s16+$0xD0] =	vst v61  }
0x187: {  	v62 =	vbroadcast v2, $0xB;
	[tilespmem:s16+$0xE0] =	vst v61  }
0x188: {  	[tilespmem:s16+$0xF0] =	vst v61  }
0x189: {  	[tilespmem:s16+$0x180] =	vst v62  }
0x18a: {  	[tilespmem:s16+$0x190] =	vst v62  }
0x18b: {  	[tilespmem:s16+$0x1A0] =	vst v62  }
0x18c: {  	[tilespmem:s16+$0x1B0] =	vst v62  }
0x18d: {  	[tilespmem:s16+$0x1C0] =	vst v62  }
0x18e: {  	[tilespmem:s16+$0x1D0] =	vst v62  }
0x18f: {  	v63 =	vbroadcast v2, $0xD;
	[tilespmem:s16+$0x1E0] =	vst v62  }
0x190: {  	[tilespmem:s16+$0x1F0] =	vst v62  }
0x191: {  	v3 =	vbroadcast v2, $0x2;
	[tilespmem:s16+$0x280] =	vst v63  }
0x192: {  	[tilespmem:s16+$0x290] =	vst v63  }
0x193: {  	[tilespmem:s16+$0xFFFFFD00] =	vst v3  }
0x194: {  	[tilespmem:s16+$0xFFFFFD10] =	vst v3  }
0x195: {  	[tilespmem:s16+$0xFFFFFD20] =	vst v3  }
0x196: {  	[tilespmem:s16+$0xFFFFFD30] =	vst v3  }
0x197: {  	[tilespmem:s16+$0xFFFFFD40] =	vst v3  }
0x198: {  	[tilespmem:s16+$0xFFFFFD50] =	vst v3  }
0x199: {  	[tilespmem:s16+$0xFFFFFD60] =	vst v3  }
0x19a: {  	[tilespmem:s16+$0xFFFFFD70] =	vst v3;
	v3 =	vbroadcast v2, $0x4  }
0x19b: {  	[tilespmem:s16+$0x2A0] =	vst v63  }
0x19c: {  	[tilespmem:s16+$0xFFFFFE00] =	vst v3  }
0x19d: {  	[tilespmem:s16+$0xFFFFFE10] =	vst v3  }
0x19e: {  	[tilespmem:s16+$0xFFFFFE20] =	vst v3  }
0x19f: {  	[tilespmem:s16+$0xFFFFFE30] =	vst v3  }
0x1a0: {  	[tilespmem:s16+$0xFFFFFE40] =	vst v3  }
0x1a1: {  	[tilespmem:s16+$0xFFFFFE50] =	vst v3  }
0x1a2: {  	[tilespmem:s16+$0xFFFFFE60] =	vst v3  }
0x1a3: {  	[tilespmem:s16+$0xFFFFFE70] =	vst v3;
	v3 =	vbroadcast v2, $0x6  }
0x1a4: {  	[tilespmem:s16+$0x2B0] =	vst v63  }
0x1a5: {  	[tilespmem:s16+$0xFFFFFF00] =	vst v3  }
0x1a6: {  	[tilespmem:s16+$0xFFFFFF10] =	vst v3  }
0x1a7: {  	[tilespmem:s16+$0xFFFFFF20] =	vst v3  }
0x1a8: {  	[tilespmem:s16+$0xFFFFFF30] =	vst v3  }
0x1a9: {  	[tilespmem:s16+$0xFFFFFF40] =	vst v3  }
0x1aa: {  	[tilespmem:s16+$0xFFFFFF50] =	vst v3  }
0x1ab: {  	[tilespmem:s16+$0xFFFFFF60] =	vst v3  }
0x1ac: {  	[tilespmem:s16+$0xFFFFFF70] =	vst v3;
	v3 =	vbroadcast v2, $0x8  }
0x1ad: {  	[tilespmem:s16+$0x2C0] =	vst v63  }
0x1ae: {  	[tilespmem:s16+$0x0] =	vst v3  }
0x1af: {  	[tilespmem:s16+$0x10] =	vst v3  }
0x1b0: {  	[tilespmem:s16+$0x20] =	vst v3  }
0x1b1: {  	[tilespmem:s16+$0x30] =	vst v3  }
0x1b2: {  	[tilespmem:s16+$0x40] =	vst v3  }
0x1b3: {  	[tilespmem:s16+$0x50] =	vst v3  }
0x1b4: {  	[tilespmem:s16+$0x60] =	vst v3  }
0x1b5: {  	[tilespmem:s16+$0x70] =	vst v3;
	v3 =	vbroadcast v2, $0xA  }
0x1b6: {  	[tilespmem:s16+$0x2D0] =	vst v63  }
0x1b7: {  	[tilespmem:s16+$0x100] =	vst v3  }
0x1b8: {  	[tilespmem:s16+$0x110] =	vst v3  }
0x1b9: {  	[tilespmem:s16+$0x120] =	vst v3  }
0x1ba: {  	[tilespmem:s16+$0x130] =	vst v3  }
0x1bb: {  	[tilespmem:s16+$0x140] =	vst v3  }
0x1bc: {  	[tilespmem:s16+$0x150] =	vst v3  }
0x1bd: {  	[tilespmem:s16+$0x160] =	vst v3  }
0x1be: {  	[tilespmem:s16+$0x170] =	vst v3;
	v3 =	vbroadcast v2, $0xC  }
0x1bf: {  	[tilespmem:s16+$0x2E0] =	vst v63  }
0x1c0: {  	[tilespmem:s16+$0x200] =	vst v3  }
0x1c1: {  	[tilespmem:s16+$0x210] =	vst v3  }
0x1c2: {  	[tilespmem:s16+$0x220] =	vst v3  }
0x1c3: {  	[tilespmem:s16+$0x230] =	vst v3  }
0x1c4: {  	[tilespmem:s16+$0x240] =	vst v3  }
0x1c5: {  	[tilespmem:s16+$0x250] =	vst v3  }
0x1c6: {  	[tilespmem:s16+$0x260] =	vst v3  }
0x1c7: {  	[tilespmem:s16+$0x270] =	vst v3;
	v3 =	vbroadcast v2, $0xE  }
0x1c8: {  	[tilespmem:s16+$0x2F0] =	vst v63  }
0x1c9: {  	[tilespmem:s16+$0x300] =	vst v3  }
0x1ca: {  	[tilespmem:s16+$0x310] =	vst v3  }
0x1cb: {  	[tilespmem:s16+$0x320] =	vst v3  }
0x1cc: {  	[tilespmem:s16+$0x330] =	vst v3  }
0x1cd: {  	[tilespmem:s16+$0x340] =	vst v3  }
0x1ce: {  	[tilespmem:s16+$0x350] =	vst v3  }
0x1cf: {  	v2 =	vbroadcast v2, $0xF;
	[tilespmem:s16+$0x360] =	vst v3  }
0x1d0: {  	[tilespmem:s16+$0x370] =	vst v3  }
0x1d1: {  	[tilespmem:s16+$0x380] =	vst v2  }
0x1d2: {  	[tilespmem:s16+$0x390] =	vst v2  }
0x1d3: {  	[tilespmem:s16+$0x3A0] =	vst v2  }
0x1d4: {  	[tilespmem:s16+$0x3B0] =	vst v2  }
0x1d5: {  	[tilespmem:s16+$0x3C0] =	vst v2  }
0x1d6: {  	s15 =	sadd.s32 $0x1, s15;
	[tilespmem:s16+$0x3D0] =	vst v2  }
0x1d7: {  	p0 =	sne.s32 s15, s7;
	[tilespmem:s16+$0x3E0] =	vst v2  }
.Ltmp5:
0x1d8: {  	[tilespmem:s16+$0x3F0] =	vst v2;
	(pc) =	sbr.rel @p0 .LBB2_1-.Ltmp5, $4  }
0x1d9: {  	[hbm4b:s6+s2] =	stream.linear.scatter [tilespmem:s14], [sflag:$0x1], $0x14000, $0x38;
	[tilespmem:$0x1BD00] =	vst v63  }
0x1da: {  	_ =	swait.ge [sflag:s8], $0x14000  }
0x1db: {  	[sflag:s8] =	ssyncset.done $0x0  }
0x1dc: {  	[sflag:s8] =	ssyncadd.s32 $0xFFFEC000  }
0x1dd: {  	_ =	sfence.sel $0x180000  }
0x1de: {  	[bflag:$0x0] =	sbarrier.arrive $0xFFFF  }
0x1df: {  	p0 =	sne.s32 s1, $0x0;
	_ =	strace $0x90000047  }
0x1e0: {  	s0 =	sadd.s32 @!p0 $0x100000, s0;
	[bflag:$0x2] =	sbarrier.arrive $0xFFFF  }
0x1e1: {  	[sflag:s0] =	ssyncadd.tile.s32 @!p0 $0x1;
	_ =	shalt  }
.Lfunc_end2:
_tile_overlayer_lowered:
.L_overlay_start_2:
0x1e2: {  	(tag) =	ssettag $0x2  }
0x1e3: {  	s0 =	rddreg [dreg:$0x0];
	s2 =	stileid.u32  }
0x1e4: {  	s1 =	rddreg [dreg:$0x1];
	p0 =	sne.s32 s2, $0x0  }
0x1e5: {  	s3 =	rddreg [dreg:$0x2];
	[bflag:$0x3] =	sbarrier.arrive $0xFFFF;
	s2 =	simm.s32 @!p0 $0x1C01  }
0x1e6: {  	[timem:s3], [sflag:s2] =	dma.local @!p0 [hbm:s0], s1  }
0x1e7: {  	s0 =	simm.s32 @!p0 $0x1  }
0x1e8: {  	_ =	swait.ge @!p0 [sflag:s0], s1  }
0x1e9: {  	s1 =	ssub.s32 @!p0 $0x0, s1;
	[sflag:s0] =	ssyncset.done @!p0 $0x0  }
0x1ea: {  	[sflag:s0] =	ssyncadd.s32 @!p0 s1  }
0x1eb: {  	[bflag:$0x3] =	sbarrier.arrive $0xFFFF  }
0x1ec: {  	_ =	shalt  }

</sc_bundles>
